<compile_context>
chip_gen: v7x
topology: tpu7x:2x2x1
jax: 0.10.2.dev20260603
libtpu: 0.0.44.dev20260713+nightly
codegen_flags: <defaults>
</compile_context>

<pallas_src>
import functools

import jax
import jax.numpy as jnp
from jax import lax
from jax.experimental import pallas as pl
from jax.experimental.pallas import tpu as pltpu
from jax.experimental.pallas import tpu_sc as plsc

N = 10000
E = 640000
D = 128
D_EDGE = 16

NC = 2
NS = 16
NW = NC * NS
E_PARTS = (64000, 192000, 192000, 192000)
CHUNK = 80
N_PAD = 10240
ROWS_PT = N_PAD // NS
RCHUNK = 128
NVR = D // 16


_BE = 4000


def _ea_body(attr_ref, w_ref, b_ref, out_ref):
    out_ref[...] = (
        jnp.dot(attr_ref[...], w_ref[...], preferred_element_type=jnp.float32)
        + b_ref[...]
    )


def _edge_encode(edge_attr, w_edge, b_edge):
    e_part = edge_attr.shape[0]
    grid = (e_part // _BE,)
    return pl.pallas_call(
        _ea_body,
        grid=grid,
        in_specs=[
            pl.BlockSpec((_BE, D_EDGE), lambda i: (i, 0)),
            pl.BlockSpec((D_EDGE, D), lambda i: (0, 0)),
            pl.BlockSpec((1, D), lambda i: (0, 0)),
        ],
        out_specs=pl.BlockSpec((_BE, D), lambda i: (i, 0)),
        out_shape=jax.ShapeDtypeStruct((e_part, D), jnp.float32),
    )(edge_attr, w_edge, b_edge.reshape(1, D))


def _sc_body(ept, src_hbm, dst_hbm, ea_hbm, x_hbm, out_hbm,
             src_v, dst_v, ea_v, m_v, stage_v, acc_shared, sem):
    nstep = ept // CHUNK
    cid = lax.axis_index("c")
    sid = lax.axis_index("s")
    row0 = sid * ROWS_PT

    zero = jnp.zeros((16,), jnp.float32)

    def _zrow(r, _):
        for j in range(NVR):
            stage_v[r, pl.ds(j * 16, 16)] = zero
        return 0

    lax.fori_loop(0, RCHUNK, _zrow, 0)
    for k in range(ROWS_PT // RCHUNK):
        pltpu.sync_copy(stage_v, acc_shared.at[pl.ds(row0 + k * RCHUNK, RCHUNK)])
    plsc.subcore_barrier()

    tile_base = (sid * NC + cid) * ept

    def _step(i, _):
        base = tile_base + i * CHUNK
        pltpu.sync_copy(src_hbm.at[pl.ds(base, CHUNK)], src_v)
        pltpu.sync_copy(dst_hbm.at[pl.ds(base, CHUNK)], dst_v)
        pltpu.sync_copy(ea_hbm.at[pl.ds(base, CHUNK)], ea_v)
        pltpu.async_copy(x_hbm.at[src_v], m_v, sem).wait()

        def _edge(e, _):
            for j in range(NVR):
                sl = pl.ds(j * 16, 16)
                m_v[e, sl] = jnp.maximum(m_v[e, sl] + ea_v[e, sl], 0.0)
            return 0

        lax.fori_loop(0, CHUNK, _edge, 0)
        pltpu.sync_copy(m_v, acc_shared.at[dst_v], add=True)
        return 0

    lax.fori_loop(0, nstep, _step, 0)
    plsc.subcore_barrier()

    for k in range(ROWS_PT // RCHUNK):
        r = row0 + k * RCHUNK
        pltpu.sync_copy(acc_shared.at[pl.ds(r, RCHUNK)], stage_v)
        pltpu.sync_copy(stage_v, out_hbm.at[cid, pl.ds(r, RCHUNK)])


def _sc_aggregate(src, dst, ea, x):
    ept = src.shape[0] // NW
    mesh = plsc.VectorSubcoreMesh(core_axis_name="c", subcore_axis_name="s")
    kern = pl.kernel(
        functools.partial(_sc_body, ept),
        out_type=jax.ShapeDtypeStruct((NC, N_PAD, D), jnp.float32),
        mesh=mesh,
        scratch_types=[
            pltpu.VMEM((CHUNK,), jnp.int32),
            pltpu.VMEM((CHUNK,), jnp.int32),
            pltpu.VMEM((CHUNK, D), jnp.float32),
            pltpu.VMEM((CHUNK, D), jnp.float32),
            pltpu.VMEM((RCHUNK, D), jnp.float32),
            pltpu.VMEM_SHARED((N_PAD, D), jnp.float32),
            pltpu.SemaphoreType.DMA,
        ],
    )
    return kern(src, dst, ea, x)


_BN = 2000
_BN_SCALE = 1.0 / (1.0 + 1e-5) ** 0.5


def _mlp_body(x_ref, agg_ref, agg2_ref, agg3_ref, agg4_ref, w1_ref, b1_ref,
              g1_ref, t1_ref, w2_ref, b2_ref, g2_ref, t2_ref, g3_ref, t3_ref,
              eps_ref, out_ref):
    eps = eps_ref[0]
    h = (x_ref[...] * (1.0 + eps) + (agg_ref[0] + agg_ref[1])
         + (agg2_ref[0] + agg2_ref[1]) + (agg3_ref[0] + agg3_ref[1])
         + (agg4_ref[0] + agg4_ref[1]))
    s1 = g1_ref[...] * _BN_SCALE
    h = jnp.maximum(
        jnp.dot(h, w1_ref[...], preferred_element_type=jnp.float32) * s1
        + (b1_ref[...] * s1 + t1_ref[...]),
        0.0,
    )
    s2 = g2_ref[...] * _BN_SCALE
    h = jnp.maximum(
        jnp.dot(h, w2_ref[...], preferred_element_type=jnp.float32) * s2
        + (b2_ref[...] * s2 + t2_ref[...]),
        0.0,
    )
    out_ref[...] = jnp.maximum(h * (g3_ref[...] * _BN_SCALE) + t3_ref[...], 0.0)


def _mlp(x, aggs, w1, b1, g1, t1, w2, b2, g2, t2, g3, t3, eps_gin):
    grid = (N // _BN,)
    row = lambda a: a.reshape(1, D)
    full = pl.BlockSpec((1, D), lambda i: (0, 0))
    agg_spec = pl.BlockSpec((NC, _BN, D), lambda i: (0, i, 0))
    return pl.pallas_call(
        _mlp_body,
        grid=grid,
        in_specs=[
            pl.BlockSpec((_BN, D), lambda i: (i, 0)),
            agg_spec, agg_spec, agg_spec, agg_spec,
            pl.BlockSpec((D, D), lambda i: (0, 0)),
            full, full, full,
            pl.BlockSpec((D, D), lambda i: (0, 0)),
            full, full, full, full, full,
            pl.BlockSpec(memory_space=pltpu.SMEM),
        ],
        out_specs=pl.BlockSpec((_BN, D), lambda i: (i, 0)),
        out_shape=jax.ShapeDtypeStruct((N, D), jnp.float32),
    )(x, *aggs, w1, row(b1), row(g1), row(t1),
      w2, row(b2), row(g2), row(t2), row(g3), row(t3),
      eps_gin.reshape(1))


def kernel(x, edge_index, edge_attr, W_edge, b_edge, W1, b1, g1, bt1,
           W2, b2, g2, bt2, g3, bt3, eps_gin):
    src = edge_index[0].astype(jnp.int32)
    dst = edge_index[1].astype(jnp.int32)
    bounds = []
    lo = 0
    for sz in E_PARTS:
        bounds.append((lo, lo + sz))
        lo += sz
    eas = [_edge_encode(edge_attr[a:b], W_edge, b_edge) for a, b in bounds]
    aggs = [
        _sc_aggregate(src[a:b], dst[a:b], ea, x)
        for (a, b), ea in zip(bounds, eas)
    ]
    return _mlp(x, aggs, W1, b1, g1, bt1, W2, b2, g2, bt2, g3, bt3, eps_gin)

# --- scband reference (transcript-rebuilt; emitter-appended) ---
"""Pipeline reference for scband-hetero-gineevolve-gcn-82952998355883 (READ-ONLY COPY).

The authoritative reference and input builder live on the scoring server;
editing this copy changes nothing except your own understanding.
"""

import jax, jax.numpy as jnp
import numpy as np

N = 10000
E = 640000
D_IN = 128
D_OUT = 128
D_EDGE = 16


def _bn_eval(v, gamma, beta, eps=1e-5):
    # BatchNorm1d in eval mode with running_mean=0, running_var=1 (fresh module stats)
    return v / jnp.sqrt(1.0 + eps) * gamma + beta


def setup_inputs(seed: int = 0) -> dict:
    key = jax.random.key(seed)
    ks = jax.random.split(key, 16)
    x = jax.random.normal(ks[0], (N, D_IN), dtype=jnp.float32)
    edge_index = jax.random.randint(ks[1], (2, E), 0, N, dtype=jnp.int64)
    edge_attr = jax.random.normal(ks[2], (E, D_EDGE), dtype=jnp.float32)
    # learned parameters
    W_edge = jax.random.normal(ks[3], (D_EDGE, D_IN), dtype=jnp.float32) * 0.05
    b_edge = jnp.zeros((D_IN,), dtype=jnp.float32)
    W1 = jax.random.normal(ks[4], (D_IN, D_OUT), dtype=jnp.float32) * 0.05
    b1 = jnp.zeros((D_OUT,), dtype=jnp.float32)
    g1 = jnp.ones((D_OUT,), dtype=jnp.float32)
    bt1 = jnp.zeros((D_OUT,), dtype=jnp.float32)
    W2 = jax.random.normal(ks[5], (D_OUT, D_OUT), dtype=jnp.float32) * 0.05
    b2 = jnp.zeros((D_OUT,), dtype=jnp.float32)
    g2 = jnp.ones((D_OUT,), dtype=jnp.float32)
    bt2 = jnp.zeros((D_OUT,), dtype=jnp.float32)
    g3 = jnp.ones((D_OUT,), dtype=jnp.float32)
    bt3 = jnp.zeros((D_OUT,), dtype=jnp.float32)
    eps_gin = jnp.zeros((), dtype=jnp.float32)  # train_eps=True, init eps=0.0
    return {
        "x": x, "edge_index": edge_index, "edge_attr": edge_attr,
        "W_edge": W_edge, "b_edge": b_edge,
        "W1": W1, "b1": b1, "g1": g1, "bt1": bt1,
        "W2": W2, "b2": b2, "g2": g2, "bt2": bt2,
        "g3": g3, "bt3": bt3, "eps_gin": eps_gin,
    }


def reference(x, edge_index, edge_attr, W_edge, b_edge, W1, b1, g1, bt1, W2, b2, g2, bt2, g3, bt3, eps_gin):
    # GINEConvBlock forward (eval mode: dropout = identity, BN uses running stats)
    # 1) edge encoder: Linear(edge_dim -> in_channels)
    ea = edge_attr @ W_edge + b_edge
    # 2) GINEConv: message m_ij = ReLU(x_j + e_ij), sum-aggregated at dst
    src = edge_index[0]
    dst = edge_index[1]
    m = jax.nn.relu(jnp.take(x, src, axis=0) + ea)
    agg = jnp.zeros_like(x).at[dst].add(m)
    h = (1.0 + eps_gin) * x + agg
    # 3) GIN MLP: Linear -> BN -> ReLU -> (Dropout) -> Linear -> BN -> ReLU -> (Dropout)
    h = jax.nn.relu(_bn_eval(h @ W1 + b1, g1, bt1))
    h = jax.nn.relu(_bn_eval(h @ W2 + b2, g2, bt2))
    # 4) outer BatchNorm + ReLU (+ dropout identity in eval)
    h = jax.nn.relu(_bn_eval(h, g3, bt3))
    return h

if __name__ == "__main__":
    import jax
    _d = setup_inputs()
    print(jax.jit(kernel)(*tuple(_d.values())))

</pallas_src>

<mosaic_0001>
#map = affine_map<(d0, d1) -> (0)>
#map1 = affine_map<(d0, d1) -> (0, 0)>
#map2 = affine_map<(d0, d1) -> (0, 0, 0)>
module attributes {stable_mosaic.version = 14 : i64} {
  func.func @_sc_body(%arg0: i32, %arg1: i32, %arg2: memref<64000xi32, #tpu.memory_space<hbm>>, %arg3: memref<64000xi32, #tpu.memory_space<hbm>>, %arg4: memref<64000x128xf32, #tpu.memory_space<hbm>>, %arg5: memref<10000x128xf32, #tpu.memory_space<hbm>>, %arg6: memref<2x10240x128xf32, #tpu.memory_space<hbm>>, %arg7: memref<80xi32, #tpu.memory_space<vmem>>, %arg8: memref<80xi32, #tpu.memory_space<vmem>>, %arg9: memref<80x128xf32, #tpu.memory_space<vmem>>, %arg10: memref<80x128xf32, #tpu.memory_space<vmem>>, %arg11: memref<128x128xf32, #tpu.memory_space<vmem>>, %arg12: memref<10240x128xf32, #tpu.memory_space<vmem_shared>>, %arg13: memref<!tpu.dma_semaphore, #tpu.memory_space<semaphore_mem>>) attributes {dimension_semantics = [#tpu.dimension_semantics<core_parallel>, #tpu.dimension_semantics<subcore_parallel>], iteration_bounds = array<i64: 2, 16>, scalar_prefetch = 0 : i64, scratch_operands = 7 : i64, tpu.core_type = #tpu.core_type<sc_vector_subcore>, window_params = [{transform_indices = #map}, {transform_indices = #map}, {transform_indices = #map1}, {transform_indices = #map1}, {transform_indices = #map2}]} {
    %mul3A = arith.constant 640 : i32
    %mul3A_0 = arith.muli %arg1, %mul3A : i32
    %broadcast_in_dim3A = arith.constant 0.000000e+00 : f32
    %broadcast_in_dim3A_1 = vector.broadcast %broadcast_in_dim3A : f32 to vector<16xf32>
    %scan3A = arith.constant 0 : i32
    %scan3A_2 = arith.constant 0 : i32
    %scan3A_3 = arith.constant 128 : i32
    %scan3A_4 = arith.addi %scan3A_2, %scan3A_3 : i32
    %scan3A_5 = arith.constant 1 : i32
    %scan3A_6 = scf.for %scan3A_40 = %scan3A_2 to %scan3A_4 step %scan3A_5 iter_args(%scan3A_41 = %scan3A) -> (i32)  : i32 {
      %swap3A = arith.index_cast %scan3A_40 : i32 to index
      %swap3A_42 = arith.constant 0 : index
      %swap3A_43 = tpu.vector_load %arg11[%swap3A, %swap3A_42] {strides = array<i32>} : memref<128x128xf32, #tpu.memory_space<vmem>>, vector<1x16xf32>,
      %swap3A_44 = vector.shape_cast %swap3A_43 : vector<1x16xf32> to vector<16xf32>
      %swap3A_45 = vector.shape_cast %broadcast_in_dim3A_1 : vector<16xf32> to vector<1x16xf32>
      tpu.vector_store %arg11[%swap3A, %swap3A_42], %swap3A_45 {strides = array<i32>} : memref<128x128xf32, #tpu.memory_space<vmem>>, vector<1x16xf32>,
      %swap3A_46 = arith.index_cast %scan3A_40 : i32 to index
      %swap3A_47 = arith.constant 16 : index
      %swap3A_48 = tpu.vector_load %arg11[%swap3A_46, %swap3A_47] {strides = array<i32>} : memref<128x128xf32, #tpu.memory_space<vmem>>, vector<1x16xf32>,
      %swap3A_49 = vector.shape_cast %swap3A_48 : vector<1x16xf32> to vector<16xf32>
      %swap3A_50 = vector.shape_cast %broadcast_in_dim3A_1 : vector<16xf32> to vector<1x16xf32>
      tpu.vector_store %arg11[%swap3A_46, %swap3A_47], %swap3A_50 {strides = array<i32>} : memref<128x128xf32, #tpu.memory_space<vmem>>, vector<1x16xf32>,
      %swap3A_51 = arith.index_cast %scan3A_40 : i32 to index
      %swap3A_52 = arith.constant 32 : index
      %swap3A_53 = tpu.vector_load %arg11[%swap3A_51, %swap3A_52] {strides = array<i32>} : memref<128x128xf32, #tpu.memory_space<vmem>>, vector<1x16xf32>,
      %swap3A_54 = vector.shape_cast %swap3A_53 : vector<1x16xf32> to vector<16xf32>
      %swap3A_55 = vector.shape_cast %broadcast_in_dim3A_1 : vector<16xf32> to vector<1x16xf32>
      tpu.vector_store %arg11[%swap3A_51, %swap3A_52], %swap3A_55 {strides = array<i32>} : memref<128x128xf32, #tpu.memory_space<vmem>>, vector<1x16xf32>,
      %swap3A_56 = arith.index_cast %scan3A_40 : i32 to index
      %swap3A_57 = arith.constant 48 : index
      %swap3A_58 = tpu.vector_load %arg11[%swap3A_56, %swap3A_57] {strides = array<i32>} : memref<128x128xf32, #tpu.memory_space<vmem>>, vector<1x16xf32>,
      %swap3A_59 = vector.shape_cast %swap3A_58 : vector<1x16xf32> to vector<16xf32>
      %swap3A_60 = vector.shape_cast %broadcast_in_dim3A_1 : vector<16xf32> to vector<1x16xf32>
      tpu.vector_store %arg11[%swap3A_56, %swap3A_57], %swap3A_60 {strides = array<i32>} : memref<128x128xf32, #tpu.memory_space<vmem>>, vector<1x16xf32>,
      %swap3A_61 = arith.index_cast %scan3A_40 : i32 to index
      %swap3A_62 = arith.constant 64 : index
      %swap3A_63 = tpu.vector_load %arg11[%swap3A_61, %swap3A_62] {strides = array<i32>} : memref<128x128xf32, #tpu.memory_space<vmem>>, vector<1x16xf32>,
      %swap3A_64 = vector.shape_cast %swap3A_63 : vector<1x16xf32> to vector<16xf32>
      %swap3A_65 = vector.shape_cast %broadcast_in_dim3A_1 : vector<16xf32> to vector<1x16xf32>
      tpu.vector_store %arg11[%swap3A_61, %swap3A_62], %swap3A_65 {strides = array<i32>} : memref<128x128xf32, #tpu.memory_space<vmem>>, vector<1x16xf32>,
      %swap3A_66 = arith.index_cast %scan3A_40 : i32 to index
      %swap3A_67 = arith.constant 80 : index
      %swap3A_68 = tpu.vector_load %arg11[%swap3A_66, %swap3A_67] {strides = array<i32>} : memref<128x128xf32, #tpu.memory_space<vmem>>, vector<1x16xf32>,
      %swap3A_69 = vector.shape_cast %swap3A_68 : vector<1x16xf32> to vector<16xf32>
      %swap3A_70 = vector.shape_cast %broadcast_in_dim3A_1 : vector<16xf32> to vector<1x16xf32>
      tpu.vector_store %arg11[%swap3A_66, %swap3A_67], %swap3A_70 {strides = array<i32>} : memref<128x128xf32, #tpu.memory_space<vmem>>, vector<1x16xf32>,
      %swap3A_71 = arith.index_cast %scan3A_40 : i32 to index
      %swap3A_72 = arith.constant 96 : index
      %swap3A_73 = tpu.vector_load %arg11[%swap3A_71, %swap3A_72] {strides = array<i32>} : memref<128x128xf32, #tpu.memory_space<vmem>>, vector<1x16xf32>,
      %swap3A_74 = vector.shape_cast %swap3A_73 : vector<1x16xf32> to vector<16xf32>
      %swap3A_75 = vector.shape_cast %broadcast_in_dim3A_1 : vector<16xf32> to vector<1x16xf32>
      tpu.vector_store %arg11[%swap3A_71, %swap3A_72], %swap3A_75 {strides = array<i32>} : memref<128x128xf32, #tpu.memory_space<vmem>>, vector<1x16xf32>,
      %swap3A_76 = arith.index_cast %scan3A_40 : i32 to index
      %swap3A_77 = arith.constant 112 : index
      %swap3A_78 = tpu.vector_load %arg11[%swap3A_76, %swap3A_77] {strides = array<i32>} : memref<128x128xf32, #tpu.memory_space<vmem>>, vector<1x16xf32>,
      %swap3A_79 = vector.shape_cast %swap3A_78 : vector<1x16xf32> to vector<16xf32>
      %swap3A_80 = vector.shape_cast %broadcast_in_dim3A_1 : vector<16xf32> to vector<1x16xf32>
      tpu.vector_store %arg11[%swap3A_76, %swap3A_77], %swap3A_80 {strides = array<i32>} : memref<128x128xf32, #tpu.memory_space<vmem>>, vector<1x16xf32>,
      %scan3A_81 = arith.constant 0 : i32
      scf.yield %scan3A_81 : i32
    }
    %scan3A_7 = arith.constant 128 : i32
    %add3A = arith.constant 0 : i32
    %add3A_8 = arith.addi %mul3A_0, %add3A : i32
    "tpu.region"() ({
      %run_scoped3A = tpu.sem_alloc : memref<!tpu.dma_semaphore, #tpu.memory_space<semaphore_mem>>
      %dma_start3A = arith.constant 0 : i32
      %dma_start3A_40 = tpu.memref_slice %arg12[%add3A_8, %dma_start3A] : memref<10240x128xf32, #tpu.memory_space<vmem_shared>> -> memref<128x128xf32, #tpu.memory_space<vmem_shared>>
      %dma_start3A_41 = arith.constant 0 : i32
      %dma_start3A_42 = tpu.memref_slice %arg12[%add3A_8, %dma_start3A_41] : memref<10240x128xf32, #tpu.memory_space<vmem_shared>> -> memref<128x128xf32, #tpu.memory_space<vmem_shared>>
      tpu.enqueue_dma source(%arg11 : memref<128x128xf32, #tpu.memory_space<vmem>>) target(%dma_start3A_42 : memref<128x128xf32, #tpu.memory_space<vmem_shared>>) target_semaphore(%run_scoped3A : memref<!tpu.dma_semaphore, #tpu.memory_space<semaphore_mem>>)
      %dma_wait3A = arith.constant 0 : i32
      %dma_wait3A_43 = tpu.memref_slice %arg12[%add3A_8, %dma_wait3A] : memref<10240x128xf32, #tpu.memory_space<vmem_shared>> -> memref<128x128xf32, #tpu.memory_space<vmem_shared>>
      %dma_wait3A_44 = arith.constant 0 : i32
      %dma_wait3A_45 = tpu.memref_slice %arg12[%add3A_8, %dma_wait3A_44] : memref<10240x128xf32, #tpu.memory_space<vmem_shared>> -> memref<128x128xf32, #tpu.memory_space<vmem_shared>>
      tpu.wait_dma2 semaphore(%run_scoped3A : memref<!tpu.dma_semaphore, #tpu.memory_space<semaphore_mem>>) src(%arg11 : memref<128x128xf32, #tpu.memory_space<vmem>>) dst(%dma_wait3A_45 : memref<128x128xf32, #tpu.memory_space<vmem_shared>>)
      tpu.yield
    }) : () -> ()
    %add3A_9 = arith.constant 128 : i32
    %add3A_10 = arith.addi %mul3A_0, %add3A_9 : i32
    "tpu.region"() ({
      %run_scoped3A = tpu.sem_alloc : memref<!tpu.dma_semaphore, #tpu.memory_space<semaphore_mem>>
      %dma_start3A = arith.constant 0 : i32
      %dma_start3A_40 = tpu.memref_slice %arg12[%add3A_10, %dma_start3A] : memref<10240x128xf32, #tpu.memory_space<vmem_shared>> -> memref<128x128xf32, #tpu.memory_space<vmem_shared>>
      %dma_start3A_41 = arith.constant 0 : i32
      %dma_start3A_42 = tpu.memref_slice %arg12[%add3A_10, %dma_start3A_41] : memref<10240x128xf32, #tpu.memory_space<vmem_shared>> -> memref<128x128xf32, #tpu.memory_space<vmem_shared>>
      tpu.enqueue_dma source(%arg11 : memref<128x128xf32, #tpu.memory_space<vmem>>) target(%dma_start3A_42 : memref<128x128xf32, #tpu.memory_space<vmem_shared>>) target_semaphore(%run_scoped3A : memref<!tpu.dma_semaphore, #tpu.memory_space<semaphore_mem>>)
      %dma_wait3A = arith.constant 0 : i32
      %dma_wait3A_43 = tpu.memref_slice %arg12[%add3A_10, %dma_wait3A] : memref<10240x128xf32, #tpu.memory_space<vmem_shared>> -> memref<128x128xf32, #tpu.memory_space<vmem_shared>>
      %dma_wait3A_44 = arith.constant 0 : i32
      %dma_wait3A_45 = tpu.memref_slice %arg12[%add3A_10, %dma_wait3A_44] : memref<10240x128xf32, #tpu.memory_space<vmem_shared>> -> memref<128x128xf32, #tpu.memory_space<vmem_shared>>
      tpu.wait_dma2 semaphore(%run_scoped3A : memref<!tpu.dma_semaphore, #tpu.memory_space<semaphore_mem>>) src(%arg11 : memref<128x128xf32, #tpu.memory_space<vmem>>) dst(%dma_wait3A_45 : memref<128x128xf32, #tpu.memory_space<vmem_shared>>)
      tpu.yield
    }) : () -> ()
    %add3A_11 = arith.constant 256 : i32
    %add3A_12 = arith.addi %mul3A_0, %add3A_11 : i32
    "tpu.region"() ({
      %run_scoped3A = tpu.sem_alloc : memref<!tpu.dma_semaphore, #tpu.memory_space<semaphore_mem>>
      %dma_start3A = arith.constant 0 : i32
      %dma_start3A_40 = tpu.memref_slice %arg12[%add3A_12, %dma_start3A] : memref<10240x128xf32, #tpu.memory_space<vmem_shared>> -> memref<128x128xf32, #tpu.memory_space<vmem_shared>>
      %dma_start3A_41 = arith.constant 0 : i32
      %dma_start3A_42 = tpu.memref_slice %arg12[%add3A_12, %dma_start3A_41] : memref<10240x128xf32, #tpu.memory_space<vmem_shared>> -> memref<128x128xf32, #tpu.memory_space<vmem_shared>>
      tpu.enqueue_dma source(%arg11 : memref<128x128xf32, #tpu.memory_space<vmem>>) target(%dma_start3A_42 : memref<128x128xf32, #tpu.memory_space<vmem_shared>>) target_semaphore(%run_scoped3A : memref<!tpu.dma_semaphore, #tpu.memory_space<semaphore_mem>>)
      %dma_wait3A = arith.constant 0 : i32
      %dma_wait3A_43 = tpu.memref_slice %arg12[%add3A_12, %dma_wait3A] : memref<10240x128xf32, #tpu.memory_space<vmem_shared>> -> memref<128x128xf32, #tpu.memory_space<vmem_shared>>
      %dma_wait3A_44 = arith.constant 0 : i32
      %dma_wait3A_45 = tpu.memref_slice %arg12[%add3A_12, %dma_wait3A_44] : memref<10240x128xf32, #tpu.memory_space<vmem_shared>> -> memref<128x128xf32, #tpu.memory_space<vmem_shared>>
      tpu.wait_dma2 semaphore(%run_scoped3A : memref<!tpu.dma_semaphore, #tpu.memory_space<semaphore_mem>>) src(%arg11 : memref<128x128xf32, #tpu.memory_space<vmem>>) dst(%dma_wait3A_45 : memref<128x128xf32, #tpu.memory_space<vmem_shared>>)
      tpu.yield
    }) : () -> ()
    %add3A_13 = arith.constant 384 : i32
    %add3A_14 = arith.addi %mul3A_0, %add3A_13 : i32
    "tpu.region"() ({
      %run_scoped3A = tpu.sem_alloc : memref<!tpu.dma_semaphore, #tpu.memory_space<semaphore_mem>>
      %dma_start3A = arith.constant 0 : i32
      %dma_start3A_40 = tpu.memref_slice %arg12[%add3A_14, %dma_start3A] : memref<10240x128xf32, #tpu.memory_space<vmem_shared>> -> memref<128x128xf32, #tpu.memory_space<vmem_shared>>
      %dma_start3A_41 = arith.constant 0 : i32
      %dma_start3A_42 = tpu.memref_slice %arg12[%add3A_14, %dma_start3A_41] : memref<10240x128xf32, #tpu.memory_space<vmem_shared>> -> memref<128x128xf32, #tpu.memory_space<vmem_shared>>
      tpu.enqueue_dma source(%arg11 : memref<128x128xf32, #tpu.memory_space<vmem>>) target(%dma_start3A_42 : memref<128x128xf32, #tpu.memory_space<vmem_shared>>) target_semaphore(%run_scoped3A : memref<!tpu.dma_semaphore, #tpu.memory_space<semaphore_mem>>)
      %dma_wait3A = arith.constant 0 : i32
      %dma_wait3A_43 = tpu.memref_slice %arg12[%add3A_14, %dma_wait3A] : memref<10240x128xf32, #tpu.memory_space<vmem_shared>> -> memref<128x128xf32, #tpu.memory_space<vmem_shared>>
      %dma_wait3A_44 = arith.constant 0 : i32
      %dma_wait3A_45 = tpu.memref_slice %arg12[%add3A_14, %dma_wait3A_44] : memref<10240x128xf32, #tpu.memory_space<vmem_shared>> -> memref<128x128xf32, #tpu.memory_space<vmem_shared>>
      tpu.wait_dma2 semaphore(%run_scoped3A : memref<!tpu.dma_semaphore, #tpu.memory_space<semaphore_mem>>) src(%arg11 : memref<128x128xf32, #tpu.memory_space<vmem>>) dst(%dma_wait3A_45 : memref<128x128xf32, #tpu.memory_space<vmem_shared>>)
      tpu.yield
    }) : () -> ()
    %add3A_15 = arith.constant 512 : i32
    %add3A_16 = arith.addi %mul3A_0, %add3A_15 : i32
    "tpu.region"() ({
      %run_scoped3A = tpu.sem_alloc : memref<!tpu.dma_semaphore, #tpu.memory_space<semaphore_mem>>
      %dma_start3A = arith.constant 0 : i32
      %dma_start3A_40 = tpu.memref_slice %arg12[%add3A_16, %dma_start3A] : memref<10240x128xf32, #tpu.memory_space<vmem_shared>> -> memref<128x128xf32, #tpu.memory_space<vmem_shared>>
      %dma_start3A_41 = arith.constant 0 : i32
      %dma_start3A_42 = tpu.memref_slice %arg12[%add3A_16, %dma_start3A_41] : memref<10240x128xf32, #tpu.memory_space<vmem_shared>> -> memref<128x128xf32, #tpu.memory_space<vmem_shared>>
      tpu.enqueue_dma source(%arg11 : memref<128x128xf32, #tpu.memory_space<vmem>>) target(%dma_start3A_42 : memref<128x128xf32, #tpu.memory_space<vmem_shared>>) target_semaphore(%run_scoped3A : memref<!tpu.dma_semaphore, #tpu.memory_space<semaphore_mem>>)
      %dma_wait3A = arith.constant 0 : i32
      %dma_wait3A_43 = tpu.memref_slice %arg12[%add3A_16, %dma_wait3A] : memref<10240x128xf32, #tpu.memory_space<vmem_shared>> -> memref<128x128xf32, #tpu.memory_space<vmem_shared>>
      %dma_wait3A_44 = arith.constant 0 : i32
      %dma_wait3A_45 = tpu.memref_slice %arg12[%add3A_16, %dma_wait3A_44] : memref<10240x128xf32, #tpu.memory_space<vmem_shared>> -> memref<128x128xf32, #tpu.memory_space<vmem_shared>>
      tpu.wait_dma2 semaphore(%run_scoped3A : memref<!tpu.dma_semaphore, #tpu.memory_space<semaphore_mem>>) src(%arg11 : memref<128x128xf32, #tpu.memory_space<vmem>>) dst(%dma_wait3A_45 : memref<128x128xf32, #tpu.memory_space<vmem_shared>>)
      tpu.yield
    }) : () -> ()
    %barrier3A = arith.constant 0 : index
    tpu.barrier barrier_id(%barrier3A)
    %mul3A_17 = arith.constant 2 : i32
    %mul3A_18 = arith.muli %arg1, %mul3A_17 : i32
    %add3A_19 = arith.addi %mul3A_18, %arg0 : i32
    %mul3A_20 = arith.constant 2000 : i32
    %mul3A_21 = arith.muli %add3A_19, %mul3A_20 : i32
    %scan3A_22 = arith.constant 0 : i32
    %scan3A_23 = arith.constant 0 : i32
    %scan3A_24 = arith.constant 25 : i32
    %scan3A_25 = arith.addi %scan3A_23, %scan3A_24 : i32
    %scan3A_26 = arith.constant 1 : i32
    %scan3A_27 = scf.for %scan3A_40 = %scan3A_23 to %scan3A_25 step %scan3A_26 iter_args(%scan3A_41 = %scan3A_22) -> (i32)  : i32 {
      %mul3A_42 = arith.constant 80 : i32
      %mul3A_43 = arith.muli %scan3A_40, %mul3A_42 : i32
      %add3A_44 = arith.addi %mul3A_21, %mul3A_43 : i32
      "tpu.region"() ({
        %run_scoped3A = tpu.sem_alloc : memref<!tpu.dma_semaphore, #tpu.memory_space<semaphore_mem>>
        %dma_start3A_57 = tpu.memref_slice %arg2[%add3A_44] : memref<64000xi32, #tpu.memory_space<hbm>> -> memref<80xi32, #tpu.memory_space<hbm>>
        %dma_start3A_58 = tpu.memref_slice %arg2[%add3A_44] : memref<64000xi32, #tpu.memory_space<hbm>> -> memref<80xi32, #tpu.memory_space<hbm>>
        tpu.enqueue_dma source(%dma_start3A_58 : memref<80xi32, #tpu.memory_space<hbm>>) target(%arg7 : memref<80xi32, #tpu.memory_space<vmem>>) target_semaphore(%run_scoped3A : memref<!tpu.dma_semaphore, #tpu.memory_space<semaphore_mem>>)
        %dma_wait3A_59 = tpu.memref_slice %arg2[%add3A_44] : memref<64000xi32, #tpu.memory_space<hbm>> -> memref<80xi32, #tpu.memory_space<hbm>>
        %dma_wait3A_60 = tpu.memref_slice %arg2[%add3A_44] : memref<64000xi32, #tpu.memory_space<hbm>> -> memref<80xi32, #tpu.memory_space<hbm>>
        tpu.wait_dma2 semaphore(%run_scoped3A : memref<!tpu.dma_semaphore, #tpu.memory_space<semaphore_mem>>) src(%dma_wait3A_60 : memref<80xi32, #tpu.memory_space<hbm>>) dst(%arg7 : memref<80xi32, #tpu.memory_space<vmem>>)
        tpu.yield
      }) : () -> ()
      "tpu.region"() ({
        %run_scoped3A = tpu.sem_alloc : memref<!tpu.dma_semaphore, #tpu.memory_space<semaphore_mem>>
        %dma_start3A_57 = tpu.memref_slice %arg3[%add3A_44] : memref<64000xi32, #tpu.memory_space<hbm>> -> memref<80xi32, #tpu.memory_space<hbm>>
        %dma_start3A_58 = tpu.memref_slice %arg3[%add3A_44] : memref<64000xi32, #tpu.memory_space<hbm>> -> memref<80xi32, #tpu.memory_space<hbm>>
        tpu.enqueue_dma source(%dma_start3A_58 : memref<80xi32, #tpu.memory_space<hbm>>) target(%arg8 : memref<80xi32, #tpu.memory_space<vmem>>) target_semaphore(%run_scoped3A : memref<!tpu.dma_semaphore, #tpu.memory_space<semaphore_mem>>)
        %dma_wait3A_59 = tpu.memref_slice %arg3[%add3A_44] : memref<64000xi32, #tpu.memory_space<hbm>> -> memref<80xi32, #tpu.memory_space<hbm>>
        %dma_wait3A_60 = tpu.memref_slice %arg3[%add3A_44] : memref<64000xi32, #tpu.memory_space<hbm>> -> memref<80xi32, #tpu.memory_space<hbm>>
        tpu.wait_dma2 semaphore(%run_scoped3A : memref<!tpu.dma_semaphore, #tpu.memory_space<semaphore_mem>>) src(%dma_wait3A_60 : memref<80xi32, #tpu.memory_space<hbm>>) dst(%arg8 : memref<80xi32, #tpu.memory_space<vmem>>)
        tpu.yield
      }) : () -> ()
      "tpu.region"() ({
        %run_scoped3A = tpu.sem_alloc : memref<!tpu.dma_semaphore, #tpu.memory_space<semaphore_mem>>
        %dma_start3A_57 = arith.constant 0 : i32
        %dma_start3A_58 = tpu.memref_slice %arg4[%add3A_44, %dma_start3A_57] : memref<64000x128xf32, #tpu.memory_space<hbm>> -> memref<80x128xf32, #tpu.memory_space<hbm>>
        %dma_start3A_59 = arith.constant 0 : i32
        %dma_start3A_60 = tpu.memref_slice %arg4[%add3A_44, %dma_start3A_59] : memref<64000x128xf32, #tpu.memory_space<hbm>> -> memref<80x128xf32, #tpu.memory_space<hbm>>
        tpu.enqueue_dma source(%dma_start3A_60 : memref<80x128xf32, #tpu.memory_space<hbm>>) target(%arg9 : memref<80x128xf32, #tpu.memory_space<vmem>>) target_semaphore(%run_scoped3A : memref<!tpu.dma_semaphore, #tpu.memory_space<semaphore_mem>>)
        %dma_wait3A_61 = arith.constant 0 : i32
        %dma_wait3A_62 = tpu.memref_slice %arg4[%add3A_44, %dma_wait3A_61] : memref<64000x128xf32, #tpu.memory_space<hbm>> -> memref<80x128xf32, #tpu.memory_space<hbm>>
        %dma_wait3A_63 = arith.constant 0 : i32
        %dma_wait3A_64 = tpu.memref_slice %arg4[%add3A_44, %dma_wait3A_63] : memref<64000x128xf32, #tpu.memory_space<hbm>> -> memref<80x128xf32, #tpu.memory_space<hbm>>
        tpu.wait_dma2 semaphore(%run_scoped3A : memref<!tpu.dma_semaphore, #tpu.memory_space<semaphore_mem>>) src(%dma_wait3A_64 : memref<80x128xf32, #tpu.memory_space<hbm>>) dst(%arg9 : memref<80x128xf32, #tpu.memory_space<vmem>>)
        tpu.yield
      }) : () -> ()
      %dma_start3A = arith.constant 0 : i32
      %dma_start3A_45 = arith.constant 0 : i32
      %dma_start3A_46 = tpu.memref_slice %arg5[%dma_start3A, %dma_start3A_45] : memref<10000x128xf32, #tpu.memory_space<hbm>> -> memref<10000x128xf32, #tpu.memory_space<hbm>>
      tpu.enqueue_indirect_dma source(%dma_start3A_46 : memref<10000x128xf32, #tpu.memory_space<hbm>>) target(%arg10 : memref<80x128xf32, #tpu.memory_space<vmem>>) offsets(%arg7 : memref<80xi32, #tpu.memory_space<vmem>>) semaphore(%arg13 : memref<!tpu.dma_semaphore, #tpu.memory_space<semaphore_mem>>)
      %dma_wait3A = arith.constant 0 : i32
      %dma_wait3A_47 = arith.constant 0 : i32
      %dma_wait3A_48 = tpu.memref_slice %arg5[%dma_wait3A, %dma_wait3A_47] : memref<10000x128xf32, #tpu.memory_space<hbm>> -> memref<10000x128xf32, #tpu.memory_space<hbm>>
      tpu.wait_indirect_dma semaphore(%arg13 : memref<!tpu.dma_semaphore, #tpu.memory_space<semaphore_mem>>) src(%dma_wait3A_48 : memref<10000x128xf32, #tpu.memory_space<hbm>>) dst(%arg10 : memref<80x128xf32, #tpu.memory_space<vmem>>)
      %scan3A_49 = arith.constant 0 : i32
      %scan3A_50 = arith.constant 0 : i32
      %scan3A_51 = arith.constant 80 : i32
      %scan3A_52 = arith.addi %scan3A_50, %scan3A_51 : i32
      %scan3A_53 = arith.constant 1 : i32
      %scan3A_54 = scf.for %scan3A_57 = %scan3A_50 to %scan3A_52 step %scan3A_53 iter_args(%scan3A_58 = %scan3A_49) -> (i32)  : i32 {
        %get3A = arith.index_cast %scan3A_57 : i32 to index
        %get3A_59 = arith.constant 0 : index
        %get3A_60 = tpu.vector_load %arg10[%get3A, %get3A_59] {strides = array<i32>} : memref<80x128xf32, #tpu.memory_space<vmem>>, vector<1x16xf32>,
        %get3A_61 = vector.shape_cast %get3A_60 : vector<1x16xf32> to vector<16xf32>
        %get3A_62 = arith.index_cast %scan3A_57 : i32 to index
        %get3A_63 = arith.constant 0 : index
        %get3A_64 = tpu.vector_load %arg9[%get3A_62, %get3A_63] {strides = array<i32>} : memref<80x128xf32, #tpu.memory_space<vmem>>, vector<1x16xf32>,
        %get3A_65 = vector.shape_cast %get3A_64 : vector<1x16xf32> to vector<16xf32>
        %add3A_66 = arith.addf %get3A_61, %get3A_65 : vector<16xf32>
        %max3A = arith.constant 0.000000e+00 : f32
        %max3A_67 = vector.broadcast %max3A : f32 to vector<16xf32>
        %max3A_68 = arith.maximumf %add3A_66, %max3A_67 : vector<16xf32>
        %swap3A = arith.index_cast %scan3A_57 : i32 to index
        %swap3A_69 = arith.constant 0 : index
        %swap3A_70 = tpu.vector_load %arg10[%swap3A, %swap3A_69] {strides = array<i32>} : memref<80x128xf32, #tpu.memory_space<vmem>>, vector<1x16xf32>,
        %swap3A_71 = vector.shape_cast %swap3A_70 : vector<1x16xf32> to vector<16xf32>
        %swap3A_72 = vector.shape_cast %max3A_68 : vector<16xf32> to vector<1x16xf32>
        tpu.vector_store %arg10[%swap3A, %swap3A_69], %swap3A_72 {strides = array<i32>} : memref<80x128xf32, #tpu.memory_space<vmem>>, vector<1x16xf32>,
        %get3A_73 = arith.index_cast %scan3A_57 : i32 to index
        %get3A_74 = arith.constant 16 : index
        %get3A_75 = tpu.vector_load %arg10[%get3A_73, %get3A_74] {strides = array<i32>} : memref<80x128xf32, #tpu.memory_space<vmem>>, vector<1x16xf32>,
        %get3A_76 = vector.shape_cast %get3A_75 : vector<1x16xf32> to vector<16xf32>
        %get3A_77 = arith.index_cast %scan3A_57 : i32 to index
        %get3A_78 = arith.constant 16 : index
        %get3A_79 = tpu.vector_load %arg9[%get3A_77, %get3A_78] {strides = array<i32>} : memref<80x128xf32, #tpu.memory_space<vmem>>, vector<1x16xf32>,
        %get3A_80 = vector.shape_cast %get3A_79 : vector<1x16xf32> to vector<16xf32>
        %add3A_81 = arith.addf %get3A_76, %get3A_80 : vector<16xf32>
        %max3A_82 = arith.constant 0.000000e+00 : f32
        %max3A_83 = vector.broadcast %max3A_82 : f32 to vector<16xf32>
        %max3A_84 = arith.maximumf %add3A_81, %max3A_83 : vector<16xf32>
        %swap3A_85 = arith.index_cast %scan3A_57 : i32 to index
        %swap3A_86 = arith.constant 16 : index
        %swap3A_87 = tpu.vector_load %arg10[%swap3A_85, %swap3A_86] {strides = array<i32>} : memref<80x128xf32, #tpu.memory_space<vmem>>, vector<1x16xf32>,
        %swap3A_88 = vector.shape_cast %swap3A_87 : vector<1x16xf32> to vector<16xf32>
        %swap3A_89 = vector.shape_cast %max3A_84 : vector<16xf32> to vector<1x16xf32>
        tpu.vector_store %arg10[%swap3A_85, %swap3A_86], %swap3A_89 {strides = array<i32>} : memref<80x128xf32, #tpu.memory_space<vmem>>, vector<1x16xf32>,
        %get3A_90 = arith.index_cast %scan3A_57 : i32 to index
        %get3A_91 = arith.constant 32 : index
        %get3A_92 = tpu.vector_load %arg10[%get3A_90, %get3A_91] {strides = array<i32>} : memref<80x128xf32, #tpu.memory_space<vmem>>, vector<1x16xf32>,
        %get3A_93 = vector.shape_cast %get3A_92 : vector<1x16xf32> to vector<16xf32>
        %get3A_94 = arith.index_cast %scan3A_57 : i32 to index
        %get3A_95 = arith.constant 32 : index
        %get3A_96 = tpu.vector_load %arg9[%get3A_94, %get3A_95] {strides = array<i32>} : memref<80x128xf32, #tpu.memory_space<vmem>>, vector<1x16xf32>,
        %get3A_97 = vector.shape_cast %get3A_96 : vector<1x16xf32> to vector<16xf32>
        %add3A_98 = arith.addf %get3A_93, %get3A_97 : vector<16xf32>
        %max3A_99 = arith.constant 0.000000e+00 : f32
        %max3A_100 = vector.broadcast %max3A_99 : f32 to vector<16xf32>
        %max3A_101 = arith.maximumf %add3A_98, %max3A_100 : vector<16xf32>
        %swap3A_102 = arith.index_cast %scan3A_57 : i32 to index
        %swap3A_103 = arith.constant 32 : index
        %swap3A_104 = tpu.vector_load %arg10[%swap3A_102, %swap3A_103] {strides = array<i32>} : memref<80x128xf32, #tpu.memory_space<vmem>>, vector<1x16xf32>,
        %swap3A_105 = vector.shape_cast %swap3A_104 : vector<1x16xf32> to vector<16xf32>
        %swap3A_106 = vector.shape_cast %max3A_101 : vector<16xf32> to vector<1x16xf32>
        tpu.vector_store %arg10[%swap3A_102, %swap3A_103], %swap3A_106 {strides = array<i32>} : memref<80x128xf32, #tpu.memory_space<vmem>>, vector<1x16xf32>,
        %get3A_107 = arith.index_cast %scan3A_57 : i32 to index
        %get3A_108 = arith.constant 48 : index
        %get3A_109 = tpu.vector_load %arg10[%get3A_107, %get3A_108] {strides = array<i32>} : memref<80x128xf32, #tpu.memory_space<vmem>>, vector<1x16xf32>,
        %get3A_110 = vector.shape_cast %get3A_109 : vector<1x16xf32> to vector<16xf32>
        %get3A_111 = arith.index_cast %scan3A_57 : i32 to index
        %get3A_112 = arith.constant 48 : index
        %get3A_113 = tpu.vector_load %arg9[%get3A_111, %get3A_112] {strides = array<i32>} : memref<80x128xf32, #tpu.memory_space<vmem>>, vector<1x16xf32>,
        %get3A_114 = vector.shape_cast %get3A_113 : vector<1x16xf32> to vector<16xf32>
        %add3A_115 = arith.addf %get3A_110, %get3A_114 : vector<16xf32>
        %max3A_116 = arith.constant 0.000000e+00 : f32
        %max3A_117 = vector.broadcast %max3A_116 : f32 to vector<16xf32>
        %max3A_118 = arith.maximumf %add3A_115, %max3A_117 : vector<16xf32>
        %swap3A_119 = arith.index_cast %scan3A_57 : i32 to index
        %swap3A_120 = arith.constant 48 : index
        %swap3A_121 = tpu.vector_load %arg10[%swap3A_119, %swap3A_120] {strides = array<i32>} : memref<80x128xf32, #tpu.memory_space<vmem>>, vector<1x16xf32>,
        %swap3A_122 = vector.shape_cast %swap3A_121 : vector<1x16xf32> to vector<16xf32>
        %swap3A_123 = vector.shape_cast %max3A_118 : vector<16xf32> to vector<1x16xf32>
        tpu.vector_store %arg10[%swap3A_119, %swap3A_120], %swap3A_123 {strides = array<i32>} : memref<80x128xf32, #tpu.memory_space<vmem>>, vector<1x16xf32>,
        %get3A_124 = arith.index_cast %scan3A_57 : i32 to index
        %get3A_125 = arith.constant 64 : index
        %get3A_126 = tpu.vector_load %arg10[%get3A_124, %get3A_125] {strides = array<i32>} : memref<80x128xf32, #tpu.memory_space<vmem>>, vector<1x16xf32>,
        %get3A_127 = vector.shape_cast %get3A_126 : vector<1x16xf32> to vector<16xf32>
        %get3A_128 = arith.index_cast %scan3A_57 : i32 to index
        %get3A_129 = arith.constant 64 : index
        %get3A_130 = tpu.vector_load %arg9[%get3A_128, %get3A_129] {strides = array<i32>} : memref<80x128xf32, #tpu.memory_space<vmem>>, vector<1x16xf32>,
        %get3A_131 = vector.shape_cast %get3A_130 : vector<1x16xf32> to vector<16xf32>
        %add3A_132 = arith.addf %get3A_127, %get3A_131 : vector<16xf32>
        %max3A_133 = arith.constant 0.000000e+00 : f32
        %max3A_134 = vector.broadcast %max3A_133 : f32 to vector<16xf32>
        %max3A_135 = arith.maximumf %add3A_132, %max3A_134 : vector<16xf32>
        %swap3A_136 = arith.index_cast %scan3A_57 : i32 to index
        %swap3A_137 = arith.constant 64 : index
        %swap3A_138 = tpu.vector_load %arg10[%swap3A_136, %swap3A_137] {strides = array<i32>} : memref<80x128xf32, #tpu.memory_space<vmem>>, vector<1x16xf32>,
        %swap3A_139 = vector.shape_cast %swap3A_138 : vector<1x16xf32> to vector<16xf32>
        %swap3A_140 = vector.shape_cast %max3A_135 : vector<16xf32> to vector<1x16xf32>
        tpu.vector_store %arg10[%swap3A_136, %swap3A_137], %swap3A_140 {strides = array<i32>} : memref<80x128xf32, #tpu.memory_space<vmem>>, vector<1x16xf32>,
        %get3A_141 = arith.index_cast %scan3A_57 : i32 to index
        %get3A_142 = arith.constant 80 : index
        %get3A_143 = tpu.vector_load %arg10[%get3A_141, %get3A_142] {strides = array<i32>} : memref<80x128xf32, #tpu.memory_space<vmem>>, vector<1x16xf32>,
        %get3A_144 = vector.shape_cast %get3A_143 : vector<1x16xf32> to vector<16xf32>
        %get3A_145 = arith.index_cast %scan3A_57 : i32 to index
        %get3A_146 = arith.constant 80 : index
        %get3A_147 = tpu.vector_load %arg9[%get3A_145, %get3A_146] {strides = array<i32>} : memref<80x128xf32, #tpu.memory_space<vmem>>, vector<1x16xf32>,
        %get3A_148 = vector.shape_cast %get3A_147 : vector<1x16xf32> to vector<16xf32>
        %add3A_149 = arith.addf %get3A_144, %get3A_148 : vector<16xf32>
        %max3A_150 = arith.constant 0.000000e+00 : f32
        %max3A_151 = vector.broadcast %max3A_150 : f32 to vector<16xf32>
        %max3A_152 = arith.maximumf %add3A_149, %max3A_151 : vector<16xf32>
        %swap3A_153 = arith.index_cast %scan3A_57 : i32 to index
        %swap3A_154 = arith.constant 80 : index
        %swap3A_155 = tpu.vector_load %arg10[%swap3A_153, %swap3A_154] {strides = array<i32>} : memref<80x128xf32, #tpu.memory_space<vmem>>, vector<1x16xf32>,
        %swap3A_156 = vector.shape_cast %swap3A_155 : vector<1x16xf32> to vector<16xf32>
        %swap3A_157 = vector.shape_cast %max3A_152 : vector<16xf32> to vector<1x16xf32>
        tpu.vector_store %arg10[%swap3A_153, %swap3A_154], %swap3A_157 {strides = array<i32>} : memref<80x128xf32, #tpu.memory_space<vmem>>, vector<1x16xf32>,
        %get3A_158 = arith.index_cast %scan3A_57 : i32 to index
        %get3A_159 = arith.constant 96 : index
        %get3A_160 = tpu.vector_load %arg10[%get3A_158, %get3A_159] {strides = array<i32>} : memref<80x128xf32, #tpu.memory_space<vmem>>, vector<1x16xf32>,
        %get3A_161 = vector.shape_cast %get3A_160 : vector<1x16xf32> to vector<16xf32>
        %get3A_162 = arith.index_cast %scan3A_57 : i32 to index
        %get3A_163 = arith.constant 96 : index
        %get3A_164 = tpu.vector_load %arg9[%get3A_162, %get3A_163] {strides = array<i32>} : memref<80x128xf32, #tpu.memory_space<vmem>>, vector<1x16xf32>,
        %get3A_165 = vector.shape_cast %get3A_164 : vector<1x16xf32> to vector<16xf32>
        %add3A_166 = arith.addf %get3A_161, %get3A_165 : vector<16xf32>
        %max3A_167 = arith.constant 0.000000e+00 : f32
        %max3A_168 = vector.broadcast %max3A_167 : f32 to vector<16xf32>
        %max3A_169 = arith.maximumf %add3A_166, %max3A_168 : vector<16xf32>
        %swap3A_170 = arith.index_cast %scan3A_57 : i32 to index
        %swap3A_171 = arith.constant 96 : index
        %swap3A_172 = tpu.vector_load %arg10[%swap3A_170, %swap3A_171] {strides = array<i32>} : memref<80x128xf32, #tpu.memory_space<vmem>>, vector<1x16xf32>,
        %swap3A_173 = vector.shape_cast %swap3A_172 : vector<1x16xf32> to vector<16xf32>
        %swap3A_174 = vector.shape_cast %max3A_169 : vector<16xf32> to vector<1x16xf32>
        tpu.vector_store %arg10[%swap3A_170, %swap3A_171], %swap3A_174 {strides = array<i32>} : memref<80x128xf32, #tpu.memory_space<vmem>>, vector<1x16xf32>,
        %get3A_175 = arith.index_cast %scan3A_57 : i32 to index
        %get3A_176 = arith.constant 112 : index
        %get3A_177 = tpu.vector_load %arg10[%get3A_175, %get3A_176] {strides = array<i32>} : memref<80x128xf32, #tpu.memory_space<vmem>>, vector<1x16xf32>,
        %get3A_178 = vector.shape_cast %get3A_177 : vector<1x16xf32> to vector<16xf32>
        %get3A_179 = arith.index_cast %scan3A_57 : i32 to index
        %get3A_180 = arith.constant 112 : index
        %get3A_181 = tpu.vector_load %arg9[%get3A_179, %get3A_180] {strides = array<i32>} : memref<80x128xf32, #tpu.memory_space<vmem>>, vector<1x16xf32>,
        %get3A_182 = vector.shape_cast %get3A_181 : vector<1x16xf32> to vector<16xf32>
        %add3A_183 = arith.addf %get3A_178, %get3A_182 : vector<16xf32>
        %max3A_184 = arith.constant 0.000000e+00 : f32
        %max3A_185 = vector.broadcast %max3A_184 : f32 to vector<16xf32>
        %max3A_186 = arith.maximumf %add3A_183, %max3A_185 : vector<16xf32>
        %swap3A_187 = arith.index_cast %scan3A_57 : i32 to index
        %swap3A_188 = arith.constant 112 : index
        %swap3A_189 = tpu.vector_load %arg10[%swap3A_187, %swap3A_188] {strides = array<i32>} : memref<80x128xf32, #tpu.memory_space<vmem>>, vector<1x16xf32>,
        %swap3A_190 = vector.shape_cast %swap3A_189 : vector<1x16xf32> to vector<16xf32>
        %swap3A_191 = vector.shape_cast %max3A_186 : vector<16xf32> to vector<1x16xf32>
        tpu.vector_store %arg10[%swap3A_187, %swap3A_188], %swap3A_191 {strides = array<i32>} : memref<80x128xf32, #tpu.memory_space<vmem>>, vector<1x16xf32>,
        %scan3A_192 = arith.constant 0 : i32
        scf.yield %scan3A_192 : i32
      }
      %scan3A_55 = arith.constant 80 : i32
      "tpu.region"() ({
        %run_scoped3A = tpu.sem_alloc : memref<!tpu.dma_semaphore, #tpu.memory_space<semaphore_mem>>
        %dma_start3A_57 = arith.constant 0 : i32
        %dma_start3A_58 = arith.constant 0 : i32
        %dma_start3A_59 = tpu.memref_slice %arg12[%dma_start3A_57, %dma_start3A_58] : memref<10240x128xf32, #tpu.memory_space<vmem_shared>> -> memref<10240x128xf32, #tpu.memory_space<vmem_shared>>
        tpu.enqueue_indirect_dma source(%arg10 : memref<80x128xf32, #tpu.memory_space<vmem>>) target(%dma_start3A_59 : memref<10240x128xf32, #tpu.memory_space<vmem_shared>>) offsets(%arg8 : memref<80xi32, #tpu.memory_space<vmem>>) semaphore(%run_scoped3A : memref<!tpu.dma_semaphore, #tpu.memory_space<semaphore_mem>>) {add = true}
        %dma_wait3A_60 = arith.constant 0 : i32
        %dma_wait3A_61 = arith.constant 0 : i32
        %dma_wait3A_62 = tpu.memref_slice %arg12[%dma_wait3A_60, %dma_wait3A_61] : memref<10240x128xf32, #tpu.memory_space<vmem_shared>> -> memref<10240x128xf32, #tpu.memory_space<vmem_shared>>
        tpu.wait_indirect_dma semaphore(%run_scoped3A : memref<!tpu.dma_semaphore, #tpu.memory_space<semaphore_mem>>) src(%arg10 : memref<80x128xf32, #tpu.memory_space<vmem>>) dst(%dma_wait3A_62 : memref<10240x128xf32, #tpu.memory_space<vmem_shared>>)
        tpu.yield
      }) : () -> ()
      %scan3A_56 = arith.constant 0 : i32
      scf.yield %scan3A_56 : i32
    }
    %scan3A_28 = arith.constant 25 : i32
    %barrier3A_29 = arith.constant 0 : index
    tpu.barrier barrier_id(%barrier3A_29)
    %add3A_30 = arith.constant 0 : i32
    %add3A_31 = arith.addi %mul3A_0, %add3A_30 : i32
    "tpu.region"() ({
      %run_scoped3A = tpu.sem_alloc : memref<!tpu.dma_semaphore, #tpu.memory_space<semaphore_mem>>
      %dma_start3A = arith.constant 0 : i32
      %dma_start3A_40 = tpu.memref_slice %arg12[%add3A_31, %dma_start3A] : memref<10240x128xf32, #tpu.memory_space<vmem_shared>> -> memref<128x128xf32, #tpu.memory_space<vmem_shared>>
      %dma_start3A_41 = arith.constant 0 : i32
      %dma_start3A_42 = tpu.memref_slice %arg12[%add3A_31, %dma_start3A_41] : memref<10240x128xf32, #tpu.memory_space<vmem_shared>> -> memref<128x128xf32, #tpu.memory_space<vmem_shared>>
      tpu.enqueue_dma source(%dma_start3A_42 : memref<128x128xf32, #tpu.memory_space<vmem_shared>>) target(%arg11 : memref<128x128xf32, #tpu.memory_space<vmem>>) target_semaphore(%run_scoped3A : memref<!tpu.dma_semaphore, #tpu.memory_space<semaphore_mem>>)
      %dma_wait3A = arith.constant 0 : i32
      %dma_wait3A_43 = tpu.memref_slice %arg12[%add3A_31, %dma_wait3A] : memref<10240x128xf32, #tpu.memory_space<vmem_shared>> -> memref<128x128xf32, #tpu.memory_space<vmem_shared>>
      %dma_wait3A_44 = arith.constant 0 : i32
      %dma_wait3A_45 = tpu.memref_slice %arg12[%add3A_31, %dma_wait3A_44] : memref<10240x128xf32, #tpu.memory_space<vmem_shared>> -> memref<128x128xf32, #tpu.memory_space<vmem_shared>>
      tpu.wait_dma2 semaphore(%run_scoped3A : memref<!tpu.dma_semaphore, #tpu.memory_space<semaphore_mem>>) src(%dma_wait3A_45 : memref<128x128xf32, #tpu.memory_space<vmem_shared>>) dst(%arg11 : memref<128x128xf32, #tpu.memory_space<vmem>>)
      tpu.yield
    }) : () -> ()
    "tpu.region"() ({
      %run_scoped3A = tpu.sem_alloc : memref<!tpu.dma_semaphore, #tpu.memory_space<semaphore_mem>>
      %dma_start3A = arith.constant 0 : i32
      %dma_start3A_40 = tpu.memref_slice %arg6[%arg0, %add3A_31, %dma_start3A] : memref<2x10240x128xf32, #tpu.memory_space<hbm>> -> memref<1x128x128xf32, #tpu.memory_space<hbm>>
      %dma_start3A_41 = tpu.memref_squeeze %dma_start3A_40 : memref<1x128x128xf32, #tpu.memory_space<hbm>> -> memref<128x128xf32, #tpu.memory_space<hbm>>
      %dma_start3A_42 = arith.constant 0 : i32
      %dma_start3A_43 = tpu.memref_slice %arg6[%arg0, %add3A_31, %dma_start3A_42] : memref<2x10240x128xf32, #tpu.memory_space<hbm>> -> memref<1x128x128xf32, #tpu.memory_space<hbm>>
      %dma_start3A_44 = tpu.memref_squeeze %dma_start3A_43 : memref<1x128x128xf32, #tpu.memory_space<hbm>> -> memref<128x128xf32, #tpu.memory_space<hbm>>
      tpu.enqueue_dma source(%arg11 : memref<128x128xf32, #tpu.memory_space<vmem>>) target(%dma_start3A_44 : memref<128x128xf32, #tpu.memory_space<hbm>>) target_semaphore(%run_scoped3A : memref<!tpu.dma_semaphore, #tpu.memory_space<semaphore_mem>>)
      %dma_wait3A = arith.constant 0 : i32
      %dma_wait3A_45 = tpu.memref_slice %arg6[%arg0, %add3A_31, %dma_wait3A] : memref<2x10240x128xf32, #tpu.memory_space<hbm>> -> memref<1x128x128xf32, #tpu.memory_space<hbm>>
      %dma_wait3A_46 = tpu.memref_squeeze %dma_wait3A_45 : memref<1x128x128xf32, #tpu.memory_space<hbm>> -> memref<128x128xf32, #tpu.memory_space<hbm>>
      %dma_wait3A_47 = arith.constant 0 : i32
      %dma_wait3A_48 = tpu.memref_slice %arg6[%arg0, %add3A_31, %dma_wait3A_47] : memref<2x10240x128xf32, #tpu.memory_space<hbm>> -> memref<1x128x128xf32, #tpu.memory_space<hbm>>
      %dma_wait3A_49 = tpu.memref_squeeze %dma_wait3A_48 : memref<1x128x128xf32, #tpu.memory_space<hbm>> -> memref<128x128xf32, #tpu.memory_space<hbm>>
      tpu.wait_dma2 semaphore(%run_scoped3A : memref<!tpu.dma_semaphore, #tpu.memory_space<semaphore_mem>>) src(%arg11 : memref<128x128xf32, #tpu.memory_space<vmem>>) dst(%dma_wait3A_49 : memref<128x128xf32, #tpu.memory_space<hbm>>)
      tpu.yield
    }) : () -> ()
    %add3A_32 = arith.constant 128 : i32
    %add3A_33 = arith.addi %mul3A_0, %add3A_32 : i32
    "tpu.region"() ({
      %run_scoped3A = tpu.sem_alloc : memref<!tpu.dma_semaphore, #tpu.memory_space<semaphore_mem>>
      %dma_start3A = arith.constant 0 : i32
      %dma_start3A_40 = tpu.memref_slice %arg12[%add3A_33, %dma_start3A] : memref<10240x128xf32, #tpu.memory_space<vmem_shared>> -> memref<128x128xf32, #tpu.memory_space<vmem_shared>>
      %dma_start3A_41 = arith.constant 0 : i32
      %dma_start3A_42 = tpu.memref_slice %arg12[%add3A_33, %dma_start3A_41] : memref<10240x128xf32, #tpu.memory_space<vmem_shared>> -> memref<128x128xf32, #tpu.memory_space<vmem_shared>>
      tpu.enqueue_dma source(%dma_start3A_42 : memref<128x128xf32, #tpu.memory_space<vmem_shared>>) target(%arg11 : memref<128x128xf32, #tpu.memory_space<vmem>>) target_semaphore(%run_scoped3A : memref<!tpu.dma_semaphore, #tpu.memory_space<semaphore_mem>>)
      %dma_wait3A = arith.constant 0 : i32
      %dma_wait3A_43 = tpu.memref_slice %arg12[%add3A_33, %dma_wait3A] : memref<10240x128xf32, #tpu.memory_space<vmem_shared>> -> memref<128x128xf32, #tpu.memory_space<vmem_shared>>
      %dma_wait3A_44 = arith.constant 0 : i32
      %dma_wait3A_45 = tpu.memref_slice %arg12[%add3A_33, %dma_wait3A_44] : memref<10240x128xf32, #tpu.memory_space<vmem_shared>> -> memref<128x128xf32, #tpu.memory_space<vmem_shared>>
      tpu.wait_dma2 semaphore(%run_scoped3A : memref<!tpu.dma_semaphore, #tpu.memory_space<semaphore_mem>>) src(%dma_wait3A_45 : memref<128x128xf32, #tpu.memory_space<vmem_shared>>) dst(%arg11 : memref<128x128xf32, #tpu.memory_space<vmem>>)
      tpu.yield
    }) : () -> ()
    "tpu.region"() ({
      %run_scoped3A = tpu.sem_alloc : memref<!tpu.dma_semaphore, #tpu.memory_space<semaphore_mem>>
      %dma_start3A = arith.constant 0 : i32
      %dma_start3A_40 = tpu.memref_slice %arg6[%arg0, %add3A_33, %dma_start3A] : memref<2x10240x128xf32, #tpu.memory_space<hbm>> -> memref<1x128x128xf32, #tpu.memory_space<hbm>>
      %dma_start3A_41 = tpu.memref_squeeze %dma_start3A_40 : memref<1x128x128xf32, #tpu.memory_space<hbm>> -> memref<128x128xf32, #tpu.memory_space<hbm>>
      %dma_start3A_42 = arith.constant 0 : i32
      %dma_start3A_43 = tpu.memref_slice %arg6[%arg0, %add3A_33, %dma_start3A_42] : memref<2x10240x128xf32, #tpu.memory_space<hbm>> -> memref<1x128x128xf32, #tpu.memory_space<hbm>>
      %dma_start3A_44 = tpu.memref_squeeze %dma_start3A_43 : memref<1x128x128xf32, #tpu.memory_space<hbm>> -> memref<128x128xf32, #tpu.memory_space<hbm>>
      tpu.enqueue_dma source(%arg11 : memref<128x128xf32, #tpu.memory_space<vmem>>) target(%dma_start3A_44 : memref<128x128xf32, #tpu.memory_space<hbm>>) target_semaphore(%run_scoped3A : memref<!tpu.dma_semaphore, #tpu.memory_space<semaphore_mem>>)
      %dma_wait3A = arith.constant 0 : i32
      %dma_wait3A_45 = tpu.memref_slice %arg6[%arg0, %add3A_33, %dma_wait3A] : memref<2x10240x128xf32, #tpu.memory_space<hbm>> -> memref<1x128x128xf32, #tpu.memory_space<hbm>>
      %dma_wait3A_46 = tpu.memref_squeeze %dma_wait3A_45 : memref<1x128x128xf32, #tpu.memory_space<hbm>> -> memref<128x128xf32, #tpu.memory_space<hbm>>
      %dma_wait3A_47 = arith.constant 0 : i32
      %dma_wait3A_48 = tpu.memref_slice %arg6[%arg0, %add3A_33, %dma_wait3A_47] : memref<2x10240x128xf32, #tpu.memory_space<hbm>> -> memref<1x128x128xf32, #tpu.memory_space<hbm>>
      %dma_wait3A_49 = tpu.memref_squeeze %dma_wait3A_48 : memref<1x128x128xf32, #tpu.memory_space<hbm>> -> memref<128x128xf32, #tpu.memory_space<hbm>>
      tpu.wait_dma2 semaphore(%run_scoped3A : memref<!tpu.dma_semaphore, #tpu.memory_space<semaphore_mem>>) src(%arg11 : memref<128x128xf32, #tpu.memory_space<vmem>>) dst(%dma_wait3A_49 : memref<128x128xf32, #tpu.memory_space<hbm>>)
      tpu.yield
    }) : () -> ()
    %add3A_34 = arith.constant 256 : i32
    %add3A_35 = arith.addi %mul3A_0, %add3A_34 : i32
    "tpu.region"() ({
      %run_scoped3A = tpu.sem_alloc : memref<!tpu.dma_semaphore, #tpu.memory_space<semaphore_mem>>
      %dma_start3A = arith.constant 0 : i32
      %dma_start3A_40 = tpu.memref_slice %arg12[%add3A_35, %dma_start3A] : memref<10240x128xf32, #tpu.memory_space<vmem_shared>> -> memref<128x128xf32, #tpu.memory_space<vmem_shared>>
      %dma_start3A_41 = arith.constant 0 : i32
      %dma_start3A_42 = tpu.memref_slice %arg12[%add3A_35, %dma_start3A_41] : memref<10240x128xf32, #tpu.memory_space<vmem_shared>> -> memref<128x128xf32, #tpu.memory_space<vmem_shared>>
      tpu.enqueue_dma source(%dma_start3A_42 : memref<128x128xf32, #tpu.memory_space<vmem_shared>>) target(%arg11 : memref<128x128xf32, #tpu.memory_space<vmem>>) target_semaphore(%run_scoped3A : memref<!tpu.dma_semaphore, #tpu.memory_space<semaphore_mem>>)
      %dma_wait3A = arith.constant 0 : i32
      %dma_wait3A_43 = tpu.memref_slice %arg12[%add3A_35, %dma_wait3A] : memref<10240x128xf32, #tpu.memory_space<vmem_shared>> -> memref<128x128xf32, #tpu.memory_space<vmem_shared>>
      %dma_wait3A_44 = arith.constant 0 : i32
      %dma_wait3A_45 = tpu.memref_slice %arg12[%add3A_35, %dma_wait3A_44] : memref<10240x128xf32, #tpu.memory_space<vmem_shared>> -> memref<128x128xf32, #tpu.memory_space<vmem_shared>>
      tpu.wait_dma2 semaphore(%run_scoped3A : memref<!tpu.dma_semaphore, #tpu.memory_space<semaphore_mem>>) src(%dma_wait3A_45 : memref<128x128xf32, #tpu.memory_space<vmem_shared>>) dst(%arg11 : memref<128x128xf32, #tpu.memory_space<vmem>>)
      tpu.yield
    }) : () -> ()
    "tpu.region"() ({
      %run_scoped3A = tpu.sem_alloc : memref<!tpu.dma_semaphore, #tpu.memory_space<semaphore_mem>>
      %dma_start3A = arith.constant 0 : i32
      %dma_start3A_40 = tpu.memref_slice %arg6[%arg0, %add3A_35, %dma_start3A] : memref<2x10240x128xf32, #tpu.memory_space<hbm>> -> memref<1x128x128xf32, #tpu.memory_space<hbm>>
      %dma_start3A_41 = tpu.memref_squeeze %dma_start3A_40 : memref<1x128x128xf32, #tpu.memory_space<hbm>> -> memref<128x128xf32, #tpu.memory_space<hbm>>
      %dma_start3A_42 = arith.constant 0 : i32
      %dma_start3A_43 = tpu.memref_slice %arg6[%arg0, %add3A_35, %dma_start3A_42] : memref<2x10240x128xf32, #tpu.memory_space<hbm>> -> memref<1x128x128xf32, #tpu.memory_space<hbm>>
      %dma_start3A_44 = tpu.memref_squeeze %dma_start3A_43 : memref<1x128x128xf32, #tpu.memory_space<hbm>> -> memref<128x128xf32, #tpu.memory_space<hbm>>
      tpu.enqueue_dma source(%arg11 : memref<128x128xf32, #tpu.memory_space<vmem>>) target(%dma_start3A_44 : memref<128x128xf32, #tpu.memory_space<hbm>>) target_semaphore(%run_scoped3A : memref<!tpu.dma_semaphore, #tpu.memory_space<semaphore_mem>>)
      %dma_wait3A = arith.constant 0 : i32
      %dma_wait3A_45 = tpu.memref_slice %arg6[%arg0, %add3A_35, %dma_wait3A] : memref<2x10240x128xf32, #tpu.memory_space<hbm>> -> memref<1x128x128xf32, #tpu.memory_space<hbm>>
      %dma_wait3A_46 = tpu.memref_squeeze %dma_wait3A_45 : memref<1x128x128xf32, #tpu.memory_space<hbm>> -> memref<128x128xf32, #tpu.memory_space<hbm>>
      %dma_wait3A_47 = arith.constant 0 : i32
      %dma_wait3A_48 = tpu.memref_slice %arg6[%arg0, %add3A_35, %dma_wait3A_47] : memref<2x10240x128xf32, #tpu.memory_space<hbm>> -> memref<1x128x128xf32, #tpu.memory_space<hbm>>
      %dma_wait3A_49 = tpu.memref_squeeze %dma_wait3A_48 : memref<1x128x128xf32, #tpu.memory_space<hbm>> -> memref<128x128xf32, #tpu.memory_space<hbm>>
      tpu.wait_dma2 semaphore(%run_scoped3A : memref<!tpu.dma_semaphore, #tpu.memory_space<semaphore_mem>>) src(%arg11 : memref<128x128xf32, #tpu.memory_space<vmem>>) dst(%dma_wait3A_49 : memref<128x128xf32, #tpu.memory_space<hbm>>)
      tpu.yield
    }) : () -> ()
    %add3A_36 = arith.constant 384 : i32
    %add3A_37 = arith.addi %mul3A_0, %add3A_36 : i32
    "tpu.region"() ({
      %run_scoped3A = tpu.sem_alloc : memref<!tpu.dma_semaphore, #tpu.memory_space<semaphore_mem>>
      %dma_start3A = arith.constant 0 : i32
      %dma_start3A_40 = tpu.memref_slice %arg12[%add3A_37, %dma_start3A] : memref<10240x128xf32, #tpu.memory_space<vmem_shared>> -> memref<128x128xf32, #tpu.memory_space<vmem_shared>>
      %dma_start3A_41 = arith.constant 0 : i32
      %dma_start3A_42 = tpu.memref_slice %arg12[%add3A_37, %dma_start3A_41] : memref<10240x128xf32, #tpu.memory_space<vmem_shared>> -> memref<128x128xf32, #tpu.memory_space<vmem_shared>>
      tpu.enqueue_dma source(%dma_start3A_42 : memref<128x128xf32, #tpu.memory_space<vmem_shared>>) target(%arg11 : memref<128x128xf32, #tpu.memory_space<vmem>>) target_semaphore(%run_scoped3A : memref<!tpu.dma_semaphore, #tpu.memory_space<semaphore_mem>>)
      %dma_wait3A = arith.constant 0 : i32
      %dma_wait3A_43 = tpu.memref_slice %arg12[%add3A_37, %dma_wait3A] : memref<10240x128xf32, #tpu.memory_space<vmem_shared>> -> memref<128x128xf32, #tpu.memory_space<vmem_shared>>
      %dma_wait3A_44 = arith.constant 0 : i32
      %dma_wait3A_45 = tpu.memref_slice %arg12[%add3A_37, %dma_wait3A_44] : memref<10240x128xf32, #tpu.memory_space<vmem_shared>> -> memref<128x128xf32, #tpu.memory_space<vmem_shared>>
      tpu.wait_dma2 semaphore(%run_scoped3A : memref<!tpu.dma_semaphore, #tpu.memory_space<semaphore_mem>>) src(%dma_wait3A_45 : memref<128x128xf32, #tpu.memory_space<vmem_shared>>) dst(%arg11 : memref<128x128xf32, #tpu.memory_space<vmem>>)
      tpu.yield
    }) : () -> ()
    "tpu.region"() ({
      %run_scoped3A = tpu.sem_alloc : memref<!tpu.dma_semaphore, #tpu.memory_space<semaphore_mem>>
      %dma_start3A = arith.constant 0 : i32
      %dma_start3A_40 = tpu.memref_slice %arg6[%arg0, %add3A_37, %dma_start3A] : memref<2x10240x128xf32, #tpu.memory_space<hbm>> -> memref<1x128x128xf32, #tpu.memory_space<hbm>>
      %dma_start3A_41 = tpu.memref_squeeze %dma_start3A_40 : memref<1x128x128xf32, #tpu.memory_space<hbm>> -> memref<128x128xf32, #tpu.memory_space<hbm>>
      %dma_start3A_42 = arith.constant 0 : i32
      %dma_start3A_43 = tpu.memref_slice %arg6[%arg0, %add3A_37, %dma_start3A_42] : memref<2x10240x128xf32, #tpu.memory_space<hbm>> -> memref<1x128x128xf32, #tpu.memory_space<hbm>>
      %dma_start3A_44 = tpu.memref_squeeze %dma_start3A_43 : memref<1x128x128xf32, #tpu.memory_space<hbm>> -> memref<128x128xf32, #tpu.memory_space<hbm>>
      tpu.enqueue_dma source(%arg11 : memref<128x128xf32, #tpu.memory_space<vmem>>) target(%dma_start3A_44 : memref<128x128xf32, #tpu.memory_space<hbm>>) target_semaphore(%run_scoped3A : memref<!tpu.dma_semaphore, #tpu.memory_space<semaphore_mem>>)
      %dma_wait3A = arith.constant 0 : i32
      %dma_wait3A_45 = tpu.memref_slice %arg6[%arg0, %add3A_37, %dma_wait3A] : memref<2x10240x128xf32, #tpu.memory_space<hbm>> -> memref<1x128x128xf32, #tpu.memory_space<hbm>>
      %dma_wait3A_46 = tpu.memref_squeeze %dma_wait3A_45 : memref<1x128x128xf32, #tpu.memory_space<hbm>> -> memref<128x128xf32, #tpu.memory_space<hbm>>
      %dma_wait3A_47 = arith.constant 0 : i32
      %dma_wait3A_48 = tpu.memref_slice %arg6[%arg0, %add3A_37, %dma_wait3A_47] : memref<2x10240x128xf32, #tpu.memory_space<hbm>> -> memref<1x128x128xf32, #tpu.memory_space<hbm>>
      %dma_wait3A_49 = tpu.memref_squeeze %dma_wait3A_48 : memref<1x128x128xf32, #tpu.memory_space<hbm>> -> memref<128x128xf32, #tpu.memory_space<hbm>>
      tpu.wait_dma2 semaphore(%run_scoped3A : memref<!tpu.dma_semaphore, #tpu.memory_space<semaphore_mem>>) src(%arg11 : memref<128x128xf32, #tpu.memory_space<vmem>>) dst(%dma_wait3A_49 : memref<128x128xf32, #tpu.memory_space<hbm>>)
      tpu.yield
    }) : () -> ()
    %add3A_38 = arith.constant 512 : i32
    %add3A_39 = arith.addi %mul3A_0, %add3A_38 : i32
    "tpu.region"() ({
      %run_scoped3A = tpu.sem_alloc : memref<!tpu.dma_semaphore, #tpu.memory_space<semaphore_mem>>
      %dma_start3A = arith.constant 0 : i32
      %dma_start3A_40 = tpu.memref_slice %arg12[%add3A_39, %dma_start3A] : memref<10240x128xf32, #tpu.memory_space<vmem_shared>> -> memref<128x128xf32, #tpu.memory_space<vmem_shared>>
      %dma_start3A_41 = arith.constant 0 : i32
      %dma_start3A_42 = tpu.memref_slice %arg12[%add3A_39, %dma_start3A_41] : memref<10240x128xf32, #tpu.memory_space<vmem_shared>> -> memref<128x128xf32, #tpu.memory_space<vmem_shared>>
      tpu.enqueue_dma source(%dma_start3A_42 : memref<128x128xf32, #tpu.memory_space<vmem_shared>>) target(%arg11 : memref<128x128xf32, #tpu.memory_space<vmem>>) target_semaphore(%run_scoped3A : memref<!tpu.dma_semaphore, #tpu.memory_space<semaphore_mem>>)
      %dma_wait3A = arith.constant 0 : i32
      %dma_wait3A_43 = tpu.memref_slice %arg12[%add3A_39, %dma_wait3A] : memref<10240x128xf32, #tpu.memory_space<vmem_shared>> -> memref<128x128xf32, #tpu.memory_space<vmem_shared>>
      %dma_wait3A_44 = arith.constant 0 : i32
      %dma_wait3A_45 = tpu.memref_slice %arg12[%add3A_39, %dma_wait3A_44] : memref<10240x128xf32, #tpu.memory_space<vmem_shared>> -> memref<128x128xf32, #tpu.memory_space<vmem_shared>>
      tpu.wait_dma2 semaphore(%run_scoped3A : memref<!tpu.dma_semaphore, #tpu.memory_space<semaphore_mem>>) src(%dma_wait3A_45 : memref<128x128xf32, #tpu.memory_space<vmem_shared>>) dst(%arg11 : memref<128x128xf32, #tpu.memory_space<vmem>>)
      tpu.yield
    }) : () -> ()
    "tpu.region"() ({
      %run_scoped3A = tpu.sem_alloc : memref<!tpu.dma_semaphore, #tpu.memory_space<semaphore_mem>>
      %dma_start3A = arith.constant 0 : i32
      %dma_start3A_40 = tpu.memref_slice %arg6[%arg0, %add3A_39, %dma_start3A] : memref<2x10240x128xf32, #tpu.memory_space<hbm>> -> memref<1x128x128xf32, #tpu.memory_space<hbm>>
      %dma_start3A_41 = tpu.memref_squeeze %dma_start3A_40 : memref<1x128x128xf32, #tpu.memory_space<hbm>> -> memref<128x128xf32, #tpu.memory_space<hbm>>
      %dma_start3A_42 = arith.constant 0 : i32
      %dma_start3A_43 = tpu.memref_slice %arg6[%arg0, %add3A_39, %dma_start3A_42] : memref<2x10240x128xf32, #tpu.memory_space<hbm>> -> memref<1x128x128xf32, #tpu.memory_space<hbm>>
      %dma_start3A_44 = tpu.memref_squeeze %dma_start3A_43 : memref<1x128x128xf32, #tpu.memory_space<hbm>> -> memref<128x128xf32, #tpu.memory_space<hbm>>
      tpu.enqueue_dma source(%arg11 : memref<128x128xf32, #tpu.memory_space<vmem>>) target(%dma_start3A_44 : memref<128x128xf32, #tpu.memory_space<hbm>>) target_semaphore(%run_scoped3A : memref<!tpu.dma_semaphore, #tpu.memory_space<semaphore_mem>>)
      %dma_wait3A = arith.constant 0 : i32
      %dma_wait3A_45 = tpu.memref_slice %arg6[%arg0, %add3A_39, %dma_wait3A] : memref<2x10240x128xf32, #tpu.memory_space<hbm>> -> memref<1x128x128xf32, #tpu.memory_space<hbm>>
      %dma_wait3A_46 = tpu.memref_squeeze %dma_wait3A_45 : memref<1x128x128xf32, #tpu.memory_space<hbm>> -> memref<128x128xf32, #tpu.memory_space<hbm>>
      %dma_wait3A_47 = arith.constant 0 : i32
      %dma_wait3A_48 = tpu.memref_slice %arg6[%arg0, %add3A_39, %dma_wait3A_47] : memref<2x10240x128xf32, #tpu.memory_space<hbm>> -> memref<1x128x128xf32, #tpu.memory_space<hbm>>
      %dma_wait3A_49 = tpu.memref_squeeze %dma_wait3A_48 : memref<1x128x128xf32, #tpu.memory_space<hbm>> -> memref<128x128xf32, #tpu.memory_space<hbm>>
      tpu.wait_dma2 semaphore(%run_scoped3A : memref<!tpu.dma_semaphore, #tpu.memory_space<semaphore_mem>>) src(%arg11 : memref<128x128xf32, #tpu.memory_space<vmem>>) dst(%dma_wait3A_49 : memref<128x128xf32, #tpu.memory_space<hbm>>)
      tpu.yield
    }) : () -> ()
    return
  }
}

#map = affine_map<(d0, d1) -> (0)>
#map1 = affine_map<(d0, d1) -> (0, 0)>
#map2 = affine_map<(d0, d1) -> (0, 0, 0)>
module attributes {stable_mosaic.version = 14 : i64} {
  func.func @_sc_body(%arg0: i32, %arg1: i32, %arg2: memref<192000xi32, #tpu.memory_space<hbm>>, %arg3: memref<192000xi32, #tpu.memory_space<hbm>>, %arg4: memref<192000x128xf32, #tpu.memory_space<hbm>>, %arg5: memref<10000x128xf32, #tpu.memory_space<hbm>>, %arg6: memref<2x10240x128xf32, #tpu.memory_space<hbm>>, %arg7: memref<80xi32, #tpu.memory_space<vmem>>, %arg8: memref<80xi32, #tpu.memory_space<vmem>>, %arg9: memref<80x128xf32, #tpu.memory_space<vmem>>, %arg10: memref<80x128xf32, #tpu.memory_space<vmem>>, %arg11: memref<128x128xf32, #tpu.memory_space<vmem>>, %arg12: memref<10240x128xf32, #tpu.memory_space<vmem_shared>>, %arg13: memref<!tpu.dma_semaphore, #tpu.memory_space<semaphore_mem>>) attributes {dimension_semantics = [#tpu.dimension_semantics<core_parallel>, #tpu.dimension_semantics<subcore_parallel>], iteration_bounds = array<i64: 2, 16>, scalar_prefetch = 0 : i64, scratch_operands = 7 : i64, tpu.core_type = #tpu.core_type<sc_vector_subcore>, window_params = [{transform_indices = #map}, {transform_indices = #map}, {transform_indices = #map1}, {transform_indices = #map1}, {transform_indices = #map2}]} {
    %mul3A = arith.constant 640 : i32
    %mul3A_0 = arith.muli %arg1, %mul3A : i32
    %broadcast_in_dim3A = arith.constant 0.000000e+00 : f32
    %broadcast_in_dim3A_1 = vector.broadcast %broadcast_in_dim3A : f32 to vector<16xf32>
    %scan3A = arith.constant 0 : i32
    %scan3A_2 = arith.constant 0 : i32
    %scan3A_3 = arith.constant 128 : i32
    %scan3A_4 = arith.addi %scan3A_2, %scan3A_3 : i32
    %scan3A_5 = arith.constant 1 : i32
    %scan3A_6 = scf.for %scan3A_40 = %scan3A_2 to %scan3A_4 step %scan3A_5 iter_args(%scan3A_41 = %scan3A) -> (i32)  : i32 {
      %swap3A = arith.index_cast %scan3A_40 : i32 to index
      %swap3A_42 = arith.constant 0 : index
      %swap3A_43 = tpu.vector_load %arg11[%swap3A, %swap3A_42] {strides = array<i32>} : memref<128x128xf32, #tpu.memory_space<vmem>>, vector<1x16xf32>,
      %swap3A_44 = vector.shape_cast %swap3A_43 : vector<1x16xf32> to vector<16xf32>
      %swap3A_45 = vector.shape_cast %broadcast_in_dim3A_1 : vector<16xf32> to vector<1x16xf32>
      tpu.vector_store %arg11[%swap3A, %swap3A_42], %swap3A_45 {strides = array<i32>} : memref<128x128xf32, #tpu.memory_space<vmem>>, vector<1x16xf32>,
      %swap3A_46 = arith.index_cast %scan3A_40 : i32 to index
      %swap3A_47 = arith.constant 16 : index
      %swap3A_48 = tpu.vector_load %arg11[%swap3A_46, %swap3A_47] {strides = array<i32>} : memref<128x128xf32, #tpu.memory_space<vmem>>, vector<1x16xf32>,
      %swap3A_49 = vector.shape_cast %swap3A_48 : vector<1x16xf32> to vector<16xf32>
      %swap3A_50 = vector.shape_cast %broadcast_in_dim3A_1 : vector<16xf32> to vector<1x16xf32>
      tpu.vector_store %arg11[%swap3A_46, %swap3A_47], %swap3A_50 {strides = array<i32>} : memref<128x128xf32, #tpu.memory_space<vmem>>, vector<1x16xf32>,
      %swap3A_51 = arith.index_cast %scan3A_40 : i32 to index
      %swap3A_52 = arith.constant 32 : index
      %swap3A_53 = tpu.vector_load %arg11[%swap3A_51, %swap3A_52] {strides = array<i32>} : memref<128x128xf32, #tpu.memory_space<vmem>>, vector<1x16xf32>,
      %swap3A_54 = vector.shape_cast %swap3A_53 : vector<1x16xf32> to vector<16xf32>
      %swap3A_55 = vector.shape_cast %broadcast_in_dim3A_1 : vector<16xf32> to vector<1x16xf32>
      tpu.vector_store %arg11[%swap3A_51, %swap3A_52], %swap3A_55 {strides = array<i32>} : memref<128x128xf32, #tpu.memory_space<vmem>>, vector<1x16xf32>,
      %swap3A_56 = arith.index_cast %scan3A_40 : i32 to index
      %swap3A_57 = arith.constant 48 : index
      %swap3A_58 = tpu.vector_load %arg11[%swap3A_56, %swap3A_57] {strides = array<i32>} : memref<128x128xf32, #tpu.memory_space<vmem>>, vector<1x16xf32>,
      %swap3A_59 = vector.shape_cast %swap3A_58 : vector<1x16xf32> to vector<16xf32>
      %swap3A_60 = vector.shape_cast %broadcast_in_dim3A_1 : vector<16xf32> to vector<1x16xf32>
      tpu.vector_store %arg11[%swap3A_56, %swap3A_57], %swap3A_60 {strides = array<i32>} : memref<128x128xf32, #tpu.memory_space<vmem>>, vector<1x16xf32>,
      %swap3A_61 = arith.index_cast %scan3A_40 : i32 to index
      %swap3A_62 = arith.constant 64 : index
      %swap3A_63 = tpu.vector_load %arg11[%swap3A_61, %swap3A_62] {strides = array<i32>} : memref<128x128xf32, #tpu.memory_space<vmem>>, vector<1x16xf32>,
      %swap3A_64 = vector.shape_cast %swap3A_63 : vector<1x16xf32> to vector<16xf32>
      %swap3A_65 = vector.shape_cast %broadcast_in_dim3A_1 : vector<16xf32> to vector<1x16xf32>
      tpu.vector_store %arg11[%swap3A_61, %swap3A_62], %swap3A_65 {strides = array<i32>} : memref<128x128xf32, #tpu.memory_space<vmem>>, vector<1x16xf32>,
      %swap3A_66 = arith.index_cast %scan3A_40 : i32 to index
      %swap3A_67 = arith.constant 80 : index
      %swap3A_68 = tpu.vector_load %arg11[%swap3A_66, %swap3A_67] {strides = array<i32>} : memref<128x128xf32, #tpu.memory_space<vmem>>, vector<1x16xf32>,
      %swap3A_69 = vector.shape_cast %swap3A_68 : vector<1x16xf32> to vector<16xf32>
      %swap3A_70 = vector.shape_cast %broadcast_in_dim3A_1 : vector<16xf32> to vector<1x16xf32>
      tpu.vector_store %arg11[%swap3A_66, %swap3A_67], %swap3A_70 {strides = array<i32>} : memref<128x128xf32, #tpu.memory_space<vmem>>, vector<1x16xf32>,
      %swap3A_71 = arith.index_cast %scan3A_40 : i32 to index
      %swap3A_72 = arith.constant 96 : index
      %swap3A_73 = tpu.vector_load %arg11[%swap3A_71, %swap3A_72] {strides = array<i32>} : memref<128x128xf32, #tpu.memory_space<vmem>>, vector<1x16xf32>,
      %swap3A_74 = vector.shape_cast %swap3A_73 : vector<1x16xf32> to vector<16xf32>
      %swap3A_75 = vector.shape_cast %broadcast_in_dim3A_1 : vector<16xf32> to vector<1x16xf32>
      tpu.vector_store %arg11[%swap3A_71, %swap3A_72], %swap3A_75 {strides = array<i32>} : memref<128x128xf32, #tpu.memory_space<vmem>>, vector<1x16xf32>,
      %swap3A_76 = arith.index_cast %scan3A_40 : i32 to index
      %swap3A_77 = arith.constant 112 : index
      %swap3A_78 = tpu.vector_load %arg11[%swap3A_76, %swap3A_77] {strides = array<i32>} : memref<128x128xf32, #tpu.memory_space<vmem>>, vector<1x16xf32>,
      %swap3A_79 = vector.shape_cast %swap3A_78 : vector<1x16xf32> to vector<16xf32>
      %swap3A_80 = vector.shape_cast %broadcast_in_dim3A_1 : vector<16xf32> to vector<1x16xf32>
      tpu.vector_store %arg11[%swap3A_76, %swap3A_77], %swap3A_80 {strides = array<i32>} : memref<128x128xf32, #tpu.memory_space<vmem>>, vector<1x16xf32>,
      %scan3A_81 = arith.constant 0 : i32
      scf.yield %scan3A_81 : i32
    }
    %scan3A_7 = arith.constant 128 : i32
    %add3A = arith.constant 0 : i32
    %add3A_8 = arith.addi %mul3A_0, %add3A : i32
    "tpu.region"() ({
      %run_scoped3A = tpu.sem_alloc : memref<!tpu.dma_semaphore, #tpu.memory_space<semaphore_mem>>
      %dma_start3A = arith.constant 0 : i32
      %dma_start3A_40 = tpu.memref_slice %arg12[%add3A_8, %dma_start3A] : memref<10240x128xf32, #tpu.memory_space<vmem_shared>> -> memref<128x128xf32, #tpu.memory_space<vmem_shared>>
      %dma_start3A_41 = arith.constant 0 : i32
      %dma_start3A_42 = tpu.memref_slice %arg12[%add3A_8, %dma_start3A_41] : memref<10240x128xf32, #tpu.memory_space<vmem_shared>> -> memref<128x128xf32, #tpu.memory_space<vmem_shared>>
      tpu.enqueue_dma source(%arg11 : memref<128x128xf32, #tpu.memory_space<vmem>>) target(%dma_start3A_42 : memref<128x128xf32, #tpu.memory_space<vmem_shared>>) target_semaphore(%run_scoped3A : memref<!tpu.dma_semaphore, #tpu.memory_space<semaphore_mem>>)
      %dma_wait3A = arith.constant 0 : i32
      %dma_wait3A_43 = tpu.memref_slice %arg12[%add3A_8, %dma_wait3A] : memref<10240x128xf32, #tpu.memory_space<vmem_shared>> -> memref<128x128xf32, #tpu.memory_space<vmem_shared>>
      %dma_wait3A_44 = arith.constant 0 : i32
      %dma_wait3A_45 = tpu.memref_slice %arg12[%add3A_8, %dma_wait3A_44] : memref<10240x128xf32, #tpu.memory_space<vmem_shared>> -> memref<128x128xf32, #tpu.memory_space<vmem_shared>>
      tpu.wait_dma2 semaphore(%run_scoped3A : memref<!tpu.dma_semaphore, #tpu.memory_space<semaphore_mem>>) src(%arg11 : memref<128x128xf32, #tpu.memory_space<vmem>>) dst(%dma_wait3A_45 : memref<128x128xf32, #tpu.memory_space<vmem_shared>>)
      tpu.yield
    }) : () -> ()
    %add3A_9 = arith.constant 128 : i32
    %add3A_10 = arith.addi %mul3A_0, %add3A_9 : i32
    "tpu.region"() ({
      %run_scoped3A = tpu.sem_alloc : memref<!tpu.dma_semaphore, #tpu.memory_space<semaphore_mem>>
      %dma_start3A = arith.constant 0 : i32
      %dma_start3A_40 = tpu.memref_slice %arg12[%add3A_10, %dma_start3A] : memref<10240x128xf32, #tpu.memory_space<vmem_shared>> -> memref<128x128xf32, #tpu.memory_space<vmem_shared>>
      %dma_start3A_41 = arith.constant 0 : i32
      %dma_start3A_42 = tpu.memref_slice %arg12[%add3A_10, %dma_start3A_41] : memref<10240x128xf32, #tpu.memory_space<vmem_shared>> -> memref<128x128xf32, #tpu.memory_space<vmem_shared>>
      tpu.enqueue_dma source(%arg11 : memref<128x128xf32, #tpu.memory_space<vmem>>) target(%dma_start3A_42 : memref<128x128xf32, #tpu.memory_space<vmem_shared>>) target_semaphore(%run_scoped3A : memref<!tpu.dma_semaphore, #tpu.memory_space<semaphore_mem>>)
      %dma_wait3A = arith.constant 0 : i32
      %dma_wait3A_43 = tpu.memref_slice %arg12[%add3A_10, %dma_wait3A] : memref<10240x128xf32, #tpu.memory_space<vmem_shared>> -> memref<128x128xf32, #tpu.memory_space<vmem_shared>>
      %dma_wait3A_44 = arith.constant 0 : i32
      %dma_wait3A_45 = tpu.memref_slice %arg12[%add3A_10, %dma_wait3A_44] : memref<10240x128xf32, #tpu.memory_space<vmem_shared>> -> memref<128x128xf32, #tpu.memory_space<vmem_shared>>
      tpu.wait_dma2 semaphore(%run_scoped3A : memref<!tpu.dma_semaphore, #tpu.memory_space<semaphore_mem>>) src(%arg11 : memref<128x128xf32, #tpu.memory_space<vmem>>) dst(%dma_wait3A_45 : memref<128x128xf32, #tpu.memory_space<vmem_shared>>)
      tpu.yield
    }) : () -> ()
    %add3A_11 = arith.constant 256 : i32
    %add3A_12 = arith.addi %mul3A_0, %add3A_11 : i32
    "tpu.region"() ({
      %run_scoped3A = tpu.sem_alloc : memref<!tpu.dma_semaphore, #tpu.memory_space<semaphore_mem>>
      %dma_start3A = arith.constant 0 : i32
      %dma_start3A_40 = tpu.memref_slice %arg12[%add3A_12, %dma_start3A] : memref<10240x128xf32, #tpu.memory_space<vmem_shared>> -> memref<128x128xf32, #tpu.memory_space<vmem_shared>>
      %dma_start3A_41 = arith.constant 0 : i32
      %dma_start3A_42 = tpu.memref_slice %arg12[%add3A_12, %dma_start3A_41] : memref<10240x128xf32, #tpu.memory_space<vmem_shared>> -> memref<128x128xf32, #tpu.memory_space<vmem_shared>>
      tpu.enqueue_dma source(%arg11 : memref<128x128xf32, #tpu.memory_space<vmem>>) target(%dma_start3A_42 : memref<128x128xf32, #tpu.memory_space<vmem_shared>>) target_semaphore(%run_scoped3A : memref<!tpu.dma_semaphore, #tpu.memory_space<semaphore_mem>>)
      %dma_wait3A = arith.constant 0 : i32
      %dma_wait3A_43 = tpu.memref_slice %arg12[%add3A_12, %dma_wait3A] : memref<10240x128xf32, #tpu.memory_space<vmem_shared>> -> memref<128x128xf32, #tpu.memory_space<vmem_shared>>
      %dma_wait3A_44 = arith.constant 0 : i32
      %dma_wait3A_45 = tpu.memref_slice %arg12[%add3A_12, %dma_wait3A_44] : memref<10240x128xf32, #tpu.memory_space<vmem_shared>> -> memref<128x128xf32, #tpu.memory_space<vmem_shared>>
      tpu.wait_dma2 semaphore(%run_scoped3A : memref<!tpu.dma_semaphore, #tpu.memory_space<semaphore_mem>>) src(%arg11 : memref<128x128xf32, #tpu.memory_space<vmem>>) dst(%dma_wait3A_45 : memref<128x128xf32, #tpu.memory_space<vmem_shared>>)
      tpu.yield
    }) : () -> ()
    %add3A_13 = arith.constant 384 : i32
    %add3A_14 = arith.addi %mul3A_0, %add3A_13 : i32
    "tpu.region"() ({
      %run_scoped3A = tpu.sem_alloc : memref<!tpu.dma_semaphore, #tpu.memory_space<semaphore_mem>>
      %dma_start3A = arith.constant 0 : i32
      %dma_start3A_40 = tpu.memref_slice %arg12[%add3A_14, %dma_start3A] : memref<10240x128xf32, #tpu.memory_space<vmem_shared>> -> memref<128x128xf32, #tpu.memory_space<vmem_shared>>
      %dma_start3A_41 = arith.constant 0 : i32
      %dma_start3A_42 = tpu.memref_slice %arg12[%add3A_14, %dma_start3A_41] : memref<10240x128xf32, #tpu.memory_space<vmem_shared>> -> memref<128x128xf32, #tpu.memory_space<vmem_shared>>
      tpu.enqueue_dma source(%arg11 : memref<128x128xf32, #tpu.memory_space<vmem>>) target(%dma_start3A_42 : memref<128x128xf32, #tpu.memory_space<vmem_shared>>) target_semaphore(%run_scoped3A : memref<!tpu.dma_semaphore, #tpu.memory_space<semaphore_mem>>)
      %dma_wait3A = arith.constant 0 : i32
      %dma_wait3A_43 = tpu.memref_slice %arg12[%add3A_14, %dma_wait3A] : memref<10240x128xf32, #tpu.memory_space<vmem_shared>> -> memref<128x128xf32, #tpu.memory_space<vmem_shared>>
      %dma_wait3A_44 = arith.constant 0 : i32
      %dma_wait3A_45 = tpu.memref_slice %arg12[%add3A_14, %dma_wait3A_44] : memref<10240x128xf32, #tpu.memory_space<vmem_shared>> -> memref<128x128xf32, #tpu.memory_space<vmem_shared>>
      tpu.wait_dma2 semaphore(%run_scoped3A : memref<!tpu.dma_semaphore, #tpu.memory_space<semaphore_mem>>) src(%arg11 : memref<128x128xf32, #tpu.memory_space<vmem>>) dst(%dma_wait3A_45 : memref<128x128xf32, #tpu.memory_space<vmem_shared>>)
      tpu.yield
    }) : () -> ()
    %add3A_15 = arith.constant 512 : i32
    %add3A_16 = arith.addi %mul3A_0, %add3A_15 : i32
    "tpu.region"() ({
      %run_scoped3A = tpu.sem_alloc : memref<!tpu.dma_semaphore, #tpu.memory_space<semaphore_mem>>
      %dma_start3A = arith.constant 0 : i32
      %dma_start3A_40 = tpu.memref_slice %arg12[%add3A_16, %dma_start3A] : memref<10240x128xf32, #tpu.memory_space<vmem_shared>> -> memref<128x128xf32, #tpu.memory_space<vmem_shared>>
      %dma_start3A_41 = arith.constant 0 : i32
      %dma_start3A_42 = tpu.memref_slice %arg12[%add3A_16, %dma_start3A_41] : memref<10240x128xf32, #tpu.memory_space<vmem_shared>> -> memref<128x128xf32, #tpu.memory_space<vmem_shared>>
      tpu.enqueue_dma source(%arg11 : memref<128x128xf32, #tpu.memory_space<vmem>>) target(%dma_start3A_42 : memref<128x128xf32, #tpu.memory_space<vmem_shared>>) target_semaphore(%run_scoped3A : memref<!tpu.dma_semaphore, #tpu.memory_space<semaphore_mem>>)
      %dma_wait3A = arith.constant 0 : i32
      %dma_wait3A_43 = tpu.memref_slice %arg12[%add3A_16, %dma_wait3A] : memref<10240x128xf32, #tpu.memory_space<vmem_shared>> -> memref<128x128xf32, #tpu.memory_space<vmem_shared>>
      %dma_wait3A_44 = arith.constant 0 : i32
      %dma_wait3A_45 = tpu.memref_slice %arg12[%add3A_16, %dma_wait3A_44] : memref<10240x128xf32, #tpu.memory_space<vmem_shared>> -> memref<128x128xf32, #tpu.memory_space<vmem_shared>>
      tpu.wait_dma2 semaphore(%run_scoped3A : memref<!tpu.dma_semaphore, #tpu.memory_space<semaphore_mem>>) src(%arg11 : memref<128x128xf32, #tpu.memory_space<vmem>>) dst(%dma_wait3A_45 : memref<128x128xf32, #tpu.memory_space<vmem_shared>>)
      tpu.yield
    }) : () -> ()
    %barrier3A = arith.constant 0 : index
    tpu.barrier barrier_id(%barrier3A)
    %mul3A_17 = arith.constant 2 : i32
    %mul3A_18 = arith.muli %arg1, %mul3A_17 : i32
    %add3A_19 = arith.addi %mul3A_18, %arg0 : i32
    %mul3A_20 = arith.constant 6000 : i32
    %mul3A_21 = arith.muli %add3A_19, %mul3A_20 : i32
    %scan3A_22 = arith.constant 0 : i32
    %scan3A_23 = arith.constant 0 : i32
    %scan3A_24 = arith.constant 75 : i32
    %scan3A_25 = arith.addi %scan3A_23, %scan3A_24 : i32
    %scan3A_26 = arith.constant 1 : i32
    %scan3A_27 = scf.for %scan3A_40 = %scan3A_23 to %scan3A_25 step %scan3A_26 iter_args(%scan3A_41 = %scan3A_22) -> (i32)  : i32 {
      %mul3A_42 = arith.constant 80 : i32
      %mul3A_43 = arith.muli %scan3A_40, %mul3A_42 : i32
      %add3A_44 = arith.addi %mul3A_21, %mul3A_43 : i32
      "tpu.region"() ({
        %run_scoped3A = tpu.sem_alloc : memref<!tpu.dma_semaphore, #tpu.memory_space<semaphore_mem>>
        %dma_start3A_57 = tpu.memref_slice %arg2[%add3A_44] : memref<192000xi32, #tpu.memory_space<hbm>> -> memref<80xi32, #tpu.memory_space<hbm>>
        %dma_start3A_58 = tpu.memref_slice %arg2[%add3A_44] : memref<192000xi32, #tpu.memory_space<hbm>> -> memref<80xi32, #tpu.memory_space<hbm>>
        tpu.enqueue_dma source(%dma_start3A_58 : memref<80xi32, #tpu.memory_space<hbm>>) target(%arg7 : memref<80xi32, #tpu.memory_space<vmem>>) target_semaphore(%run_scoped3A : memref<!tpu.dma_semaphore, #tpu.memory_space<semaphore_mem>>)
        %dma_wait3A_59 = tpu.memref_slice %arg2[%add3A_44] : memref<192000xi32, #tpu.memory_space<hbm>> -> memref<80xi32, #tpu.memory_space<hbm>>
        %dma_wait3A_60 = tpu.memref_slice %arg2[%add3A_44] : memref<192000xi32, #tpu.memory_space<hbm>> -> memref<80xi32, #tpu.memory_space<hbm>>
        tpu.wait_dma2 semaphore(%run_scoped3A : memref<!tpu.dma_semaphore, #tpu.memory_space<semaphore_mem>>) src(%dma_wait3A_60 : memref<80xi32, #tpu.memory_space<hbm>>) dst(%arg7 : memref<80xi32, #tpu.memory_space<vmem>>)
        tpu.yield
      }) : () -> ()
      "tpu.region"() ({
        %run_scoped3A = tpu.sem_alloc : memref<!tpu.dma_semaphore, #tpu.memory_space<semaphore_mem>>
        %dma_start3A_57 = tpu.memref_slice %arg3[%add3A_44] : memref<192000xi32, #tpu.memory_space<hbm>> -> memref<80xi32, #tpu.memory_space<hbm>>
        %dma_start3A_58 = tpu.memref_slice %arg3[%add3A_44] : memref<192000xi32, #tpu.memory_space<hbm>> -> memref<80xi32, #tpu.memory_space<hbm>>
        tpu.enqueue_dma source(%dma_start3A_58 : memref<80xi32, #tpu.memory_space<hbm>>) target(%arg8 : memref<80xi32, #tpu.memory_space<vmem>>) target_semaphore(%run_scoped3A : memref<!tpu.dma_semaphore, #tpu.memory_space<semaphore_mem>>)
        %dma_wait3A_59 = tpu.memref_slice %arg3[%add3A_44] : memref<192000xi32, #tpu.memory_space<hbm>> -> memref<80xi32, #tpu.memory_space<hbm>>
        %dma_wait3A_60 = tpu.memref_slice %arg3[%add3A_44] : memref<192000xi32, #tpu.memory_space<hbm>> -> memref<80xi32, #tpu.memory_space<hbm>>
        tpu.wait_dma2 semaphore(%run_scoped3A : memref<!tpu.dma_semaphore, #tpu.memory_space<semaphore_mem>>) src(%dma_wait3A_60 : memref<80xi32, #tpu.memory_space<hbm>>) dst(%arg8 : memref<80xi32, #tpu.memory_space<vmem>>)
        tpu.yield
      }) : () -> ()
      "tpu.region"() ({
        %run_scoped3A = tpu.sem_alloc : memref<!tpu.dma_semaphore, #tpu.memory_space<semaphore_mem>>
        %dma_start3A_57 = arith.constant 0 : i32
        %dma_start3A_58 = tpu.memref_slice %arg4[%add3A_44, %dma_start3A_57] : memref<192000x128xf32, #tpu.memory_space<hbm>> -> memref<80x128xf32, #tpu.memory_space<hbm>>
        %dma_start3A_59 = arith.constant 0 : i32
        %dma_start3A_60 = tpu.memref_slice %arg4[%add3A_44, %dma_start3A_59] : memref<192000x128xf32, #tpu.memory_space<hbm>> -> memref<80x128xf32, #tpu.memory_space<hbm>>
        tpu.enqueue_dma source(%dma_start3A_60 : memref<80x128xf32, #tpu.memory_space<hbm>>) target(%arg9 : memref<80x128xf32, #tpu.memory_space<vmem>>) target_semaphore(%run_scoped3A : memref<!tpu.dma_semaphore, #tpu.memory_space<semaphore_mem>>)
        %dma_wait3A_61 = arith.constant 0 : i32
        %dma_wait3A_62 = tpu.memref_slice %arg4[%add3A_44, %dma_wait3A_61] : memref<192000x128xf32, #tpu.memory_space<hbm>> -> memref<80x128xf32, #tpu.memory_space<hbm>>
        %dma_wait3A_63 = arith.constant 0 : i32
        %dma_wait3A_64 = tpu.memref_slice %arg4[%add3A_44, %dma_wait3A_63] : memref<192000x128xf32, #tpu.memory_space<hbm>> -> memref<80x128xf32, #tpu.memory_space<hbm>>
        tpu.wait_dma2 semaphore(%run_scoped3A : memref<!tpu.dma_semaphore, #tpu.memory_space<semaphore_mem>>) src(%dma_wait3A_64 : memref<80x128xf32, #tpu.memory_space<hbm>>) dst(%arg9 : memref<80x128xf32, #tpu.memory_space<vmem>>)
        tpu.yield
      }) : () -> ()
      %dma_start3A = arith.constant 0 : i32
      %dma_start3A_45 = arith.constant 0 : i32
      %dma_start3A_46 = tpu.memref_slice %arg5[%dma_start3A, %dma_start3A_45] : memref<10000x128xf32, #tpu.memory_space<hbm>> -> memref<10000x128xf32, #tpu.memory_space<hbm>>
      tpu.enqueue_indirect_dma source(%dma_start3A_46 : memref<10000x128xf32, #tpu.memory_space<hbm>>) target(%arg10 : memref<80x128xf32, #tpu.memory_space<vmem>>) offsets(%arg7 : memref<80xi32, #tpu.memory_space<vmem>>) semaphore(%arg13 : memref<!tpu.dma_semaphore, #tpu.memory_space<semaphore_mem>>)
      %dma_wait3A = arith.constant 0 : i32
      %dma_wait3A_47 = arith.constant 0 : i32
      %dma_wait3A_48 = tpu.memref_slice %arg5[%dma_wait3A, %dma_wait3A_47] : memref<10000x128xf32, #tpu.memory_space<hbm>> -> memref<10000x128xf32, #tpu.memory_space<hbm>>
      tpu.wait_indirect_dma semaphore(%arg13 : memref<!tpu.dma_semaphore, #tpu.memory_space<semaphore_mem>>) src(%dma_wait3A_48 : memref<10000x128xf32, #tpu.memory_space<hbm>>) dst(%arg10 : memref<80x128xf32, #tpu.memory_space<vmem>>)
      %scan3A_49 = arith.constant 0 : i32
      %scan3A_50 = arith.constant 0 : i32
      %scan3A_51 = arith.constant 80 : i32
      %scan3A_52 = arith.addi %scan3A_50, %scan3A_51 : i32
      %scan3A_53 = arith.constant 1 : i32
      %scan3A_54 = scf.for %scan3A_57 = %scan3A_50 to %scan3A_52 step %scan3A_53 iter_args(%scan3A_58 = %scan3A_49) -> (i32)  : i32 {
        %get3A = arith.index_cast %scan3A_57 : i32 to index
        %get3A_59 = arith.constant 0 : index
        %get3A_60 = tpu.vector_load %arg10[%get3A, %get3A_59] {strides = array<i32>} : memref<80x128xf32, #tpu.memory_space<vmem>>, vector<1x16xf32>,
        %get3A_61 = vector.shape_cast %get3A_60 : vector<1x16xf32> to vector<16xf32>
        %get3A_62 = arith.index_cast %scan3A_57 : i32 to index
        %get3A_63 = arith.constant 0 : index
        %get3A_64 = tpu.vector_load %arg9[%get3A_62, %get3A_63] {strides = array<i32>} : memref<80x128xf32, #tpu.memory_space<vmem>>, vector<1x16xf32>,
        %get3A_65 = vector.shape_cast %get3A_64 : vector<1x16xf32> to vector<16xf32>
        %add3A_66 = arith.addf %get3A_61, %get3A_65 : vector<16xf32>
        %max3A = arith.constant 0.000000e+00 : f32
        %max3A_67 = vector.broadcast %max3A : f32 to vector<16xf32>
        %max3A_68 = arith.maximumf %add3A_66, %max3A_67 : vector<16xf32>
        %swap3A = arith.index_cast %scan3A_57 : i32 to index
        %swap3A_69 = arith.constant 0 : index
        %swap3A_70 = tpu.vector_load %arg10[%swap3A, %swap3A_69] {strides = array<i32>} : memref<80x128xf32, #tpu.memory_space<vmem>>, vector<1x16xf32>,
        %swap3A_71 = vector.shape_cast %swap3A_70 : vector<1x16xf32> to vector<16xf32>
        %swap3A_72 = vector.shape_cast %max3A_68 : vector<16xf32> to vector<1x16xf32>
        tpu.vector_store %arg10[%swap3A, %swap3A_69], %swap3A_72 {strides = array<i32>} : memref<80x128xf32, #tpu.memory_space<vmem>>, vector<1x16xf32>,
        %get3A_73 = arith.index_cast %scan3A_57 : i32 to index
        %get3A_74 = arith.constant 16 : index
        %get3A_75 = tpu.vector_load %arg10[%get3A_73, %get3A_74] {strides = array<i32>} : memref<80x128xf32, #tpu.memory_space<vmem>>, vector<1x16xf32>,
        %get3A_76 = vector.shape_cast %get3A_75 : vector<1x16xf32> to vector<16xf32>
        %get3A_77 = arith.index_cast %scan3A_57 : i32 to index
        %get3A_78 = arith.constant 16 : index
        %get3A_79 = tpu.vector_load %arg9[%get3A_77, %get3A_78] {strides = array<i32>} : memref<80x128xf32, #tpu.memory_space<vmem>>, vector<1x16xf32>,
        %get3A_80 = vector.shape_cast %get3A_79 : vector<1x16xf32> to vector<16xf32>
        %add3A_81 = arith.addf %get3A_76, %get3A_80 : vector<16xf32>
        %max3A_82 = arith.constant 0.000000e+00 : f32
        %max3A_83 = vector.broadcast %max3A_82 : f32 to vector<16xf32>
        %max3A_84 = arith.maximumf %add3A_81, %max3A_83 : vector<16xf32>
        %swap3A_85 = arith.index_cast %scan3A_57 : i32 to index
        %swap3A_86 = arith.constant 16 : index
        %swap3A_87 = tpu.vector_load %arg10[%swap3A_85, %swap3A_86] {strides = array<i32>} : memref<80x128xf32, #tpu.memory_space<vmem>>, vector<1x16xf32>,
        %swap3A_88 = vector.shape_cast %swap3A_87 : vector<1x16xf32> to vector<16xf32>
        %swap3A_89 = vector.shape_cast %max3A_84 : vector<16xf32> to vector<1x16xf32>
        tpu.vector_store %arg10[%swap3A_85, %swap3A_86], %swap3A_89 {strides = array<i32>} : memref<80x128xf32, #tpu.memory_space<vmem>>, vector<1x16xf32>,
        %get3A_90 = arith.index_cast %scan3A_57 : i32 to index
        %get3A_91 = arith.constant 32 : index
        %get3A_92 = tpu.vector_load %arg10[%get3A_90, %get3A_91] {strides = array<i32>} : memref<80x128xf32, #tpu.memory_space<vmem>>, vector<1x16xf32>,
        %get3A_93 = vector.shape_cast %get3A_92 : vector<1x16xf32> to vector<16xf32>
        %get3A_94 = arith.index_cast %scan3A_57 : i32 to index
        %get3A_95 = arith.constant 32 : index
        %get3A_96 = tpu.vector_load %arg9[%get3A_94, %get3A_95] {strides = array<i32>} : memref<80x128xf32, #tpu.memory_space<vmem>>, vector<1x16xf32>,
        %get3A_97 = vector.shape_cast %get3A_96 : vector<1x16xf32> to vector<16xf32>
        %add3A_98 = arith.addf %get3A_93, %get3A_97 : vector<16xf32>
        %max3A_99 = arith.constant 0.000000e+00 : f32
        %max3A_100 = vector.broadcast %max3A_99 : f32 to vector<16xf32>
        %max3A_101 = arith.maximumf %add3A_98, %max3A_100 : vector<16xf32>
        %swap3A_102 = arith.index_cast %scan3A_57 : i32 to index
        %swap3A_103 = arith.constant 32 : index
        %swap3A_104 = tpu.vector_load %arg10[%swap3A_102, %swap3A_103] {strides = array<i32>} : memref<80x128xf32, #tpu.memory_space<vmem>>, vector<1x16xf32>,
        %swap3A_105 = vector.shape_cast %swap3A_104 : vector<1x16xf32> to vector<16xf32>
        %swap3A_106 = vector.shape_cast %max3A_101 : vector<16xf32> to vector<1x16xf32>
        tpu.vector_store %arg10[%swap3A_102, %swap3A_103], %swap3A_106 {strides = array<i32>} : memref<80x128xf32, #tpu.memory_space<vmem>>, vector<1x16xf32>,
        %get3A_107 = arith.index_cast %scan3A_57 : i32 to index
        %get3A_108 = arith.constant 48 : index
        %get3A_109 = tpu.vector_load %arg10[%get3A_107, %get3A_108] {strides = array<i32>} : memref<80x128xf32, #tpu.memory_space<vmem>>, vector<1x16xf32>,
        %get3A_110 = vector.shape_cast %get3A_109 : vector<1x16xf32> to vector<16xf32>
        %get3A_111 = arith.index_cast %scan3A_57 : i32 to index
        %get3A_112 = arith.constant 48 : index
        %get3A_113 = tpu.vector_load %arg9[%get3A_111, %get3A_112] {strides = array<i32>} : memref<80x128xf32, #tpu.memory_space<vmem>>, vector<1x16xf32>,
        %get3A_114 = vector.shape_cast %get3A_113 : vector<1x16xf32> to vector<16xf32>
        %add3A_115 = arith.addf %get3A_110, %get3A_114 : vector<16xf32>
        %max3A_116 = arith.constant 0.000000e+00 : f32
        %max3A_117 = vector.broadcast %max3A_116 : f32 to vector<16xf32>
        %max3A_118 = arith.maximumf %add3A_115, %max3A_117 : vector<16xf32>
        %swap3A_119 = arith.index_cast %scan3A_57 : i32 to index
        %swap3A_120 = arith.constant 48 : index
        %swap3A_121 = tpu.vector_load %arg10[%swap3A_119, %swap3A_120] {strides = array<i32>} : memref<80x128xf32, #tpu.memory_space<vmem>>, vector<1x16xf32>,
        %swap3A_122 = vector.shape_cast %swap3A_121 : vector<1x16xf32> to vector<16xf32>
        %swap3A_123 = vector.shape_cast %max3A_118 : vector<16xf32> to vector<1x16xf32>
        tpu.vector_store %arg10[%swap3A_119, %swap3A_120], %swap3A_123 {strides = array<i32>} : memref<80x128xf32, #tpu.memory_space<vmem>>, vector<1x16xf32>,
        %get3A_124 = arith.index_cast %scan3A_57 : i32 to index
        %get3A_125 = arith.constant 64 : index
        %get3A_126 = tpu.vector_load %arg10[%get3A_124, %get3A_125] {strides = array<i32>} : memref<80x128xf32, #tpu.memory_space<vmem>>, vector<1x16xf32>,
        %get3A_127 = vector.shape_cast %get3A_126 : vector<1x16xf32> to vector<16xf32>
        %get3A_128 = arith.index_cast %scan3A_57 : i32 to index
        %get3A_129 = arith.constant 64 : index
        %get3A_130 = tpu.vector_load %arg9[%get3A_128, %get3A_129] {strides = array<i32>} : memref<80x128xf32, #tpu.memory_space<vmem>>, vector<1x16xf32>,
        %get3A_131 = vector.shape_cast %get3A_130 : vector<1x16xf32> to vector<16xf32>
        %add3A_132 = arith.addf %get3A_127, %get3A_131 : vector<16xf32>
        %max3A_133 = arith.constant 0.000000e+00 : f32
        %max3A_134 = vector.broadcast %max3A_133 : f32 to vector<16xf32>
        %max3A_135 = arith.maximumf %add3A_132, %max3A_134 : vector<16xf32>
        %swap3A_136 = arith.index_cast %scan3A_57 : i32 to index
        %swap3A_137 = arith.constant 64 : index
        %swap3A_138 = tpu.vector_load %arg10[%swap3A_136, %swap3A_137] {strides = array<i32>} : memref<80x128xf32, #tpu.memory_space<vmem>>, vector<1x16xf32>,
        %swap3A_139 = vector.shape_cast %swap3A_138 : vector<1x16xf32> to vector<16xf32>
        %swap3A_140 = vector.shape_cast %max3A_135 : vector<16xf32> to vector<1x16xf32>
        tpu.vector_store %arg10[%swap3A_136, %swap3A_137], %swap3A_140 {strides = array<i32>} : memref<80x128xf32, #tpu.memory_space<vmem>>, vector<1x16xf32>,
        %get3A_141 = arith.index_cast %scan3A_57 : i32 to index
        %get3A_142 = arith.constant 80 : index
        %get3A_143 = tpu.vector_load %arg10[%get3A_141, %get3A_142] {strides = array<i32>} : memref<80x128xf32, #tpu.memory_space<vmem>>, vector<1x16xf32>,
        %get3A_144 = vector.shape_cast %get3A_143 : vector<1x16xf32> to vector<16xf32>
        %get3A_145 = arith.index_cast %scan3A_57 : i32 to index
        %get3A_146 = arith.constant 80 : index
        %get3A_147 = tpu.vector_load %arg9[%get3A_145, %get3A_146] {strides = array<i32>} : memref<80x128xf32, #tpu.memory_space<vmem>>, vector<1x16xf32>,
        %get3A_148 = vector.shape_cast %get3A_147 : vector<1x16xf32> to vector<16xf32>
        %add3A_149 = arith.addf %get3A_144, %get3A_148 : vector<16xf32>
        %max3A_150 = arith.constant 0.000000e+00 : f32
        %max3A_151 = vector.broadcast %max3A_150 : f32 to vector<16xf32>
        %max3A_152 = arith.maximumf %add3A_149, %max3A_151 : vector<16xf32>
        %swap3A_153 = arith.index_cast %scan3A_57 : i32 to index
        %swap3A_154 = arith.constant 80 : index
        %swap3A_155 = tpu.vector_load %arg10[%swap3A_153, %swap3A_154] {strides = array<i32>} : memref<80x128xf32, #tpu.memory_space<vmem>>, vector<1x16xf32>,
        %swap3A_156 = vector.shape_cast %swap3A_155 : vector<1x16xf32> to vector<16xf32>
        %swap3A_157 = vector.shape_cast %max3A_152 : vector<16xf32> to vector<1x16xf32>
        tpu.vector_store %arg10[%swap3A_153, %swap3A_154], %swap3A_157 {strides = array<i32>} : memref<80x128xf32, #tpu.memory_space<vmem>>, vector<1x16xf32>,
        %get3A_158 = arith.index_cast %scan3A_57 : i32 to index
        %get3A_159 = arith.constant 96 : index
        %get3A_160 = tpu.vector_load %arg10[%get3A_158, %get3A_159] {strides = array<i32>} : memref<80x128xf32, #tpu.memory_space<vmem>>, vector<1x16xf32>,
        %get3A_161 = vector.shape_cast %get3A_160 : vector<1x16xf32> to vector<16xf32>
        %get3A_162 = arith.index_cast %scan3A_57 : i32 to index
        %get3A_163 = arith.constant 96 : index
        %get3A_164 = tpu.vector_load %arg9[%get3A_162, %get3A_163] {strides = array<i32>} : memref<80x128xf32, #tpu.memory_space<vmem>>, vector<1x16xf32>,
        %get3A_165 = vector.shape_cast %get3A_164 : vector<1x16xf32> to vector<16xf32>
        %add3A_166 = arith.addf %get3A_161, %get3A_165 : vector<16xf32>
        %max3A_167 = arith.constant 0.000000e+00 : f32
        %max3A_168 = vector.broadcast %max3A_167 : f32 to vector<16xf32>
        %max3A_169 = arith.maximumf %add3A_166, %max3A_168 : vector<16xf32>
        %swap3A_170 = arith.index_cast %scan3A_57 : i32 to index
        %swap3A_171 = arith.constant 96 : index
        %swap3A_172 = tpu.vector_load %arg10[%swap3A_170, %swap3A_171] {strides = array<i32>} : memref<80x128xf32, #tpu.memory_space<vmem>>, vector<1x16xf32>,
        %swap3A_173 = vector.shape_cast %swap3A_172 : vector<1x16xf32> to vector<16xf32>
        %swap3A_174 = vector.shape_cast %max3A_169 : vector<16xf32> to vector<1x16xf32>
        tpu.vector_store %arg10[%swap3A_170, %swap3A_171], %swap3A_174 {strides = array<i32>} : memref<80x128xf32, #tpu.memory_space<vmem>>, vector<1x16xf32>,
        %get3A_175 = arith.index_cast %scan3A_57 : i32 to index
        %get3A_176 = arith.constant 112 : index
        %get3A_177 = tpu.vector_load %arg10[%get3A_175, %get3A_176] {strides = array<i32>} : memref<80x128xf32, #tpu.memory_space<vmem>>, vector<1x16xf32>,
        %get3A_178 = vector.shape_cast %get3A_177 : vector<1x16xf32> to vector<16xf32>
        %get3A_179 = arith.index_cast %scan3A_57 : i32 to index
        %get3A_180 = arith.constant 112 : index
        %get3A_181 = tpu.vector_load %arg9[%get3A_179, %get3A_180] {strides = array<i32>} : memref<80x128xf32, #tpu.memory_space<vmem>>, vector<1x16xf32>,
        %get3A_182 = vector.shape_cast %get3A_181 : vector<1x16xf32> to vector<16xf32>
        %add3A_183 = arith.addf %get3A_178, %get3A_182 : vector<16xf32>
        %max3A_184 = arith.constant 0.000000e+00 : f32
        %max3A_185 = vector.broadcast %max3A_184 : f32 to vector<16xf32>
        %max3A_186 = arith.maximumf %add3A_183, %max3A_185 : vector<16xf32>
        %swap3A_187 = arith.index_cast %scan3A_57 : i32 to index
        %swap3A_188 = arith.constant 112 : index
        %swap3A_189 = tpu.vector_load %arg10[%swap3A_187, %swap3A_188] {strides = array<i32>} : memref<80x128xf32, #tpu.memory_space<vmem>>, vector<1x16xf32>,
        %swap3A_190 = vector.shape_cast %swap3A_189 : vector<1x16xf32> to vector<16xf32>
        %swap3A_191 = vector.shape_cast %max3A_186 : vector<16xf32> to vector<1x16xf32>
        tpu.vector_store %arg10[%swap3A_187, %swap3A_188], %swap3A_191 {strides = array<i32>} : memref<80x128xf32, #tpu.memory_space<vmem>>, vector<1x16xf32>,
        %scan3A_192 = arith.constant 0 : i32
        scf.yield %scan3A_192 : i32
      }
      %scan3A_55 = arith.constant 80 : i32
      "tpu.region"() ({
        %run_scoped3A = tpu.sem_alloc : memref<!tpu.dma_semaphore, #tpu.memory_space<semaphore_mem>>
        %dma_start3A_57 = arith.constant 0 : i32
        %dma_start3A_58 = arith.constant 0 : i32
        %dma_start3A_59 = tpu.memref_slice %arg12[%dma_start3A_57, %dma_start3A_58] : memref<10240x128xf32, #tpu.memory_space<vmem_shared>> -> memref<10240x128xf32, #tpu.memory_space<vmem_shared>>
        tpu.enqueue_indirect_dma source(%arg10 : memref<80x128xf32, #tpu.memory_space<vmem>>) target(%dma_start3A_59 : memref<10240x128xf32, #tpu.memory_space<vmem_shared>>) offsets(%arg8 : memref<80xi32, #tpu.memory_space<vmem>>) semaphore(%run_scoped3A : memref<!tpu.dma_semaphore, #tpu.memory_space<semaphore_mem>>) {add = true}
        %dma_wait3A_60 = arith.constant 0 : i32
        %dma_wait3A_61 = arith.constant 0 : i32
        %dma_wait3A_62 = tpu.memref_slice %arg12[%dma_wait3A_60, %dma_wait3A_61] : memref<10240x128xf32, #tpu.memory_space<vmem_shared>> -> memref<10240x128xf32, #tpu.memory_space<vmem_shared>>
        tpu.wait_indirect_dma semaphore(%run_scoped3A : memref<!tpu.dma_semaphore, #tpu.memory_space<semaphore_mem>>) src(%arg10 : memref<80x128xf32, #tpu.memory_space<vmem>>) dst(%dma_wait3A_62 : memref<10240x128xf32, #tpu.memory_space<vmem_shared>>)
        tpu.yield
      }) : () -> ()
      %scan3A_56 = arith.constant 0 : i32
      scf.yield %scan3A_56 : i32
    }
    %scan3A_28 = arith.constant 75 : i32
    %barrier3A_29 = arith.constant 0 : index
    tpu.barrier barrier_id(%barrier3A_29)
    %add3A_30 = arith.constant 0 : i32
    %add3A_31 = arith.addi %mul3A_0, %add3A_30 : i32
    "tpu.region"() ({
      %run_scoped3A = tpu.sem_alloc : memref<!tpu.dma_semaphore, #tpu.memory_space<semaphore_mem>>
      %dma_start3A = arith.constant 0 : i32
      %dma_start3A_40 = tpu.memref_slice %arg12[%add3A_31, %dma_start3A] : memref<10240x128xf32, #tpu.memory_space<vmem_shared>> -> memref<128x128xf32, #tpu.memory_space<vmem_shared>>
      %dma_start3A_41 = arith.constant 0 : i32
      %dma_start3A_42 = tpu.memref_slice %arg12[%add3A_31, %dma_start3A_41] : memref<10240x128xf32, #tpu.memory_space<vmem_shared>> -> memref<128x128xf32, #tpu.memory_space<vmem_shared>>
      tpu.enqueue_dma source(%dma_start3A_42 : memref<128x128xf32, #tpu.memory_space<vmem_shared>>) target(%arg11 : memref<128x128xf32, #tpu.memory_space<vmem>>) target_semaphore(%run_scoped3A : memref<!tpu.dma_semaphore, #tpu.memory_space<semaphore_mem>>)
      %dma_wait3A = arith.constant 0 : i32
      %dma_wait3A_43 = tpu.memref_slice %arg12[%add3A_31, %dma_wait3A] : memref<10240x128xf32, #tpu.memory_space<vmem_shared>> -> memref<128x128xf32, #tpu.memory_space<vmem_shared>>
      %dma_wait3A_44 = arith.constant 0 : i32
      %dma_wait3A_45 = tpu.memref_slice %arg12[%add3A_31, %dma_wait3A_44] : memref<10240x128xf32, #tpu.memory_space<vmem_shared>> -> memref<128x128xf32, #tpu.memory_space<vmem_shared>>
      tpu.wait_dma2 semaphore(%run_scoped3A : memref<!tpu.dma_semaphore, #tpu.memory_space<semaphore_mem>>) src(%dma_wait3A_45 : memref<128x128xf32, #tpu.memory_space<vmem_shared>>) dst(%arg11 : memref<128x128xf32, #tpu.memory_space<vmem>>)
      tpu.yield
    }) : () -> ()
    "tpu.region"() ({
      %run_scoped3A = tpu.sem_alloc : memref<!tpu.dma_semaphore, #tpu.memory_space<semaphore_mem>>
      %dma_start3A = arith.constant 0 : i32
      %dma_start3A_40 = tpu.memref_slice %arg6[%arg0, %add3A_31, %dma_start3A] : memref<2x10240x128xf32, #tpu.memory_space<hbm>> -> memref<1x128x128xf32, #tpu.memory_space<hbm>>
      %dma_start3A_41 = tpu.memref_squeeze %dma_start3A_40 : memref<1x128x128xf32, #tpu.memory_space<hbm>> -> memref<128x128xf32, #tpu.memory_space<hbm>>
      %dma_start3A_42 = arith.constant 0 : i32
      %dma_start3A_43 = tpu.memref_slice %arg6[%arg0, %add3A_31, %dma_start3A_42] : memref<2x10240x128xf32, #tpu.memory_space<hbm>> -> memref<1x128x128xf32, #tpu.memory_space<hbm>>
      %dma_start3A_44 = tpu.memref_squeeze %dma_start3A_43 : memref<1x128x128xf32, #tpu.memory_space<hbm>> -> memref<128x128xf32, #tpu.memory_space<hbm>>
      tpu.enqueue_dma source(%arg11 : memref<128x128xf32, #tpu.memory_space<vmem>>) target(%dma_start3A_44 : memref<128x128xf32, #tpu.memory_space<hbm>>) target_semaphore(%run_scoped3A : memref<!tpu.dma_semaphore, #tpu.memory_space<semaphore_mem>>)
      %dma_wait3A = arith.constant 0 : i32
      %dma_wait3A_45 = tpu.memref_slice %arg6[%arg0, %add3A_31, %dma_wait3A] : memref<2x10240x128xf32, #tpu.memory_space<hbm>> -> memref<1x128x128xf32, #tpu.memory_space<hbm>>
      %dma_wait3A_46 = tpu.memref_squeeze %dma_wait3A_45 : memref<1x128x128xf32, #tpu.memory_space<hbm>> -> memref<128x128xf32, #tpu.memory_space<hbm>>
      %dma_wait3A_47 = arith.constant 0 : i32
      %dma_wait3A_48 = tpu.memref_slice %arg6[%arg0, %add3A_31, %dma_wait3A_47] : memref<2x10240x128xf32, #tpu.memory_space<hbm>> -> memref<1x128x128xf32, #tpu.memory_space<hbm>>
      %dma_wait3A_49 = tpu.memref_squeeze %dma_wait3A_48 : memref<1x128x128xf32, #tpu.memory_space<hbm>> -> memref<128x128xf32, #tpu.memory_space<hbm>>
      tpu.wait_dma2 semaphore(%run_scoped3A : memref<!tpu.dma_semaphore, #tpu.memory_space<semaphore_mem>>) src(%arg11 : memref<128x128xf32, #tpu.memory_space<vmem>>) dst(%dma_wait3A_49 : memref<128x128xf32, #tpu.memory_space<hbm>>)
      tpu.yield
    }) : () -> ()
    %add3A_32 = arith.constant 128 : i32
    %add3A_33 = arith.addi %mul3A_0, %add3A_32 : i32
    "tpu.region"() ({
      %run_scoped3A = tpu.sem_alloc : memref<!tpu.dma_semaphore, #tpu.memory_space<semaphore_mem>>
      %dma_start3A = arith.constant 0 : i32
      %dma_start3A_40 = tpu.memref_slice %arg12[%add3A_33, %dma_start3A] : memref<10240x128xf32, #tpu.memory_space<vmem_shared>> -> memref<128x128xf32, #tpu.memory_space<vmem_shared>>
      %dma_start3A_41 = arith.constant 0 : i32
      %dma_start3A_42 = tpu.memref_slice %arg12[%add3A_33, %dma_start3A_41] : memref<10240x128xf32, #tpu.memory_space<vmem_shared>> -> memref<128x128xf32, #tpu.memory_space<vmem_shared>>
      tpu.enqueue_dma source(%dma_start3A_42 : memref<128x128xf32, #tpu.memory_space<vmem_shared>>) target(%arg11 : memref<128x128xf32, #tpu.memory_space<vmem>>) target_semaphore(%run_scoped3A : memref<!tpu.dma_semaphore, #tpu.memory_space<semaphore_mem>>)
      %dma_wait3A = arith.constant 0 : i32
      %dma_wait3A_43 = tpu.memref_slice %arg12[%add3A_33, %dma_wait3A] : memref<10240x128xf32, #tpu.memory_space<vmem_shared>> -> memref<128x128xf32, #tpu.memory_space<vmem_shared>>
      %dma_wait3A_44 = arith.constant 0 : i32
      %dma_wait3A_45 = tpu.memref_slice %arg12[%add3A_33, %dma_wait3A_44] : memref<10240x128xf32, #tpu.memory_space<vmem_shared>> -> memref<128x128xf32, #tpu.memory_space<vmem_shared>>
      tpu.wait_dma2 semaphore(%run_scoped3A : memref<!tpu.dma_semaphore, #tpu.memory_space<semaphore_mem>>) src(%dma_wait3A_45 : memref<128x128xf32, #tpu.memory_space<vmem_shared>>) dst(%arg11 : memref<128x128xf32, #tpu.memory_space<vmem>>)
      tpu.yield
    }) : () -> ()
    "tpu.region"() ({
      %run_scoped3A = tpu.sem_alloc : memref<!tpu.dma_semaphore, #tpu.memory_space<semaphore_mem>>
      %dma_start3A = arith.constant 0 : i32
      %dma_start3A_40 = tpu.memref_slice %arg6[%arg0, %add3A_33, %dma_start3A] : memref<2x10240x128xf32, #tpu.memory_space<hbm>> -> memref<1x128x128xf32, #tpu.memory_space<hbm>>
      %dma_start3A_41 = tpu.memref_squeeze %dma_start3A_40 : memref<1x128x128xf32, #tpu.memory_space<hbm>> -> memref<128x128xf32, #tpu.memory_space<hbm>>
      %dma_start3A_42 = arith.constant 0 : i32
      %dma_start3A_43 = tpu.memref_slice %arg6[%arg0, %add3A_33, %dma_start3A_42] : memref<2x10240x128xf32, #tpu.memory_space<hbm>> -> memref<1x128x128xf32, #tpu.memory_space<hbm>>
      %dma_start3A_44 = tpu.memref_squeeze %dma_start3A_43 : memref<1x128x128xf32, #tpu.memory_space<hbm>> -> memref<128x128xf32, #tpu.memory_space<hbm>>
      tpu.enqueue_dma source(%arg11 : memref<128x128xf32, #tpu.memory_space<vmem>>) target(%dma_start3A_44 : memref<128x128xf32, #tpu.memory_space<hbm>>) target_semaphore(%run_scoped3A : memref<!tpu.dma_semaphore, #tpu.memory_space<semaphore_mem>>)
      %dma_wait3A = arith.constant 0 : i32
      %dma_wait3A_45 = tpu.memref_slice %arg6[%arg0, %add3A_33, %dma_wait3A] : memref<2x10240x128xf32, #tpu.memory_space<hbm>> -> memref<1x128x128xf32, #tpu.memory_space<hbm>>
      %dma_wait3A_46 = tpu.memref_squeeze %dma_wait3A_45 : memref<1x128x128xf32, #tpu.memory_space<hbm>> -> memref<128x128xf32, #tpu.memory_space<hbm>>
      %dma_wait3A_47 = arith.constant 0 : i32
      %dma_wait3A_48 = tpu.memref_slice %arg6[%arg0, %add3A_33, %dma_wait3A_47] : memref<2x10240x128xf32, #tpu.memory_space<hbm>> -> memref<1x128x128xf32, #tpu.memory_space<hbm>>
      %dma_wait3A_49 = tpu.memref_squeeze %dma_wait3A_48 : memref<1x128x128xf32, #tpu.memory_space<hbm>> -> memref<128x128xf32, #tpu.memory_space<hbm>>
      tpu.wait_dma2 semaphore(%run_scoped3A : memref<!tpu.dma_semaphore, #tpu.memory_space<semaphore_mem>>) src(%arg11 : memref<128x128xf32, #tpu.memory_space<vmem>>) dst(%dma_wait3A_49 : memref<128x128xf32, #tpu.memory_space<hbm>>)
      tpu.yield
    }) : () -> ()
    %add3A_34 = arith.constant 256 : i32
    %add3A_35 = arith.addi %mul3A_0, %add3A_34 : i32
    "tpu.region"() ({
      %run_scoped3A = tpu.sem_alloc : memref<!tpu.dma_semaphore, #tpu.memory_space<semaphore_mem>>
      %dma_start3A = arith.constant 0 : i32
      %dma_start3A_40 = tpu.memref_slice %arg12[%add3A_35, %dma_start3A] : memref<10240x128xf32, #tpu.memory_space<vmem_shared>> -> memref<128x128xf32, #tpu.memory_space<vmem_shared>>
      %dma_start3A_41 = arith.constant 0 : i32
      %dma_start3A_42 = tpu.memref_slice %arg12[%add3A_35, %dma_start3A_41] : memref<10240x128xf32, #tpu.memory_space<vmem_shared>> -> memref<128x128xf32, #tpu.memory_space<vmem_shared>>
      tpu.enqueue_dma source(%dma_start3A_42 : memref<128x128xf32, #tpu.memory_space<vmem_shared>>) target(%arg11 : memref<128x128xf32, #tpu.memory_space<vmem>>) target_semaphore(%run_scoped3A : memref<!tpu.dma_semaphore, #tpu.memory_space<semaphore_mem>>)
      %dma_wait3A = arith.constant 0 : i32
      %dma_wait3A_43 = tpu.memref_slice %arg12[%add3A_35, %dma_wait3A] : memref<10240x128xf32, #tpu.memory_space<vmem_shared>> -> memref<128x128xf32, #tpu.memory_space<vmem_shared>>
      %dma_wait3A_44 = arith.constant 0 : i32
      %dma_wait3A_45 = tpu.memref_slice %arg12[%add3A_35, %dma_wait3A_44] : memref<10240x128xf32, #tpu.memory_space<vmem_shared>> -> memref<128x128xf32, #tpu.memory_space<vmem_shared>>
      tpu.wait_dma2 semaphore(%run_scoped3A : memref<!tpu.dma_semaphore, #tpu.memory_space<semaphore_mem>>) src(%dma_wait3A_45 : memref<128x128xf32, #tpu.memory_space<vmem_shared>>) dst(%arg11 : memref<128x128xf32, #tpu.memory_space<vmem>>)
      tpu.yield
    }) : () -> ()
    "tpu.region"() ({
      %run_scoped3A = tpu.sem_alloc : memref<!tpu.dma_semaphore, #tpu.memory_space<semaphore_mem>>
      %dma_start3A = arith.constant 0 : i32
      %dma_start3A_40 = tpu.memref_slice %arg6[%arg0, %add3A_35, %dma_start3A] : memref<2x10240x128xf32, #tpu.memory_space<hbm>> -> memref<1x128x128xf32, #tpu.memory_space<hbm>>
      %dma_start3A_41 = tpu.memref_squeeze %dma_start3A_40 : memref<1x128x128xf32, #tpu.memory_space<hbm>> -> memref<128x128xf32, #tpu.memory_space<hbm>>
      %dma_start3A_42 = arith.constant 0 : i32
      %dma_start3A_43 = tpu.memref_slice %arg6[%arg0, %add3A_35, %dma_start3A_42] : memref<2x10240x128xf32, #tpu.memory_space<hbm>> -> memref<1x128x128xf32, #tpu.memory_space<hbm>>
      %dma_start3A_44 = tpu.memref_squeeze %dma_start3A_43 : memref<1x128x128xf32, #tpu.memory_space<hbm>> -> memref<128x128xf32, #tpu.memory_space<hbm>>
      tpu.enqueue_dma source(%arg11 : memref<128x128xf32, #tpu.memory_space<vmem>>) target(%dma_start3A_44 : memref<128x128xf32, #tpu.memory_space<hbm>>) target_semaphore(%run_scoped3A : memref<!tpu.dma_semaphore, #tpu.memory_space<semaphore_mem>>)
      %dma_wait3A = arith.constant 0 : i32
      %dma_wait3A_45 = tpu.memref_slice %arg6[%arg0, %add3A_35, %dma_wait3A] : memref<2x10240x128xf32, #tpu.memory_space<hbm>> -> memref<1x128x128xf32, #tpu.memory_space<hbm>>
      %dma_wait3A_46 = tpu.memref_squeeze %dma_wait3A_45 : memref<1x128x128xf32, #tpu.memory_space<hbm>> -> memref<128x128xf32, #tpu.memory_space<hbm>>
      %dma_wait3A_47 = arith.constant 0 : i32
      %dma_wait3A_48 = tpu.memref_slice %arg6[%arg0, %add3A_35, %dma_wait3A_47] : memref<2x10240x128xf32, #tpu.memory_space<hbm>> -> memref<1x128x128xf32, #tpu.memory_space<hbm>>
      %dma_wait3A_49 = tpu.memref_squeeze %dma_wait3A_48 : memref<1x128x128xf32, #tpu.memory_space<hbm>> -> memref<128x128xf32, #tpu.memory_space<hbm>>
      tpu.wait_dma2 semaphore(%run_scoped3A : memref<!tpu.dma_semaphore, #tpu.memory_space<semaphore_mem>>) src(%arg11 : memref<128x128xf32, #tpu.memory_space<vmem>>) dst(%dma_wait3A_49 : memref<128x128xf32, #tpu.memory_space<hbm>>)
      tpu.yield
    }) : () -> ()
    %add3A_36 = arith.constant 384 : i32
    %add3A_37 = arith.addi %mul3A_0, %add3A_36 : i32
    "tpu.region"() ({
      %run_scoped3A = tpu.sem_alloc : memref<!tpu.dma_semaphore, #tpu.memory_space<semaphore_mem>>
      %dma_start3A = arith.constant 0 : i32
      %dma_start3A_40 = tpu.memref_slice %arg12[%add3A_37, %dma_start3A] : memref<10240x128xf32, #tpu.memory_space<vmem_shared>> -> memref<128x128xf32, #tpu.memory_space<vmem_shared>>
      %dma_start3A_41 = arith.constant 0 : i32
      %dma_start3A_42 = tpu.memref_slice %arg12[%add3A_37, %dma_start3A_41] : memref<10240x128xf32, #tpu.memory_space<vmem_shared>> -> memref<128x128xf32, #tpu.memory_space<vmem_shared>>
      tpu.enqueue_dma source(%dma_start3A_42 : memref<128x128xf32, #tpu.memory_space<vmem_shared>>) target(%arg11 : memref<128x128xf32, #tpu.memory_space<vmem>>) target_semaphore(%run_scoped3A : memref<!tpu.dma_semaphore, #tpu.memory_space<semaphore_mem>>)
      %dma_wait3A = arith.constant 0 : i32
      %dma_wait3A_43 = tpu.memref_slice %arg12[%add3A_37, %dma_wait3A] : memref<10240x128xf32, #tpu.memory_space<vmem_shared>> -> memref<128x128xf32, #tpu.memory_space<vmem_shared>>
      %dma_wait3A_44 = arith.constant 0 : i32
      %dma_wait3A_45 = tpu.memref_slice %arg12[%add3A_37, %dma_wait3A_44] : memref<10240x128xf32, #tpu.memory_space<vmem_shared>> -> memref<128x128xf32, #tpu.memory_space<vmem_shared>>
      tpu.wait_dma2 semaphore(%run_scoped3A : memref<!tpu.dma_semaphore, #tpu.memory_space<semaphore_mem>>) src(%dma_wait3A_45 : memref<128x128xf32, #tpu.memory_space<vmem_shared>>) dst(%arg11 : memref<128x128xf32, #tpu.memory_space<vmem>>)
      tpu.yield
    }) : () -> ()
    "tpu.region"() ({
      %run_scoped3A = tpu.sem_alloc : memref<!tpu.dma_semaphore, #tpu.memory_space<semaphore_mem>>
      %dma_start3A = arith.constant 0 : i32
      %dma_start3A_40 = tpu.memref_slice %arg6[%arg0, %add3A_37, %dma_start3A] : memref<2x10240x128xf32, #tpu.memory_space<hbm>> -> memref<1x128x128xf32, #tpu.memory_space<hbm>>
      %dma_start3A_41 = tpu.memref_squeeze %dma_start3A_40 : memref<1x128x128xf32, #tpu.memory_space<hbm>> -> memref<128x128xf32, #tpu.memory_space<hbm>>
      %dma_start3A_42 = arith.constant 0 : i32
      %dma_start3A_43 = tpu.memref_slice %arg6[%arg0, %add3A_37, %dma_start3A_42] : memref<2x10240x128xf32, #tpu.memory_space<hbm>> -> memref<1x128x128xf32, #tpu.memory_space<hbm>>
      %dma_start3A_44 = tpu.memref_squeeze %dma_start3A_43 : memref<1x128x128xf32, #tpu.memory_space<hbm>> -> memref<128x128xf32, #tpu.memory_space<hbm>>
      tpu.enqueue_dma source(%arg11 : memref<128x128xf32, #tpu.memory_space<vmem>>) target(%dma_start3A_44 : memref<128x128xf32, #tpu.memory_space<hbm>>) target_semaphore(%run_scoped3A : memref<!tpu.dma_semaphore, #tpu.memory_space<semaphore_mem>>)
      %dma_wait3A = arith.constant 0 : i32
      %dma_wait3A_45 = tpu.memref_slice %arg6[%arg0, %add3A_37, %dma_wait3A] : memref<2x10240x128xf32, #tpu.memory_space<hbm>> -> memref<1x128x128xf32, #tpu.memory_space<hbm>>
      %dma_wait3A_46 = tpu.memref_squeeze %dma_wait3A_45 : memref<1x128x128xf32, #tpu.memory_space<hbm>> -> memref<128x128xf32, #tpu.memory_space<hbm>>
      %dma_wait3A_47 = arith.constant 0 : i32
      %dma_wait3A_48 = tpu.memref_slice %arg6[%arg0, %add3A_37, %dma_wait3A_47] : memref<2x10240x128xf32, #tpu.memory_space<hbm>> -> memref<1x128x128xf32, #tpu.memory_space<hbm>>
      %dma_wait3A_49 = tpu.memref_squeeze %dma_wait3A_48 : memref<1x128x128xf32, #tpu.memory_space<hbm>> -> memref<128x128xf32, #tpu.memory_space<hbm>>
      tpu.wait_dma2 semaphore(%run_scoped3A : memref<!tpu.dma_semaphore, #tpu.memory_space<semaphore_mem>>) src(%arg11 : memref<128x128xf32, #tpu.memory_space<vmem>>) dst(%dma_wait3A_49 : memref<128x128xf32, #tpu.memory_space<hbm>>)
      tpu.yield
    }) : () -> ()
    %add3A_38 = arith.constant 512 : i32
    %add3A_39 = arith.addi %mul3A_0, %add3A_38 : i32
    "tpu.region"() ({
      %run_scoped3A = tpu.sem_alloc : memref<!tpu.dma_semaphore, #tpu.memory_space<semaphore_mem>>
      %dma_start3A = arith.constant 0 : i32
      %dma_start3A_40 = tpu.memref_slice %arg12[%add3A_39, %dma_start3A] : memref<10240x128xf32, #tpu.memory_space<vmem_shared>> -> memref<128x128xf32, #tpu.memory_space<vmem_shared>>
      %dma_start3A_41 = arith.constant 0 : i32
      %dma_start3A_42 = tpu.memref_slice %arg12[%add3A_39, %dma_start3A_41] : memref<10240x128xf32, #tpu.memory_space<vmem_shared>> -> memref<128x128xf32, #tpu.memory_space<vmem_shared>>
      tpu.enqueue_dma source(%dma_start3A_42 : memref<128x128xf32, #tpu.memory_space<vmem_shared>>) target(%arg11 : memref<128x128xf32, #tpu.memory_space<vmem>>) target_semaphore(%run_scoped3A : memref<!tpu.dma_semaphore, #tpu.memory_space<semaphore_mem>>)
      %dma_wait3A = arith.constant 0 : i32
      %dma_wait3A_43 = tpu.memref_slice %arg12[%add3A_39, %dma_wait3A] : memref<10240x128xf32, #tpu.memory_space<vmem_shared>> -> memref<128x128xf32, #tpu.memory_space<vmem_shared>>
      %dma_wait3A_44 = arith.constant 0 : i32
      %dma_wait3A_45 = tpu.memref_slice %arg12[%add3A_39, %dma_wait3A_44] : memref<10240x128xf32, #tpu.memory_space<vmem_shared>> -> memref<128x128xf32, #tpu.memory_space<vmem_shared>>
      tpu.wait_dma2 semaphore(%run_scoped3A : memref<!tpu.dma_semaphore, #tpu.memory_space<semaphore_mem>>) src(%dma_wait3A_45 : memref<128x128xf32, #tpu.memory_space<vmem_shared>>) dst(%arg11 : memref<128x128xf32, #tpu.memory_space<vmem>>)
      tpu.yield
    }) : () -> ()
    "tpu.region"() ({
      %run_scoped3A = tpu.sem_alloc : memref<!tpu.dma_semaphore, #tpu.memory_space<semaphore_mem>>
      %dma_start3A = arith.constant 0 : i32
      %dma_start3A_40 = tpu.memref_slice %arg6[%arg0, %add3A_39, %dma_start3A] : memref<2x10240x128xf32, #tpu.memory_space<hbm>> -> memref<1x128x128xf32, #tpu.memory_space<hbm>>
      %dma_start3A_41 = tpu.memref_squeeze %dma_start3A_40 : memref<1x128x128xf32, #tpu.memory_space<hbm>> -> memref<128x128xf32, #tpu.memory_space<hbm>>
      %dma_start3A_42 = arith.constant 0 : i32
      %dma_start3A_43 = tpu.memref_slice %arg6[%arg0, %add3A_39, %dma_start3A_42] : memref<2x10240x128xf32, #tpu.memory_space<hbm>> -> memref<1x128x128xf32, #tpu.memory_space<hbm>>
      %dma_start3A_44 = tpu.memref_squeeze %dma_start3A_43 : memref<1x128x128xf32, #tpu.memory_space<hbm>> -> memref<128x128xf32, #tpu.memory_space<hbm>>
      tpu.enqueue_dma source(%arg11 : memref<128x128xf32, #tpu.memory_space<vmem>>) target(%dma_start3A_44 : memref<128x128xf32, #tpu.memory_space<hbm>>) target_semaphore(%run_scoped3A : memref<!tpu.dma_semaphore, #tpu.memory_space<semaphore_mem>>)
      %dma_wait3A = arith.constant 0 : i32
      %dma_wait3A_45 = tpu.memref_slice %arg6[%arg0, %add3A_39, %dma_wait3A] : memref<2x10240x128xf32, #tpu.memory_space<hbm>> -> memref<1x128x128xf32, #tpu.memory_space<hbm>>
      %dma_wait3A_46 = tpu.memref_squeeze %dma_wait3A_45 : memref<1x128x128xf32, #tpu.memory_space<hbm>> -> memref<128x128xf32, #tpu.memory_space<hbm>>
      %dma_wait3A_47 = arith.constant 0 : i32
      %dma_wait3A_48 = tpu.memref_slice %arg6[%arg0, %add3A_39, %dma_wait3A_47] : memref<2x10240x128xf32, #tpu.memory_space<hbm>> -> memref<1x128x128xf32, #tpu.memory_space<hbm>>
      %dma_wait3A_49 = tpu.memref_squeeze %dma_wait3A_48 : memref<1x128x128xf32, #tpu.memory_space<hbm>> -> memref<128x128xf32, #tpu.memory_space<hbm>>
      tpu.wait_dma2 semaphore(%run_scoped3A : memref<!tpu.dma_semaphore, #tpu.memory_space<semaphore_mem>>) src(%arg11 : memref<128x128xf32, #tpu.memory_space<vmem>>) dst(%dma_wait3A_49 : memref<128x128xf32, #tpu.memory_space<hbm>>)
      tpu.yield
    }) : () -> ()
    return
  }
}

#map = affine_map<(d0, d1) -> (0)>
#map1 = affine_map<(d0, d1) -> (0, 0)>
#map2 = affine_map<(d0, d1) -> (0, 0, 0)>
module attributes {stable_mosaic.version = 14 : i64} {
  func.func @_sc_body(%arg0: i32, %arg1: i32, %arg2: memref<192000xi32, #tpu.memory_space<hbm>>, %arg3: memref<192000xi32, #tpu.memory_space<hbm>>, %arg4: memref<192000x128xf32, #tpu.memory_space<hbm>>, %arg5: memref<10000x128xf32, #tpu.memory_space<hbm>>, %arg6: memref<2x10240x128xf32, #tpu.memory_space<hbm>>, %arg7: memref<80xi32, #tpu.memory_space<vmem>>, %arg8: memref<80xi32, #tpu.memory_space<vmem>>, %arg9: memref<80x128xf32, #tpu.memory_space<vmem>>, %arg10: memref<80x128xf32, #tpu.memory_space<vmem>>, %arg11: memref<128x128xf32, #tpu.memory_space<vmem>>, %arg12: memref<10240x128xf32, #tpu.memory_space<vmem_shared>>, %arg13: memref<!tpu.dma_semaphore, #tpu.memory_space<semaphore_mem>>) attributes {dimension_semantics = [#tpu.dimension_semantics<core_parallel>, #tpu.dimension_semantics<subcore_parallel>], iteration_bounds = array<i64: 2, 16>, scalar_prefetch = 0 : i64, scratch_operands = 7 : i64, tpu.core_type = #tpu.core_type<sc_vector_subcore>, window_params = [{transform_indices = #map}, {transform_indices = #map}, {transform_indices = #map1}, {transform_indices = #map1}, {transform_indices = #map2}]} {
    %mul3A = arith.constant 640 : i32
    %mul3A_0 = arith.muli %arg1, %mul3A : i32
    %broadcast_in_dim3A = arith.constant 0.000000e+00 : f32
    %broadcast_in_dim3A_1 = vector.broadcast %broadcast_in_dim3A : f32 to vector<16xf32>
    %scan3A = arith.constant 0 : i32
    %scan3A_2 = arith.constant 0 : i32
    %scan3A_3 = arith.constant 128 : i32
    %scan3A_4 = arith.addi %scan3A_2, %scan3A_3 : i32
    %scan3A_5 = arith.constant 1 : i32
    %scan3A_6 = scf.for %scan3A_40 = %scan3A_2 to %scan3A_4 step %scan3A_5 iter_args(%scan3A_41 = %scan3A) -> (i32)  : i32 {
      %swap3A = arith.index_cast %scan3A_40 : i32 to index
      %swap3A_42 = arith.constant 0 : index
      %swap3A_43 = tpu.vector_load %arg11[%swap3A, %swap3A_42] {strides = array<i32>} : memref<128x128xf32, #tpu.memory_space<vmem>>, vector<1x16xf32>,
      %swap3A_44 = vector.shape_cast %swap3A_43 : vector<1x16xf32> to vector<16xf32>
      %swap3A_45 = vector.shape_cast %broadcast_in_dim3A_1 : vector<16xf32> to vector<1x16xf32>
      tpu.vector_store %arg11[%swap3A, %swap3A_42], %swap3A_45 {strides = array<i32>} : memref<128x128xf32, #tpu.memory_space<vmem>>, vector<1x16xf32>,
      %swap3A_46 = arith.index_cast %scan3A_40 : i32 to index
      %swap3A_47 = arith.constant 16 : index
      %swap3A_48 = tpu.vector_load %arg11[%swap3A_46, %swap3A_47] {strides = array<i32>} : memref<128x128xf32, #tpu.memory_space<vmem>>, vector<1x16xf32>,
      %swap3A_49 = vector.shape_cast %swap3A_48 : vector<1x16xf32> to vector<16xf32>
      %swap3A_50 = vector.shape_cast %broadcast_in_dim3A_1 : vector<16xf32> to vector<1x16xf32>
      tpu.vector_store %arg11[%swap3A_46, %swap3A_47], %swap3A_50 {strides = array<i32>} : memref<128x128xf32, #tpu.memory_space<vmem>>, vector<1x16xf32>,
      %swap3A_51 = arith.index_cast %scan3A_40 : i32 to index
      %swap3A_52 = arith.constant 32 : index
      %swap3A_53 = tpu.vector_load %arg11[%swap3A_51, %swap3A_52] {strides = array<i32>} : memref<128x128xf32, #tpu.memory_space<vmem>>, vector<1x16xf32>,
      %swap3A_54 = vector.shape_cast %swap3A_53 : vector<1x16xf32> to vector<16xf32>
      %swap3A_55 = vector.shape_cast %broadcast_in_dim3A_1 : vector<16xf32> to vector<1x16xf32>
      tpu.vector_store %arg11[%swap3A_51, %swap3A_52], %swap3A_55 {strides = array<i32>} : memref<128x128xf32, #tpu.memory_space<vmem>>, vector<1x16xf32>,
      %swap3A_56 = arith.index_cast %scan3A_40 : i32 to index
      %swap3A_57 = arith.constant 48 : index
      %swap3A_58 = tpu.vector_load %arg11[%swap3A_56, %swap3A_57] {strides = array<i32>} : memref<128x128xf32, #tpu.memory_space<vmem>>, vector<1x16xf32>,
      %swap3A_59 = vector.shape_cast %swap3A_58 : vector<1x16xf32> to vector<16xf32>
      %swap3A_60 = vector.shape_cast %broadcast_in_dim3A_1 : vector<16xf32> to vector<1x16xf32>
      tpu.vector_store %arg11[%swap3A_56, %swap3A_57], %swap3A_60 {strides = array<i32>} : memref<128x128xf32, #tpu.memory_space<vmem>>, vector<1x16xf32>,
      %swap3A_61 = arith.index_cast %scan3A_40 : i32 to index
      %swap3A_62 = arith.constant 64 : index
      %swap3A_63 = tpu.vector_load %arg11[%swap3A_61, %swap3A_62] {strides = array<i32>} : memref<128x128xf32, #tpu.memory_space<vmem>>, vector<1x16xf32>,
      %swap3A_64 = vector.shape_cast %swap3A_63 : vector<1x16xf32> to vector<16xf32>
      %swap3A_65 = vector.shape_cast %broadcast_in_dim3A_1 : vector<16xf32> to vector<1x16xf32>
      tpu.vector_store %arg11[%swap3A_61, %swap3A_62], %swap3A_65 {strides = array<i32>} : memref<128x128xf32, #tpu.memory_space<vmem>>, vector<1x16xf32>,
      %swap3A_66 = arith.index_cast %scan3A_40 : i32 to index
      %swap3A_67 = arith.constant 80 : index
      %swap3A_68 = tpu.vector_load %arg11[%swap3A_66, %swap3A_67] {strides = array<i32>} : memref<128x128xf32, #tpu.memory_space<vmem>>, vector<1x16xf32>,
      %swap3A_69 = vector.shape_cast %swap3A_68 : vector<1x16xf32> to vector<16xf32>
      %swap3A_70 = vector.shape_cast %broadcast_in_dim3A_1 : vector<16xf32> to vector<1x16xf32>
      tpu.vector_store %arg11[%swap3A_66, %swap3A_67], %swap3A_70 {strides = array<i32>} : memref<128x128xf32, #tpu.memory_space<vmem>>, vector<1x16xf32>,
      %swap3A_71 = arith.index_cast %scan3A_40 : i32 to index
      %swap3A_72 = arith.constant 96 : index
      %swap3A_73 = tpu.vector_load %arg11[%swap3A_71, %swap3A_72] {strides = array<i32>} : memref<128x128xf32, #tpu.memory_space<vmem>>, vector<1x16xf32>,
      %swap3A_74 = vector.shape_cast %swap3A_73 : vector<1x16xf32> to vector<16xf32>
      %swap3A_75 = vector.shape_cast %broadcast_in_dim3A_1 : vector<16xf32> to vector<1x16xf32>
      tpu.vector_store %arg11[%swap3A_71, %swap3A_72], %swap3A_75 {strides = array<i32>} : memref<128x128xf32, #tpu.memory_space<vmem>>, vector<1x16xf32>,
      %swap3A_76 = arith.index_cast %scan3A_40 : i32 to index
      %swap3A_77 = arith.constant 112 : index
      %swap3A_78 = tpu.vector_load %arg11[%swap3A_76, %swap3A_77] {strides = array<i32>} : memref<128x128xf32, #tpu.memory_space<vmem>>, vector<1x16xf32>,
      %swap3A_79 = vector.shape_cast %swap3A_78 : vector<1x16xf32> to vector<16xf32>
      %swap3A_80 = vector.shape_cast %broadcast_in_dim3A_1 : vector<16xf32> to vector<1x16xf32>
      tpu.vector_store %arg11[%swap3A_76, %swap3A_77], %swap3A_80 {strides = array<i32>} : memref<128x128xf32, #tpu.memory_space<vmem>>, vector<1x16xf32>,
      %scan3A_81 = arith.constant 0 : i32
      scf.yield %scan3A_81 : i32
    }
    %scan3A_7 = arith.constant 128 : i32
    %add3A = arith.constant 0 : i32
    %add3A_8 = arith.addi %mul3A_0, %add3A : i32
    "tpu.region"() ({
      %run_scoped3A = tpu.sem_alloc : memref<!tpu.dma_semaphore, #tpu.memory_space<semaphore_mem>>
      %dma_start3A = arith.constant 0 : i32
      %dma_start3A_40 = tpu.memref_slice %arg12[%add3A_8, %dma_start3A] : memref<10240x128xf32, #tpu.memory_space<vmem_shared>> -> memref<128x128xf32, #tpu.memory_space<vmem_shared>>
      %dma_start3A_41 = arith.constant 0 : i32
      %dma_start3A_42 = tpu.memref_slice %arg12[%add3A_8, %dma_start3A_41] : memref<10240x128xf32, #tpu.memory_space<vmem_shared>> -> memref<128x128xf32, #tpu.memory_space<vmem_shared>>
      tpu.enqueue_dma source(%arg11 : memref<128x128xf32, #tpu.memory_space<vmem>>) target(%dma_start3A_42 : memref<128x128xf32, #tpu.memory_space<vmem_shared>>) target_semaphore(%run_scoped3A : memref<!tpu.dma_semaphore, #tpu.memory_space<semaphore_mem>>)
      %dma_wait3A = arith.constant 0 : i32
      %dma_wait3A_43 = tpu.memref_slice %arg12[%add3A_8, %dma_wait3A] : memref<10240x128xf32, #tpu.memory_space<vmem_shared>> -> memref<128x128xf32, #tpu.memory_space<vmem_shared>>
      %dma_wait3A_44 = arith.constant 0 : i32
      %dma_wait3A_45 = tpu.memref_slice %arg12[%add3A_8, %dma_wait3A_44] : memref<10240x128xf32, #tpu.memory_space<vmem_shared>> -> memref<128x128xf32, #tpu.memory_space<vmem_shared>>
      tpu.wait_dma2 semaphore(%run_scoped3A : memref<!tpu.dma_semaphore, #tpu.memory_space<semaphore_mem>>) src(%arg11 : memref<128x128xf32, #tpu.memory_space<vmem>>) dst(%dma_wait3A_45 : memref<128x128xf32, #tpu.memory_space<vmem_shared>>)
      tpu.yield
    }) : () -> ()
    %add3A_9 = arith.constant 128 : i32
    %add3A_10 = arith.addi %mul3A_0, %add3A_9 : i32
    "tpu.region"() ({
      %run_scoped3A = tpu.sem_alloc : memref<!tpu.dma_semaphore, #tpu.memory_space<semaphore_mem>>
      %dma_start3A = arith.constant 0 : i32
      %dma_start3A_40 = tpu.memref_slice %arg12[%add3A_10, %dma_start3A] : memref<10240x128xf32, #tpu.memory_space<vmem_shared>> -> memref<128x128xf32, #tpu.memory_space<vmem_shared>>
      %dma_start3A_41 = arith.constant 0 : i32
      %dma_start3A_42 = tpu.memref_slice %arg12[%add3A_10, %dma_start3A_41] : memref<10240x128xf32, #tpu.memory_space<vmem_shared>> -> memref<128x128xf32, #tpu.memory_space<vmem_shared>>
      tpu.enqueue_dma source(%arg11 : memref<128x128xf32, #tpu.memory_space<vmem>>) target(%dma_start3A_42 : memref<128x128xf32, #tpu.memory_space<vmem_shared>>) target_semaphore(%run_scoped3A : memref<!tpu.dma_semaphore, #tpu.memory_space<semaphore_mem>>)
      %dma_wait3A = arith.constant 0 : i32
      %dma_wait3A_43 = tpu.memref_slice %arg12[%add3A_10, %dma_wait3A] : memref<10240x128xf32, #tpu.memory_space<vmem_shared>> -> memref<128x128xf32, #tpu.memory_space<vmem_shared>>
      %dma_wait3A_44 = arith.constant 0 : i32
      %dma_wait3A_45 = tpu.memref_slice %arg12[%add3A_10, %dma_wait3A_44] : memref<10240x128xf32, #tpu.memory_space<vmem_shared>> -> memref<128x128xf32, #tpu.memory_space<vmem_shared>>
      tpu.wait_dma2 semaphore(%run_scoped3A : memref<!tpu.dma_semaphore, #tpu.memory_space<semaphore_mem>>) src(%arg11 : memref<128x128xf32, #tpu.memory_space<vmem>>) dst(%dma_wait3A_45 : memref<128x128xf32, #tpu.memory_space<vmem_shared>>)
      tpu.yield
    }) : () -> ()
    %add3A_11 = arith.constant 256 : i32
    %add3A_12 = arith.addi %mul3A_0, %add3A_11 : i32
    "tpu.region"() ({
      %run_scoped3A = tpu.sem_alloc : memref<!tpu.dma_semaphore, #tpu.memory_space<semaphore_mem>>
      %dma_start3A = arith.constant 0 : i32
      %dma_start3A_40 = tpu.memref_slice %arg12[%add3A_12, %dma_start3A] : memref<10240x128xf32, #tpu.memory_space<vmem_shared>> -> memref<128x128xf32, #tpu.memory_space<vmem_shared>>
      %dma_start3A_41 = arith.constant 0 : i32
      %dma_start3A_42 = tpu.memref_slice %arg12[%add3A_12, %dma_start3A_41] : memref<10240x128xf32, #tpu.memory_space<vmem_shared>> -> memref<128x128xf32, #tpu.memory_space<vmem_shared>>
      tpu.enqueue_dma source(%arg11 : memref<128x128xf32, #tpu.memory_space<vmem>>) target(%dma_start3A_42 : memref<128x128xf32, #tpu.memory_space<vmem_shared>>) target_semaphore(%run_scoped3A : memref<!tpu.dma_semaphore, #tpu.memory_space<semaphore_mem>>)
      %dma_wait3A = arith.constant 0 : i32
      %dma_wait3A_43 = tpu.memref_slice %arg12[%add3A_12, %dma_wait3A] : memref<10240x128xf32, #tpu.memory_space<vmem_shared>> -> memref<128x128xf32, #tpu.memory_space<vmem_shared>>
      %dma_wait3A_44 = arith.constant 0 : i32
      %dma_wait3A_45 = tpu.memref_slice %arg12[%add3A_12, %dma_wait3A_44] : memref<10240x128xf32, #tpu.memory_space<vmem_shared>> -> memref<128x128xf32, #tpu.memory_space<vmem_shared>>
      tpu.wait_dma2 semaphore(%run_scoped3A : memref<!tpu.dma_semaphore, #tpu.memory_space<semaphore_mem>>) src(%arg11 : memref<128x128xf32, #tpu.memory_space<vmem>>) dst(%dma_wait3A_45 : memref<128x128xf32, #tpu.memory_space<vmem_shared>>)
      tpu.yield
    }) : () -> ()
    %add3A_13 = arith.constant 384 : i32
    %add3A_14 = arith.addi %mul3A_0, %add3A_13 : i32
    "tpu.region"() ({
      %run_scoped3A = tpu.sem_alloc : memref<!tpu.dma_semaphore, #tpu.memory_space<semaphore_mem>>
      %dma_start3A = arith.constant 0 : i32
      %dma_start3A_40 = tpu.memref_slice %arg12[%add3A_14, %dma_start3A] : memref<10240x128xf32, #tpu.memory_space<vmem_shared>> -> memref<128x128xf32, #tpu.memory_space<vmem_shared>>
      %dma_start3A_41 = arith.constant 0 : i32
      %dma_start3A_42 = tpu.memref_slice %arg12[%add3A_14, %dma_start3A_41] : memref<10240x128xf32, #tpu.memory_space<vmem_shared>> -> memref<128x128xf32, #tpu.memory_space<vmem_shared>>
      tpu.enqueue_dma source(%arg11 : memref<128x128xf32, #tpu.memory_space<vmem>>) target(%dma_start3A_42 : memref<128x128xf32, #tpu.memory_space<vmem_shared>>) target_semaphore(%run_scoped3A : memref<!tpu.dma_semaphore, #tpu.memory_space<semaphore_mem>>)
      %dma_wait3A = arith.constant 0 : i32
      %dma_wait3A_43 = tpu.memref_slice %arg12[%add3A_14, %dma_wait3A] : memref<10240x128xf32, #tpu.memory_space<vmem_shared>> -> memref<128x128xf32, #tpu.memory_space<vmem_shared>>
      %dma_wait3A_44 = arith.constant 0 : i32
      %dma_wait3A_45 = tpu.memref_slice %arg12[%add3A_14, %dma_wait3A_44] : memref<10240x128xf32, #tpu.memory_space<vmem_shared>> -> memref<128x128xf32, #tpu.memory_space<vmem_shared>>
      tpu.wait_dma2 semaphore(%run_scoped3A : memref<!tpu.dma_semaphore, #tpu.memory_space<semaphore_mem>>) src(%arg11 : memref<128x128xf32, #tpu.memory_space<vmem>>) dst(%dma_wait3A_45 : memref<128x128xf32, #tpu.memory_space<vmem_shared>>)
      tpu.yield
    }) : () -> ()
    %add3A_15 = arith.constant 512 : i32
    %add3A_16 = arith.addi %mul3A_0, %add3A_15 : i32
    "tpu.region"() ({
      %run_scoped3A = tpu.sem_alloc : memref<!tpu.dma_semaphore, #tpu.memory_space<semaphore_mem>>
      %dma_start3A = arith.constant 0 : i32
      %dma_start3A_40 = tpu.memref_slice %arg12[%add3A_16, %dma_start3A] : memref<10240x128xf32, #tpu.memory_space<vmem_shared>> -> memref<128x128xf32, #tpu.memory_space<vmem_shared>>
      %dma_start3A_41 = arith.constant 0 : i32
      %dma_start3A_42 = tpu.memref_slice %arg12[%add3A_16, %dma_start3A_41] : memref<10240x128xf32, #tpu.memory_space<vmem_shared>> -> memref<128x128xf32, #tpu.memory_space<vmem_shared>>
      tpu.enqueue_dma source(%arg11 : memref<128x128xf32, #tpu.memory_space<vmem>>) target(%dma_start3A_42 : memref<128x128xf32, #tpu.memory_space<vmem_shared>>) target_semaphore(%run_scoped3A : memref<!tpu.dma_semaphore, #tpu.memory_space<semaphore_mem>>)
      %dma_wait3A = arith.constant 0 : i32
      %dma_wait3A_43 = tpu.memref_slice %arg12[%add3A_16, %dma_wait3A] : memref<10240x128xf32, #tpu.memory_space<vmem_shared>> -> memref<128x128xf32, #tpu.memory_space<vmem_shared>>
      %dma_wait3A_44 = arith.constant 0 : i32
      %dma_wait3A_45 = tpu.memref_slice %arg12[%add3A_16, %dma_wait3A_44] : memref<10240x128xf32, #tpu.memory_space<vmem_shared>> -> memref<128x128xf32, #tpu.memory_space<vmem_shared>>
      tpu.wait_dma2 semaphore(%run_scoped3A : memref<!tpu.dma_semaphore, #tpu.memory_space<semaphore_mem>>) src(%arg11 : memref<128x128xf32, #tpu.memory_space<vmem>>) dst(%dma_wait3A_45 : memref<128x128xf32, #tpu.memory_space<vmem_shared>>)
      tpu.yield
    }) : () -> ()
    %barrier3A = arith.constant 0 : index
    tpu.barrier barrier_id(%barrier3A)
    %mul3A_17 = arith.constant 2 : i32
    %mul3A_18 = arith.muli %arg1, %mul3A_17 : i32
    %add3A_19 = arith.addi %mul3A_18, %arg0 : i32
    %mul3A_20 = arith.constant 6000 : i32
    %mul3A_21 = arith.muli %add3A_19, %mul3A_20 : i32
    %scan3A_22 = arith.constant 0 : i32
    %scan3A_23 = arith.constant 0 : i32
    %scan3A_24 = arith.constant 75 : i32
    %scan3A_25 = arith.addi %scan3A_23, %scan3A_24 : i32
    %scan3A_26 = arith.constant 1 : i32
    %scan3A_27 = scf.for %scan3A_40 = %scan3A_23 to %scan3A_25 step %scan3A_26 iter_args(%scan3A_41 = %scan3A_22) -> (i32)  : i32 {
      %mul3A_42 = arith.constant 80 : i32
      %mul3A_43 = arith.muli %scan3A_40, %mul3A_42 : i32
      %add3A_44 = arith.addi %mul3A_21, %mul3A_43 : i32
      "tpu.region"() ({
        %run_scoped3A = tpu.sem_alloc : memref<!tpu.dma_semaphore, #tpu.memory_space<semaphore_mem>>
        %dma_start3A_57 = tpu.memref_slice %arg2[%add3A_44] : memref<192000xi32, #tpu.memory_space<hbm>> -> memref<80xi32, #tpu.memory_space<hbm>>
        %dma_start3A_58 = tpu.memref_slice %arg2[%add3A_44] : memref<192000xi32, #tpu.memory_space<hbm>> -> memref<80xi32, #tpu.memory_space<hbm>>
        tpu.enqueue_dma source(%dma_start3A_58 : memref<80xi32, #tpu.memory_space<hbm>>) target(%arg7 : memref<80xi32, #tpu.memory_space<vmem>>) target_semaphore(%run_scoped3A : memref<!tpu.dma_semaphore, #tpu.memory_space<semaphore_mem>>)
        %dma_wait3A_59 = tpu.memref_slice %arg2[%add3A_44] : memref<192000xi32, #tpu.memory_space<hbm>> -> memref<80xi32, #tpu.memory_space<hbm>>
        %dma_wait3A_60 = tpu.memref_slice %arg2[%add3A_44] : memref<192000xi32, #tpu.memory_space<hbm>> -> memref<80xi32, #tpu.memory_space<hbm>>
        tpu.wait_dma2 semaphore(%run_scoped3A : memref<!tpu.dma_semaphore, #tpu.memory_space<semaphore_mem>>) src(%dma_wait3A_60 : memref<80xi32, #tpu.memory_space<hbm>>) dst(%arg7 : memref<80xi32, #tpu.memory_space<vmem>>)
        tpu.yield
      }) : () -> ()
      "tpu.region"() ({
        %run_scoped3A = tpu.sem_alloc : memref<!tpu.dma_semaphore, #tpu.memory_space<semaphore_mem>>
        %dma_start3A_57 = tpu.memref_slice %arg3[%add3A_44] : memref<192000xi32, #tpu.memory_space<hbm>> -> memref<80xi32, #tpu.memory_space<hbm>>
        %dma_start3A_58 = tpu.memref_slice %arg3[%add3A_44] : memref<192000xi32, #tpu.memory_space<hbm>> -> memref<80xi32, #tpu.memory_space<hbm>>
        tpu.enqueue_dma source(%dma_start3A_58 : memref<80xi32, #tpu.memory_space<hbm>>) target(%arg8 : memref<80xi32, #tpu.memory_space<vmem>>) target_semaphore(%run_scoped3A : memref<!tpu.dma_semaphore, #tpu.memory_space<semaphore_mem>>)
        %dma_wait3A_59 = tpu.memref_slice %arg3[%add3A_44] : memref<192000xi32, #tpu.memory_space<hbm>> -> memref<80xi32, #tpu.memory_space<hbm>>
        %dma_wait3A_60 = tpu.memref_slice %arg3[%add3A_44] : memref<192000xi32, #tpu.memory_space<hbm>> -> memref<80xi32, #tpu.memory_space<hbm>>
        tpu.wait_dma2 semaphore(%run_scoped3A : memref<!tpu.dma_semaphore, #tpu.memory_space<semaphore_mem>>) src(%dma_wait3A_60 : memref<80xi32, #tpu.memory_space<hbm>>) dst(%arg8 : memref<80xi32, #tpu.memory_space<vmem>>)
        tpu.yield
      }) : () -> ()
      "tpu.region"() ({
        %run_scoped3A = tpu.sem_alloc : memref<!tpu.dma_semaphore, #tpu.memory_space<semaphore_mem>>
        %dma_start3A_57 = arith.constant 0 : i32
        %dma_start3A_58 = tpu.memref_slice %arg4[%add3A_44, %dma_start3A_57] : memref<192000x128xf32, #tpu.memory_space<hbm>> -> memref<80x128xf32, #tpu.memory_space<hbm>>
        %dma_start3A_59 = arith.constant 0 : i32
        %dma_start3A_60 = tpu.memref_slice %arg4[%add3A_44, %dma_start3A_59] : memref<192000x128xf32, #tpu.memory_space<hbm>> -> memref<80x128xf32, #tpu.memory_space<hbm>>
        tpu.enqueue_dma source(%dma_start3A_60 : memref<80x128xf32, #tpu.memory_space<hbm>>) target(%arg9 : memref<80x128xf32, #tpu.memory_space<vmem>>) target_semaphore(%run_scoped3A : memref<!tpu.dma_semaphore, #tpu.memory_space<semaphore_mem>>)
        %dma_wait3A_61 = arith.constant 0 : i32
        %dma_wait3A_62 = tpu.memref_slice %arg4[%add3A_44, %dma_wait3A_61] : memref<192000x128xf32, #tpu.memory_space<hbm>> -> memref<80x128xf32, #tpu.memory_space<hbm>>
        %dma_wait3A_63 = arith.constant 0 : i32
        %dma_wait3A_64 = tpu.memref_slice %arg4[%add3A_44, %dma_wait3A_63] : memref<192000x128xf32, #tpu.memory_space<hbm>> -> memref<80x128xf32, #tpu.memory_space<hbm>>
        tpu.wait_dma2 semaphore(%run_scoped3A : memref<!tpu.dma_semaphore, #tpu.memory_space<semaphore_mem>>) src(%dma_wait3A_64 : memref<80x128xf32, #tpu.memory_space<hbm>>) dst(%arg9 : memref<80x128xf32, #tpu.memory_space<vmem>>)
        tpu.yield
      }) : () -> ()
      %dma_start3A = arith.constant 0 : i32
      %dma_start3A_45 = arith.constant 0 : i32
      %dma_start3A_46 = tpu.memref_slice %arg5[%dma_start3A, %dma_start3A_45] : memref<10000x128xf32, #tpu.memory_space<hbm>> -> memref<10000x128xf32, #tpu.memory_space<hbm>>
      tpu.enqueue_indirect_dma source(%dma_start3A_46 : memref<10000x128xf32, #tpu.memory_space<hbm>>) target(%arg10 : memref<80x128xf32, #tpu.memory_space<vmem>>) offsets(%arg7 : memref<80xi32, #tpu.memory_space<vmem>>) semaphore(%arg13 : memref<!tpu.dma_semaphore, #tpu.memory_space<semaphore_mem>>)
      %dma_wait3A = arith.constant 0 : i32
      %dma_wait3A_47 = arith.constant 0 : i32
      %dma_wait3A_48 = tpu.memref_slice %arg5[%dma_wait3A, %dma_wait3A_47] : memref<10000x128xf32, #tpu.memory_space<hbm>> -> memref<10000x128xf32, #tpu.memory_space<hbm>>
      tpu.wait_indirect_dma semaphore(%arg13 : memref<!tpu.dma_semaphore, #tpu.memory_space<semaphore_mem>>) src(%dma_wait3A_48 : memref<10000x128xf32, #tpu.memory_space<hbm>>) dst(%arg10 : memref<80x128xf32, #tpu.memory_space<vmem>>)
      %scan3A_49 = arith.constant 0 : i32
      %scan3A_50 = arith.constant 0 : i32
      %scan3A_51 = arith.constant 80 : i32
      %scan3A_52 = arith.addi %scan3A_50, %scan3A_51 : i32
      %scan3A_53 = arith.constant 1 : i32
      %scan3A_54 = scf.for %scan3A_57 = %scan3A_50 to %scan3A_52 step %scan3A_53 iter_args(%scan3A_58 = %scan3A_49) -> (i32)  : i32 {
        %get3A = arith.index_cast %scan3A_57 : i32 to index
        %get3A_59 = arith.constant 0 : index
        %get3A_60 = tpu.vector_load %arg10[%get3A, %get3A_59] {strides = array<i32>} : memref<80x128xf32, #tpu.memory_space<vmem>>, vector<1x16xf32>,
        %get3A_61 = vector.shape_cast %get3A_60 : vector<1x16xf32> to vector<16xf32>
        %get3A_62 = arith.index_cast %scan3A_57 : i32 to index
        %get3A_63 = arith.constant 0 : index
        %get3A_64 = tpu.vector_load %arg9[%get3A_62, %get3A_63] {strides = array<i32>} : memref<80x128xf32, #tpu.memory_space<vmem>>, vector<1x16xf32>,
        %get3A_65 = vector.shape_cast %get3A_64 : vector<1x16xf32> to vector<16xf32>
        %add3A_66 = arith.addf %get3A_61, %get3A_65 : vector<16xf32>
        %max3A = arith.constant 0.000000e+00 : f32
        %max3A_67 = vector.broadcast %max3A : f32 to vector<16xf32>
        %max3A_68 = arith.maximumf %add3A_66, %max3A_67 : vector<16xf32>
        %swap3A = arith.index_cast %scan3A_57 : i32 to index
        %swap3A_69 = arith.constant 0 : index
        %swap3A_70 = tpu.vector_load %arg10[%swap3A, %swap3A_69] {strides = array<i32>} : memref<80x128xf32, #tpu.memory_space<vmem>>, vector<1x16xf32>,
        %swap3A_71 = vector.shape_cast %swap3A_70 : vector<1x16xf32> to vector<16xf32>
        %swap3A_72 = vector.shape_cast %max3A_68 : vector<16xf32> to vector<1x16xf32>
        tpu.vector_store %arg10[%swap3A, %swap3A_69], %swap3A_72 {strides = array<i32>} : memref<80x128xf32, #tpu.memory_space<vmem>>, vector<1x16xf32>,
        %get3A_73 = arith.index_cast %scan3A_57 : i32 to index
        %get3A_74 = arith.constant 16 : index
        %get3A_75 = tpu.vector_load %arg10[%get3A_73, %get3A_74] {strides = array<i32>} : memref<80x128xf32, #tpu.memory_space<vmem>>, vector<1x16xf32>,
        %get3A_76 = vector.shape_cast %get3A_75 : vector<1x16xf32> to vector<16xf32>
        %get3A_77 = arith.index_cast %scan3A_57 : i32 to index
        %get3A_78 = arith.constant 16 : index
        %get3A_79 = tpu.vector_load %arg9[%get3A_77, %get3A_78] {strides = array<i32>} : memref<80x128xf32, #tpu.memory_space<vmem>>, vector<1x16xf32>,
        %get3A_80 = vector.shape_cast %get3A_79 : vector<1x16xf32> to vector<16xf32>
        %add3A_81 = arith.addf %get3A_76, %get3A_80 : vector<16xf32>
        %max3A_82 = arith.constant 0.000000e+00 : f32
        %max3A_83 = vector.broadcast %max3A_82 : f32 to vector<16xf32>
        %max3A_84 = arith.maximumf %add3A_81, %max3A_83 : vector<16xf32>
        %swap3A_85 = arith.index_cast %scan3A_57 : i32 to index
        %swap3A_86 = arith.constant 16 : index
        %swap3A_87 = tpu.vector_load %arg10[%swap3A_85, %swap3A_86] {strides = array<i32>} : memref<80x128xf32, #tpu.memory_space<vmem>>, vector<1x16xf32>,
        %swap3A_88 = vector.shape_cast %swap3A_87 : vector<1x16xf32> to vector<16xf32>
        %swap3A_89 = vector.shape_cast %max3A_84 : vector<16xf32> to vector<1x16xf32>
        tpu.vector_store %arg10[%swap3A_85, %swap3A_86], %swap3A_89 {strides = array<i32>} : memref<80x128xf32, #tpu.memory_space<vmem>>, vector<1x16xf32>,
        %get3A_90 = arith.index_cast %scan3A_57 : i32 to index
        %get3A_91 = arith.constant 32 : index
        %get3A_92 = tpu.vector_load %arg10[%get3A_90, %get3A_91] {strides = array<i32>} : memref<80x128xf32, #tpu.memory_space<vmem>>, vector<1x16xf32>,
        %get3A_93 = vector.shape_cast %get3A_92 : vector<1x16xf32> to vector<16xf32>
        %get3A_94 = arith.index_cast %scan3A_57 : i32 to index
        %get3A_95 = arith.constant 32 : index
        %get3A_96 = tpu.vector_load %arg9[%get3A_94, %get3A_95] {strides = array<i32>} : memref<80x128xf32, #tpu.memory_space<vmem>>, vector<1x16xf32>,
        %get3A_97 = vector.shape_cast %get3A_96 : vector<1x16xf32> to vector<16xf32>
        %add3A_98 = arith.addf %get3A_93, %get3A_97 : vector<16xf32>
        %max3A_99 = arith.constant 0.000000e+00 : f32
        %max3A_100 = vector.broadcast %max3A_99 : f32 to vector<16xf32>
        %max3A_101 = arith.maximumf %add3A_98, %max3A_100 : vector<16xf32>
        %swap3A_102 = arith.index_cast %scan3A_57 : i32 to index
        %swap3A_103 = arith.constant 32 : index
        %swap3A_104 = tpu.vector_load %arg10[%swap3A_102, %swap3A_103] {strides = array<i32>} : memref<80x128xf32, #tpu.memory_space<vmem>>, vector<1x16xf32>,
        %swap3A_105 = vector.shape_cast %swap3A_104 : vector<1x16xf32> to vector<16xf32>
        %swap3A_106 = vector.shape_cast %max3A_101 : vector<16xf32> to vector<1x16xf32>
        tpu.vector_store %arg10[%swap3A_102, %swap3A_103], %swap3A_106 {strides = array<i32>} : memref<80x128xf32, #tpu.memory_space<vmem>>, vector<1x16xf32>,
        %get3A_107 = arith.index_cast %scan3A_57 : i32 to index
        %get3A_108 = arith.constant 48 : index
        %get3A_109 = tpu.vector_load %arg10[%get3A_107, %get3A_108] {strides = array<i32>} : memref<80x128xf32, #tpu.memory_space<vmem>>, vector<1x16xf32>,
        %get3A_110 = vector.shape_cast %get3A_109 : vector<1x16xf32> to vector<16xf32>
        %get3A_111 = arith.index_cast %scan3A_57 : i32 to index
        %get3A_112 = arith.constant 48 : index
        %get3A_113 = tpu.vector_load %arg9[%get3A_111, %get3A_112] {strides = array<i32>} : memref<80x128xf32, #tpu.memory_space<vmem>>, vector<1x16xf32>,
        %get3A_114 = vector.shape_cast %get3A_113 : vector<1x16xf32> to vector<16xf32>
        %add3A_115 = arith.addf %get3A_110, %get3A_114 : vector<16xf32>
        %max3A_116 = arith.constant 0.000000e+00 : f32
        %max3A_117 = vector.broadcast %max3A_116 : f32 to vector<16xf32>
        %max3A_118 = arith.maximumf %add3A_115, %max3A_117 : vector<16xf32>
        %swap3A_119 = arith.index_cast %scan3A_57 : i32 to index
        %swap3A_120 = arith.constant 48 : index
        %swap3A_121 = tpu.vector_load %arg10[%swap3A_119, %swap3A_120] {strides = array<i32>} : memref<80x128xf32, #tpu.memory_space<vmem>>, vector<1x16xf32>,
        %swap3A_122 = vector.shape_cast %swap3A_121 : vector<1x16xf32> to vector<16xf32>
        %swap3A_123 = vector.shape_cast %max3A_118 : vector<16xf32> to vector<1x16xf32>
        tpu.vector_store %arg10[%swap3A_119, %swap3A_120], %swap3A_123 {strides = array<i32>} : memref<80x128xf32, #tpu.memory_space<vmem>>, vector<1x16xf32>,
        %get3A_124 = arith.index_cast %scan3A_57 : i32 to index
        %get3A_125 = arith.constant 64 : index
        %get3A_126 = tpu.vector_load %arg10[%get3A_124, %get3A_125] {strides = array<i32>} : memref<80x128xf32, #tpu.memory_space<vmem>>, vector<1x16xf32>,
        %get3A_127 = vector.shape_cast %get3A_126 : vector<1x16xf32> to vector<16xf32>
        %get3A_128 = arith.index_cast %scan3A_57 : i32 to index
        %get3A_129 = arith.constant 64 : index
        %get3A_130 = tpu.vector_load %arg9[%get3A_128, %get3A_129] {strides = array<i32>} : memref<80x128xf32, #tpu.memory_space<vmem>>, vector<1x16xf32>,
        %get3A_131 = vector.shape_cast %get3A_130 : vector<1x16xf32> to vector<16xf32>
        %add3A_132 = arith.addf %get3A_127, %get3A_131 : vector<16xf32>
        %max3A_133 = arith.constant 0.000000e+00 : f32
        %max3A_134 = vector.broadcast %max3A_133 : f32 to vector<16xf32>
        %max3A_135 = arith.maximumf %add3A_132, %max3A_134 : vector<16xf32>
        %swap3A_136 = arith.index_cast %scan3A_57 : i32 to index
        %swap3A_137 = arith.constant 64 : index
        %swap3A_138 = tpu.vector_load %arg10[%swap3A_136, %swap3A_137] {strides = array<i32>} : memref<80x128xf32, #tpu.memory_space<vmem>>, vector<1x16xf32>,
        %swap3A_139 = vector.shape_cast %swap3A_138 : vector<1x16xf32> to vector<16xf32>
        %swap3A_140 = vector.shape_cast %max3A_135 : vector<16xf32> to vector<1x16xf32>
        tpu.vector_store %arg10[%swap3A_136, %swap3A_137], %swap3A_140 {strides = array<i32>} : memref<80x128xf32, #tpu.memory_space<vmem>>, vector<1x16xf32>,
        %get3A_141 = arith.index_cast %scan3A_57 : i32 to index
        %get3A_142 = arith.constant 80 : index
        %get3A_143 = tpu.vector_load %arg10[%get3A_141, %get3A_142] {strides = array<i32>} : memref<80x128xf32, #tpu.memory_space<vmem>>, vector<1x16xf32>,
        %get3A_144 = vector.shape_cast %get3A_143 : vector<1x16xf32> to vector<16xf32>
        %get3A_145 = arith.index_cast %scan3A_57 : i32 to index
        %get3A_146 = arith.constant 80 : index
        %get3A_147 = tpu.vector_load %arg9[%get3A_145, %get3A_146] {strides = array<i32>} : memref<80x128xf32, #tpu.memory_space<vmem>>, vector<1x16xf32>,
        %get3A_148 = vector.shape_cast %get3A_147 : vector<1x16xf32> to vector<16xf32>
        %add3A_149 = arith.addf %get3A_144, %get3A_148 : vector<16xf32>
        %max3A_150 = arith.constant 0.000000e+00 : f32
        %max3A_151 = vector.broadcast %max3A_150 : f32 to vector<16xf32>
        %max3A_152 = arith.maximumf %add3A_149, %max3A_151 : vector<16xf32>
        %swap3A_153 = arith.index_cast %scan3A_57 : i32 to index
        %swap3A_154 = arith.constant 80 : index
        %swap3A_155 = tpu.vector_load %arg10[%swap3A_153, %swap3A_154] {strides = array<i32>} : memref<80x128xf32, #tpu.memory_space<vmem>>, vector<1x16xf32>,
        %swap3A_156 = vector.shape_cast %swap3A_155 : vector<1x16xf32> to vector<16xf32>
        %swap3A_157 = vector.shape_cast %max3A_152 : vector<16xf32> to vector<1x16xf32>
        tpu.vector_store %arg10[%swap3A_153, %swap3A_154], %swap3A_157 {strides = array<i32>} : memref<80x128xf32, #tpu.memory_space<vmem>>, vector<1x16xf32>,
        %get3A_158 = arith.index_cast %scan3A_57 : i32 to index
        %get3A_159 = arith.constant 96 : index
        %get3A_160 = tpu.vector_load %arg10[%get3A_158, %get3A_159] {strides = array<i32>} : memref<80x128xf32, #tpu.memory_space<vmem>>, vector<1x16xf32>,
        %get3A_161 = vector.shape_cast %get3A_160 : vector<1x16xf32> to vector<16xf32>
        %get3A_162 = arith.index_cast %scan3A_57 : i32 to index
        %get3A_163 = arith.constant 96 : index
        %get3A_164 = tpu.vector_load %arg9[%get3A_162, %get3A_163] {strides = array<i32>} : memref<80x128xf32, #tpu.memory_space<vmem>>, vector<1x16xf32>,
        %get3A_165 = vector.shape_cast %get3A_164 : vector<1x16xf32> to vector<16xf32>
        %add3A_166 = arith.addf %get3A_161, %get3A_165 : vector<16xf32>
        %max3A_167 = arith.constant 0.000000e+00 : f32
        %max3A_168 = vector.broadcast %max3A_167 : f32 to vector<16xf32>
        %max3A_169 = arith.maximumf %add3A_166, %max3A_168 : vector<16xf32>
        %swap3A_170 = arith.index_cast %scan3A_57 : i32 to index
        %swap3A_171 = arith.constant 96 : index
        %swap3A_172 = tpu.vector_load %arg10[%swap3A_170, %swap3A_171] {strides = array<i32>} : memref<80x128xf32, #tpu.memory_space<vmem>>, vector<1x16xf32>,
        %swap3A_173 = vector.shape_cast %swap3A_172 : vector<1x16xf32> to vector<16xf32>
        %swap3A_174 = vector.shape_cast %max3A_169 : vector<16xf32> to vector<1x16xf32>
        tpu.vector_store %arg10[%swap3A_170, %swap3A_171], %swap3A_174 {strides = array<i32>} : memref<80x128xf32, #tpu.memory_space<vmem>>, vector<1x16xf32>,
        %get3A_175 = arith.index_cast %scan3A_57 : i32 to index
        %get3A_176 = arith.constant 112 : index
        %get3A_177 = tpu.vector_load %arg10[%get3A_175, %get3A_176] {strides = array<i32>} : memref<80x128xf32, #tpu.memory_space<vmem>>, vector<1x16xf32>,
        %get3A_178 = vector.shape_cast %get3A_177 : vector<1x16xf32> to vector<16xf32>
        %get3A_179 = arith.index_cast %scan3A_57 : i32 to index
        %get3A_180 = arith.constant 112 : index
        %get3A_181 = tpu.vector_load %arg9[%get3A_179, %get3A_180] {strides = array<i32>} : memref<80x128xf32, #tpu.memory_space<vmem>>, vector<1x16xf32>,
        %get3A_182 = vector.shape_cast %get3A_181 : vector<1x16xf32> to vector<16xf32>
        %add3A_183 = arith.addf %get3A_178, %get3A_182 : vector<16xf32>
        %max3A_184 = arith.constant 0.000000e+00 : f32
        %max3A_185 = vector.broadcast %max3A_184 : f32 to vector<16xf32>
        %max3A_186 = arith.maximumf %add3A_183, %max3A_185 : vector<16xf32>
        %swap3A_187 = arith.index_cast %scan3A_57 : i32 to index
        %swap3A_188 = arith.constant 112 : index
        %swap3A_189 = tpu.vector_load %arg10[%swap3A_187, %swap3A_188] {strides = array<i32>} : memref<80x128xf32, #tpu.memory_space<vmem>>, vector<1x16xf32>,
        %swap3A_190 = vector.shape_cast %swap3A_189 : vector<1x16xf32> to vector<16xf32>
        %swap3A_191 = vector.shape_cast %max3A_186 : vector<16xf32> to vector<1x16xf32>
        tpu.vector_store %arg10[%swap3A_187, %swap3A_188], %swap3A_191 {strides = array<i32>} : memref<80x128xf32, #tpu.memory_space<vmem>>, vector<1x16xf32>,
        %scan3A_192 = arith.constant 0 : i32
        scf.yield %scan3A_192 : i32
      }
      %scan3A_55 = arith.constant 80 : i32
      "tpu.region"() ({
        %run_scoped3A = tpu.sem_alloc : memref<!tpu.dma_semaphore, #tpu.memory_space<semaphore_mem>>
        %dma_start3A_57 = arith.constant 0 : i32
        %dma_start3A_58 = arith.constant 0 : i32
        %dma_start3A_59 = tpu.memref_slice %arg12[%dma_start3A_57, %dma_start3A_58] : memref<10240x128xf32, #tpu.memory_space<vmem_shared>> -> memref<10240x128xf32, #tpu.memory_space<vmem_shared>>
        tpu.enqueue_indirect_dma source(%arg10 : memref<80x128xf32, #tpu.memory_space<vmem>>) target(%dma_start3A_59 : memref<10240x128xf32, #tpu.memory_space<vmem_shared>>) offsets(%arg8 : memref<80xi32, #tpu.memory_space<vmem>>) semaphore(%run_scoped3A : memref<!tpu.dma_semaphore, #tpu.memory_space<semaphore_mem>>) {add = true}
        %dma_wait3A_60 = arith.constant 0 : i32
        %dma_wait3A_61 = arith.constant 0 : i32
        %dma_wait3A_62 = tpu.memref_slice %arg12[%dma_wait3A_60, %dma_wait3A_61] : memref<10240x128xf32, #tpu.memory_space<vmem_shared>> -> memref<10240x128xf32, #tpu.memory_space<vmem_shared>>
        tpu.wait_indirect_dma semaphore(%run_scoped3A : memref<!tpu.dma_semaphore, #tpu.memory_space<semaphore_mem>>) src(%arg10 : memref<80x128xf32, #tpu.memory_space<vmem>>) dst(%dma_wait3A_62 : memref<10240x128xf32, #tpu.memory_space<vmem_shared>>)
        tpu.yield
      }) : () -> ()
      %scan3A_56 = arith.constant 0 : i32
      scf.yield %scan3A_56 : i32
    }
    %scan3A_28 = arith.constant 75 : i32
    %barrier3A_29 = arith.constant 0 : index
    tpu.barrier barrier_id(%barrier3A_29)
    %add3A_30 = arith.constant 0 : i32
    %add3A_31 = arith.addi %mul3A_0, %add3A_30 : i32
    "tpu.region"() ({
      %run_scoped3A = tpu.sem_alloc : memref<!tpu.dma_semaphore, #tpu.memory_space<semaphore_mem>>
      %dma_start3A = arith.constant 0 : i32
      %dma_start3A_40 = tpu.memref_slice %arg12[%add3A_31, %dma_start3A] : memref<10240x128xf32, #tpu.memory_space<vmem_shared>> -> memref<128x128xf32, #tpu.memory_space<vmem_shared>>
      %dma_start3A_41 = arith.constant 0 : i32
      %dma_start3A_42 = tpu.memref_slice %arg12[%add3A_31, %dma_start3A_41] : memref<10240x128xf32, #tpu.memory_space<vmem_shared>> -> memref<128x128xf32, #tpu.memory_space<vmem_shared>>
      tpu.enqueue_dma source(%dma_start3A_42 : memref<128x128xf32, #tpu.memory_space<vmem_shared>>) target(%arg11 : memref<128x128xf32, #tpu.memory_space<vmem>>) target_semaphore(%run_scoped3A : memref<!tpu.dma_semaphore, #tpu.memory_space<semaphore_mem>>)
      %dma_wait3A = arith.constant 0 : i32
      %dma_wait3A_43 = tpu.memref_slice %arg12[%add3A_31, %dma_wait3A] : memref<10240x128xf32, #tpu.memory_space<vmem_shared>> -> memref<128x128xf32, #tpu.memory_space<vmem_shared>>
      %dma_wait3A_44 = arith.constant 0 : i32
      %dma_wait3A_45 = tpu.memref_slice %arg12[%add3A_31, %dma_wait3A_44] : memref<10240x128xf32, #tpu.memory_space<vmem_shared>> -> memref<128x128xf32, #tpu.memory_space<vmem_shared>>
      tpu.wait_dma2 semaphore(%run_scoped3A : memref<!tpu.dma_semaphore, #tpu.memory_space<semaphore_mem>>) src(%dma_wait3A_45 : memref<128x128xf32, #tpu.memory_space<vmem_shared>>) dst(%arg11 : memref<128x128xf32, #tpu.memory_space<vmem>>)
      tpu.yield
    }) : () -> ()
    "tpu.region"() ({
      %run_scoped3A = tpu.sem_alloc : memref<!tpu.dma_semaphore, #tpu.memory_space<semaphore_mem>>
      %dma_start3A = arith.constant 0 : i32
      %dma_start3A_40 = tpu.memref_slice %arg6[%arg0, %add3A_31, %dma_start3A] : memref<2x10240x128xf32, #tpu.memory_space<hbm>> -> memref<1x128x128xf32, #tpu.memory_space<hbm>>
      %dma_start3A_41 = tpu.memref_squeeze %dma_start3A_40 : memref<1x128x128xf32, #tpu.memory_space<hbm>> -> memref<128x128xf32, #tpu.memory_space<hbm>>
      %dma_start3A_42 = arith.constant 0 : i32
      %dma_start3A_43 = tpu.memref_slice %arg6[%arg0, %add3A_31, %dma_start3A_42] : memref<2x10240x128xf32, #tpu.memory_space<hbm>> -> memref<1x128x128xf32, #tpu.memory_space<hbm>>
      %dma_start3A_44 = tpu.memref_squeeze %dma_start3A_43 : memref<1x128x128xf32, #tpu.memory_space<hbm>> -> memref<128x128xf32, #tpu.memory_space<hbm>>
      tpu.enqueue_dma source(%arg11 : memref<128x128xf32, #tpu.memory_space<vmem>>) target(%dma_start3A_44 : memref<128x128xf32, #tpu.memory_space<hbm>>) target_semaphore(%run_scoped3A : memref<!tpu.dma_semaphore, #tpu.memory_space<semaphore_mem>>)
      %dma_wait3A = arith.constant 0 : i32
      %dma_wait3A_45 = tpu.memref_slice %arg6[%arg0, %add3A_31, %dma_wait3A] : memref<2x10240x128xf32, #tpu.memory_space<hbm>> -> memref<1x128x128xf32, #tpu.memory_space<hbm>>
      %dma_wait3A_46 = tpu.memref_squeeze %dma_wait3A_45 : memref<1x128x128xf32, #tpu.memory_space<hbm>> -> memref<128x128xf32, #tpu.memory_space<hbm>>
      %dma_wait3A_47 = arith.constant 0 : i32
      %dma_wait3A_48 = tpu.memref_slice %arg6[%arg0, %add3A_31, %dma_wait3A_47] : memref<2x10240x128xf32, #tpu.memory_space<hbm>> -> memref<1x128x128xf32, #tpu.memory_space<hbm>>
      %dma_wait3A_49 = tpu.memref_squeeze %dma_wait3A_48 : memref<1x128x128xf32, #tpu.memory_space<hbm>> -> memref<128x128xf32, #tpu.memory_space<hbm>>
      tpu.wait_dma2 semaphore(%run_scoped3A : memref<!tpu.dma_semaphore, #tpu.memory_space<semaphore_mem>>) src(%arg11 : memref<128x128xf32, #tpu.memory_space<vmem>>) dst(%dma_wait3A_49 : memref<128x128xf32, #tpu.memory_space<hbm>>)
      tpu.yield
    }) : () -> ()
    %add3A_32 = arith.constant 128 : i32
    %add3A_33 = arith.addi %mul3A_0, %add3A_32 : i32
    "tpu.region"() ({
      %run_scoped3A = tpu.sem_alloc : memref<!tpu.dma_semaphore, #tpu.memory_space<semaphore_mem>>
      %dma_start3A = arith.constant 0 : i32
      %dma_start3A_40 = tpu.memref_slice %arg12[%add3A_33, %dma_start3A] : memref<10240x128xf32, #tpu.memory_space<vmem_shared>> -> memref<128x128xf32, #tpu.memory_space<vmem_shared>>
      %dma_start3A_41 = arith.constant 0 : i32
      %dma_start3A_42 = tpu.memref_slice %arg12[%add3A_33, %dma_start3A_41] : memref<10240x128xf32, #tpu.memory_space<vmem_shared>> -> memref<128x128xf32, #tpu.memory_space<vmem_shared>>
      tpu.enqueue_dma source(%dma_start3A_42 : memref<128x128xf32, #tpu.memory_space<vmem_shared>>) target(%arg11 : memref<128x128xf32, #tpu.memory_space<vmem>>) target_semaphore(%run_scoped3A : memref<!tpu.dma_semaphore, #tpu.memory_space<semaphore_mem>>)
      %dma_wait3A = arith.constant 0 : i32
      %dma_wait3A_43 = tpu.memref_slice %arg12[%add3A_33, %dma_wait3A] : memref<10240x128xf32, #tpu.memory_space<vmem_shared>> -> memref<128x128xf32, #tpu.memory_space<vmem_shared>>
      %dma_wait3A_44 = arith.constant 0 : i32
      %dma_wait3A_45 = tpu.memref_slice %arg12[%add3A_33, %dma_wait3A_44] : memref<10240x128xf32, #tpu.memory_space<vmem_shared>> -> memref<128x128xf32, #tpu.memory_space<vmem_shared>>
      tpu.wait_dma2 semaphore(%run_scoped3A : memref<!tpu.dma_semaphore, #tpu.memory_space<semaphore_mem>>) src(%dma_wait3A_45 : memref<128x128xf32, #tpu.memory_space<vmem_shared>>) dst(%arg11 : memref<128x128xf32, #tpu.memory_space<vmem>>)
      tpu.yield
    }) : () -> ()
    "tpu.region"() ({
      %run_scoped3A = tpu.sem_alloc : memref<!tpu.dma_semaphore, #tpu.memory_space<semaphore_mem>>
      %dma_start3A = arith.constant 0 : i32
      %dma_start3A_40 = tpu.memref_slice %arg6[%arg0, %add3A_33, %dma_start3A] : memref<2x10240x128xf32, #tpu.memory_space<hbm>> -> memref<1x128x128xf32, #tpu.memory_space<hbm>>
      %dma_start3A_41 = tpu.memref_squeeze %dma_start3A_40 : memref<1x128x128xf32, #tpu.memory_space<hbm>> -> memref<128x128xf32, #tpu.memory_space<hbm>>
      %dma_start3A_42 = arith.constant 0 : i32
      %dma_start3A_43 = tpu.memref_slice %arg6[%arg0, %add3A_33, %dma_start3A_42] : memref<2x10240x128xf32, #tpu.memory_space<hbm>> -> memref<1x128x128xf32, #tpu.memory_space<hbm>>
      %dma_start3A_44 = tpu.memref_squeeze %dma_start3A_43 : memref<1x128x128xf32, #tpu.memory_space<hbm>> -> memref<128x128xf32, #tpu.memory_space<hbm>>
      tpu.enqueue_dma source(%arg11 : memref<128x128xf32, #tpu.memory_space<vmem>>) target(%dma_start3A_44 : memref<128x128xf32, #tpu.memory_space<hbm>>) target_semaphore(%run_scoped3A : memref<!tpu.dma_semaphore, #tpu.memory_space<semaphore_mem>>)
      %dma_wait3A = arith.constant 0 : i32
      %dma_wait3A_45 = tpu.memref_slice %arg6[%arg0, %add3A_33, %dma_wait3A] : memref<2x10240x128xf32, #tpu.memory_space<hbm>> -> memref<1x128x128xf32, #tpu.memory_space<hbm>>
      %dma_wait3A_46 = tpu.memref_squeeze %dma_wait3A_45 : memref<1x128x128xf32, #tpu.memory_space<hbm>> -> memref<128x128xf32, #tpu.memory_space<hbm>>
      %dma_wait3A_47 = arith.constant 0 : i32
      %dma_wait3A_48 = tpu.memref_slice %arg6[%arg0, %add3A_33, %dma_wait3A_47] : memref<2x10240x128xf32, #tpu.memory_space<hbm>> -> memref<1x128x128xf32, #tpu.memory_space<hbm>>
      %dma_wait3A_49 = tpu.memref_squeeze %dma_wait3A_48 : memref<1x128x128xf32, #tpu.memory_space<hbm>> -> memref<128x128xf32, #tpu.memory_space<hbm>>
      tpu.wait_dma2 semaphore(%run_scoped3A : memref<!tpu.dma_semaphore, #tpu.memory_space<semaphore_mem>>) src(%arg11 : memref<128x128xf32, #tpu.memory_space<vmem>>) dst(%dma_wait3A_49 : memref<128x128xf32, #tpu.memory_space<hbm>>)
      tpu.yield
    }) : () -> ()
    %add3A_34 = arith.constant 256 : i32
    %add3A_35 = arith.addi %mul3A_0, %add3A_34 : i32
    "tpu.region"() ({
      %run_scoped3A = tpu.sem_alloc : memref<!tpu.dma_semaphore, #tpu.memory_space<semaphore_mem>>
      %dma_start3A = arith.constant 0 : i32
      %dma_start3A_40 = tpu.memref_slice %arg12[%add3A_35, %dma_start3A] : memref<10240x128xf32, #tpu.memory_space<vmem_shared>> -> memref<128x128xf32, #tpu.memory_space<vmem_shared>>
      %dma_start3A_41 = arith.constant 0 : i32
      %dma_start3A_42 = tpu.memref_slice %arg12[%add3A_35, %dma_start3A_41] : memref<10240x128xf32, #tpu.memory_space<vmem_shared>> -> memref<128x128xf32, #tpu.memory_space<vmem_shared>>
      tpu.enqueue_dma source(%dma_start3A_42 : memref<128x128xf32, #tpu.memory_space<vmem_shared>>) target(%arg11 : memref<128x128xf32, #tpu.memory_space<vmem>>) target_semaphore(%run_scoped3A : memref<!tpu.dma_semaphore, #tpu.memory_space<semaphore_mem>>)
      %dma_wait3A = arith.constant 0 : i32
      %dma_wait3A_43 = tpu.memref_slice %arg12[%add3A_35, %dma_wait3A] : memref<10240x128xf32, #tpu.memory_space<vmem_shared>> -> memref<128x128xf32, #tpu.memory_space<vmem_shared>>
      %dma_wait3A_44 = arith.constant 0 : i32
      %dma_wait3A_45 = tpu.memref_slice %arg12[%add3A_35, %dma_wait3A_44] : memref<10240x128xf32, #tpu.memory_space<vmem_shared>> -> memref<128x128xf32, #tpu.memory_space<vmem_shared>>
      tpu.wait_dma2 semaphore(%run_scoped3A : memref<!tpu.dma_semaphore, #tpu.memory_space<semaphore_mem>>) src(%dma_wait3A_45 : memref<128x128xf32, #tpu.memory_space<vmem_shared>>) dst(%arg11 : memref<128x128xf32, #tpu.memory_space<vmem>>)
      tpu.yield
    }) : () -> ()
    "tpu.region"() ({
      %run_scoped3A = tpu.sem_alloc : memref<!tpu.dma_semaphore, #tpu.memory_space<semaphore_mem>>
      %dma_start3A = arith.constant 0 : i32
      %dma_start3A_40 = tpu.memref_slice %arg6[%arg0, %add3A_35, %dma_start3A] : memref<2x10240x128xf32, #tpu.memory_space<hbm>> -> memref<1x128x128xf32, #tpu.memory_space<hbm>>
      %dma_start3A_41 = tpu.memref_squeeze %dma_start3A_40 : memref<1x128x128xf32, #tpu.memory_space<hbm>> -> memref<128x128xf32, #tpu.memory_space<hbm>>
      %dma_start3A_42 = arith.constant 0 : i32
      %dma_start3A_43 = tpu.memref_slice %arg6[%arg0, %add3A_35, %dma_start3A_42] : memref<2x10240x128xf32, #tpu.memory_space<hbm>> -> memref<1x128x128xf32, #tpu.memory_space<hbm>>
      %dma_start3A_44 = tpu.memref_squeeze %dma_start3A_43 : memref<1x128x128xf32, #tpu.memory_space<hbm>> -> memref<128x128xf32, #tpu.memory_space<hbm>>
      tpu.enqueue_dma source(%arg11 : memref<128x128xf32, #tpu.memory_space<vmem>>) target(%dma_start3A_44 : memref<128x128xf32, #tpu.memory_space<hbm>>) target_semaphore(%run_scoped3A : memref<!tpu.dma_semaphore, #tpu.memory_space<semaphore_mem>>)
      %dma_wait3A = arith.constant 0 : i32
      %dma_wait3A_45 = tpu.memref_slice %arg6[%arg0, %add3A_35, %dma_wait3A] : memref<2x10240x128xf32, #tpu.memory_space<hbm>> -> memref<1x128x128xf32, #tpu.memory_space<hbm>>
      %dma_wait3A_46 = tpu.memref_squeeze %dma_wait3A_45 : memref<1x128x128xf32, #tpu.memory_space<hbm>> -> memref<128x128xf32, #tpu.memory_space<hbm>>
      %dma_wait3A_47 = arith.constant 0 : i32
      %dma_wait3A_48 = tpu.memref_slice %arg6[%arg0, %add3A_35, %dma_wait3A_47] : memref<2x10240x128xf32, #tpu.memory_space<hbm>> -> memref<1x128x128xf32, #tpu.memory_space<hbm>>
      %dma_wait3A_49 = tpu.memref_squeeze %dma_wait3A_48 : memref<1x128x128xf32, #tpu.memory_space<hbm>> -> memref<128x128xf32, #tpu.memory_space<hbm>>
      tpu.wait_dma2 semaphore(%run_scoped3A : memref<!tpu.dma_semaphore, #tpu.memory_space<semaphore_mem>>) src(%arg11 : memref<128x128xf32, #tpu.memory_space<vmem>>) dst(%dma_wait3A_49 : memref<128x128xf32, #tpu.memory_space<hbm>>)
      tpu.yield
    }) : () -> ()
    %add3A_36 = arith.constant 384 : i32
    %add3A_37 = arith.addi %mul3A_0, %add3A_36 : i32
    "tpu.region"() ({
      %run_scoped3A = tpu.sem_alloc : memref<!tpu.dma_semaphore, #tpu.memory_space<semaphore_mem>>
      %dma_start3A = arith.constant 0 : i32
      %dma_start3A_40 = tpu.memref_slice %arg12[%add3A_37, %dma_start3A] : memref<10240x128xf32, #tpu.memory_space<vmem_shared>> -> memref<128x128xf32, #tpu.memory_space<vmem_shared>>
      %dma_start3A_41 = arith.constant 0 : i32
      %dma_start3A_42 = tpu.memref_slice %arg12[%add3A_37, %dma_start3A_41] : memref<10240x128xf32, #tpu.memory_space<vmem_shared>> -> memref<128x128xf32, #tpu.memory_space<vmem_shared>>
      tpu.enqueue_dma source(%dma_start3A_42 : memref<128x128xf32, #tpu.memory_space<vmem_shared>>) target(%arg11 : memref<128x128xf32, #tpu.memory_space<vmem>>) target_semaphore(%run_scoped3A : memref<!tpu.dma_semaphore, #tpu.memory_space<semaphore_mem>>)
      %dma_wait3A = arith.constant 0 : i32
      %dma_wait3A_43 = tpu.memref_slice %arg12[%add3A_37, %dma_wait3A] : memref<10240x128xf32, #tpu.memory_space<vmem_shared>> -> memref<128x128xf32, #tpu.memory_space<vmem_shared>>
      %dma_wait3A_44 = arith.constant 0 : i32
      %dma_wait3A_45 = tpu.memref_slice %arg12[%add3A_37, %dma_wait3A_44] : memref<10240x128xf32, #tpu.memory_space<vmem_shared>> -> memref<128x128xf32, #tpu.memory_space<vmem_shared>>
      tpu.wait_dma2 semaphore(%run_scoped3A : memref<!tpu.dma_semaphore, #tpu.memory_space<semaphore_mem>>) src(%dma_wait3A_45 : memref<128x128xf32, #tpu.memory_space<vmem_shared>>) dst(%arg11 : memref<128x128xf32, #tpu.memory_space<vmem>>)
      tpu.yield
    }) : () -> ()
    "tpu.region"() ({
      %run_scoped3A = tpu.sem_alloc : memref<!tpu.dma_semaphore, #tpu.memory_space<semaphore_mem>>
      %dma_start3A = arith.constant 0 : i32
      %dma_start3A_40 = tpu.memref_slice %arg6[%arg0, %add3A_37, %dma_start3A] : memref<2x10240x128xf32, #tpu.memory_space<hbm>> -> memref<1x128x128xf32, #tpu.memory_space<hbm>>
      %dma_start3A_41 = tpu.memref_squeeze %dma_start3A_40 : memref<1x128x128xf32, #tpu.memory_space<hbm>> -> memref<128x128xf32, #tpu.memory_space<hbm>>
      %dma_start3A_42 = arith.constant 0 : i32
      %dma_start3A_43 = tpu.memref_slice %arg6[%arg0, %add3A_37, %dma_start3A_42] : memref<2x10240x128xf32, #tpu.memory_space<hbm>> -> memref<1x128x128xf32, #tpu.memory_space<hbm>>
      %dma_start3A_44 = tpu.memref_squeeze %dma_start3A_43 : memref<1x128x128xf32, #tpu.memory_space<hbm>> -> memref<128x128xf32, #tpu.memory_space<hbm>>
      tpu.enqueue_dma source(%arg11 : memref<128x128xf32, #tpu.memory_space<vmem>>) target(%dma_start3A_44 : memref<128x128xf32, #tpu.memory_space<hbm>>) target_semaphore(%run_scoped3A : memref<!tpu.dma_semaphore, #tpu.memory_space<semaphore_mem>>)
      %dma_wait3A = arith.constant 0 : i32
      %dma_wait3A_45 = tpu.memref_slice %arg6[%arg0, %add3A_37, %dma_wait3A] : memref<2x10240x128xf32, #tpu.memory_space<hbm>> -> memref<1x128x128xf32, #tpu.memory_space<hbm>>
      %dma_wait3A_46 = tpu.memref_squeeze %dma_wait3A_45 : memref<1x128x128xf32, #tpu.memory_space<hbm>> -> memref<128x128xf32, #tpu.memory_space<hbm>>
      %dma_wait3A_47 = arith.constant 0 : i32
      %dma_wait3A_48 = tpu.memref_slice %arg6[%arg0, %add3A_37, %dma_wait3A_47] : memref<2x10240x128xf32, #tpu.memory_space<hbm>> -> memref<1x128x128xf32, #tpu.memory_space<hbm>>
      %dma_wait3A_49 = tpu.memref_squeeze %dma_wait3A_48 : memref<1x128x128xf32, #tpu.memory_space<hbm>> -> memref<128x128xf32, #tpu.memory_space<hbm>>
      tpu.wait_dma2 semaphore(%run_scoped3A : memref<!tpu.dma_semaphore, #tpu.memory_space<semaphore_mem>>) src(%arg11 : memref<128x128xf32, #tpu.memory_space<vmem>>) dst(%dma_wait3A_49 : memref<128x128xf32, #tpu.memory_space<hbm>>)
      tpu.yield
    }) : () -> ()
    %add3A_38 = arith.constant 512 : i32
    %add3A_39 = arith.addi %mul3A_0, %add3A_38 : i32
    "tpu.region"() ({
      %run_scoped3A = tpu.sem_alloc : memref<!tpu.dma_semaphore, #tpu.memory_space<semaphore_mem>>
      %dma_start3A = arith.constant 0 : i32
      %dma_start3A_40 = tpu.memref_slice %arg12[%add3A_39, %dma_start3A] : memref<10240x128xf32, #tpu.memory_space<vmem_shared>> -> memref<128x128xf32, #tpu.memory_space<vmem_shared>>
      %dma_start3A_41 = arith.constant 0 : i32
      %dma_start3A_42 = tpu.memref_slice %arg12[%add3A_39, %dma_start3A_41] : memref<10240x128xf32, #tpu.memory_space<vmem_shared>> -> memref<128x128xf32, #tpu.memory_space<vmem_shared>>
      tpu.enqueue_dma source(%dma_start3A_42 : memref<128x128xf32, #tpu.memory_space<vmem_shared>>) target(%arg11 : memref<128x128xf32, #tpu.memory_space<vmem>>) target_semaphore(%run_scoped3A : memref<!tpu.dma_semaphore, #tpu.memory_space<semaphore_mem>>)
      %dma_wait3A = arith.constant 0 : i32
      %dma_wait3A_43 = tpu.memref_slice %arg12[%add3A_39, %dma_wait3A] : memref<10240x128xf32, #tpu.memory_space<vmem_shared>> -> memref<128x128xf32, #tpu.memory_space<vmem_shared>>
      %dma_wait3A_44 = arith.constant 0 : i32
      %dma_wait3A_45 = tpu.memref_slice %arg12[%add3A_39, %dma_wait3A_44] : memref<10240x128xf32, #tpu.memory_space<vmem_shared>> -> memref<128x128xf32, #tpu.memory_space<vmem_shared>>
      tpu.wait_dma2 semaphore(%run_scoped3A : memref<!tpu.dma_semaphore, #tpu.memory_space<semaphore_mem>>) src(%dma_wait3A_45 : memref<128x128xf32, #tpu.memory_space<vmem_shared>>) dst(%arg11 : memref<128x128xf32, #tpu.memory_space<vmem>>)
      tpu.yield
    }) : () -> ()
    "tpu.region"() ({
      %run_scoped3A = tpu.sem_alloc : memref<!tpu.dma_semaphore, #tpu.memory_space<semaphore_mem>>
      %dma_start3A = arith.constant 0 : i32
      %dma_start3A_40 = tpu.memref_slice %arg6[%arg0, %add3A_39, %dma_start3A] : memref<2x10240x128xf32, #tpu.memory_space<hbm>> -> memref<1x128x128xf32, #tpu.memory_space<hbm>>
      %dma_start3A_41 = tpu.memref_squeeze %dma_start3A_40 : memref<1x128x128xf32, #tpu.memory_space<hbm>> -> memref<128x128xf32, #tpu.memory_space<hbm>>
      %dma_start3A_42 = arith.constant 0 : i32
      %dma_start3A_43 = tpu.memref_slice %arg6[%arg0, %add3A_39, %dma_start3A_42] : memref<2x10240x128xf32, #tpu.memory_space<hbm>> -> memref<1x128x128xf32, #tpu.memory_space<hbm>>
      %dma_start3A_44 = tpu.memref_squeeze %dma_start3A_43 : memref<1x128x128xf32, #tpu.memory_space<hbm>> -> memref<128x128xf32, #tpu.memory_space<hbm>>
      tpu.enqueue_dma source(%arg11 : memref<128x128xf32, #tpu.memory_space<vmem>>) target(%dma_start3A_44 : memref<128x128xf32, #tpu.memory_space<hbm>>) target_semaphore(%run_scoped3A : memref<!tpu.dma_semaphore, #tpu.memory_space<semaphore_mem>>)
      %dma_wait3A = arith.constant 0 : i32
      %dma_wait3A_45 = tpu.memref_slice %arg6[%arg0, %add3A_39, %dma_wait3A] : memref<2x10240x128xf32, #tpu.memory_space<hbm>> -> memref<1x128x128xf32, #tpu.memory_space<hbm>>
      %dma_wait3A_46 = tpu.memref_squeeze %dma_wait3A_45 : memref<1x128x128xf32, #tpu.memory_space<hbm>> -> memref<128x128xf32, #tpu.memory_space<hbm>>
      %dma_wait3A_47 = arith.constant 0 : i32
      %dma_wait3A_48 = tpu.memref_slice %arg6[%arg0, %add3A_39, %dma_wait3A_47] : memref<2x10240x128xf32, #tpu.memory_space<hbm>> -> memref<1x128x128xf32, #tpu.memory_space<hbm>>
      %dma_wait3A_49 = tpu.memref_squeeze %dma_wait3A_48 : memref<1x128x128xf32, #tpu.memory_space<hbm>> -> memref<128x128xf32, #tpu.memory_space<hbm>>
      tpu.wait_dma2 semaphore(%run_scoped3A : memref<!tpu.dma_semaphore, #tpu.memory_space<semaphore_mem>>) src(%arg11 : memref<128x128xf32, #tpu.memory_space<vmem>>) dst(%dma_wait3A_49 : memref<128x128xf32, #tpu.memory_space<hbm>>)
      tpu.yield
    }) : () -> ()
    return
  }
}

#map = affine_map<(d0, d1) -> (0)>
#map1 = affine_map<(d0, d1) -> (0, 0)>
#map2 = affine_map<(d0, d1) -> (0, 0, 0)>
module attributes {stable_mosaic.version = 14 : i64} {
  func.func @_sc_body(%arg0: i32, %arg1: i32, %arg2: memref<192000xi32, #tpu.memory_space<hbm>>, %arg3: memref<192000xi32, #tpu.memory_space<hbm>>, %arg4: memref<192000x128xf32, #tpu.memory_space<hbm>>, %arg5: memref<10000x128xf32, #tpu.memory_space<hbm>>, %arg6: memref<2x10240x128xf32, #tpu.memory_space<hbm>>, %arg7: memref<80xi32, #tpu.memory_space<vmem>>, %arg8: memref<80xi32, #tpu.memory_space<vmem>>, %arg9: memref<80x128xf32, #tpu.memory_space<vmem>>, %arg10: memref<80x128xf32, #tpu.memory_space<vmem>>, %arg11: memref<128x128xf32, #tpu.memory_space<vmem>>, %arg12: memref<10240x128xf32, #tpu.memory_space<vmem_shared>>, %arg13: memref<!tpu.dma_semaphore, #tpu.memory_space<semaphore_mem>>) attributes {dimension_semantics = [#tpu.dimension_semantics<core_parallel>, #tpu.dimension_semantics<subcore_parallel>], iteration_bounds = array<i64: 2, 16>, scalar_prefetch = 0 : i64, scratch_operands = 7 : i64, tpu.core_type = #tpu.core_type<sc_vector_subcore>, window_params = [{transform_indices = #map}, {transform_indices = #map}, {transform_indices = #map1}, {transform_indices = #map1}, {transform_indices = #map2}]} {
    %mul3A = arith.constant 640 : i32
    %mul3A_0 = arith.muli %arg1, %mul3A : i32
    %broadcast_in_dim3A = arith.constant 0.000000e+00 : f32
    %broadcast_in_dim3A_1 = vector.broadcast %broadcast_in_dim3A : f32 to vector<16xf32>
    %scan3A = arith.constant 0 : i32
    %scan3A_2 = arith.constant 0 : i32
    %scan3A_3 = arith.constant 128 : i32
    %scan3A_4 = arith.addi %scan3A_2, %scan3A_3 : i32
    %scan3A_5 = arith.constant 1 : i32
    %scan3A_6 = scf.for %scan3A_40 = %scan3A_2 to %scan3A_4 step %scan3A_5 iter_args(%scan3A_41 = %scan3A) -> (i32)  : i32 {
      %swap3A = arith.index_cast %scan3A_40 : i32 to index
      %swap3A_42 = arith.constant 0 : index
      %swap3A_43 = tpu.vector_load %arg11[%swap3A, %swap3A_42] {strides = array<i32>} : memref<128x128xf32, #tpu.memory_space<vmem>>, vector<1x16xf32>,
      %swap3A_44 = vector.shape_cast %swap3A_43 : vector<1x16xf32> to vector<16xf32>
      %swap3A_45 = vector.shape_cast %broadcast_in_dim3A_1 : vector<16xf32> to vector<1x16xf32>
      tpu.vector_store %arg11[%swap3A, %swap3A_42], %swap3A_45 {strides = array<i32>} : memref<128x128xf32, #tpu.memory_space<vmem>>, vector<1x16xf32>,
      %swap3A_46 = arith.index_cast %scan3A_40 : i32 to index
      %swap3A_47 = arith.constant 16 : index
      %swap3A_48 = tpu.vector_load %arg11[%swap3A_46, %swap3A_47] {strides = array<i32>} : memref<128x128xf32, #tpu.memory_space<vmem>>, vector<1x16xf32>,
      %swap3A_49 = vector.shape_cast %swap3A_48 : vector<1x16xf32> to vector<16xf32>
      %swap3A_50 = vector.shape_cast %broadcast_in_dim3A_1 : vector<16xf32> to vector<1x16xf32>
      tpu.vector_store %arg11[%swap3A_46, %swap3A_47], %swap3A_50 {strides = array<i32>} : memref<128x128xf32, #tpu.memory_space<vmem>>, vector<1x16xf32>,
      %swap3A_51 = arith.index_cast %scan3A_40 : i32 to index
      %swap3A_52 = arith.constant 32 : index
      %swap3A_53 = tpu.vector_load %arg11[%swap3A_51, %swap3A_52] {strides = array<i32>} : memref<128x128xf32, #tpu.memory_space<vmem>>, vector<1x16xf32>,
      %swap3A_54 = vector.shape_cast %swap3A_53 : vector<1x16xf32> to vector<16xf32>
      %swap3A_55 = vector.shape_cast %broadcast_in_dim3A_1 : vector<16xf32> to vector<1x16xf32>
      tpu.vector_store %arg11[%swap3A_51, %swap3A_52], %swap3A_55 {strides = array<i32>} : memref<128x128xf32, #tpu.memory_space<vmem>>, vector<1x16xf32>,
      %swap3A_56 = arith.index_cast %scan3A_40 : i32 to index
      %swap3A_57 = arith.constant 48 : index
      %swap3A_58 = tpu.vector_load %arg11[%swap3A_56, %swap3A_57] {strides = array<i32>} : memref<128x128xf32, #tpu.memory_space<vmem>>, vector<1x16xf32>,
      %swap3A_59 = vector.shape_cast %swap3A_58 : vector<1x16xf32> to vector<16xf32>
      %swap3A_60 = vector.shape_cast %broadcast_in_dim3A_1 : vector<16xf32> to vector<1x16xf32>
      tpu.vector_store %arg11[%swap3A_56, %swap3A_57], %swap3A_60 {strides = array<i32>} : memref<128x128xf32, #tpu.memory_space<vmem>>, vector<1x16xf32>,
      %swap3A_61 = arith.index_cast %scan3A_40 : i32 to index
      %swap3A_62 = arith.constant 64 : index
      %swap3A_63 = tpu.vector_load %arg11[%swap3A_61, %swap3A_62] {strides = array<i32>} : memref<128x128xf32, #tpu.memory_space<vmem>>, vector<1x16xf32>,
      %swap3A_64 = vector.shape_cast %swap3A_63 : vector<1x16xf32> to vector<16xf32>
      %swap3A_65 = vector.shape_cast %broadcast_in_dim3A_1 : vector<16xf32> to vector<1x16xf32>
      tpu.vector_store %arg11[%swap3A_61, %swap3A_62], %swap3A_65 {strides = array<i32>} : memref<128x128xf32, #tpu.memory_space<vmem>>, vector<1x16xf32>,
      %swap3A_66 = arith.index_cast %scan3A_40 : i32 to index
      %swap3A_67 = arith.constant 80 : index
      %swap3A_68 = tpu.vector_load %arg11[%swap3A_66, %swap3A_67] {strides = array<i32>} : memref<128x128xf32, #tpu.memory_space<vmem>>, vector<1x16xf32>,
      %swap3A_69 = vector.shape_cast %swap3A_68 : vector<1x16xf32> to vector<16xf32>
      %swap3A_70 = vector.shape_cast %broadcast_in_dim3A_1 : vector<16xf32> to vector<1x16xf32>
      tpu.vector_store %arg11[%swap3A_66, %swap3A_67], %swap3A_70 {strides = array<i32>} : memref<128x128xf32, #tpu.memory_space<vmem>>, vector<1x16xf32>,
      %swap3A_71 = arith.index_cast %scan3A_40 : i32 to index
      %swap3A_72 = arith.constant 96 : index
      %swap3A_73 = tpu.vector_load %arg11[%swap3A_71, %swap3A_72] {strides = array<i32>} : memref<128x128xf32, #tpu.memory_space<vmem>>, vector<1x16xf32>,
      %swap3A_74 = vector.shape_cast %swap3A_73 : vector<1x16xf32> to vector<16xf32>
      %swap3A_75 = vector.shape_cast %broadcast_in_dim3A_1 : vector<16xf32> to vector<1x16xf32>
      tpu.vector_store %arg11[%swap3A_71, %swap3A_72], %swap3A_75 {strides = array<i32>} : memref<128x128xf32, #tpu.memory_space<vmem>>, vector<1x16xf32>,
      %swap3A_76 = arith.index_cast %scan3A_40 : i32 to index
      %swap3A_77 = arith.constant 112 : index
      %swap3A_78 = tpu.vector_load %arg11[%swap3A_76, %swap3A_77] {strides = array<i32>} : memref<128x128xf32, #tpu.memory_space<vmem>>, vector<1x16xf32>,
      %swap3A_79 = vector.shape_cast %swap3A_78 : vector<1x16xf32> to vector<16xf32>
      %swap3A_80 = vector.shape_cast %broadcast_in_dim3A_1 : vector<16xf32> to vector<1x16xf32>
      tpu.vector_store %arg11[%swap3A_76, %swap3A_77], %swap3A_80 {strides = array<i32>} : memref<128x128xf32, #tpu.memory_space<vmem>>, vector<1x16xf32>,
      %scan3A_81 = arith.constant 0 : i32
      scf.yield %scan3A_81 : i32
    }
    %scan3A_7 = arith.constant 128 : i32
    %add3A = arith.constant 0 : i32
    %add3A_8 = arith.addi %mul3A_0, %add3A : i32
    "tpu.region"() ({
      %run_scoped3A = tpu.sem_alloc : memref<!tpu.dma_semaphore, #tpu.memory_space<semaphore_mem>>
      %dma_start3A = arith.constant 0 : i32
      %dma_start3A_40 = tpu.memref_slice %arg12[%add3A_8, %dma_start3A] : memref<10240x128xf32, #tpu.memory_space<vmem_shared>> -> memref<128x128xf32, #tpu.memory_space<vmem_shared>>
      %dma_start3A_41 = arith.constant 0 : i32
      %dma_start3A_42 = tpu.memref_slice %arg12[%add3A_8, %dma_start3A_41] : memref<10240x128xf32, #tpu.memory_space<vmem_shared>> -> memref<128x128xf32, #tpu.memory_space<vmem_shared>>
      tpu.enqueue_dma source(%arg11 : memref<128x128xf32, #tpu.memory_space<vmem>>) target(%dma_start3A_42 : memref<128x128xf32, #tpu.memory_space<vmem_shared>>) target_semaphore(%run_scoped3A : memref<!tpu.dma_semaphore, #tpu.memory_space<semaphore_mem>>)
      %dma_wait3A = arith.constant 0 : i32
      %dma_wait3A_43 = tpu.memref_slice %arg12[%add3A_8, %dma_wait3A] : memref<10240x128xf32, #tpu.memory_space<vmem_shared>> -> memref<128x128xf32, #tpu.memory_space<vmem_shared>>
      %dma_wait3A_44 = arith.constant 0 : i32
      %dma_wait3A_45 = tpu.memref_slice %arg12[%add3A_8, %dma_wait3A_44] : memref<10240x128xf32, #tpu.memory_space<vmem_shared>> -> memref<128x128xf32, #tpu.memory_space<vmem_shared>>
      tpu.wait_dma2 semaphore(%run_scoped3A : memref<!tpu.dma_semaphore, #tpu.memory_space<semaphore_mem>>) src(%arg11 : memref<128x128xf32, #tpu.memory_space<vmem>>) dst(%dma_wait3A_45 : memref<128x128xf32, #tpu.memory_space<vmem_shared>>)
      tpu.yield
    }) : () -> ()
    %add3A_9 = arith.constant 128 : i32
    %add3A_10 = arith.addi %mul3A_0, %add3A_9 : i32
    "tpu.region"() ({
      %run_scoped3A = tpu.sem_alloc : memref<!tpu.dma_semaphore, #tpu.memory_space<semaphore_mem>>
      %dma_start3A = arith.constant 0 : i32
      %dma_start3A_40 = tpu.memref_slice %arg12[%add3A_10, %dma_start3A] : memref<10240x128xf32, #tpu.memory_space<vmem_shared>> -> memref<128x128xf32, #tpu.memory_space<vmem_shared>>
      %dma_start3A_41 = arith.constant 0 : i32
      %dma_start3A_42 = tpu.memref_slice %arg12[%add3A_10, %dma_start3A_41] : memref<10240x128xf32, #tpu.memory_space<vmem_shared>> -> memref<128x128xf32, #tpu.memory_space<vmem_shared>>
      tpu.enqueue_dma source(%arg11 : memref<128x128xf32, #tpu.memory_space<vmem>>) target(%dma_start3A_42 : memref<128x128xf32, #tpu.memory_space<vmem_shared>>) target_semaphore(%run_scoped3A : memref<!tpu.dma_semaphore, #tpu.memory_space<semaphore_mem>>)
      %dma_wait3A = arith.constant 0 : i32
      %dma_wait3A_43 = tpu.memref_slice %arg12[%add3A_10, %dma_wait3A] : memref<10240x128xf32, #tpu.memory_space<vmem_shared>> -> memref<128x128xf32, #tpu.memory_space<vmem_shared>>
      %dma_wait3A_44 = arith.constant 0 : i32
      %dma_wait3A_45 = tpu.memref_slice %arg12[%add3A_10, %dma_wait3A_44] : memref<10240x128xf32, #tpu.memory_space<vmem_shared>> -> memref<128x128xf32, #tpu.memory_space<vmem_shared>>
      tpu.wait_dma2 semaphore(%run_scoped3A : memref<!tpu.dma_semaphore, #tpu.memory_space<semaphore_mem>>) src(%arg11 : memref<128x128xf32, #tpu.memory_space<vmem>>) dst(%dma_wait3A_45 : memref<128x128xf32, #tpu.memory_space<vmem_shared>>)
      tpu.yield
    }) : () -> ()
    %add3A_11 = arith.constant 256 : i32
    %add3A_12 = arith.addi %mul3A_0, %add3A_11 : i32
    "tpu.region"() ({
      %run_scoped3A = tpu.sem_alloc : memref<!tpu.dma_semaphore, #tpu.memory_space<semaphore_mem>>
      %dma_start3A = arith.constant 0 : i32
      %dma_start3A_40 = tpu.memref_slice %arg12[%add3A_12, %dma_start3A] : memref<10240x128xf32, #tpu.memory_space<vmem_shared>> -> memref<128x128xf32, #tpu.memory_space<vmem_shared>>
      %dma_start3A_41 = arith.constant 0 : i32
      %dma_start3A_42 = tpu.memref_slice %arg12[%add3A_12, %dma_start3A_41] : memref<10240x128xf32, #tpu.memory_space<vmem_shared>> -> memref<128x128xf32, #tpu.memory_space<vmem_shared>>
      tpu.enqueue_dma source(%arg11 : memref<128x128xf32, #tpu.memory_space<vmem>>) target(%dma_start3A_42 : memref<128x128xf32, #tpu.memory_space<vmem_shared>>) target_semaphore(%run_scoped3A : memref<!tpu.dma_semaphore, #tpu.memory_space<semaphore_mem>>)
      %dma_wait3A = arith.constant 0 : i32
      %dma_wait3A_43 = tpu.memref_slice %arg12[%add3A_12, %dma_wait3A] : memref<10240x128xf32, #tpu.memory_space<vmem_shared>> -> memref<128x128xf32, #tpu.memory_space<vmem_shared>>
      %dma_wait3A_44 = arith.constant 0 : i32
      %dma_wait3A_45 = tpu.memref_slice %arg12[%add3A_12, %dma_wait3A_44] : memref<10240x128xf32, #tpu.memory_space<vmem_shared>> -> memref<128x128xf32, #tpu.memory_space<vmem_shared>>
      tpu.wait_dma2 semaphore(%run_scoped3A : memref<!tpu.dma_semaphore, #tpu.memory_space<semaphore_mem>>) src(%arg11 : memref<128x128xf32, #tpu.memory_space<vmem>>) dst(%dma_wait3A_45 : memref<128x128xf32, #tpu.memory_space<vmem_shared>>)
      tpu.yield
    }) : () -> ()
    %add3A_13 = arith.constant 384 : i32
    %add3A_14 = arith.addi %mul3A_0, %add3A_13 : i32
    "tpu.region"() ({
      %run_scoped3A = tpu.sem_alloc : memref<!tpu.dma_semaphore, #tpu.memory_space<semaphore_mem>>
      %dma_start3A = arith.constant 0 : i32
      %dma_start3A_40 = tpu.memref_slice %arg12[%add3A_14, %dma_start3A] : memref<10240x128xf32, #tpu.memory_space<vmem_shared>> -> memref<128x128xf32, #tpu.memory_space<vmem_shared>>
      %dma_start3A_41 = arith.constant 0 : i32
      %dma_start3A_42 = tpu.memref_slice %arg12[%add3A_14, %dma_start3A_41] : memref<10240x128xf32, #tpu.memory_space<vmem_shared>> -> memref<128x128xf32, #tpu.memory_space<vmem_shared>>
      tpu.enqueue_dma source(%arg11 : memref<128x128xf32, #tpu.memory_space<vmem>>) target(%dma_start3A_42 : memref<128x128xf32, #tpu.memory_space<vmem_shared>>) target_semaphore(%run_scoped3A : memref<!tpu.dma_semaphore, #tpu.memory_space<semaphore_mem>>)
      %dma_wait3A = arith.constant 0 : i32
      %dma_wait3A_43 = tpu.memref_slice %arg12[%add3A_14, %dma_wait3A] : memref<10240x128xf32, #tpu.memory_space<vmem_shared>> -> memref<128x128xf32, #tpu.memory_space<vmem_shared>>
      %dma_wait3A_44 = arith.constant 0 : i32
      %dma_wait3A_45 = tpu.memref_slice %arg12[%add3A_14, %dma_wait3A_44] : memref<10240x128xf32, #tpu.memory_space<vmem_shared>> -> memref<128x128xf32, #tpu.memory_space<vmem_shared>>
      tpu.wait_dma2 semaphore(%run_scoped3A : memref<!tpu.dma_semaphore, #tpu.memory_space<semaphore_mem>>) src(%arg11 : memref<128x128xf32, #tpu.memory_space<vmem>>) dst(%dma_wait3A_45 : memref<128x128xf32, #tpu.memory_space<vmem_shared>>)
      tpu.yield
    }) : () -> ()
    %add3A_15 = arith.constant 512 : i32
    %add3A_16 = arith.addi %mul3A_0, %add3A_15 : i32
    "tpu.region"() ({
      %run_scoped3A = tpu.sem_alloc : memref<!tpu.dma_semaphore, #tpu.memory_space<semaphore_mem>>
      %dma_start3A = arith.constant 0 : i32
      %dma_start3A_40 = tpu.memref_slice %arg12[%add3A_16, %dma_start3A] : memref<10240x128xf32, #tpu.memory_space<vmem_shared>> -> memref<128x128xf32, #tpu.memory_space<vmem_shared>>
      %dma_start3A_41 = arith.constant 0 : i32
      %dma_start3A_42 = tpu.memref_slice %arg12[%add3A_16, %dma_start3A_41] : memref<10240x128xf32, #tpu.memory_space<vmem_shared>> -> memref<128x128xf32, #tpu.memory_space<vmem_shared>>
      tpu.enqueue_dma source(%arg11 : memref<128x128xf32, #tpu.memory_space<vmem>>) target(%dma_start3A_42 : memref<128x128xf32, #tpu.memory_space<vmem_shared>>) target_semaphore(%run_scoped3A : memref<!tpu.dma_semaphore, #tpu.memory_space<semaphore_mem>>)
      %dma_wait3A = arith.constant 0 : i32
      %dma_wait3A_43 = tpu.memref_slice %arg12[%add3A_16, %dma_wait3A] : memref<10240x128xf32, #tpu.memory_space<vmem_shared>> -> memref<128x128xf32, #tpu.memory_space<vmem_shared>>
      %dma_wait3A_44 = arith.constant 0 : i32
      %dma_wait3A_45 = tpu.memref_slice %arg12[%add3A_16, %dma_wait3A_44] : memref<10240x128xf32, #tpu.memory_space<vmem_shared>> -> memref<128x128xf32, #tpu.memory_space<vmem_shared>>
      tpu.wait_dma2 semaphore(%run_scoped3A : memref<!tpu.dma_semaphore, #tpu.memory_space<semaphore_mem>>) src(%arg11 : memref<128x128xf32, #tpu.memory_space<vmem>>) dst(%dma_wait3A_45 : memref<128x128xf32, #tpu.memory_space<vmem_shared>>)
      tpu.yield
    }) : () -> ()
    %barrier3A = arith.constant 0 : index
    tpu.barrier barrier_id(%barrier3A)
    %mul3A_17 = arith.constant 2 : i32
    %mul3A_18 = arith.muli %arg1, %mul3A_17 : i32
    %add3A_19 = arith.addi %mul3A_18, %arg0 : i32
    %mul3A_20 = arith.constant 6000 : i32
    %mul3A_21 = arith.muli %add3A_19, %mul3A_20 : i32
    %scan3A_22 = arith.constant 0 : i32
    %scan3A_23 = arith.constant 0 : i32
    %scan3A_24 = arith.constant 75 : i32
    %scan3A_25 = arith.addi %scan3A_23, %scan3A_24 : i32
    %scan3A_26 = arith.constant 1 : i32
    %scan3A_27 = scf.for %scan3A_40 = %scan3A_23 to %scan3A_25 step %scan3A_26 iter_args(%scan3A_41 = %scan3A_22) -> (i32)  : i32 {
      %mul3A_42 = arith.constant 80 : i32
      %mul3A_43 = arith.muli %scan3A_40, %mul3A_42 : i32
      %add3A_44 = arith.addi %mul3A_21, %mul3A_43 : i32
      "tpu.region"() ({
        %run_scoped3A = tpu.sem_alloc : memref<!tpu.dma_semaphore, #tpu.memory_space<semaphore_mem>>
        %dma_start3A_57 = tpu.memref_slice %arg2[%add3A_44] : memref<192000xi32, #tpu.memory_space<hbm>> -> memref<80xi32, #tpu.memory_space<hbm>>
        %dma_start3A_58 = tpu.memref_slice %arg2[%add3A_44] : memref<192000xi32, #tpu.memory_space<hbm>> -> memref<80xi32, #tpu.memory_space<hbm>>
        tpu.enqueue_dma source(%dma_start3A_58 : memref<80xi32, #tpu.memory_space<hbm>>) target(%arg7 : memref<80xi32, #tpu.memory_space<vmem>>) target_semaphore(%run_scoped3A : memref<!tpu.dma_semaphore, #tpu.memory_space<semaphore_mem>>)
        %dma_wait3A_59 = tpu.memref_slice %arg2[%add3A_44] : memref<192000xi32, #tpu.memory_space<hbm>> -> memref<80xi32, #tpu.memory_space<hbm>>
        %dma_wait3A_60 = tpu.memref_slice %arg2[%add3A_44] : memref<192000xi32, #tpu.memory_space<hbm>> -> memref<80xi32, #tpu.memory_space<hbm>>
        tpu.wait_dma2 semaphore(%run_scoped3A : memref<!tpu.dma_semaphore, #tpu.memory_space<semaphore_mem>>) src(%dma_wait3A_60 : memref<80xi32, #tpu.memory_space<hbm>>) dst(%arg7 : memref<80xi32, #tpu.memory_space<vmem>>)
        tpu.yield
      }) : () -> ()
      "tpu.region"() ({
        %run_scoped3A = tpu.sem_alloc : memref<!tpu.dma_semaphore, #tpu.memory_space<semaphore_mem>>
        %dma_start3A_57 = tpu.memref_slice %arg3[%add3A_44] : memref<192000xi32, #tpu.memory_space<hbm>> -> memref<80xi32, #tpu.memory_space<hbm>>
        %dma_start3A_58 = tpu.memref_slice %arg3[%add3A_44] : memref<192000xi32, #tpu.memory_space<hbm>> -> memref<80xi32, #tpu.memory_space<hbm>>
        tpu.enqueue_dma source(%dma_start3A_58 : memref<80xi32, #tpu.memory_space<hbm>>) target(%arg8 : memref<80xi32, #tpu.memory_space<vmem>>) target_semaphore(%run_scoped3A : memref<!tpu.dma_semaphore, #tpu.memory_space<semaphore_mem>>)
        %dma_wait3A_59 = tpu.memref_slice %arg3[%add3A_44] : memref<192000xi32, #tpu.memory_space<hbm>> -> memref<80xi32, #tpu.memory_space<hbm>>
        %dma_wait3A_60 = tpu.memref_slice %arg3[%add3A_44] : memref<192000xi32, #tpu.memory_space<hbm>> -> memref<80xi32, #tpu.memory_space<hbm>>
        tpu.wait_dma2 semaphore(%run_scoped3A : memref<!tpu.dma_semaphore, #tpu.memory_space<semaphore_mem>>) src(%dma_wait3A_60 : memref<80xi32, #tpu.memory_space<hbm>>) dst(%arg8 : memref<80xi32, #tpu.memory_space<vmem>>)
        tpu.yield
      }) : () -> ()
      "tpu.region"() ({
        %run_scoped3A = tpu.sem_alloc : memref<!tpu.dma_semaphore, #tpu.memory_space<semaphore_mem>>
        %dma_start3A_57 = arith.constant 0 : i32
        %dma_start3A_58 = tpu.memref_slice %arg4[%add3A_44, %dma_start3A_57] : memref<192000x128xf32, #tpu.memory_space<hbm>> -> memref<80x128xf32, #tpu.memory_space<hbm>>
        %dma_start3A_59 = arith.constant 0 : i32
        %dma_start3A_60 = tpu.memref_slice %arg4[%add3A_44, %dma_start3A_59] : memref<192000x128xf32, #tpu.memory_space<hbm>> -> memref<80x128xf32, #tpu.memory_space<hbm>>
        tpu.enqueue_dma source(%dma_start3A_60 : memref<80x128xf32, #tpu.memory_space<hbm>>) target(%arg9 : memref<80x128xf32, #tpu.memory_space<vmem>>) target_semaphore(%run_scoped3A : memref<!tpu.dma_semaphore, #tpu.memory_space<semaphore_mem>>)
        %dma_wait3A_61 = arith.constant 0 : i32
        %dma_wait3A_62 = tpu.memref_slice %arg4[%add3A_44, %dma_wait3A_61] : memref<192000x128xf32, #tpu.memory_space<hbm>> -> memref<80x128xf32, #tpu.memory_space<hbm>>
        %dma_wait3A_63 = arith.constant 0 : i32
        %dma_wait3A_64 = tpu.memref_slice %arg4[%add3A_44, %dma_wait3A_63] : memref<192000x128xf32, #tpu.memory_space<hbm>> -> memref<80x128xf32, #tpu.memory_space<hbm>>
        tpu.wait_dma2 semaphore(%run_scoped3A : memref<!tpu.dma_semaphore, #tpu.memory_space<semaphore_mem>>) src(%dma_wait3A_64 : memref<80x128xf32, #tpu.memory_space<hbm>>) dst(%arg9 : memref<80x128xf32, #tpu.memory_space<vmem>>)
        tpu.yield
      }) : () -> ()
      %dma_start3A = arith.constant 0 : i32
      %dma_start3A_45 = arith.constant 0 : i32
      %dma_start3A_46 = tpu.memref_slice %arg5[%dma_start3A, %dma_start3A_45] : memref<10000x128xf32, #tpu.memory_space<hbm>> -> memref<10000x128xf32, #tpu.memory_space<hbm>>
      tpu.enqueue_indirect_dma source(%dma_start3A_46 : memref<10000x128xf32, #tpu.memory_space<hbm>>) target(%arg10 : memref<80x128xf32, #tpu.memory_space<vmem>>) offsets(%arg7 : memref<80xi32, #tpu.memory_space<vmem>>) semaphore(%arg13 : memref<!tpu.dma_semaphore, #tpu.memory_space<semaphore_mem>>)
      %dma_wait3A = arith.constant 0 : i32
      %dma_wait3A_47 = arith.constant 0 : i32
      %dma_wait3A_48 = tpu.memref_slice %arg5[%dma_wait3A, %dma_wait3A_47] : memref<10000x128xf32, #tpu.memory_space<hbm>> -> memref<10000x128xf32, #tpu.memory_space<hbm>>
      tpu.wait_indirect_dma semaphore(%arg13 : memref<!tpu.dma_semaphore, #tpu.memory_space<semaphore_mem>>) src(%dma_wait3A_48 : memref<10000x128xf32, #tpu.memory_space<hbm>>) dst(%arg10 : memref<80x128xf32, #tpu.memory_space<vmem>>)
      %scan3A_49 = arith.constant 0 : i32
      %scan3A_50 = arith.constant 0 : i32
      %scan3A_51 = arith.constant 80 : i32
      %scan3A_52 = arith.addi %scan3A_50, %scan3A_51 : i32
      %scan3A_53 = arith.constant 1 : i32
      %scan3A_54 = scf.for %scan3A_57 = %scan3A_50 to %scan3A_52 step %scan3A_53 iter_args(%scan3A_58 = %scan3A_49) -> (i32)  : i32 {
        %get3A = arith.index_cast %scan3A_57 : i32 to index
        %get3A_59 = arith.constant 0 : index
        %get3A_60 = tpu.vector_load %arg10[%get3A, %get3A_59] {strides = array<i32>} : memref<80x128xf32, #tpu.memory_space<vmem>>, vector<1x16xf32>,
        %get3A_61 = vector.shape_cast %get3A_60 : vector<1x16xf32> to vector<16xf32>
        %get3A_62 = arith.index_cast %scan3A_57 : i32 to index
        %get3A_63 = arith.constant 0 : index
        %get3A_64 = tpu.vector_load %arg9[%get3A_62, %get3A_63] {strides = array<i32>} : memref<80x128xf32, #tpu.memory_space<vmem>>, vector<1x16xf32>,
        %get3A_65 = vector.shape_cast %get3A_64 : vector<1x16xf32> to vector<16xf32>
        %add3A_66 = arith.addf %get3A_61, %get3A_65 : vector<16xf32>
        %max3A = arith.constant 0.000000e+00 : f32
        %max3A_67 = vector.broadcast %max3A : f32 to vector<16xf32>
        %max3A_68 = arith.maximumf %add3A_66, %max3A_67 : vector<16xf32>
        %swap3A = arith.index_cast %scan3A_57 : i32 to index
        %swap3A_69 = arith.constant 0 : index
        %swap3A_70 = tpu.vector_load %arg10[%swap3A, %swap3A_69] {strides = array<i32>} : memref<80x128xf32, #tpu.memory_space<vmem>>, vector<1x16xf32>,
        %swap3A_71 = vector.shape_cast %swap3A_70 : vector<1x16xf32> to vector<16xf32>
        %swap3A_72 = vector.shape_cast %max3A_68 : vector<16xf32> to vector<1x16xf32>
        tpu.vector_store %arg10[%swap3A, %swap3A_69], %swap3A_72 {strides = array<i32>} : memref<80x128xf32, #tpu.memory_space<vmem>>, vector<1x16xf32>,
        %get3A_73 = arith.index_cast %scan3A_57 : i32 to index
        %get3A_74 = arith.constant 16 : index
        %get3A_75 = tpu.vector_load %arg10[%get3A_73, %get3A_74] {strides = array<i32>} : memref<80x128xf32, #tpu.memory_space<vmem>>, vector<1x16xf32>,
        %get3A_76 = vector.shape_cast %get3A_75 : vector<1x16xf32> to vector<16xf32>
        %get3A_77 = arith.index_cast %scan3A_57 : i32 to index
        %get3A_78 = arith.constant 16 : index
        %get3A_79 = tpu.vector_load %arg9[%get3A_77, %get3A_78] {strides = array<i32>} : memref<80x128xf32, #tpu.memory_space<vmem>>, vector<1x16xf32>,
        %get3A_80 = vector.shape_cast %get3A_79 : vector<1x16xf32> to vector<16xf32>
        %add3A_81 = arith.addf %get3A_76, %get3A_80 : vector<16xf32>
        %max3A_82 = arith.constant 0.000000e+00 : f32
        %max3A_83 = vector.broadcast %max3A_82 : f32 to vector<16xf32>
        %max3A_84 = arith.maximumf %add3A_81, %max3A_83 : vector<16xf32>
        %swap3A_85 = arith.index_cast %scan3A_57 : i32 to index
        %swap3A_86 = arith.constant 16 : index
        %swap3A_87 = tpu.vector_load %arg10[%swap3A_85, %swap3A_86] {strides = array<i32>} : memref<80x128xf32, #tpu.memory_space<vmem>>, vector<1x16xf32>,
        %swap3A_88 = vector.shape_cast %swap3A_87 : vector<1x16xf32> to vector<16xf32>
        %swap3A_89 = vector.shape_cast %max3A_84 : vector<16xf32> to vector<1x16xf32>
        tpu.vector_store %arg10[%swap3A_85, %swap3A_86], %swap3A_89 {strides = array<i32>} : memref<80x128xf32, #tpu.memory_space<vmem>>, vector<1x16xf32>,
        %get3A_90 = arith.index_cast %scan3A_57 : i32 to index
        %get3A_91 = arith.constant 32 : index
        %get3A_92 = tpu.vector_load %arg10[%get3A_90, %get3A_91] {strides = array<i32>} : memref<80x128xf32, #tpu.memory_space<vmem>>, vector<1x16xf32>,
        %get3A_93 = vector.shape_cast %get3A_92 : vector<1x16xf32> to vector<16xf32>
        %get3A_94 = arith.index_cast %scan3A_57 : i32 to index
        %get3A_95 = arith.constant 32 : index
        %get3A_96 = tpu.vector_load %arg9[%get3A_94, %get3A_95] {strides = array<i32>} : memref<80x128xf32, #tpu.memory_space<vmem>>, vector<1x16xf32>,
        %get3A_97 = vector.shape_cast %get3A_96 : vector<1x16xf32> to vector<16xf32>
        %add3A_98 = arith.addf %get3A_93, %get3A_97 : vector<16xf32>
        %max3A_99 = arith.constant 0.000000e+00 : f32
        %max3A_100 = vector.broadcast %max3A_99 : f32 to vector<16xf32>
        %max3A_101 = arith.maximumf %add3A_98, %max3A_100 : vector<16xf32>
        %swap3A_102 = arith.index_cast %scan3A_57 : i32 to index
        %swap3A_103 = arith.constant 32 : index
        %swap3A_104 = tpu.vector_load %arg10[%swap3A_102, %swap3A_103] {strides = array<i32>} : memref<80x128xf32, #tpu.memory_space<vmem>>, vector<1x16xf32>,
        %swap3A_105 = vector.shape_cast %swap3A_104 : vector<1x16xf32> to vector<16xf32>
        %swap3A_106 = vector.shape_cast %max3A_101 : vector<16xf32> to vector<1x16xf32>
        tpu.vector_store %arg10[%swap3A_102, %swap3A_103], %swap3A_106 {strides = array<i32>} : memref<80x128xf32, #tpu.memory_space<vmem>>, vector<1x16xf32>,
        %get3A_107 = arith.index_cast %scan3A_57 : i32 to index
        %get3A_108 = arith.constant 48 : index
        %get3A_109 = tpu.vector_load %arg10[%get3A_107, %get3A_108] {strides = array<i32>} : memref<80x128xf32, #tpu.memory_space<vmem>>, vector<1x16xf32>,
        %get3A_110 = vector.shape_cast %get3A_109 : vector<1x16xf32> to vector<16xf32>
        %get3A_111 = arith.index_cast %scan3A_57 : i32 to index
        %get3A_112 = arith.constant 48 : index
        %get3A_113 = tpu.vector_load %arg9[%get3A_111, %get3A_112] {strides = array<i32>} : memref<80x128xf32, #tpu.memory_space<vmem>>, vector<1x16xf32>,
        %get3A_114 = vector.shape_cast %get3A_113 : vector<1x16xf32> to vector<16xf32>
        %add3A_115 = arith.addf %get3A_110, %get3A_114 : vector<16xf32>
        %max3A_116 = arith.constant 0.000000e+00 : f32
        %max3A_117 = vector.broadcast %max3A_116 : f32 to vector<16xf32>
        %max3A_118 = arith.maximumf %add3A_115, %max3A_117 : vector<16xf32>
        %swap3A_119 = arith.index_cast %scan3A_57 : i32 to index
        %swap3A_120 = arith.constant 48 : index
        %swap3A_121 = tpu.vector_load %arg10[%swap3A_119, %swap3A_120] {strides = array<i32>} : memref<80x128xf32, #tpu.memory_space<vmem>>, vector<1x16xf32>,
        %swap3A_122 = vector.shape_cast %swap3A_121 : vector<1x16xf32> to vector<16xf32>
        %swap3A_123 = vector.shape_cast %max3A_118 : vector<16xf32> to vector<1x16xf32>
        tpu.vector_store %arg10[%swap3A_119, %swap3A_120], %swap3A_123 {strides = array<i32>} : memref<80x128xf32, #tpu.memory_space<vmem>>, vector<1x16xf32>,
        %get3A_124 = arith.index_cast %scan3A_57 : i32 to index
        %get3A_125 = arith.constant 64 : index
        %get3A_126 = tpu.vector_load %arg10[%get3A_124, %get3A_125] {strides = array<i32>} : memref<80x128xf32, #tpu.memory_space<vmem>>, vector<1x16xf32>,
        %get3A_127 = vector.shape_cast %get3A_126 : vector<1x16xf32> to vector<16xf32>
        %get3A_128 = arith.index_cast %scan3A_57 : i32 to index
        %get3A_129 = arith.constant 64 : index
        %get3A_130 = tpu.vector_load %arg9[%get3A_128, %get3A_129] {strides = array<i32>} : memref<80x128xf32, #tpu.memory_space<vmem>>, vector<1x16xf32>,
        %get3A_131 = vector.shape_cast %get3A_130 : vector<1x16xf32> to vector<16xf32>
        %add3A_132 = arith.addf %get3A_127, %get3A_131 : vector<16xf32>
        %max3A_133 = arith.constant 0.000000e+00 : f32
        %max3A_134 = vector.broadcast %max3A_133 : f32 to vector<16xf32>
        %max3A_135 = arith.maximumf %add3A_132, %max3A_134 : vector<16xf32>
        %swap3A_136 = arith.index_cast %scan3A_57 : i32 to index
        %swap3A_137 = arith.constant 64 : index
        %swap3A_138 = tpu.vector_load %arg10[%swap3A_136, %swap3A_137] {strides = array<i32>} : memref<80x128xf32, #tpu.memory_space<vmem>>, vector<1x16xf32>,
        %swap3A_139 = vector.shape_cast %swap3A_138 : vector<1x16xf32> to vector<16xf32>
        %swap3A_140 = vector.shape_cast %max3A_135 : vector<16xf32> to vector<1x16xf32>
        tpu.vector_store %arg10[%swap3A_136, %swap3A_137], %swap3A_140 {strides = array<i32>} : memref<80x128xf32, #tpu.memory_space<vmem>>, vector<1x16xf32>,
        %get3A_141 = arith.index_cast %scan3A_57 : i32 to index
        %get3A_142 = arith.constant 80 : index
        %get3A_143 = tpu.vector_load %arg10[%get3A_141, %get3A_142] {strides = array<i32>} : memref<80x128xf32, #tpu.memory_space<vmem>>, vector<1x16xf32>,
        %get3A_144 = vector.shape_cast %get3A_143 : vector<1x16xf32> to vector<16xf32>
        %get3A_145 = arith.index_cast %scan3A_57 : i32 to index
        %get3A_146 = arith.constant 80 : index
        %get3A_147 = tpu.vector_load %arg9[%get3A_145, %get3A_146] {strides = array<i32>} : memref<80x128xf32, #tpu.memory_space<vmem>>, vector<1x16xf32>,
        %get3A_148 = vector.shape_cast %get3A_147 : vector<1x16xf32> to vector<16xf32>
        %add3A_149 = arith.addf %get3A_144, %get3A_148 : vector<16xf32>
        %max3A_150 = arith.constant 0.000000e+00 : f32
        %max3A_151 = vector.broadcast %max3A_150 : f32 to vector<16xf32>
        %max3A_152 = arith.maximumf %add3A_149, %max3A_151 : vector<16xf32>
        %swap3A_153 = arith.index_cast %scan3A_57 : i32 to index
        %swap3A_154 = arith.constant 80 : index
        %swap3A_155 = tpu.vector_load %arg10[%swap3A_153, %swap3A_154] {strides = array<i32>} : memref<80x128xf32, #tpu.memory_space<vmem>>, vector<1x16xf32>,
        %swap3A_156 = vector.shape_cast %swap3A_155 : vector<1x16xf32> to vector<16xf32>
        %swap3A_157 = vector.shape_cast %max3A_152 : vector<16xf32> to vector<1x16xf32>
        tpu.vector_store %arg10[%swap3A_153, %swap3A_154], %swap3A_157 {strides = array<i32>} : memref<80x128xf32, #tpu.memory_space<vmem>>, vector<1x16xf32>,
        %get3A_158 = arith.index_cast %scan3A_57 : i32 to index
        %get3A_159 = arith.constant 96 : index
        %get3A_160 = tpu.vector_load %arg10[%get3A_158, %get3A_159] {strides = array<i32>} : memref<80x128xf32, #tpu.memory_space<vmem>>, vector<1x16xf32>,
        %get3A_161 = vector.shape_cast %get3A_160 : vector<1x16xf32> to vector<16xf32>
        %get3A_162 = arith.index_cast %scan3A_57 : i32 to index
        %get3A_163 = arith.constant 96 : index
        %get3A_164 = tpu.vector_load %arg9[%get3A_162, %get3A_163] {strides = array<i32>} : memref<80x128xf32, #tpu.memory_space<vmem>>, vector<1x16xf32>,
        %get3A_165 = vector.shape_cast %get3A_164 : vector<1x16xf32> to vector<16xf32>
        %add3A_166 = arith.addf %get3A_161, %get3A_165 : vector<16xf32>
        %max3A_167 = arith.constant 0.000000e+00 : f32
        %max3A_168 = vector.broadcast %max3A_167 : f32 to vector<16xf32>
        %max3A_169 = arith.maximumf %add3A_166, %max3A_168 : vector<16xf32>
        %swap3A_170 = arith.index_cast %scan3A_57 : i32 to index
        %swap3A_171 = arith.constant 96 : index
        %swap3A_172 = tpu.vector_load %arg10[%swap3A_170, %swap3A_171] {strides = array<i32>} : memref<80x128xf32, #tpu.memory_space<vmem>>, vector<1x16xf32>,
        %swap3A_173 = vector.shape_cast %swap3A_172 : vector<1x16xf32> to vector<16xf32>
        %swap3A_174 = vector.shape_cast %max3A_169 : vector<16xf32> to vector<1x16xf32>
        tpu.vector_store %arg10[%swap3A_170, %swap3A_171], %swap3A_174 {strides = array<i32>} : memref<80x128xf32, #tpu.memory_space<vmem>>, vector<1x16xf32>,
        %get3A_175 = arith.index_cast %scan3A_57 : i32 to index
        %get3A_176 = arith.constant 112 : index
        %get3A_177 = tpu.vector_load %arg10[%get3A_175, %get3A_176] {strides = array<i32>} : memref<80x128xf32, #tpu.memory_space<vmem>>, vector<1x16xf32>,
        %get3A_178 = vector.shape_cast %get3A_177 : vector<1x16xf32> to vector<16xf32>
        %get3A_179 = arith.index_cast %scan3A_57 : i32 to index
        %get3A_180 = arith.constant 112 : index
        %get3A_181 = tpu.vector_load %arg9[%get3A_179, %get3A_180] {strides = array<i32>} : memref<80x128xf32, #tpu.memory_space<vmem>>, vector<1x16xf32>,
        %get3A_182 = vector.shape_cast %get3A_181 : vector<1x16xf32> to vector<16xf32>
        %add3A_183 = arith.addf %get3A_178, %get3A_182 : vector<16xf32>
        %max3A_184 = arith.constant 0.000000e+00 : f32
        %max3A_185 = vector.broadcast %max3A_184 : f32 to vector<16xf32>
        %max3A_186 = arith.maximumf %add3A_183, %max3A_185 : vector<16xf32>
        %swap3A_187 = arith.index_cast %scan3A_57 : i32 to index
        %swap3A_188 = arith.constant 112 : index
        %swap3A_189 = tpu.vector_load %arg10[%swap3A_187, %swap3A_188] {strides = array<i32>} : memref<80x128xf32, #tpu.memory_space<vmem>>, vector<1x16xf32>,
        %swap3A_190 = vector.shape_cast %swap3A_189 : vector<1x16xf32> to vector<16xf32>
        %swap3A_191 = vector.shape_cast %max3A_186 : vector<16xf32> to vector<1x16xf32>
        tpu.vector_store %arg10[%swap3A_187, %swap3A_188], %swap3A_191 {strides = array<i32>} : memref<80x128xf32, #tpu.memory_space<vmem>>, vector<1x16xf32>,
        %scan3A_192 = arith.constant 0 : i32
        scf.yield %scan3A_192 : i32
      }
      %scan3A_55 = arith.constant 80 : i32
      "tpu.region"() ({
        %run_scoped3A = tpu.sem_alloc : memref<!tpu.dma_semaphore, #tpu.memory_space<semaphore_mem>>
        %dma_start3A_57 = arith.constant 0 : i32
        %dma_start3A_58 = arith.constant 0 : i32
        %dma_start3A_59 = tpu.memref_slice %arg12[%dma_start3A_57, %dma_start3A_58] : memref<10240x128xf32, #tpu.memory_space<vmem_shared>> -> memref<10240x128xf32, #tpu.memory_space<vmem_shared>>
        tpu.enqueue_indirect_dma source(%arg10 : memref<80x128xf32, #tpu.memory_space<vmem>>) target(%dma_start3A_59 : memref<10240x128xf32, #tpu.memory_space<vmem_shared>>) offsets(%arg8 : memref<80xi32, #tpu.memory_space<vmem>>) semaphore(%run_scoped3A : memref<!tpu.dma_semaphore, #tpu.memory_space<semaphore_mem>>) {add = true}
        %dma_wait3A_60 = arith.constant 0 : i32
        %dma_wait3A_61 = arith.constant 0 : i32
        %dma_wait3A_62 = tpu.memref_slice %arg12[%dma_wait3A_60, %dma_wait3A_61] : memref<10240x128xf32, #tpu.memory_space<vmem_shared>> -> memref<10240x128xf32, #tpu.memory_space<vmem_shared>>
        tpu.wait_indirect_dma semaphore(%run_scoped3A : memref<!tpu.dma_semaphore, #tpu.memory_space<semaphore_mem>>) src(%arg10 : memref<80x128xf32, #tpu.memory_space<vmem>>) dst(%dma_wait3A_62 : memref<10240x128xf32, #tpu.memory_space<vmem_shared>>)
        tpu.yield
      }) : () -> ()
      %scan3A_56 = arith.constant 0 : i32
      scf.yield %scan3A_56 : i32
    }
    %scan3A_28 = arith.constant 75 : i32
    %barrier3A_29 = arith.constant 0 : index
    tpu.barrier barrier_id(%barrier3A_29)
    %add3A_30 = arith.constant 0 : i32
    %add3A_31 = arith.addi %mul3A_0, %add3A_30 : i32
    "tpu.region"() ({
      %run_scoped3A = tpu.sem_alloc : memref<!tpu.dma_semaphore, #tpu.memory_space<semaphore_mem>>
      %dma_start3A = arith.constant 0 : i32
      %dma_start3A_40 = tpu.memref_slice %arg12[%add3A_31, %dma_start3A] : memref<10240x128xf32, #tpu.memory_space<vmem_shared>> -> memref<128x128xf32, #tpu.memory_space<vmem_shared>>
      %dma_start3A_41 = arith.constant 0 : i32
      %dma_start3A_42 = tpu.memref_slice %arg12[%add3A_31, %dma_start3A_41] : memref<10240x128xf32, #tpu.memory_space<vmem_shared>> -> memref<128x128xf32, #tpu.memory_space<vmem_shared>>
      tpu.enqueue_dma source(%dma_start3A_42 : memref<128x128xf32, #tpu.memory_space<vmem_shared>>) target(%arg11 : memref<128x128xf32, #tpu.memory_space<vmem>>) target_semaphore(%run_scoped3A : memref<!tpu.dma_semaphore, #tpu.memory_space<semaphore_mem>>)
      %dma_wait3A = arith.constant 0 : i32
      %dma_wait3A_43 = tpu.memref_slice %arg12[%add3A_31, %dma_wait3A] : memref<10240x128xf32, #tpu.memory_space<vmem_shared>> -> memref<128x128xf32, #tpu.memory_space<vmem_shared>>
      %dma_wait3A_44 = arith.constant 0 : i32
      %dma_wait3A_45 = tpu.memref_slice %arg12[%add3A_31, %dma_wait3A_44] : memref<10240x128xf32, #tpu.memory_space<vmem_shared>> -> memref<128x128xf32, #tpu.memory_space<vmem_shared>>
      tpu.wait_dma2 semaphore(%run_scoped3A : memref<!tpu.dma_semaphore, #tpu.memory_space<semaphore_mem>>) src(%dma_wait3A_45 : memref<128x128xf32, #tpu.memory_space<vmem_shared>>) dst(%arg11 : memref<128x128xf32, #tpu.memory_space<vmem>>)
      tpu.yield
    }) : () -> ()
    "tpu.region"() ({
      %run_scoped3A = tpu.sem_alloc : memref<!tpu.dma_semaphore, #tpu.memory_space<semaphore_mem>>
      %dma_start3A = arith.constant 0 : i32
      %dma_start3A_40 = tpu.memref_slice %arg6[%arg0, %add3A_31, %dma_start3A] : memref<2x10240x128xf32, #tpu.memory_space<hbm>> -> memref<1x128x128xf32, #tpu.memory_space<hbm>>
      %dma_start3A_41 = tpu.memref_squeeze %dma_start3A_40 : memref<1x128x128xf32, #tpu.memory_space<hbm>> -> memref<128x128xf32, #tpu.memory_space<hbm>>
      %dma_start3A_42 = arith.constant 0 : i32
      %dma_start3A_43 = tpu.memref_slice %arg6[%arg0, %add3A_31, %dma_start3A_42] : memref<2x10240x128xf32, #tpu.memory_space<hbm>> -> memref<1x128x128xf32, #tpu.memory_space<hbm>>
      %dma_start3A_44 = tpu.memref_squeeze %dma_start3A_43 : memref<1x128x128xf32, #tpu.memory_space<hbm>> -> memref<128x128xf32, #tpu.memory_space<hbm>>
      tpu.enqueue_dma source(%arg11 : memref<128x128xf32, #tpu.memory_space<vmem>>) target(%dma_start3A_44 : memref<128x128xf32, #tpu.memory_space<hbm>>) target_semaphore(%run_scoped3A : memref<!tpu.dma_semaphore, #tpu.memory_space<semaphore_mem>>)
      %dma_wait3A = arith.constant 0 : i32
      %dma_wait3A_45 = tpu.memref_slice %arg6[%arg0, %add3A_31, %dma_wait3A] : memref<2x10240x128xf32, #tpu.memory_space<hbm>> -> memref<1x128x128xf32, #tpu.memory_space<hbm>>
      %dma_wait3A_46 = tpu.memref_squeeze %dma_wait3A_45 : memref<1x128x128xf32, #tpu.memory_space<hbm>> -> memref<128x128xf32, #tpu.memory_space<hbm>>
      %dma_wait3A_47 = arith.constant 0 : i32
      %dma_wait3A_48 = tpu.memref_slice %arg6[%arg0, %add3A_31, %dma_wait3A_47] : memref<2x10240x128xf32, #tpu.memory_space<hbm>> -> memref<1x128x128xf32, #tpu.memory_space<hbm>>
      %dma_wait3A_49 = tpu.memref_squeeze %dma_wait3A_48 : memref<1x128x128xf32, #tpu.memory_space<hbm>> -> memref<128x128xf32, #tpu.memory_space<hbm>>
      tpu.wait_dma2 semaphore(%run_scoped3A : memref<!tpu.dma_semaphore, #tpu.memory_space<semaphore_mem>>) src(%arg11 : memref<128x128xf32, #tpu.memory_space<vmem>>) dst(%dma_wait3A_49 : memref<128x128xf32, #tpu.memory_space<hbm>>)
      tpu.yield
    }) : () -> ()
    %add3A_32 = arith.constant 128 : i32
    %add3A_33 = arith.addi %mul3A_0, %add3A_32 : i32
    "tpu.region"() ({
      %run_scoped3A = tpu.sem_alloc : memref<!tpu.dma_semaphore, #tpu.memory_space<semaphore_mem>>
      %dma_start3A = arith.constant 0 : i32
      %dma_start3A_40 = tpu.memref_slice %arg12[%add3A_33, %dma_start3A] : memref<10240x128xf32, #tpu.memory_space<vmem_shared>> -> memref<128x128xf32, #tpu.memory_space<vmem_shared>>
      %dma_start3A_41 = arith.constant 0 : i32
      %dma_start3A_42 = tpu.memref_slice %arg12[%add3A_33, %dma_start3A_41] : memref<10240x128xf32, #tpu.memory_space<vmem_shared>> -> memref<128x128xf32, #tpu.memory_space<vmem_shared>>
      tpu.enqueue_dma source(%dma_start3A_42 : memref<128x128xf32, #tpu.memory_space<vmem_shared>>) target(%arg11 : memref<128x128xf32, #tpu.memory_space<vmem>>) target_semaphore(%run_scoped3A : memref<!tpu.dma_semaphore, #tpu.memory_space<semaphore_mem>>)
      %dma_wait3A = arith.constant 0 : i32
      %dma_wait3A_43 = tpu.memref_slice %arg12[%add3A_33, %dma_wait3A] : memref<10240x128xf32, #tpu.memory_space<vmem_shared>> -> memref<128x128xf32, #tpu.memory_space<vmem_shared>>
      %dma_wait3A_44 = arith.constant 0 : i32
      %dma_wait3A_45 = tpu.memref_slice %arg12[%add3A_33, %dma_wait3A_44] : memref<10240x128xf32, #tpu.memory_space<vmem_shared>> -> memref<128x128xf32, #tpu.memory_space<vmem_shared>>
      tpu.wait_dma2 semaphore(%run_scoped3A : memref<!tpu.dma_semaphore, #tpu.memory_space<semaphore_mem>>) src(%dma_wait3A_45 : memref<128x128xf32, #tpu.memory_space<vmem_shared>>) dst(%arg11 : memref<128x128xf32, #tpu.memory_space<vmem>>)
      tpu.yield
    }) : () -> ()
    "tpu.region"() ({
      %run_scoped3A = tpu.sem_alloc : memref<!tpu.dma_semaphore, #tpu.memory_space<semaphore_mem>>
      %dma_start3A = arith.constant 0 : i32
      %dma_start3A_40 = tpu.memref_slice %arg6[%arg0, %add3A_33, %dma_start3A] : memref<2x10240x128xf32, #tpu.memory_space<hbm>> -> memref<1x128x128xf32, #tpu.memory_space<hbm>>
      %dma_start3A_41 = tpu.memref_squeeze %dma_start3A_40 : memref<1x128x128xf32, #tpu.memory_space<hbm>> -> memref<128x128xf32, #tpu.memory_space<hbm>>
      %dma_start3A_42 = arith.constant 0 : i32
      %dma_start3A_43 = tpu.memref_slice %arg6[%arg0, %add3A_33, %dma_start3A_42] : memref<2x10240x128xf32, #tpu.memory_space<hbm>> -> memref<1x128x128xf32, #tpu.memory_space<hbm>>
      %dma_start3A_44 = tpu.memref_squeeze %dma_start3A_43 : memref<1x128x128xf32, #tpu.memory_space<hbm>> -> memref<128x128xf32, #tpu.memory_space<hbm>>
      tpu.enqueue_dma source(%arg11 : memref<128x128xf32, #tpu.memory_space<vmem>>) target(%dma_start3A_44 : memref<128x128xf32, #tpu.memory_space<hbm>>) target_semaphore(%run_scoped3A : memref<!tpu.dma_semaphore, #tpu.memory_space<semaphore_mem>>)
      %dma_wait3A = arith.constant 0 : i32
      %dma_wait3A_45 = tpu.memref_slice %arg6[%arg0, %add3A_33, %dma_wait3A] : memref<2x10240x128xf32, #tpu.memory_space<hbm>> -> memref<1x128x128xf32, #tpu.memory_space<hbm>>
      %dma_wait3A_46 = tpu.memref_squeeze %dma_wait3A_45 : memref<1x128x128xf32, #tpu.memory_space<hbm>> -> memref<128x128xf32, #tpu.memory_space<hbm>>
      %dma_wait3A_47 = arith.constant 0 : i32
      %dma_wait3A_48 = tpu.memref_slice %arg6[%arg0, %add3A_33, %dma_wait3A_47] : memref<2x10240x128xf32, #tpu.memory_space<hbm>> -> memref<1x128x128xf32, #tpu.memory_space<hbm>>
      %dma_wait3A_49 = tpu.memref_squeeze %dma_wait3A_48 : memref<1x128x128xf32, #tpu.memory_space<hbm>> -> memref<128x128xf32, #tpu.memory_space<hbm>>
      tpu.wait_dma2 semaphore(%run_scoped3A : memref<!tpu.dma_semaphore, #tpu.memory_space<semaphore_mem>>) src(%arg11 : memref<128x128xf32, #tpu.memory_space<vmem>>) dst(%dma_wait3A_49 : memref<128x128xf32, #tpu.memory_space<hbm>>)
      tpu.yield
    }) : () -> ()
    %add3A_34 = arith.constant 256 : i32
    %add3A_35 = arith.addi %mul3A_0, %add3A_34 : i32
    "tpu.region"() ({
      %run_scoped3A = tpu.sem_alloc : memref<!tpu.dma_semaphore, #tpu.memory_space<semaphore_mem>>
      %dma_start3A = arith.constant 0 : i32
      %dma_start3A_40 = tpu.memref_slice %arg12[%add3A_35, %dma_start3A] : memref<10240x128xf32, #tpu.memory_space<vmem_shared>> -> memref<128x128xf32, #tpu.memory_space<vmem_shared>>
      %dma_start3A_41 = arith.constant 0 : i32
      %dma_start3A_42 = tpu.memref_slice %arg12[%add3A_35, %dma_start3A_41] : memref<10240x128xf32, #tpu.memory_space<vmem_shared>> -> memref<128x128xf32, #tpu.memory_space<vmem_shared>>
      tpu.enqueue_dma source(%dma_start3A_42 : memref<128x128xf32, #tpu.memory_space<vmem_shared>>) target(%arg11 : memref<128x128xf32, #tpu.memory_space<vmem>>) target_semaphore(%run_scoped3A : memref<!tpu.dma_semaphore, #tpu.memory_space<semaphore_mem>>)
      %dma_wait3A = arith.constant 0 : i32
      %dma_wait3A_43 = tpu.memref_slice %arg12[%add3A_35, %dma_wait3A] : memref<10240x128xf32, #tpu.memory_space<vmem_shared>> -> memref<128x128xf32, #tpu.memory_space<vmem_shared>>
      %dma_wait3A_44 = arith.constant 0 : i32
      %dma_wait3A_45 = tpu.memref_slice %arg12[%add3A_35, %dma_wait3A_44] : memref<10240x128xf32, #tpu.memory_space<vmem_shared>> -> memref<128x128xf32, #tpu.memory_space<vmem_shared>>
      tpu.wait_dma2 semaphore(%run_scoped3A : memref<!tpu.dma_semaphore, #tpu.memory_space<semaphore_mem>>) src(%dma_wait3A_45 : memref<128x128xf32, #tpu.memory_space<vmem_shared>>) dst(%arg11 : memref<128x128xf32, #tpu.memory_space<vmem>>)
      tpu.yield
    }) : () -> ()
    "tpu.region"() ({
      %run_scoped3A = tpu.sem_alloc : memref<!tpu.dma_semaphore, #tpu.memory_space<semaphore_mem>>
      %dma_start3A = arith.constant 0 : i32
      %dma_start3A_40 = tpu.memref_slice %arg6[%arg0, %add3A_35, %dma_start3A] : memref<2x10240x128xf32, #tpu.memory_space<hbm>> -> memref<1x128x128xf32, #tpu.memory_space<hbm>>
      %dma_start3A_41 = tpu.memref_squeeze %dma_start3A_40 : memref<1x128x128xf32, #tpu.memory_space<hbm>> -> memref<128x128xf32, #tpu.memory_space<hbm>>
      %dma_start3A_42 = arith.constant 0 : i32
      %dma_start3A_43 = tpu.memref_slice %arg6[%arg0, %add3A_35, %dma_start3A_42] : memref<2x10240x128xf32, #tpu.memory_space<hbm>> -> memref<1x128x128xf32, #tpu.memory_space<hbm>>
      %dma_start3A_44 = tpu.memref_squeeze %dma_start3A_43 : memref<1x128x128xf32, #tpu.memory_space<hbm>> -> memref<128x128xf32, #tpu.memory_space<hbm>>
      tpu.enqueue_dma source(%arg11 : memref<128x128xf32, #tpu.memory_space<vmem>>) target(%dma_start3A_44 : memref<128x128xf32, #tpu.memory_space<hbm>>) target_semaphore(%run_scoped3A : memref<!tpu.dma_semaphore, #tpu.memory_space<semaphore_mem>>)
      %dma_wait3A = arith.constant 0 : i32
      %dma_wait3A_45 = tpu.memref_slice %arg6[%arg0, %add3A_35, %dma_wait3A] : memref<2x10240x128xf32, #tpu.memory_space<hbm>> -> memref<1x128x128xf32, #tpu.memory_space<hbm>>
      %dma_wait3A_46 = tpu.memref_squeeze %dma_wait3A_45 : memref<1x128x128xf32, #tpu.memory_space<hbm>> -> memref<128x128xf32, #tpu.memory_space<hbm>>
      %dma_wait3A_47 = arith.constant 0 : i32
      %dma_wait3A_48 = tpu.memref_slice %arg6[%arg0, %add3A_35, %dma_wait3A_47] : memref<2x10240x128xf32, #tpu.memory_space<hbm>> -> memref<1x128x128xf32, #tpu.memory_space<hbm>>
      %dma_wait3A_49 = tpu.memref_squeeze %dma_wait3A_48 : memref<1x128x128xf32, #tpu.memory_space<hbm>> -> memref<128x128xf32, #tpu.memory_space<hbm>>
      tpu.wait_dma2 semaphore(%run_scoped3A : memref<!tpu.dma_semaphore, #tpu.memory_space<semaphore_mem>>) src(%arg11 : memref<128x128xf32, #tpu.memory_space<vmem>>) dst(%dma_wait3A_49 : memref<128x128xf32, #tpu.memory_space<hbm>>)
      tpu.yield
    }) : () -> ()
    %add3A_36 = arith.constant 384 : i32
    %add3A_37 = arith.addi %mul3A_0, %add3A_36 : i32
    "tpu.region"() ({
      %run_scoped3A = tpu.sem_alloc : memref<!tpu.dma_semaphore, #tpu.memory_space<semaphore_mem>>
      %dma_start3A = arith.constant 0 : i32
      %dma_start3A_40 = tpu.memref_slice %arg12[%add3A_37, %dma_start3A] : memref<10240x128xf32, #tpu.memory_space<vmem_shared>> -> memref<128x128xf32, #tpu.memory_space<vmem_shared>>
      %dma_start3A_41 = arith.constant 0 : i32
      %dma_start3A_42 = tpu.memref_slice %arg12[%add3A_37, %dma_start3A_41] : memref<10240x128xf32, #tpu.memory_space<vmem_shared>> -> memref<128x128xf32, #tpu.memory_space<vmem_shared>>
      tpu.enqueue_dma source(%dma_start3A_42 : memref<128x128xf32, #tpu.memory_space<vmem_shared>>) target(%arg11 : memref<128x128xf32, #tpu.memory_space<vmem>>) target_semaphore(%run_scoped3A : memref<!tpu.dma_semaphore, #tpu.memory_space<semaphore_mem>>)
      %dma_wait3A = arith.constant 0 : i32
      %dma_wait3A_43 = tpu.memref_slice %arg12[%add3A_37, %dma_wait3A] : memref<10240x128xf32, #tpu.memory_space<vmem_shared>> -> memref<128x128xf32, #tpu.memory_space<vmem_shared>>
      %dma_wait3A_44 = arith.constant 0 : i32
      %dma_wait3A_45 = tpu.memref_slice %arg12[%add3A_37, %dma_wait3A_44] : memref<10240x128xf32, #tpu.memory_space<vmem_shared>> -> memref<128x128xf32, #tpu.memory_space<vmem_shared>>
      tpu.wait_dma2 semaphore(%run_scoped3A : memref<!tpu.dma_semaphore, #tpu.memory_space<semaphore_mem>>) src(%dma_wait3A_45 : memref<128x128xf32, #tpu.memory_space<vmem_shared>>) dst(%arg11 : memref<128x128xf32, #tpu.memory_space<vmem>>)
      tpu.yield
    }) : () -> ()
    "tpu.region"() ({
      %run_scoped3A = tpu.sem_alloc : memref<!tpu.dma_semaphore, #tpu.memory_space<semaphore_mem>>
      %dma_start3A = arith.constant 0 : i32
      %dma_start3A_40 = tpu.memref_slice %arg6[%arg0, %add3A_37, %dma_start3A] : memref<2x10240x128xf32, #tpu.memory_space<hbm>> -> memref<1x128x128xf32, #tpu.memory_space<hbm>>
      %dma_start3A_41 = tpu.memref_squeeze %dma_start3A_40 : memref<1x128x128xf32, #tpu.memory_space<hbm>> -> memref<128x128xf32, #tpu.memory_space<hbm>>
      %dma_start3A_42 = arith.constant 0 : i32
      %dma_start3A_43 = tpu.memref_slice %arg6[%arg0, %add3A_37, %dma_start3A_42] : memref<2x10240x128xf32, #tpu.memory_space<hbm>> -> memref<1x128x128xf32, #tpu.memory_space<hbm>>
      %dma_start3A_44 = tpu.memref_squeeze %dma_start3A_43 : memref<1x128x128xf32, #tpu.memory_space<hbm>> -> memref<128x128xf32, #tpu.memory_space<hbm>>
      tpu.enqueue_dma source(%arg11 : memref<128x128xf32, #tpu.memory_space<vmem>>) target(%dma_start3A_44 : memref<128x128xf32, #tpu.memory_space<hbm>>) target_semaphore(%run_scoped3A : memref<!tpu.dma_semaphore, #tpu.memory_space<semaphore_mem>>)
      %dma_wait3A = arith.constant 0 : i32
      %dma_wait3A_45 = tpu.memref_slice %arg6[%arg0, %add3A_37, %dma_wait3A] : memref<2x10240x128xf32, #tpu.memory_space<hbm>> -> memref<1x128x128xf32, #tpu.memory_space<hbm>>
      %dma_wait3A_46 = tpu.memref_squeeze %dma_wait3A_45 : memref<1x128x128xf32, #tpu.memory_space<hbm>> -> memref<128x128xf32, #tpu.memory_space<hbm>>
      %dma_wait3A_47 = arith.constant 0 : i32
      %dma_wait3A_48 = tpu.memref_slice %arg6[%arg0, %add3A_37, %dma_wait3A_47] : memref<2x10240x128xf32, #tpu.memory_space<hbm>> -> memref<1x128x128xf32, #tpu.memory_space<hbm>>
      %dma_wait3A_49 = tpu.memref_squeeze %dma_wait3A_48 : memref<1x128x128xf32, #tpu.memory_space<hbm>> -> memref<128x128xf32, #tpu.memory_space<hbm>>
      tpu.wait_dma2 semaphore(%run_scoped3A : memref<!tpu.dma_semaphore, #tpu.memory_space<semaphore_mem>>) src(%arg11 : memref<128x128xf32, #tpu.memory_space<vmem>>) dst(%dma_wait3A_49 : memref<128x128xf32, #tpu.memory_space<hbm>>)
      tpu.yield
    }) : () -> ()
    %add3A_38 = arith.constant 512 : i32
    %add3A_39 = arith.addi %mul3A_0, %add3A_38 : i32
    "tpu.region"() ({
      %run_scoped3A = tpu.sem_alloc : memref<!tpu.dma_semaphore, #tpu.memory_space<semaphore_mem>>
      %dma_start3A = arith.constant 0 : i32
      %dma_start3A_40 = tpu.memref_slice %arg12[%add3A_39, %dma_start3A] : memref<10240x128xf32, #tpu.memory_space<vmem_shared>> -> memref<128x128xf32, #tpu.memory_space<vmem_shared>>
      %dma_start3A_41 = arith.constant 0 : i32
      %dma_start3A_42 = tpu.memref_slice %arg12[%add3A_39, %dma_start3A_41] : memref<10240x128xf32, #tpu.memory_space<vmem_shared>> -> memref<128x128xf32, #tpu.memory_space<vmem_shared>>
      tpu.enqueue_dma source(%dma_start3A_42 : memref<128x128xf32, #tpu.memory_space<vmem_shared>>) target(%arg11 : memref<128x128xf32, #tpu.memory_space<vmem>>) target_semaphore(%run_scoped3A : memref<!tpu.dma_semaphore, #tpu.memory_space<semaphore_mem>>)
      %dma_wait3A = arith.constant 0 : i32
      %dma_wait3A_43 = tpu.memref_slice %arg12[%add3A_39, %dma_wait3A] : memref<10240x128xf32, #tpu.memory_space<vmem_shared>> -> memref<128x128xf32, #tpu.memory_space<vmem_shared>>
      %dma_wait3A_44 = arith.constant 0 : i32
      %dma_wait3A_45 = tpu.memref_slice %arg12[%add3A_39, %dma_wait3A_44] : memref<10240x128xf32, #tpu.memory_space<vmem_shared>> -> memref<128x128xf32, #tpu.memory_space<vmem_shared>>
      tpu.wait_dma2 semaphore(%run_scoped3A : memref<!tpu.dma_semaphore, #tpu.memory_space<semaphore_mem>>) src(%dma_wait3A_45 : memref<128x128xf32, #tpu.memory_space<vmem_shared>>) dst(%arg11 : memref<128x128xf32, #tpu.memory_space<vmem>>)
      tpu.yield
    }) : () -> ()
    "tpu.region"() ({
      %run_scoped3A = tpu.sem_alloc : memref<!tpu.dma_semaphore, #tpu.memory_space<semaphore_mem>>
      %dma_start3A = arith.constant 0 : i32
      %dma_start3A_40 = tpu.memref_slice %arg6[%arg0, %add3A_39, %dma_start3A] : memref<2x10240x128xf32, #tpu.memory_space<hbm>> -> memref<1x128x128xf32, #tpu.memory_space<hbm>>
      %dma_start3A_41 = tpu.memref_squeeze %dma_start3A_40 : memref<1x128x128xf32, #tpu.memory_space<hbm>> -> memref<128x128xf32, #tpu.memory_space<hbm>>
      %dma_start3A_42 = arith.constant 0 : i32
      %dma_start3A_43 = tpu.memref_slice %arg6[%arg0, %add3A_39, %dma_start3A_42] : memref<2x10240x128xf32, #tpu.memory_space<hbm>> -> memref<1x128x128xf32, #tpu.memory_space<hbm>>
      %dma_start3A_44 = tpu.memref_squeeze %dma_start3A_43 : memref<1x128x128xf32, #tpu.memory_space<hbm>> -> memref<128x128xf32, #tpu.memory_space<hbm>>
      tpu.enqueue_dma source(%arg11 : memref<128x128xf32, #tpu.memory_space<vmem>>) target(%dma_start3A_44 : memref<128x128xf32, #tpu.memory_space<hbm>>) target_semaphore(%run_scoped3A : memref<!tpu.dma_semaphore, #tpu.memory_space<semaphore_mem>>)
      %dma_wait3A = arith.constant 0 : i32
      %dma_wait3A_45 = tpu.memref_slice %arg6[%arg0, %add3A_39, %dma_wait3A] : memref<2x10240x128xf32, #tpu.memory_space<hbm>> -> memref<1x128x128xf32, #tpu.memory_space<hbm>>
      %dma_wait3A_46 = tpu.memref_squeeze %dma_wait3A_45 : memref<1x128x128xf32, #tpu.memory_space<hbm>> -> memref<128x128xf32, #tpu.memory_space<hbm>>
      %dma_wait3A_47 = arith.constant 0 : i32
      %dma_wait3A_48 = tpu.memref_slice %arg6[%arg0, %add3A_39, %dma_wait3A_47] : memref<2x10240x128xf32, #tpu.memory_space<hbm>> -> memref<1x128x128xf32, #tpu.memory_space<hbm>>
      %dma_wait3A_49 = tpu.memref_squeeze %dma_wait3A_48 : memref<1x128x128xf32, #tpu.memory_space<hbm>> -> memref<128x128xf32, #tpu.memory_space<hbm>>
      tpu.wait_dma2 semaphore(%run_scoped3A : memref<!tpu.dma_semaphore, #tpu.memory_space<semaphore_mem>>) src(%arg11 : memref<128x128xf32, #tpu.memory_space<vmem>>) dst(%dma_wait3A_49 : memref<128x128xf32, #tpu.memory_space<hbm>>)
      tpu.yield
    }) : () -> ()
    return
  }
}

module attributes {stable_mosaic.version = 14 : i64} {
  func.func @_ea_body(%arg0: i32, %arg1: memref<4000x16xf32, #tpu.memory_space<vmem>>, %arg2: memref<16x128xf32, #tpu.memory_space<vmem>>, %arg3: memref<1x128xf32, #tpu.memory_space<vmem>>, %arg4: memref<4000x128xf32, #tpu.memory_space<vmem>>) attributes {dimension_semantics = [#tpu.dimension_semantics<arbitrary>], iteration_bounds = array<i64: 48>, scalar_prefetch = 0 : i64, scratch_operands = 0 : i64, tpu.core_type = #tpu.core_type<tc>, window_params = [{transform_indices = @transform_0, window_bounds = array<i64: 4000, 16>}, {pipeline_mode = #tpu.pipeline_mode<synchronous>, transform_indices = @transform_1, window_bounds = array<i64: 16, 128>}, {pipeline_mode = #tpu.pipeline_mode<synchronous>, transform_indices = @transform_2, window_bounds = array<i64: 1, 128>}, {transform_indices = @transform_3, window_bounds = array<i64: 4000, 128>}]} {
    %get3A = arith.constant 0 : index
    %get3A_0 = arith.constant 0 : index
    %get3A_1 = vector.load %arg1[%get3A, %get3A_0] : memref<4000x16xf32, #tpu.memory_space<vmem>>, vector<4000x16xf32>
    %get3A_2 = arith.constant 0 : index
    %get3A_3 = arith.constant 0 : index
    %get3A_4 = vector.load %arg2[%get3A_2, %get3A_3] : memref<16x128xf32, #tpu.memory_space<vmem>>, vector<16x128xf32>
    %dot_general3A = arith.constant dense<0.000000e+00> : vector<4000x128xf32>
    %dot_general3A_5 = tpu.matmul %get3A_1, %get3A_4, %dot_general3A {dimension_numbers = #tpu.dot_dimension_numbers<[1], [0], [0], [1], [0, 0, 1, 1], [], []>, transpose_lhs_hint = false} : vector<4000x16xf32>, vector<16x128xf32>, vector<4000x128xf32> -> vector<4000x128xf32>
    %get3A_6 = arith.constant 0 : index
    %get3A_7 = arith.constant 0 : index
    %get3A_8 = vector.load %arg3[%get3A_6, %get3A_7] : memref<1x128xf32, #tpu.memory_space<vmem>>, vector<1x128xf32>
    %add3A = vector.broadcast %get3A_8 : vector<1x128xf32> to vector<4000x128xf32>
    %add3A_9 = arith.addf %dot_general3A_5, %add3A : vector<4000x128xf32>
    %swap3A = arith.constant 0 : index
    %swap3A_10 = arith.constant 0 : index
    %swap3A_11 = vector.load %arg4[%swap3A, %swap3A_10] : memref<4000x128xf32, #tpu.memory_space<vmem>>, vector<4000x128xf32>
    tpu.vector_store %arg4[%swap3A, %swap3A_10], %add3A_9 {strides = array<i32>} : memref<4000x128xf32, #tpu.memory_space<vmem>>, vector<4000x128xf32>,
    return
  }
  func.func @transform_0(%arg0: i32) -> (i32, i32) {
    %c0_i32 = arith.constant 0 : i32
    %c0_i32_0 = arith.constant 0 : i32
    return %arg0, %c0_i32 : i32, i32
  }
  func.func @transform_1(%arg0: i32) -> (i32, i32) {
    %c0_i32 = arith.constant 0 : i32
    %c0_i32_0 = arith.constant 0 : i32
    %c0_i32_1 = arith.constant 0 : i32
    return %c0_i32, %c0_i32_0 : i32, i32
  }
  func.func @transform_2(%arg0: i32) -> (i32, i32) {
    %c0_i32 = arith.constant 0 : i32
    %c0_i32_0 = arith.constant 0 : i32
    %c0_i32_1 = arith.constant 0 : i32
    return %c0_i32, %c0_i32_0 : i32, i32
  }
  func.func @transform_3(%arg0: i32) -> (i32, i32) {
    %c0_i32 = arith.constant 0 : i32
    %c0_i32_0 = arith.constant 0 : i32
    return %arg0, %c0_i32 : i32, i32
  }
}

module attributes {stable_mosaic.version = 14 : i64} {
  func.func @_ea_body(%arg0: i32, %arg1: memref<4000x16xf32, #tpu.memory_space<vmem>>, %arg2: memref<16x128xf32, #tpu.memory_space<vmem>>, %arg3: memref<1x128xf32, #tpu.memory_space<vmem>>, %arg4: memref<4000x128xf32, #tpu.memory_space<vmem>>) attributes {dimension_semantics = [#tpu.dimension_semantics<arbitrary>], iteration_bounds = array<i64: 16>, scalar_prefetch = 0 : i64, scratch_operands = 0 : i64, tpu.core_type = #tpu.core_type<tc>, window_params = [{transform_indices = @transform_0, window_bounds = array<i64: 4000, 16>}, {pipeline_mode = #tpu.pipeline_mode<synchronous>, transform_indices = @transform_1, window_bounds = array<i64: 16, 128>}, {pipeline_mode = #tpu.pipeline_mode<synchronous>, transform_indices = @transform_2, window_bounds = array<i64: 1, 128>}, {transform_indices = @transform_3, window_bounds = array<i64: 4000, 128>}]} {
    %get3A = arith.constant 0 : index
    %get3A_0 = arith.constant 0 : index
    %get3A_1 = vector.load %arg1[%get3A, %get3A_0] : memref<4000x16xf32, #tpu.memory_space<vmem>>, vector<4000x16xf32>
    %get3A_2 = arith.constant 0 : index
    %get3A_3 = arith.constant 0 : index
    %get3A_4 = vector.load %arg2[%get3A_2, %get3A_3] : memref<16x128xf32, #tpu.memory_space<vmem>>, vector<16x128xf32>
    %dot_general3A = arith.constant dense<0.000000e+00> : vector<4000x128xf32>
    %dot_general3A_5 = tpu.matmul %get3A_1, %get3A_4, %dot_general3A {dimension_numbers = #tpu.dot_dimension_numbers<[1], [0], [0], [1], [0, 0, 1, 1], [], []>, transpose_lhs_hint = false} : vector<4000x16xf32>, vector<16x128xf32>, vector<4000x128xf32> -> vector<4000x128xf32>
    %get3A_6 = arith.constant 0 : index
    %get3A_7 = arith.constant 0 : index
    %get3A_8 = vector.load %arg3[%get3A_6, %get3A_7] : memref<1x128xf32, #tpu.memory_space<vmem>>, vector<1x128xf32>
    %add3A = vector.broadcast %get3A_8 : vector<1x128xf32> to vector<4000x128xf32>
    %add3A_9 = arith.addf %dot_general3A_5, %add3A : vector<4000x128xf32>
    %swap3A = arith.constant 0 : index
    %swap3A_10 = arith.constant 0 : index
    %swap3A_11 = vector.load %arg4[%swap3A, %swap3A_10] : memref<4000x128xf32, #tpu.memory_space<vmem>>, vector<4000x128xf32>
    tpu.vector_store %arg4[%swap3A, %swap3A_10], %add3A_9 {strides = array<i32>} : memref<4000x128xf32, #tpu.memory_space<vmem>>, vector<4000x128xf32>,
    return
  }
  func.func @transform_0(%arg0: i32) -> (i32, i32) {
    %c0_i32 = arith.constant 0 : i32
    %c0_i32_0 = arith.constant 0 : i32
    return %arg0, %c0_i32 : i32, i32
  }
  func.func @transform_1(%arg0: i32) -> (i32, i32) {
    %c0_i32 = arith.constant 0 : i32
    %c0_i32_0 = arith.constant 0 : i32
    %c0_i32_1 = arith.constant 0 : i32
    return %c0_i32, %c0_i32_0 : i32, i32
  }
  func.func @transform_2(%arg0: i32) -> (i32, i32) {
    %c0_i32 = arith.constant 0 : i32
    %c0_i32_0 = arith.constant 0 : i32
    %c0_i32_1 = arith.constant 0 : i32
    return %c0_i32, %c0_i32_0 : i32, i32
  }
  func.func @transform_3(%arg0: i32) -> (i32, i32) {
    %c0_i32 = arith.constant 0 : i32
    %c0_i32_0 = arith.constant 0 : i32
    return %arg0, %c0_i32 : i32, i32
  }
}

module attributes {stable_mosaic.version = 14 : i64} {
  func.func @_mlp_body(%arg0: i32, %arg1: memref<2000x128xf32, #tpu.memory_space<vmem>>, %arg2: memref<2x2000x128xf32, #tpu.memory_space<vmem>>, %arg3: memref<2x2000x128xf32, #tpu.memory_space<vmem>>, %arg4: memref<2x2000x128xf32, #tpu.memory_space<vmem>>, %arg5: memref<2x2000x128xf32, #tpu.memory_space<vmem>>, %arg6: memref<128x128xf32, #tpu.memory_space<vmem>>, %arg7: memref<1x128xf32, #tpu.memory_space<vmem>>, %arg8: memref<1x128xf32, #tpu.memory_space<vmem>>, %arg9: memref<1x128xf32, #tpu.memory_space<vmem>>, %arg10: memref<128x128xf32, #tpu.memory_space<vmem>>, %arg11: memref<1x128xf32, #tpu.memory_space<vmem>>, %arg12: memref<1x128xf32, #tpu.memory_space<vmem>>, %arg13: memref<1x128xf32, #tpu.memory_space<vmem>>, %arg14: memref<1x128xf32, #tpu.memory_space<vmem>>, %arg15: memref<1x128xf32, #tpu.memory_space<vmem>>, %arg16: memref<1xf32, #tpu.memory_space<smem>>, %arg17: memref<2000x128xf32, #tpu.memory_space<vmem>>) attributes {dimension_semantics = [#tpu.dimension_semantics<arbitrary>], iteration_bounds = array<i64: 5>, scalar_prefetch = 0 : i64, scratch_operands = 0 : i64, tpu.core_type = #tpu.core_type<tc>, window_params = [{transform_indices = @transform_0, window_bounds = array<i64: 2000, 128>}, {transform_indices = @transform_1, window_bounds = array<i64: 2, 2000, 128>}, {transform_indices = @transform_2, window_bounds = array<i64: 2, 2000, 128>}, {transform_indices = @transform_3, window_bounds = array<i64: 2, 2000, 128>}, {transform_indices = @transform_4, window_bounds = array<i64: 2, 2000, 128>}, {pipeline_mode = #tpu.pipeline_mode<synchronous>, transform_indices = @transform_5, window_bounds = array<i64: 128, 128>}, {pipeline_mode = #tpu.pipeline_mode<synchronous>, transform_indices = @transform_6, window_bounds = array<i64: 1, 128>}, {pipeline_mode = #tpu.pipeline_mode<synchronous>, transform_indices = @transform_7, window_bounds = array<i64: 1, 128>}, {pipeline_mode = #tpu.pipeline_mode<synchronous>, transform_indices = @transform_8, window_bounds = array<i64: 1, 128>}, {pipeline_mode = #tpu.pipeline_mode<synchronous>, transform_indices = @transform_9, window_bounds = array<i64: 128, 128>}, {pipeline_mode = #tpu.pipeline_mode<synchronous>, transform_indices = @transform_10, window_bounds = array<i64: 1, 128>}, {pipeline_mode = #tpu.pipeline_mode<synchronous>, transform_indices = @transform_11, window_bounds = array<i64: 1, 128>}, {pipeline_mode = #tpu.pipeline_mode<synchronous>, transform_indices = @transform_12, window_bounds = array<i64: 1, 128>}, {pipeline_mode = #tpu.pipeline_mode<synchronous>, transform_indices = @transform_13, window_bounds = array<i64: 1, 128>}, {pipeline_mode = #tpu.pipeline_mode<synchronous>, transform_indices = @transform_14, window_bounds = array<i64: 1, 128>}, {transform_indices = @transform_15, window_bounds = array<i64: 1>}, {transform_indices = @transform_16, window_bounds = array<i64: 2000, 128>}]} {
    %get3A = arith.constant 0 : index
    %get3A_0 = memref.load %arg16[%get3A] : memref<1xf32, #tpu.memory_space<smem>>
    %get3A_1 = arith.constant 0 : index
    %get3A_2 = arith.constant 0 : index
    %get3A_3 = vector.load %arg1[%get3A_1, %get3A_2] : memref<2000x128xf32, #tpu.memory_space<vmem>>, vector<2000x128xf32>
    %add3A = arith.constant 1.000000e+00 : f32
    %add3A_4 = arith.addf %add3A, %get3A_0 : f32
    %mul3A = vector.broadcast %add3A_4 : f32 to vector<2000x128xf32>
    %mul3A_5 = arith.mulf %get3A_3, %mul3A : vector<2000x128xf32>
    %get3A_6 = arith.constant 0 : index
    %get3A_7 = arith.constant 0 : index
    %get3A_8 = arith.constant 0 : index
    %get3A_9 = vector.load %arg2[%get3A_6, %get3A_7, %get3A_8] : memref<2x2000x128xf32, #tpu.memory_space<vmem>>, vector<1x2000x128xf32>
    %get3A_10 = vector.shape_cast %get3A_9 : vector<1x2000x128xf32> to vector<2000x128xf32>
    %get3A_11 = arith.constant 1 : index
    %get3A_12 = arith.constant 0 : index
    %get3A_13 = arith.constant 0 : index
    %get3A_14 = vector.load %arg2[%get3A_11, %get3A_12, %get3A_13] : memref<2x2000x128xf32, #tpu.memory_space<vmem>>, vector<1x2000x128xf32>
    %get3A_15 = vector.shape_cast %get3A_14 : vector<1x2000x128xf32> to vector<2000x128xf32>
    %add3A_16 = arith.addf %get3A_10, %get3A_15 : vector<2000x128xf32>
    %add3A_17 = arith.addf %mul3A_5, %add3A_16 : vector<2000x128xf32>
    %get3A_18 = arith.constant 0 : index
    %get3A_19 = arith.constant 0 : index
    %get3A_20 = arith.constant 0 : index
    %get3A_21 = vector.load %arg3[%get3A_18, %get3A_19, %get3A_20] : memref<2x2000x128xf32, #tpu.memory_space<vmem>>, vector<1x2000x128xf32>
    %get3A_22 = vector.shape_cast %get3A_21 : vector<1x2000x128xf32> to vector<2000x128xf32>
    %get3A_23 = arith.constant 1 : index
    %get3A_24 = arith.constant 0 : index
    %get3A_25 = arith.constant 0 : index
    %get3A_26 = vector.load %arg3[%get3A_23, %get3A_24, %get3A_25] : memref<2x2000x128xf32, #tpu.memory_space<vmem>>, vector<1x2000x128xf32>
    %get3A_27 = vector.shape_cast %get3A_26 : vector<1x2000x128xf32> to vector<2000x128xf32>
    %add3A_28 = arith.addf %get3A_22, %get3A_27 : vector<2000x128xf32>
    %add3A_29 = arith.addf %add3A_17, %add3A_28 : vector<2000x128xf32>
    %get3A_30 = arith.constant 0 : index
    %get3A_31 = arith.constant 0 : index
    %get3A_32 = arith.constant 0 : index
    %get3A_33 = vector.load %arg4[%get3A_30, %get3A_31, %get3A_32] : memref<2x2000x128xf32, #tpu.memory_space<vmem>>, vector<1x2000x128xf32>
    %get3A_34 = vector.shape_cast %get3A_33 : vector<1x2000x128xf32> to vector<2000x128xf32>
    %get3A_35 = arith.constant 1 : index
    %get3A_36 = arith.constant 0 : index
    %get3A_37 = arith.constant 0 : index
    %get3A_38 = vector.load %arg4[%get3A_35, %get3A_36, %get3A_37] : memref<2x2000x128xf32, #tpu.memory_space<vmem>>, vector<1x2000x128xf32>
    %get3A_39 = vector.shape_cast %get3A_38 : vector<1x2000x128xf32> to vector<2000x128xf32>
    %add3A_40 = arith.addf %get3A_34, %get3A_39 : vector<2000x128xf32>
    %add3A_41 = arith.addf %add3A_29, %add3A_40 : vector<2000x128xf32>
    %get3A_42 = arith.constant 0 : index
    %get3A_43 = arith.constant 0 : index
    %get3A_44 = arith.constant 0 : index
    %get3A_45 = vector.load %arg5[%get3A_42, %get3A_43, %get3A_44] : memref<2x2000x128xf32, #tpu.memory_space<vmem>>, vector<1x2000x128xf32>
    %get3A_46 = vector.shape_cast %get3A_45 : vector<1x2000x128xf32> to vector<2000x128xf32>
    %get3A_47 = arith.constant 1 : index
    %get3A_48 = arith.constant 0 : index
    %get3A_49 = arith.constant 0 : index
    %get3A_50 = vector.load %arg5[%get3A_47, %get3A_48, %get3A_49] : memref<2x2000x128xf32, #tpu.memory_space<vmem>>, vector<1x2000x128xf32>
    %get3A_51 = vector.shape_cast %get3A_50 : vector<1x2000x128xf32> to vector<2000x128xf32>
    %add3A_52 = arith.addf %get3A_46, %get3A_51 : vector<2000x128xf32>
    %add3A_53 = arith.addf %add3A_41, %add3A_52 : vector<2000x128xf32>
    %get3A_54 = arith.constant 0 : index
    %get3A_55 = arith.constant 0 : index
    %get3A_56 = vector.load %arg8[%get3A_54, %get3A_55] : memref<1x128xf32, #tpu.memory_space<vmem>>, vector<1x128xf32>
    %mul3A_57 = arith.constant 0.999994993 : f32
    %mul3A_58 = vector.broadcast %mul3A_57 : f32 to vector<1x128xf32>
    %mul3A_59 = arith.mulf %get3A_56, %mul3A_58 : vector<1x128xf32>
    %get3A_60 = arith.constant 0 : index
    %get3A_61 = arith.constant 0 : index
    %get3A_62 = vector.load %arg6[%get3A_60, %get3A_61] : memref<128x128xf32, #tpu.memory_space<vmem>>, vector<128x128xf32>
    %dot_general3A = arith.constant dense<0.000000e+00> : vector<2000x128xf32>
    %dot_general3A_63 = tpu.matmul %add3A_53, %get3A_62, %dot_general3A {dimension_numbers = #tpu.dot_dimension_numbers<[1], [0], [0], [1], [0, 0, 1, 1], [], []>, transpose_lhs_hint = false} : vector<2000x128xf32>, vector<128x128xf32>, vector<2000x128xf32> -> vector<2000x128xf32>
    %mul3A_64 = vector.broadcast %mul3A_59 : vector<1x128xf32> to vector<2000x128xf32>
    %mul3A_65 = arith.mulf %dot_general3A_63, %mul3A_64 : vector<2000x128xf32>
    %get3A_66 = arith.constant 0 : index
    %get3A_67 = arith.constant 0 : index
    %get3A_68 = vector.load %arg7[%get3A_66, %get3A_67] : memref<1x128xf32, #tpu.memory_space<vmem>>, vector<1x128xf32>
    %mul3A_69 = arith.mulf %get3A_68, %mul3A_59 : vector<1x128xf32>
    %get3A_70 = arith.constant 0 : index
    %get3A_71 = arith.constant 0 : index
    %get3A_72 = vector.load %arg9[%get3A_70, %get3A_71] : memref<1x128xf32, #tpu.memory_space<vmem>>, vector<1x128xf32>
    %add3A_73 = arith.addf %mul3A_69, %get3A_72 : vector<1x128xf32>
    %add3A_74 = vector.broadcast %add3A_73 : vector<1x128xf32> to vector<2000x128xf32>
    %add3A_75 = arith.addf %mul3A_65, %add3A_74 : vector<2000x128xf32>
    %max3A = arith.constant 0.000000e+00 : f32
    %max3A_76 = vector.broadcast %max3A : f32 to vector<2000x128xf32>
    %max3A_77 = arith.maximumf %add3A_75, %max3A_76 : vector<2000x128xf32>
    %get3A_78 = arith.constant 0 : index
    %get3A_79 = arith.constant 0 : index
    %get3A_80 = vector.load %arg12[%get3A_78, %get3A_79] : memref<1x128xf32, #tpu.memory_space<vmem>>, vector<1x128xf32>
    %mul3A_81 = arith.constant 0.999994993 : f32
    %mul3A_82 = vector.broadcast %mul3A_81 : f32 to vector<1x128xf32>
    %mul3A_83 = arith.mulf %get3A_80, %mul3A_82 : vector<1x128xf32>
    %get3A_84 = arith.constant 0 : index
    %get3A_85 = arith.constant 0 : index
    %get3A_86 = vector.load %arg10[%get3A_84, %get3A_85] : memref<128x128xf32, #tpu.memory_space<vmem>>, vector<128x128xf32>
    %dot_general3A_87 = arith.constant dense<0.000000e+00> : vector<2000x128xf32>
    %dot_general3A_88 = tpu.matmul %max3A_77, %get3A_86, %dot_general3A_87 {dimension_numbers = #tpu.dot_dimension_numbers<[1], [0], [0], [1], [0, 0, 1, 1], [], []>, transpose_lhs_hint = false} : vector<2000x128xf32>, vector<128x128xf32>, vector<2000x128xf32> -> vector<2000x128xf32>
    %mul3A_89 = vector.broadcast %mul3A_83 : vector<1x128xf32> to vector<2000x128xf32>
    %mul3A_90 = arith.mulf %dot_general3A_88, %mul3A_89 : vector<2000x128xf32>
    %get3A_91 = arith.constant 0 : index
    %get3A_92 = arith.constant 0 : index
    %get3A_93 = vector.load %arg11[%get3A_91, %get3A_92] : memref<1x128xf32, #tpu.memory_space<vmem>>, vector<1x128xf32>
    %mul3A_94 = arith.mulf %get3A_93, %mul3A_83 : vector<1x128xf32>
    %get3A_95 = arith.constant 0 : index
    %get3A_96 = arith.constant 0 : index
    %get3A_97 = vector.load %arg13[%get3A_95, %get3A_96] : memref<1x128xf32, #tpu.memory_space<vmem>>, vector<1x128xf32>
    %add3A_98 = arith.addf %mul3A_94, %get3A_97 : vector<1x128xf32>
    %add3A_99 = vector.broadcast %add3A_98 : vector<1x128xf32> to vector<2000x128xf32>
    %add3A_100 = arith.addf %mul3A_90, %add3A_99 : vector<2000x128xf32>
    %max3A_101 = arith.constant 0.000000e+00 : f32
    %max3A_102 = vector.broadcast %max3A_101 : f32 to vector<2000x128xf32>
    %max3A_103 = arith.maximumf %add3A_100, %max3A_102 : vector<2000x128xf32>
    %get3A_104 = arith.constant 0 : index
    %get3A_105 = arith.constant 0 : index
    %get3A_106 = vector.load %arg14[%get3A_104, %get3A_105] : memref<1x128xf32, #tpu.memory_space<vmem>>, vector<1x128xf32>
    %mul3A_107 = arith.constant 0.999994993 : f32
    %mul3A_108 = vector.broadcast %mul3A_107 : f32 to vector<1x128xf32>
    %mul3A_109 = arith.mulf %get3A_106, %mul3A_108 : vector<1x128xf32>
    %mul3A_110 = vector.broadcast %mul3A_109 : vector<1x128xf32> to vector<2000x128xf32>
    %mul3A_111 = arith.mulf %max3A_103, %mul3A_110 : vector<2000x128xf32>
    %get3A_112 = arith.constant 0 : index
    %get3A_113 = arith.constant 0 : index
    %get3A_114 = vector.load %arg15[%get3A_112, %get3A_113] : memref<1x128xf32, #tpu.memory_space<vmem>>, vector<1x128xf32>
    %add3A_115 = vector.broadcast %get3A_114 : vector<1x128xf32> to vector<2000x128xf32>
    %add3A_116 = arith.addf %mul3A_111, %add3A_115 : vector<2000x128xf32>
    %max3A_117 = arith.constant 0.000000e+00 : f32
    %max3A_118 = vector.broadcast %max3A_117 : f32 to vector<2000x128xf32>
    %max3A_119 = arith.maximumf %add3A_116, %max3A_118 : vector<2000x128xf32>
    %swap3A = arith.constant 0 : index
    %swap3A_120 = arith.constant 0 : index
    %swap3A_121 = vector.load %arg17[%swap3A, %swap3A_120] : memref<2000x128xf32, #tpu.memory_space<vmem>>, vector<2000x128xf32>
    tpu.vector_store %arg17[%swap3A, %swap3A_120], %max3A_119 {strides = array<i32>} : memref<2000x128xf32, #tpu.memory_space<vmem>>, vector<2000x128xf32>,
    return
  }
  func.func @transform_0(%arg0: i32) -> (i32, i32) {
    %c0_i32 = arith.constant 0 : i32
    %c0_i32_0 = arith.constant 0 : i32
    return %arg0, %c0_i32 : i32, i32
  }
  func.func @transform_1(%arg0: i32) -> (i32, i32, i32) {
    %c0_i32 = arith.constant 0 : i32
    %c0_i32_0 = arith.constant 0 : i32
    %c0_i32_1 = arith.constant 0 : i32
    return %c0_i32, %arg0, %c0_i32_0 : i32, i32, i32
  }
  func.func @transform_2(%arg0: i32) -> (i32, i32, i32) {
    %c0_i32 = arith.constant 0 : i32
    %c0_i32_0 = arith.constant 0 : i32
    %c0_i32_1 = arith.constant 0 : i32
    return %c0_i32, %arg0, %c0_i32_0 : i32, i32, i32
  }
  func.func @transform_3(%arg0: i32) -> (i32, i32, i32) {
    %c0_i32 = arith.constant 0 : i32
    %c0_i32_0 = arith.constant 0 : i32
    %c0_i32_1 = arith.constant 0 : i32
    return %c0_i32, %arg0, %c0_i32_0 : i32, i32, i32
  }
  func.func @transform_4(%arg0: i32) -> (i32, i32, i32) {
    %c0_i32 = arith.constant 0 : i32
    %c0_i32_0 = arith.constant 0 : i32
    %c0_i32_1 = arith.constant 0 : i32
    return %c0_i32, %arg0, %c0_i32_0 : i32, i32, i32
  }
  func.func @transform_5(%arg0: i32) -> (i32, i32) {
    %c0_i32 = arith.constant 0 : i32
    %c0_i32_0 = arith.constant 0 : i32
    %c0_i32_1 = arith.constant 0 : i32
    return %c0_i32, %c0_i32_0 : i32, i32
  }
  func.func @transform_6(%arg0: i32) -> (i32, i32) {
    %c0_i32 = arith.constant 0 : i32
    %c0_i32_0 = arith.constant 0 : i32
    %c0_i32_1 = arith.constant 0 : i32
    return %c0_i32, %c0_i32_0 : i32, i32
  }
  func.func @transform_7(%arg0: i32) -> (i32, i32) {
    %c0_i32 = arith.constant 0 : i32
    %c0_i32_0 = arith.constant 0 : i32
    %c0_i32_1 = arith.constant 0 : i32
    return %c0_i32, %c0_i32_0 : i32, i32
  }
  func.func @transform_8(%arg0: i32) -> (i32, i32) {
    %c0_i32 = arith.constant 0 : i32
    %c0_i32_0 = arith.constant 0 : i32
    %c0_i32_1 = arith.constant 0 : i32
    return %c0_i32, %c0_i32_0 : i32, i32
  }
  func.func @transform_9(%arg0: i32) -> (i32, i32) {
    %c0_i32 = arith.constant 0 : i32
    %c0_i32_0 = arith.constant 0 : i32
    %c0_i32_1 = arith.constant 0 : i32
    return %c0_i32, %c0_i32_0 : i32, i32
  }
  func.func @transform_10(%arg0: i32) -> (i32, i32) {
    %c0_i32 = arith.constant 0 : i32
    %c0_i32_0 = arith.constant 0 : i32
    %c0_i32_1 = arith.constant 0 : i32
    return %c0_i32, %c0_i32_0 : i32, i32
  }
  func.func @transform_11(%arg0: i32) -> (i32, i32) {
    %c0_i32 = arith.constant 0 : i32
    %c0_i32_0 = arith.constant 0 : i32
    %c0_i32_1 = arith.constant 0 : i32
    return %c0_i32, %c0_i32_0 : i32, i32
  }
  func.func @transform_12(%arg0: i32) -> (i32, i32) {
    %c0_i32 = arith.constant 0 : i32
    %c0_i32_0 = arith.constant 0 : i32
    %c0_i32_1 = arith.constant 0 : i32
    return %c0_i32, %c0_i32_0 : i32, i32
  }
  func.func @transform_13(%arg0: i32) -> (i32, i32) {
    %c0_i32 = arith.constant 0 : i32
    %c0_i32_0 = arith.constant 0 : i32
    %c0_i32_1 = arith.constant 0 : i32
    return %c0_i32, %c0_i32_0 : i32, i32
  }
  func.func @transform_14(%arg0: i32) -> (i32, i32) {
    %c0_i32 = arith.constant 0 : i32
    %c0_i32_0 = arith.constant 0 : i32
    %c0_i32_1 = arith.constant 0 : i32
    return %c0_i32, %c0_i32_0 : i32, i32
  }
  func.func @transform_15(%arg0: i32) -> i32 {
    %c0_i32 = arith.constant 0 : i32
    %c0_i32_0 = arith.constant 0 : i32
    return %c0_i32 : i32
  }
  func.func @transform_16(%arg0: i32) -> (i32, i32) {
    %c0_i32 = arith.constant 0 : i32
    %c0_i32_0 = arith.constant 0 : i32
    return %arg0, %c0_i32 : i32, i32
  }
}

</mosaic_0001>

<sc_bundles>
// kernel: kernel.11.cloned.1.call-start
scs
__scs_entry_jumppad:
0x0: {  	(pc) =	sbr.rel $0x88, $3  }
0x1: {  	(tag) =	ssettag $0x0;
	lr =	simm.s32 $0x1  }
0x2: {  	[smem:$0x3F91] =	sst lr;
	_ =	strace $0xD0000000  }
0x3: {  	_ = 	snop  }
0x4: {  	_ = 	snop  }
0x5: {  	_ = 	snop  }
0x6: {  	_ = 	snop  }
0x7: {  	_ = 	snop  }
__scs_overlays_trampoline_lowered:
0x8: {  	[smem:$0x3FA0] =	sst s0  }
0x9: {  	[smem:$0x3FA1] =	sst s1  }
0xa: {  	[smem:$0x3FA2] =	sst s2  }
0xb: {  	[smem:$0x3FA3] =	sst s3  }
0xc: {  	[smem:$0x3FA4] =	sst s4  }
0xd: {  	[smem:$0x3FA5] =	sst s5  }
0xe: {  	[smem:$0x3FA6] =	sst s6  }
0xf: {  	[smem:$0x3FA7] =	sst s7  }
0x10: {  	[smem:$0x3FA8] =	sst s8  }
0x11: {  	[smem:$0x3FA9] =	sst s9;
	s0 =	simm.s32 @!p0 $0x0  }
0x12: {  	s1 =	sld [smem:$0x3F8F];
	s0 =	simm.s32 @p0 $0x1  }
0x13: {  	[smem:$0x3FAA] =	sst s0;
	s0 =	simm.s32 @!p1 $0x0  }
0x14: {  	s2 =	sld [smem:$0x3F8E];
	s0 =	simm.s32 @p1 $0x1  }
0x15: {  	[smem:$0x3FAB] =	sst s0;
	s0 =	simm.s32 @!p2 $0x0  }
0x16: {  	s3 =	sld [smem:$0x3FDB];
	s0 =	simm.s32 @p2 $0x1  }
0x17: {  	s4 =	simm.s32 $0x1BF5;
	[smem:$0x3FAD] =	sst s0  }
0x18: {  	s0 =	sld [smem:$0x3F90];
	_ =	swait.ge [sflag:s4], $0x0  }
0x19: {  	s7 =	sld [smem:$0x3F91]  }
0x1a: {  	s8 =	sadd.s32 $0xFFFFE003, lr  }
0x1b: {  	s9 =	sadd.s32 $0xFFFFFEF7, lr;
	s5 =	simm.s32 $0xFFFFFFFF;
	p2 =	slt.u32 s8, $0xFFFFF086  }
0x1c: {  	p1 =	slt.u32 s9, $0xF7A;
	s5 =	simm.s32 @!p2 $0x0  }
0x1d: {  	s5 =	simm.s32 @p1 $0x1;
	p0 =	seq.s32 s7, s2  }
0x1e: {  	s7 =	smul.u32 @!p0 $0xF7A, s2;
	p2 =	seq.s32 @!p0 s5, $0x0  }
0x1f: {  	s9 =	smul.u32 $0xF7A, s1;
	s8 =	simm.s32 @!p0 $0x1BF5;
	p2 =	por !p2, p0  }
0x20: {  	[sflag:s8] =	ssyncset.s32 @!p0 $0xFFFFF086;
	s6 =	sadd.s32 @!p0 s3, s7;
	s7 =	simm.s32 @!p0 $0x108  }
0x21: {  	s3 =	sadd.s32 s3, s9;
	s6 =	sadd.s32 @!p0 $0x88, s6;
	s7 =	simm.s32 @p2 $0x1082  }
0x22: {  	[simem:s7], [sflag:s8] =	dma.local @!p0 [hbm:s6], $0xF7A  }
0x23: {  	s9 =	sor.u32 $0xD0000000, s2;
	s6 =	simm.s32 $0x108;
	_ =	swait.ge @!p0 [sflag:s8], $0x0  }
0x24: {  	s3 =	sadd.s32 $0x88, s3;
	s6 =	simm.s32 @!p1 $0x1082;
	[sflag:s4] =	ssyncset.s32 $0xFFFFF086  }
0x25: {  	[simem:s6], [sflag:s4] =	dma.local [hbm:s3], $0xF7A  }
0x26: {  	[smem:$0x3F91] =	sst s1;
	(tag) =	ssettag s2;
	_ =	strace s9  }
0x27: {  	s1 =	sld [smem:$0x3FA1]  }
0x28: {  	s2 =	sld [smem:$0x3FA2]  }
0x29: {  	s4 =	sld [smem:$0x3FA4]  }
0x2a: {  	p0 =	seq.s32 s5, $0x0;
	s5 =	sld [smem:$0x3FA5]  }
0x2b: {  	s6 =	sld [smem:$0x3FA6]  }
0x2c: {  	s7 =	sld [smem:$0x3FA7]  }
0x2d: {  	s3 =	simm.s32 $0x108;
	s8 =	sld [smem:$0x3FA8]  }
0x2e: {  	s3 =	simm.s32 @!p0 $0x1082;
	s9 =	sld [smem:$0x3FA9]  }
0x2f: {  	lr =	sadd.s32 s0, s3;
	s0 =	sld [smem:$0x3FA0]  }
0x30: {  	s3 =	sld [smem:$0x3FA3]  }
0x31: {  	[smem:$0x3FAC] =	sst s10  }
0x32: {  	s10 =	sld [smem:$0x3FAA];
	_ =	sdelay $0x3  }
0x33: {  	p0 =	seq.s32 s10, $0x1;
	s10 =	sld [smem:$0x3FAC];
	_ =	sdelay $0x3  }
0x34: {  	[smem:$0x3FAC] =	sst s10  }
0x35: {  	s10 =	sld [smem:$0x3FAB];
	_ =	sdelay $0x3  }
0x36: {  	p1 =	seq.s32 s10, $0x1;
	s10 =	sld [smem:$0x3FAC];
	_ =	sdelay $0x3  }
0x37: {  	[smem:$0x3FAC] =	sst s10  }
0x38: {  	s10 =	sld [smem:$0x3FAD]  }
0x39: {  	_ = 	snop;
	(pc) =	sbr.ind lr, $3  }
0x3a: {  	_ = 	snop  }
0x3b: {  	_ = 	snop  }
0x3c: {  	p2 =	seq.s32 s10, $0x1;
	s10 =	sld [smem:$0x3FAC]  }
0x3d: {  	_ =	shalt  }
0x3e: {  	_ =	shalt  }
0x3f: {  	_ =	shalt  }
0x40: {  	_ =	shalt  }
0x41: {  	_ =	shalt  }
0x42: {  	_ =	shalt  }
0x43: {  	_ =	shalt  }
0x44: {  	_ =	shalt  }
0x45: {  	_ =	shalt  }
0x46: {  	_ =	shalt  }
0x47: {  	_ =	shalt  }
0x48: {  	_ =	shalt  }
0x49: {  	_ =	shalt  }
0x4a: {  	_ =	shalt  }
0x4b: {  	_ =	shalt  }
0x4c: {  	_ =	shalt  }
0x4d: {  	_ =	shalt  }
0x4e: {  	_ =	shalt  }
0x4f: {  	_ =	shalt  }
0x50: {  	_ =	shalt  }
0x51: {  	_ =	shalt  }
0x52: {  	_ =	shalt  }
0x53: {  	_ =	shalt  }
0x54: {  	_ =	shalt  }
0x55: {  	_ =	shalt  }
0x56: {  	_ =	shalt  }
0x57: {  	_ =	shalt  }
0x58: {  	_ =	shalt  }
0x59: {  	_ =	shalt  }
0x5a: {  	_ =	shalt  }
0x5b: {  	_ =	shalt  }
0x5c: {  	_ =	shalt  }
0x5d: {  	_ =	shalt  }
0x5e: {  	_ =	shalt  }
0x5f: {  	_ =	shalt  }
0x60: {  	_ =	shalt  }
0x61: {  	_ =	shalt  }
0x62: {  	_ =	shalt  }
0x63: {  	_ =	shalt  }
0x64: {  	_ =	shalt  }
0x65: {  	_ =	shalt  }
0x66: {  	_ =	shalt  }
0x67: {  	_ =	shalt  }
0x68: {  	_ =	shalt  }
0x69: {  	_ =	shalt  }
0x6a: {  	_ =	shalt  }
0x6b: {  	_ =	shalt  }
0x6c: {  	_ =	shalt  }
0x6d: {  	_ =	shalt  }
0x6e: {  	_ =	shalt  }
0x6f: {  	_ =	shalt  }
0x70: {  	_ =	shalt  }
0x71: {  	_ =	shalt  }
0x72: {  	_ =	shalt  }
0x73: {  	_ =	shalt  }
0x74: {  	_ =	shalt  }
0x75: {  	_ =	shalt  }
0x76: {  	_ =	shalt  }
0x77: {  	_ =	shalt  }
0x78: {  	_ =	shalt  }
0x79: {  	_ =	shalt  }
0x7a: {  	_ =	shalt  }
0x7b: {  	_ =	shalt  }
0x7c: {  	_ =	shalt  }
0x7d: {  	_ =	shalt  }
0x7e: {  	_ =	shalt  }
0x7f: {  	_ =	shalt  }
0x80: {  	_ =	shalt  }
0x81: {  	_ =	shalt  }
0x82: {  	_ =	shalt  }
0x83: {  	_ =	shalt  }
0x84: {  	_ =	shalt  }
0x85: {  	_ =	shalt  }
0x86: {  	_ =	shalt  }
0x87: {  	_ =	shalt  }
.Lfunc_end0:
.L_simem_size_0:
called_computation_lowered:
.L_overlay_start_0:
0x88: {  	s2 =	sld [smem:$0x3FD9]  }
0x89: {  	s3 =	sld [smem:$0x3FFE];
	_ =	sdelay $0x1  }
0x8a: {  	s1 =	srdreg.scid  }
0x8b: {  	s0 =	sand.u32 $0x1, s1  }
0x8c: {  	s17 =	sshll.u32 s0, $0xA;
	s2 =	sadd.s32 s3, s2  }
0x8d: {  	s2 =	sadd.s32 s2, s17  }
0x8e: {  	[smem:$0x3FB8] =	sst s2  }
0x8f: {  	_ = 	snop  }
0x90: {  	s18 =	sld [smem:$0x3FC9];
	(tm) =	ssettm $0x1  }
0x91: {  	s19 =	sld [smem:$0x3FFB];
	_ =	sdelay $0x3  }
0x92: {  	_ =	strace s19  }
0x93: {  	s2 =	sld [smem:$0x3FFC];
	_ =	sdelay $0x3  }
0x94: {  	_ =	strace s2  }
0x95: {  	s2 =	sld [smem:$0x3FFD];
	_ =	sdelay $0x3  }
0x96: {  	_ =	strace s2  }
0x97: {  	_ =	strace $0x8FFFFFFF  }
0x98: {  	s20 =	sld [smem:$0x3FDB];
	_ =	sdelay $0x1  }
0x99: {  	s4 =	simm.s32 $_scs_section_size  }
0x9a: {  	s5 =	simm.s32 $_size__tile_overlayer_lowered;
	s6 =	simm.s32 $_tile_overlayer_lowered  }
0x9b: {  	s7 =	simm.s32 $0x1BFF;
	s21 =	sshll.u32 s6, $0x1;
	s4 =	sadd.s32 s4, s20  }
0x9c: {  	s22 =	simm.s32 $0x0;
	s5 =	sshll.u32 s5, $0x1;
	s6 =	sadd.s32 s21, s4  }
0x9d: {  	[timem:s22], [sflag:s7] =	dma.local [hbm:s6], s5  }
0x9e: {  	_ =	swait.ge [sflag:s7], s5  }
0x9f: {  	s5 =	ssub.s32 $0x0, s5;
	[sflag:s7] =	ssyncset.done $0x0  }
0xa0: {  	[sflag:s7] =	ssyncadd.s32 s5;
	_ =	sdelay $0x1  }
0xa1: {  	s23 =	simm.s32 $0x1B8B  }
0xa2: {  	_ =	swait.ge [sflag:s23], $0x1  }
0xa3: {  	[sflag:s23] =	ssyncset.done $0x0  }
0xa4: {  	[sflag:s23] =	ssyncadd.s32 $0xFFFFFFFF  }
0xa5: {  	s5 =	sld [smem:$0x0]  }
0xa6: {  	s6 =	sand.u32 $0xFFFFFFFE, s1  }
0xa7: {  	p0 =	sne.s32 s1, s6  }
0xa8: {  	s6 =	sshll.u32 @p0 s6, $0xE  }
0xa9: {  	s6 =	sadd.s32 @p0 $0x11B8D, s6;
	s7 =	sshll.u32 @p0 s5, $0x11  }
0xaa: {  	s6 =	sor.u32 @p0 s7, s6  }
0xab: {  	[sflag:s6] =	ssyncadd.remote.s32 @p0 $0x1;
	_ =	sdelay $0x1  }
0xac: {  	s6 =	simm.s32 @p0 $0x1B8D  }
0xad: {  	_ =	swait.eq @p0 [sflag:s6], $0x1  }
0xae: {  	[sflag:s6] =	ssyncadd.s32 @p0 $0xFFFFFFFF  }
0xaf: {  	s7 =	sshll.u32 @!p0 s1, $0xE  }
0xb0: {  	s7 =	sor.u32 @!p0 $0x4000, s7;
	s6 =	simm.s32 @!p0 $0x1B8D  }
0xb1: {  	s5 =	sshll.u32 @!p0 s5, $0x11;
	s7 =	sadd.s32 @!p0 $0x11B8D, s7;
	_ =	swait.eq @!p0 [sflag:s6], $0x1  }
0xb2: {  	s5 =	sor.u32 @!p0 s5, s7;
	[sflag:s6] =	ssyncadd.s32 @!p0 $0xFFFFFFFF  }
0xb3: {  	s25 =	simm.s32 $0x1B8E;
	s24 =	sld [smem:$0x3FFE];
	[sflag:s5] =	ssyncadd.remote.s32 @!p0 $0x1  }
0xb4: {  	s26 =	simm.s32 $execute0_lowered;
	[smem:$0x3FD2] =	sst s25  }
0xb5: {  	s6 =	sshll.u32 s26, $0x1;
	_ =	strace $0x8000004F;
	[dreg:$0x1] =	wrdreg $0xFFFFFFFF  }
0xb6: {  	s28 =	simm.s32 $_size_execute0_lowered;
	s4 =	sadd.s32 s4, s6;
	[dreg:$0x0] =	wrdreg $0x0  }
0xb7: {  	s6 =	sshll.u32 s28, $0x1;
	[dreg:$0x2] =	wrdreg s4  }
0xb8: {  	[dreg:$0x3] =	wrdreg s6  }
0xb9: {  	[dreg:$0x4] =	wrdreg $0xC0  }
0xba: {  	_ =	task [dreg:s22], $0x5FFFF  }
0xbb: {  	[dreg:$0x1] =	wrdreg $0xFFFFFFFF  }
0xbc: {  	[dreg:$0x0] =	wrdreg $0x60  }
0xbd: {  	[dreg:$0x2] =	wrdreg s24  }
0xbe: {  	[dreg:$0x3] =	wrdreg s18  }
0xbf: {  	[dreg:$0x4] =	wrdreg $0x91000  }
0xc0: {  	[dreg:$0x5] =	wrdreg $0x9  }
0xc1: {  	_ =	task.clear_ibuf [dreg:s22], $0x6FFFF;
	_ =	strace $0x9000004F  }
0xc2: {  	s29 =	simm.s32 $0x9;
	_ =	strace $0x80000051  }
0xc3: {  	_ =	swait.ge [sflag:s29], $0x1  }
0xc4: {  	[sflag:s29] =	ssyncadd.s32 $0xFFFFFFFF  }
0xc5: {  	_ =	strace $0x90000051  }
0xc6: {  	_ =	sfence  }
0xc7: {  	s30 =	sld [smem:$0x0];
	_ =	sdelay $0x2  }
0xc8: {  	s31 =	sshll.u32 s1, $0xD;
	s1 =	sshrl.u32 s1, $0x2  }
0xc9: {  	s4 =	sand.u32 $0x4000, s31;
	s1 =	sadd.s32 s1, s30  }
0xca: {  	s0 =	sor.u32 s4, s0;
	s1 =	sshll.u32 s1, $0x11  }
0xcb: {  	s0 =	sor.u32 s1, s0  }
0xcc: {  	s0 =	sadd.s32 $0x8F2B, s0  }
0xcd: {  	[sflag:s0] =	ssyncadd.remote.s32 $0x1  }
0xce: {  	_ =	sfence.sel $0xFFFF  }
0xcf: {  	[dreg:$0x0] =	wrdreg $0xFFFFFFFF;
	(pc) =	sbr.abs _section_cstart, $3  }
0xd0: {  	[dreg:$0x1] =	wrdreg $0xFFFFFFFF  }
0xd1: {  	_ =	task.clear_ibuf [dreg:s22], $0x2FFFF;
	_ =	strace $0x9FFFFFFF  }
0xd2: {  	(tm) =	ssettm $0x7FFFFFFF  }
0xd3: {  	_ =	shalt  }
tec
execute0_lowered:
.L_overlay_start_1:
0x0: {  	(tag) =	ssettag $0x1  }
0x1: {  	s0 =	rddreg [dreg:$0x0]  }
0x2: {  	s1 =	rddreg [dreg:$0x1]  }
0x3: {  	s2 =	rddreg [dreg:$0x2];
	s4 =	simm.s32 $0x0;
	s6 =	srdreg.scid  }
0x4: {  	s3 =	stileid.u32;
	s22 =	simm.s32 $0x80;
	s23 =	simm.s32 $0x100  }
0x5: {  	s24 =	simm.s32 $0x50;
	s25 =	simm.s32 $0x2900;
	s26 =	simm.s32 $0x1  }
0x6: {  	s28 =	simm.s32 $0x0;
	[smem:$0x7FF] =	sst s4;
	s5 =	sadd.s32 $0xA5800, s0  }
0x7: {  	s13 =	sand.u32 $0x1, s6;
	s8 =	smul.u32 $0x50000, s3;
	s6 =	sadd.s32 $0xA3800, s0  }
0x8: {  	s14 =	smul.u32 $0x14000, s3;
	s7 =	sadd.s32 $0x209000, s0;
	s0 =	sadd.s32 $0x303000, s0  }
0x9: {  	s21 =	sshll.u32 s3, $0x1;
	_ =	strace $0x80000050;
	s9 =	ssub.s32 $0x2, s13  }
0xa: {  	s20 =	smul.u32 $0x140000, s13;
	s13 =	sor.u32 s13, s21;
	s21 =	simm.s32 $0x2  }
0xb: {  	s10 =	sshrl.u32 s9, $0x1;
	s8 =	sshrl.u32 s8, $0x2;
	s15 =	sadd.s32 $0x4000, s14  }
0xc: {  	s16 =	sadd.s32 $0x8000, s14;
	s17 =	sadd.s32 $0xC000, s14;
	s18 =	sadd.s32 $0x10000, s14  }
0xd: {  	s13 =	smul.u32 $0x7D0, s13;
	s19 =	ssub.s32 s9, s10;
	s8 =	sadd.s32 s8, s2  }
0xe: {  	s9 =	sadd.s32 s15, s2;
	s10 =	sadd.s32 s16, s2;
	s11 =	sadd.s32 s17, s2  }
0xf: {  	s12 =	sadd.s32 s18, s2;
	s14 =	sadd.s32 s14, s20;
	s15 =	sadd.s32 s20, s15  }
0x10: {  	s16 =	sadd.s32 s20, s16;
	s17 =	sadd.s32 s20, s17;
	s18 =	sadd.s32 s20, s18  }
0x11: {  	s20 =	simm.s32 $0x5100;
	s14 =	sshrl.u32 s14, $0x3;
	s15 =	sshrl.u32 s15, $0x3  }
0x12: {  	s16 =	sshrl.u32 s16, $0x3;
	s17 =	sshrl.u32 s17, $0x3;
	s18 =	sshrl.u32 s18, $0x3  }
0x13: {  	s19 =	smax.u32 s19, $0x1;
	s14 =	sadd.s32 s0, s14;
	s15 =	sadd.s32 s0, s15  }
0x14: {  	v0 =	vimm.f32 $0.0e+00;
	s16 =	sadd.s32 s0, s16;
	s17 =	sadd.s32 s0, s17;
	s18 =	sadd.s32 s0, s18  }
.LBB2_1:
0x15: {  	s0 =	simm.s32 $0x0;
	s29 =	simm.s32 $0x200  }
.LBB2_2:
0x16: {  	p0 =	sne.s32 s29, $0xFE00;
	[tilespmem:s0+$0x5170] =	vst v0  }
0x17: {  	[tilespmem:s0+$0x5100] =	vst v0  }
0x18: {  	[tilespmem:s0+$0x5110] =	vst v0  }
.Ltmp0:
0x19: {  	[tilespmem:s0+$0x5120] =	vst v0;
	(pc) =	sbr.rel @p0 .LBB2_2-.Ltmp0, $4  }
0x1a: {  	[tilespmem:s0+$0x5130] =	vst v0  }
0x1b: {  	[tilespmem:s0+$0x5140] =	vst v0  }
0x1c: {  	[tilespmem:s0+$0x5150] =	vst v0  }
0x1d: {  	[tilespmem:s0+$0x5160] =	vst v0;
	s0 =	sshra.s32 s29, $0x2;
	s29 =	sadd.s32 $0x200, s29  }
0x1e: {  	[tilespmem:s0+$0x5170] =	vst v0  }
0x1f: {  	[tilespmem:s0+$0x5100] =	vst v0  }
0x20: {  	[tilespmem:s0+$0x5110] =	vst v0  }
0x21: {  	[tilespmem:s0+$0x5120] =	vst v0  }
0x22: {  	[tilespmem:s0+$0x5130] =	vst v0  }
0x23: {  	[tilespmem:s0+$0x5140] =	vst v0  }
0x24: {  	[tilespmem:s0+$0x5150] =	vst v0  }
0x25: {  	[tilespmem:s0+$0x5160] =	vst v0  }
0x26: {  	[spmem:s8] =	stream.linear.scatter [tilespmem:s20], [sflag:$0x2], $0x4000, $0x38;
	[tilespmem:$0x1D100] =	vst v63  }
0x27: {  	_ =	swait.ge [sflag:s21], $0x4000  }
0x28: {  	[sflag:s21] =	ssyncset.done $0x0  }
0x29: {  	[sflag:s21] =	ssyncadd.s32 $0xFFFFC000  }
0x2a: {  	[spmem:s9] =	stream.linear.scatter [tilespmem:s20], [sflag:$0x2], $0x4000, $0x38;
	[tilespmem:$0x1D100] =	vst v63  }
0x2b: {  	_ =	swait.ge [sflag:s21], $0x4000  }
0x2c: {  	[sflag:s21] =	ssyncset.done $0x0  }
0x2d: {  	[sflag:s21] =	ssyncadd.s32 $0xFFFFC000  }
0x2e: {  	[spmem:s10] =	stream.linear.scatter [tilespmem:s20], [sflag:$0x2], $0x4000, $0x38;
	[tilespmem:$0x1D100] =	vst v63  }
0x2f: {  	_ =	swait.ge [sflag:s21], $0x4000  }
0x30: {  	[sflag:s21] =	ssyncset.done $0x0  }
0x31: {  	[sflag:s21] =	ssyncadd.s32 $0xFFFFC000  }
0x32: {  	[spmem:s11] =	stream.linear.scatter [tilespmem:s20], [sflag:$0x2], $0x4000, $0x38;
	[tilespmem:$0x1D100] =	vst v63  }
0x33: {  	_ =	swait.ge [sflag:s21], $0x4000  }
0x34: {  	[sflag:s21] =	ssyncset.done $0x0  }
0x35: {  	[sflag:s21] =	ssyncadd.s32 $0xFFFFC000  }
0x36: {  	[spmem:s12] =	stream.linear.scatter [tilespmem:s20], [sflag:$0x2], $0x4000, $0x38;
	[tilespmem:$0x1D100] =	vst v63  }
0x37: {  	_ =	swait.ge [sflag:s21], $0x4000  }
0x38: {  	[sflag:s21] =	ssyncset.done $0x0  }
0x39: {  	[sflag:s21] =	ssyncadd.s32 $0xFFFFC000  }
0x3a: {  	s29 =	simm.s32 $0x0;
	s30 =	simm.s32 $0x0;
	[bflag:$0x0] =	sbarrier.arrive $0xFFFF  }
.LBB2_4:
0x3b: {  	s0 =	smul.u32 $0x50, s30;
	_ =	sdelay $0x1  }
0x3c: {  	s0 =	sadd.s32 s13, s0  }
0x3d: {  	s31 =	sshrl.u32 s0, $0x3  }
0x3e: {  	s3 =	sadd.s32 s5, s31  }
0x3f: {  	[tilespmem:s29], [sflag:$0x2] =	stream.linear.gather [hbm4b:s3+s29], $0x50, $0x38;
	[tilespmem:$0x1D100] =	vst v63  }
0x40: {  	_ =	swait.ge [sflag:s21], $0x50  }
0x41: {  	[sflag:s21] =	ssyncset.done $0x0  }
0x42: {  	s3 =	sadd.s32 s6, s31;
	[sflag:s21] =	ssyncadd.s32 $0xFFFFFFB0  }
0x43: {  	[tilespmem:s22], [sflag:$0x2] =	stream.linear.gather [hbm4b:s3+s29], $0x50, $0x38;
	[tilespmem:$0x1D100] =	vst v63  }
0x44: {  	_ =	swait.ge [sflag:s21], $0x50  }
0x45: {  	s0 =	sshll.u32 s0, $0x4;
	[sflag:s21] =	ssyncset.done $0x0  }
0x46: {  	s0 =	sadd.s32 s7, s0;
	[sflag:s21] =	ssyncadd.s32 $0xFFFFFFB0  }
0x47: {  	[tilespmem:s23], [sflag:$0x2] =	stream.linear.gather [hbm4b:s0+s29], $0x2800, $0x38;
	[tilespmem:$0x1D100] =	vst v63  }
0x48: {  	_ =	swait.ge [sflag:s21], $0x2800  }
0x49: {  	[sflag:s21] =	ssyncset.done $0x0  }
0x4a: {  	[sflag:s21] =	ssyncadd.s32 $0xFFFFD800  }
0x4b: {  	[tilespmem:s25], [sflag:$0x1] =	stream.indirect.gather [hbm4b:s1+s24], $0x80, s29, s24, $0xb8;
	[tilespmem:$0x1D100] =	vst v63  }
0x4c: {  	_ =	swait.ge [sflag:s26], $0x2800  }
0x4d: {  	[sflag:s26] =	ssyncset.done $0x0  }
0x4e: {  	s31 =	simm.s32 $0x0;
	[sflag:s26] =	ssyncadd.s32 $0xFFFFD800  }
0x4f: {  	v7 =	vld [tilespmem:s31+$0x100]  }
0x50: {  	v12 =	vld [tilespmem:s31+$0x110]  }
0x51: {  	v6 =	vld [tilespmem:s31+$0x120]  }
0x52: {  	v5 =	vld [tilespmem:s31+$0x130]  }
0x53: {  	v4 =	vld [tilespmem:s31+$0x140]  }
0x54: {  	v3 =	vld [tilespmem:s31+$0x150]  }
0x55: {  	v2 =	vld [tilespmem:s31+$0x160]  }
0x56: {  	v1 =	vld [tilespmem:s31+$0x170]  }
0x57: {  	v13 =	vld [tilespmem:s31+$0x2900]  }
0x58: {  	v14 =	vld [tilespmem:s31+$0x2910]  }
0x59: {  	v11 =	vld [tilespmem:s31+$0x2920]  }
0x5a: {  	v10 =	vld [tilespmem:s31+$0x2930]  }
0x5b: {  	v9 =	vld [tilespmem:s31+$0x2940]  }
0x5c: {  	v8 =	vld [tilespmem:s31+$0x2950];
	v13 =	vadd.f32 v7, v13  }
0x5d: {  	s0 =	simm.s32 $0x200;
	v12 =	vadd.f32 v12, v14;
	v7 =	vld [tilespmem:s31+$0x2960]  }
.LBB2_5:
0x5e: {  	s3 =	sshra.s32 s0, $0x2;
	p0 =	sne.s32 s0, $0x9E00;
	v13 =	vmax.f32 v13, $0.0e+00;
	v6 =	vadd.f32 v6, v11;
	v11 =	vld [tilespmem:s31+$0x2970]  }
0x5f: {  	v14 =	vld [tilespmem:s3+$0x100];
	[tilespmem:s31+$0x2900] =	vst v13;
	v12 =	vmax.f32 v12, $0.0e+00;
	v5 =	vadd.f32 v5, v10  }
0x60: {  	v15 =	vld [tilespmem:s3+$0x110];
	[tilespmem:s31+$0x2910] =	vst v12;
	v10 =	vmax.f32 v6, $0.0e+00;
	v4 =	vadd.f32 v4, v9  }
0x61: {  	v6 =	vld [tilespmem:s3+$0x120];
	[tilespmem:s31+$0x2920] =	vst v10;
	v9 =	vmax.f32 v5, $0.0e+00;
	v3 =	vadd.f32 v3, v8  }
0x62: {  	v5 =	vld [tilespmem:s3+$0x130];
	[tilespmem:s31+$0x2930] =	vst v9;
	v8 =	vmax.f32 v4, $0.0e+00;
	v2 =	vadd.f32 v2, v7  }
0x63: {  	v4 =	vld [tilespmem:s3+$0x140];
	[tilespmem:s31+$0x2940] =	vst v8;
	v7 =	vmax.f32 v3, $0.0e+00;
	v1 =	vadd.f32 v1, v11  }
0x64: {  	v3 =	vld [tilespmem:s3+$0x150];
	[tilespmem:s31+$0x2950] =	vst v7;
	v7 =	vmax.f32 v2, $0.0e+00  }
0x65: {  	v2 =	vld [tilespmem:s3+$0x160];
	[tilespmem:s31+$0x2960] =	vst v7;
	v7 =	vmax.f32 v1, $0.0e+00  }
0x66: {  	v1 =	vld [tilespmem:s3+$0x170];
	[tilespmem:s31+$0x2970] =	vst v7;
	s31 =	smov.u32 s3  }
0x67: {  	v7 =	vld [tilespmem:s31+$0x2900]  }
0x68: {  	v12 =	vld [tilespmem:s31+$0x2910]  }
.Ltmp1:
0x69: {  	v11 =	vld [tilespmem:s31+$0x2920];
	(pc) =	sbr.rel @p0 .LBB2_5-.Ltmp1, $4  }
0x6a: {  	v10 =	vld [tilespmem:s31+$0x2930]  }
0x6b: {  	v9 =	vld [tilespmem:s31+$0x2940]  }
0x6c: {  	v13 =	vadd.f32 v14, v7;
	v8 =	vld [tilespmem:s31+$0x2950]  }
0x6d: {  	s0 =	sadd.s32 $0x200, s0;
	v12 =	vadd.f32 v15, v12;
	v7 =	vld [tilespmem:s31+$0x2960]  }
0x6e: {  	v13 =	vmax.f32 v13, $0.0e+00;
	v6 =	vadd.f32 v6, v11;
	v63 =	vld [tilespmem:s31+$0x2970]  }
0x6f: {  	[tilespmem:s31+$0x2900] =	vst v13;
	v12 =	vmax.f32 v12, $0.0e+00;
	v5 =	vadd.f32 v5, v10  }
0x70: {  	[tilespmem:s31+$0x2910] =	vst v12;
	v6 =	vmax.f32 v6, $0.0e+00;
	v4 =	vadd.f32 v4, v9  }
0x71: {  	[tilespmem:s31+$0x2920] =	vst v6;
	v5 =	vmax.f32 v5, $0.0e+00;
	v3 =	vadd.f32 v3, v8  }
0x72: {  	[tilespmem:s31+$0x2930] =	vst v5;
	v4 =	vmax.f32 v4, $0.0e+00;
	v2 =	vadd.f32 v2, v7  }
0x73: {  	[tilespmem:s31+$0x2940] =	vst v4;
	v3 =	vmax.f32 v3, $0.0e+00;
	v1 =	vadd.f32 v1, v63  }
0x74: {  	s30 =	sadd.s32 $0x1, s30;
	[tilespmem:s31+$0x2950] =	vst v3;
	v2 =	vmax.f32 v2, $0.0e+00  }
0x75: {  	p0 =	sne.s32 s30, $0x19;
	[tilespmem:s31+$0x2960] =	vst v2;
	v1 =	vmax.f32 v1, $0.0e+00  }
.Ltmp2:
0x76: {  	[tilespmem:s31+$0x2970] =	vst v1;
	(pc) =	sbr.rel @p0 .LBB2_4-.Ltmp2, $4  }
0x77: {  	[spmem:s2] =	stream.indirect.scatter.add.f32 [tilespmem:s25], [sflag:$0x2], $0x80, s22, s24, $0xb8;
	[tilespmem:$0x1D100] =	vst v63  }
0x78: {  	_ =	swait.ge [sflag:s21], $0x2800  }
0x79: {  	[sflag:s21] =	ssyncset.done $0x0  }
0x7a: {  	[sflag:s21] =	ssyncadd.s32 $0xFFFFD800  }
0x7b: {  	[bflag:$0x0] =	sbarrier.arrive $0xFFFF  }
0x7c: {  	[tilespmem:s20], [sflag:$0x2] =	stream.linear.gather [spmem:s8], $0x4000, $0x38;
	[tilespmem:$0x1D100] =	vst v63  }
0x7d: {  	_ =	swait.ge [sflag:s21], $0x4000  }
0x7e: {  	[sflag:s21] =	ssyncset.done $0x0  }
0x7f: {  	[sflag:s21] =	ssyncadd.s32 $0xFFFFC000  }
0x80: {  	[hbm4b:s14+s4] =	stream.linear.scatter [tilespmem:s20], [sflag:$0x2], $0x4000, $0x38;
	[tilespmem:$0x1D100] =	vst v63  }
0x81: {  	_ =	swait.ge [sflag:s21], $0x4000  }
0x82: {  	[sflag:s21] =	ssyncset.done $0x0  }
0x83: {  	[sflag:s21] =	ssyncadd.s32 $0xFFFFC000  }
0x84: {  	[tilespmem:s20], [sflag:$0x2] =	stream.linear.gather [spmem:s9], $0x4000, $0x38;
	[tilespmem:$0x1D100] =	vst v63  }
0x85: {  	_ =	swait.ge [sflag:s21], $0x4000  }
0x86: {  	[sflag:s21] =	ssyncset.done $0x0  }
0x87: {  	[sflag:s21] =	ssyncadd.s32 $0xFFFFC000  }
0x88: {  	[hbm4b:s15+s4] =	stream.linear.scatter [tilespmem:s20], [sflag:$0x2], $0x4000, $0x38;
	[tilespmem:$0x1D100] =	vst v63  }
0x89: {  	_ =	swait.ge [sflag:s21], $0x4000  }
0x8a: {  	[sflag:s21] =	ssyncset.done $0x0  }
0x8b: {  	[sflag:s21] =	ssyncadd.s32 $0xFFFFC000  }
0x8c: {  	[tilespmem:s20], [sflag:$0x2] =	stream.linear.gather [spmem:s10], $0x4000, $0x38;
	[tilespmem:$0x1D100] =	vst v63  }
0x8d: {  	_ =	swait.ge [sflag:s21], $0x4000  }
0x8e: {  	[sflag:s21] =	ssyncset.done $0x0  }
0x8f: {  	[sflag:s21] =	ssyncadd.s32 $0xFFFFC000  }
0x90: {  	[hbm4b:s16+s4] =	stream.linear.scatter [tilespmem:s20], [sflag:$0x2], $0x4000, $0x38;
	[tilespmem:$0x1D100] =	vst v63  }
0x91: {  	_ =	swait.ge [sflag:s21], $0x4000  }
0x92: {  	[sflag:s21] =	ssyncset.done $0x0  }
0x93: {  	[sflag:s21] =	ssyncadd.s32 $0xFFFFC000  }
0x94: {  	[tilespmem:s20], [sflag:$0x2] =	stream.linear.gather [spmem:s11], $0x4000, $0x38;
	[tilespmem:$0x1D100] =	vst v63  }
0x95: {  	_ =	swait.ge [sflag:s21], $0x4000  }
0x96: {  	[sflag:s21] =	ssyncset.done $0x0  }
0x97: {  	[sflag:s21] =	ssyncadd.s32 $0xFFFFC000  }
0x98: {  	[hbm4b:s17+s4] =	stream.linear.scatter [tilespmem:s20], [sflag:$0x2], $0x4000, $0x38;
	[tilespmem:$0x1D100] =	vst v63  }
0x99: {  	_ =	swait.ge [sflag:s21], $0x4000  }
0x9a: {  	[sflag:s21] =	ssyncset.done $0x0  }
0x9b: {  	[sflag:s21] =	ssyncadd.s32 $0xFFFFC000  }
0x9c: {  	[tilespmem:s20], [sflag:$0x2] =	stream.linear.gather [spmem:s12], $0x4000, $0x38;
	[tilespmem:$0x1D100] =	vst v63  }
0x9d: {  	s28 =	sadd.s32 $0x1, s28;
	_ =	swait.ge [sflag:s21], $0x4000  }
0x9e: {  	p0 =	sne.s32 s28, s19;
	[sflag:s21] =	ssyncset.done $0x0  }
.Ltmp3:
0x9f: {  	[sflag:s21] =	ssyncadd.s32 $0xFFFFC000;
	(pc) =	sbr.rel @p0 .LBB2_1-.Ltmp3, $4  }
0xa0: {  	[hbm4b:s18+s4] =	stream.linear.scatter [tilespmem:s20], [sflag:$0x2], $0x4000, $0x38;
	[tilespmem:$0x1D100] =	vst v63  }
0xa1: {  	_ =	swait.ge [sflag:s21], $0x4000  }
0xa2: {  	[sflag:s21] =	ssyncset.done $0x0  }
0xa3: {  	[sflag:s21] =	ssyncadd.s32 $0xFFFFC000  }
0xa4: {  	_ =	sfence.sel $0x180000  }
0xa5: {  	[bflag:$0x0] =	sbarrier.arrive $0xFFFF  }
0xa6: {  	_ =	strace $0x90000050  }
0xa7: {  	s0 =	stileid.u32;
	[bflag:$0x2] =	sbarrier.arrive $0xFFFF  }
0xa8: {  	p0 =	sne.s32 s0, $0x0;
	s0 =	rddreg [dreg:$0x3]  }
0xa9: {  	s0 =	sadd.s32 @!p0 $0x100000, s0  }
0xaa: {  	[sflag:s0] =	ssyncadd.tile.s32 @!p0 $0x1;
	_ =	shalt  }
.Lfunc_end2:
_tile_overlayer_lowered:
.L_overlay_start_2:
0xab: {  	(tag) =	ssettag $0x2  }
0xac: {  	s0 =	rddreg [dreg:$0x0];
	s2 =	stileid.u32  }
0xad: {  	s1 =	rddreg [dreg:$0x1];
	p0 =	sne.s32 s2, $0x0  }
0xae: {  	s3 =	rddreg [dreg:$0x2];
	[bflag:$0x3] =	sbarrier.arrive $0xFFFF;
	s2 =	simm.s32 @!p0 $0x1C02  }
0xaf: {  	[timem:s3], [sflag:s2] =	dma.local @!p0 [hbm:s0], s1  }
0xb0: {  	s0 =	simm.s32 @!p0 $0x2  }
0xb1: {  	_ =	swait.ge @!p0 [sflag:s0], s1  }
0xb2: {  	s1 =	ssub.s32 @!p0 $0x0, s1;
	[sflag:s0] =	ssyncset.done @!p0 $0x0  }
0xb3: {  	[sflag:s0] =	ssyncadd.s32 @!p0 s1  }
0xb4: {  	[bflag:$0x3] =	sbarrier.arrive $0xFFFF  }
0xb5: {  	_ =	shalt  }

// kernel: kernel.14.cloned.1.call-start
scs
__scs_entry_jumppad:
0x0: {  	(pc) =	sbr.rel $0x88, $3  }
0x1: {  	(tag) =	ssettag $0x0;
	lr =	simm.s32 $0x1  }
0x2: {  	[smem:$0x3F91] =	sst lr;
	_ =	strace $0xD0000000  }
0x3: {  	_ = 	snop  }
0x4: {  	_ = 	snop  }
0x5: {  	_ = 	snop  }
0x6: {  	_ = 	snop  }
0x7: {  	_ = 	snop  }
__scs_overlays_trampoline_lowered:
0x8: {  	[smem:$0x3FA0] =	sst s0  }
0x9: {  	[smem:$0x3FA1] =	sst s1  }
0xa: {  	[smem:$0x3FA2] =	sst s2  }
0xb: {  	[smem:$0x3FA3] =	sst s3  }
0xc: {  	[smem:$0x3FA4] =	sst s4  }
0xd: {  	[smem:$0x3FA5] =	sst s5  }
0xe: {  	[smem:$0x3FA6] =	sst s6  }
0xf: {  	[smem:$0x3FA7] =	sst s7  }
0x10: {  	[smem:$0x3FA8] =	sst s8  }
0x11: {  	[smem:$0x3FA9] =	sst s9;
	s0 =	simm.s32 @!p0 $0x0  }
0x12: {  	s1 =	sld [smem:$0x3F8F];
	s0 =	simm.s32 @p0 $0x1  }
0x13: {  	[smem:$0x3FAA] =	sst s0;
	s0 =	simm.s32 @!p1 $0x0  }
0x14: {  	s2 =	sld [smem:$0x3F8E];
	s0 =	simm.s32 @p1 $0x1  }
0x15: {  	[smem:$0x3FAB] =	sst s0;
	s0 =	simm.s32 @!p2 $0x0  }
0x16: {  	s3 =	sld [smem:$0x3FDB];
	s0 =	simm.s32 @p2 $0x1  }
0x17: {  	s4 =	simm.s32 $0x1BF5;
	[smem:$0x3FAD] =	sst s0  }
0x18: {  	s0 =	sld [smem:$0x3F90];
	_ =	swait.ge [sflag:s4], $0x0  }
0x19: {  	s7 =	sld [smem:$0x3F91]  }
0x1a: {  	s8 =	sadd.s32 $0xFFFFE003, lr  }
0x1b: {  	s9 =	sadd.s32 $0xFFFFFEF7, lr;
	s5 =	simm.s32 $0xFFFFFFFF;
	p2 =	slt.u32 s8, $0xFFFFF086  }
0x1c: {  	p1 =	slt.u32 s9, $0xF7A;
	s5 =	simm.s32 @!p2 $0x0  }
0x1d: {  	s5 =	simm.s32 @p1 $0x1;
	p0 =	seq.s32 s7, s2  }
0x1e: {  	s7 =	smul.u32 @!p0 $0xF7A, s2;
	p2 =	seq.s32 @!p0 s5, $0x0  }
0x1f: {  	s9 =	smul.u32 $0xF7A, s1;
	s8 =	simm.s32 @!p0 $0x1BF5;
	p2 =	por !p2, p0  }
0x20: {  	[sflag:s8] =	ssyncset.s32 @!p0 $0xFFFFF086;
	s6 =	sadd.s32 @!p0 s3, s7;
	s7 =	simm.s32 @!p0 $0x108  }
0x21: {  	s3 =	sadd.s32 s3, s9;
	s6 =	sadd.s32 @!p0 $0x88, s6;
	s7 =	simm.s32 @p2 $0x1082  }
0x22: {  	[simem:s7], [sflag:s8] =	dma.local @!p0 [hbm:s6], $0xF7A  }
0x23: {  	s9 =	sor.u32 $0xD0000000, s2;
	s6 =	simm.s32 $0x108;
	_ =	swait.ge @!p0 [sflag:s8], $0x0  }
0x24: {  	s3 =	sadd.s32 $0x88, s3;
	s6 =	simm.s32 @!p1 $0x1082;
	[sflag:s4] =	ssyncset.s32 $0xFFFFF086  }
0x25: {  	[simem:s6], [sflag:s4] =	dma.local [hbm:s3], $0xF7A  }
0x26: {  	[smem:$0x3F91] =	sst s1;
	(tag) =	ssettag s2;
	_ =	strace s9  }
0x27: {  	s1 =	sld [smem:$0x3FA1]  }
0x28: {  	s2 =	sld [smem:$0x3FA2]  }
0x29: {  	s4 =	sld [smem:$0x3FA4]  }
0x2a: {  	p0 =	seq.s32 s5, $0x0;
	s5 =	sld [smem:$0x3FA5]  }
0x2b: {  	s6 =	sld [smem:$0x3FA6]  }
0x2c: {  	s7 =	sld [smem:$0x3FA7]  }
0x2d: {  	s3 =	simm.s32 $0x108;
	s8 =	sld [smem:$0x3FA8]  }
0x2e: {  	s3 =	simm.s32 @!p0 $0x1082;
	s9 =	sld [smem:$0x3FA9]  }
0x2f: {  	lr =	sadd.s32 s0, s3;
	s0 =	sld [smem:$0x3FA0]  }
0x30: {  	s3 =	sld [smem:$0x3FA3]  }
0x31: {  	[smem:$0x3FAC] =	sst s10  }
0x32: {  	s10 =	sld [smem:$0x3FAA];
	_ =	sdelay $0x3  }
0x33: {  	p0 =	seq.s32 s10, $0x1;
	s10 =	sld [smem:$0x3FAC];
	_ =	sdelay $0x3  }
0x34: {  	[smem:$0x3FAC] =	sst s10  }
0x35: {  	s10 =	sld [smem:$0x3FAB];
	_ =	sdelay $0x3  }
0x36: {  	p1 =	seq.s32 s10, $0x1;
	s10 =	sld [smem:$0x3FAC];
	_ =	sdelay $0x3  }
0x37: {  	[smem:$0x3FAC] =	sst s10  }
0x38: {  	s10 =	sld [smem:$0x3FAD]  }
0x39: {  	_ = 	snop;
	(pc) =	sbr.ind lr, $3  }
0x3a: {  	_ = 	snop  }
0x3b: {  	_ = 	snop  }
0x3c: {  	p2 =	seq.s32 s10, $0x1;
	s10 =	sld [smem:$0x3FAC]  }
0x3d: {  	_ =	shalt  }
0x3e: {  	_ =	shalt  }
0x3f: {  	_ =	shalt  }
0x40: {  	_ =	shalt  }
0x41: {  	_ =	shalt  }
0x42: {  	_ =	shalt  }
0x43: {  	_ =	shalt  }
0x44: {  	_ =	shalt  }
0x45: {  	_ =	shalt  }
0x46: {  	_ =	shalt  }
0x47: {  	_ =	shalt  }
0x48: {  	_ =	shalt  }
0x49: {  	_ =	shalt  }
0x4a: {  	_ =	shalt  }
0x4b: {  	_ =	shalt  }
0x4c: {  	_ =	shalt  }
0x4d: {  	_ =	shalt  }
0x4e: {  	_ =	shalt  }
0x4f: {  	_ =	shalt  }
0x50: {  	_ =	shalt  }
0x51: {  	_ =	shalt  }
0x52: {  	_ =	shalt  }
0x53: {  	_ =	shalt  }
0x54: {  	_ =	shalt  }
0x55: {  	_ =	shalt  }
0x56: {  	_ =	shalt  }
0x57: {  	_ =	shalt  }
0x58: {  	_ =	shalt  }
0x59: {  	_ =	shalt  }
0x5a: {  	_ =	shalt  }
0x5b: {  	_ =	shalt  }
0x5c: {  	_ =	shalt  }
0x5d: {  	_ =	shalt  }
0x5e: {  	_ =	shalt  }
0x5f: {  	_ =	shalt  }
0x60: {  	_ =	shalt  }
0x61: {  	_ =	shalt  }
0x62: {  	_ =	shalt  }
0x63: {  	_ =	shalt  }
0x64: {  	_ =	shalt  }
0x65: {  	_ =	shalt  }
0x66: {  	_ =	shalt  }
0x67: {  	_ =	shalt  }
0x68: {  	_ =	shalt  }
0x69: {  	_ =	shalt  }
0x6a: {  	_ =	shalt  }
0x6b: {  	_ =	shalt  }
0x6c: {  	_ =	shalt  }
0x6d: {  	_ =	shalt  }
0x6e: {  	_ =	shalt  }
0x6f: {  	_ =	shalt  }
0x70: {  	_ =	shalt  }
0x71: {  	_ =	shalt  }
0x72: {  	_ =	shalt  }
0x73: {  	_ =	shalt  }
0x74: {  	_ =	shalt  }
0x75: {  	_ =	shalt  }
0x76: {  	_ =	shalt  }
0x77: {  	_ =	shalt  }
0x78: {  	_ =	shalt  }
0x79: {  	_ =	shalt  }
0x7a: {  	_ =	shalt  }
0x7b: {  	_ =	shalt  }
0x7c: {  	_ =	shalt  }
0x7d: {  	_ =	shalt  }
0x7e: {  	_ =	shalt  }
0x7f: {  	_ =	shalt  }
0x80: {  	_ =	shalt  }
0x81: {  	_ =	shalt  }
0x82: {  	_ =	shalt  }
0x83: {  	_ =	shalt  }
0x84: {  	_ =	shalt  }
0x85: {  	_ =	shalt  }
0x86: {  	_ =	shalt  }
0x87: {  	_ =	shalt  }
.Lfunc_end0:
.L_simem_size_0:
called_computation.1_lowered:
.L_overlay_start_0:
0x88: {  	s2 =	sld [smem:$0x3FD9]  }
0x89: {  	s3 =	sld [smem:$0x3FFE];
	_ =	sdelay $0x1  }
0x8a: {  	s1 =	srdreg.scid  }
0x8b: {  	s0 =	sand.u32 $0x1, s1  }
0x8c: {  	s17 =	sshll.u32 s0, $0xA;
	s2 =	sadd.s32 s3, s2  }
0x8d: {  	s2 =	sadd.s32 s2, s17  }
0x8e: {  	[smem:$0x3FB8] =	sst s2  }
0x8f: {  	_ = 	snop  }
0x90: {  	s2 =	sld [smem:$0x3FC9];
	(tm) =	ssettm $0x1  }
0x91: {  	s18 =	sld [smem:$0x3FFB];
	_ =	sdelay $0x3  }
0x92: {  	_ =	strace s18  }
0x93: {  	s3 =	sld [smem:$0x3FFC];
	_ =	sdelay $0x3  }
0x94: {  	_ =	strace s3  }
0x95: {  	s3 =	sld [smem:$0x3FFD];
	_ =	sdelay $0x3  }
0x96: {  	_ =	strace s3  }
0x97: {  	_ =	strace $0x8FFFFFFF  }
0x98: {  	s19 =	sld [smem:$0x3FDB];
	_ =	sdelay $0x1  }
0x99: {  	s4 =	simm.s32 $_scs_section_size  }
0x9a: {  	s5 =	simm.s32 $_size__tile_overlayer_lowered;
	s6 =	simm.s32 $_tile_overlayer_lowered  }
0x9b: {  	s22 =	simm.s32 $0x1BFF;
	s21 =	sshll.u32 s6, $0x1;
	s3 =	sadd.s32 s4, s19  }
0x9c: {  	s7 =	simm.s32 $0x0;
	s20 =	sshll.u32 s5, $0x1;
	s5 =	sadd.s32 s21, s3  }
0x9d: {  	[timem:s7], [sflag:s22] =	dma.local [hbm:s5], s20  }
0x9e: {  	_ =	swait.ge [sflag:s22], s20  }
0x9f: {  	s4 =	ssub.s32 $0x0, s20;
	[sflag:s22] =	ssyncset.done $0x0  }
0xa0: {  	[sflag:s22] =	ssyncadd.s32 s4;
	_ =	sdelay $0x1  }
0xa1: {  	s23 =	simm.s32 $0x1B8B  }
0xa2: {  	_ =	swait.ge [sflag:s23], $0x1  }
0xa3: {  	[sflag:s23] =	ssyncset.done $0x0  }
0xa4: {  	s25 =	simm.s32 $0x1B8E;
	s24 =	sld [smem:$0x3FFE];
	[sflag:s23] =	ssyncadd.s32 $0xFFFFFFFF  }
0xa5: {  	s26 =	simm.s32 $execute0_lowered;
	[smem:$0x3FD2] =	sst s25  }
0xa6: {  	s5 =	sshll.u32 s26, $0x1;
	_ =	strace $0x80000046;
	[dreg:$0x1] =	wrdreg $0xFFFFFFFF  }
0xa7: {  	s28 =	simm.s32 $_size_execute0_lowered;
	s3 =	sadd.s32 s3, s5;
	[dreg:$0x0] =	wrdreg $0x0  }
0xa8: {  	s5 =	sshll.u32 s28, $0x1;
	[dreg:$0x2] =	wrdreg s3  }
0xa9: {  	[dreg:$0x3] =	wrdreg s5  }
0xaa: {  	[dreg:$0x4] =	wrdreg $0xC0  }
0xab: {  	_ =	task [dreg:s7], $0x5FFFF  }
0xac: {  	[dreg:$0x1] =	wrdreg $0xFFFFFFFF  }
0xad: {  	[dreg:$0x0] =	wrdreg $0x60  }
0xae: {  	[dreg:$0x2] =	wrdreg s24  }
0xaf: {  	[dreg:$0x3] =	wrdreg s2  }
0xb0: {  	[dreg:$0x4] =	wrdreg $0x91000  }
0xb1: {  	[dreg:$0x5] =	wrdreg $0xA  }
0xb2: {  	_ =	task.clear_ibuf [dreg:s7], $0x6FFFF;
	_ =	strace $0x90000046  }
0xb3: {  	s29 =	simm.s32 $0xA;
	_ =	strace $0x80000048  }
0xb4: {  	_ =	swait.ge [sflag:s29], $0x1  }
0xb5: {  	[sflag:s29] =	ssyncadd.s32 $0xFFFFFFFF  }
0xb6: {  	_ =	strace $0x90000048  }
0xb7: {  	_ =	sfence  }
0xb8: {  	s30 =	sld [smem:$0x0];
	_ =	sdelay $0x2  }
0xb9: {  	s31 =	sshll.u32 s1, $0xD;
	s1 =	sshrl.u32 s1, $0x2  }
0xba: {  	s3 =	sand.u32 $0x4000, s31;
	s1 =	sadd.s32 s1, s30  }
0xbb: {  	s0 =	sor.u32 s3, s0;
	s1 =	sshll.u32 s1, $0x11  }
0xbc: {  	s0 =	sor.u32 s1, s0  }
0xbd: {  	s0 =	sadd.s32 $0x8F2B, s0  }
0xbe: {  	[sflag:s0] =	ssyncadd.remote.s32 $0x1  }
0xbf: {  	_ =	sfence.sel $0xFFFF  }
0xc0: {  	[dreg:$0x0] =	wrdreg $0xFFFFFFFF;
	(pc) =	sbr.abs _section_cstart, $3  }
0xc1: {  	[dreg:$0x1] =	wrdreg $0xFFFFFFFF  }
0xc2: {  	_ =	task.clear_ibuf [dreg:s7], $0x2FFFF;
	_ =	strace $0x9FFFFFFF  }
0xc3: {  	(tm) =	ssettm $0x7FFFFFFF  }
tec
execute0_lowered:
.L_overlay_start_1:
0x0: {  	(tag) =	ssettag $0x1  }
0x1: {  	s0 =	rddreg [dreg:$0x0]  }
0x2: {  	s1 =	rddreg [dreg:$0x1]  }
0x3: {  	s2 =	rddreg [dreg:$0x2];
	s4 =	simm.s32 $0x0;
	s6 =	srdreg.scid  }
0x4: {  	s3 =	stileid.u32;
	s22 =	simm.s32 $0x80;
	s23 =	simm.s32 $0x100  }
0x5: {  	s24 =	simm.s32 $0x50;
	s25 =	simm.s32 $0x2900;
	s26 =	simm.s32 $0x1  }
0x6: {  	s28 =	simm.s32 $0x0;
	[smem:$0x7FF] =	sst s4;
	s5 =	sadd.s32 $0x3B2E00, s0  }
0x7: {  	s13 =	sand.u32 $0x1, s6;
	s8 =	smul.u32 $0x50000, s3;
	s6 =	sadd.s32 $0x3AD000, s0  }
0x8: {  	s14 =	smul.u32 $0x14000, s3;
	s7 =	sadd.s32 $0x3CA600, s0;
	s0 =	sadd.s32 $0xBF000, s0  }
0x9: {  	s21 =	sshll.u32 s3, $0x1;
	_ =	strace $0x80000047;
	s9 =	ssub.s32 $0x2, s13  }
0xa: {  	s20 =	smul.u32 $0x140000, s13;
	s13 =	sor.u32 s13, s21;
	s21 =	simm.s32 $0x2  }
0xb: {  	s10 =	sshrl.u32 s9, $0x1;
	s8 =	sshrl.u32 s8, $0x2;
	s15 =	sadd.s32 $0x4000, s14  }
0xc: {  	s16 =	sadd.s32 $0x8000, s14;
	s17 =	sadd.s32 $0xC000, s14;
	s18 =	sadd.s32 $0x10000, s14  }
0xd: {  	s13 =	smul.u32 $0x1770, s13;
	s19 =	ssub.s32 s9, s10;
	s8 =	sadd.s32 s8, s2  }
0xe: {  	s9 =	sadd.s32 s15, s2;
	s10 =	sadd.s32 s16, s2;
	s11 =	sadd.s32 s17, s2  }
0xf: {  	s12 =	sadd.s32 s18, s2;
	s14 =	sadd.s32 s14, s20;
	s15 =	sadd.s32 s20, s15  }
0x10: {  	s16 =	sadd.s32 s20, s16;
	s17 =	sadd.s32 s20, s17;
	s18 =	sadd.s32 s20, s18  }
0x11: {  	s20 =	simm.s32 $0x5100;
	s14 =	sshrl.u32 s14, $0x3;
	s15 =	sshrl.u32 s15, $0x3  }
0x12: {  	s16 =	sshrl.u32 s16, $0x3;
	s17 =	sshrl.u32 s17, $0x3;
	s18 =	sshrl.u32 s18, $0x3  }
0x13: {  	s19 =	smax.u32 s19, $0x1;
	s14 =	sadd.s32 s0, s14;
	s15 =	sadd.s32 s0, s15  }
0x14: {  	v0 =	vimm.f32 $0.0e+00;
	s16 =	sadd.s32 s0, s16;
	s17 =	sadd.s32 s0, s17;
	s18 =	sadd.s32 s0, s18  }
.LBB2_1:
0x15: {  	s0 =	simm.s32 $0x0;
	s29 =	simm.s32 $0x200  }
.LBB2_2:
0x16: {  	p0 =	sne.s32 s29, $0xFE00;
	[tilespmem:s0+$0x5170] =	vst v0  }
0x17: {  	[tilespmem:s0+$0x5100] =	vst v0  }
0x18: {  	[tilespmem:s0+$0x5110] =	vst v0  }
.Ltmp0:
0x19: {  	[tilespmem:s0+$0x5120] =	vst v0;
	(pc) =	sbr.rel @p0 .LBB2_2-.Ltmp0, $4  }
0x1a: {  	[tilespmem:s0+$0x5130] =	vst v0  }
0x1b: {  	[tilespmem:s0+$0x5140] =	vst v0  }
0x1c: {  	[tilespmem:s0+$0x5150] =	vst v0  }
0x1d: {  	[tilespmem:s0+$0x5160] =	vst v0;
	s0 =	sshra.s32 s29, $0x2;
	s29 =	sadd.s32 $0x200, s29  }
0x1e: {  	[tilespmem:s0+$0x5170] =	vst v0  }
0x1f: {  	[tilespmem:s0+$0x5100] =	vst v0  }
0x20: {  	[tilespmem:s0+$0x5110] =	vst v0  }
0x21: {  	[tilespmem:s0+$0x5120] =	vst v0  }
0x22: {  	[tilespmem:s0+$0x5130] =	vst v0  }
0x23: {  	[tilespmem:s0+$0x5140] =	vst v0  }
0x24: {  	[tilespmem:s0+$0x5150] =	vst v0  }
0x25: {  	[tilespmem:s0+$0x5160] =	vst v0  }
0x26: {  	[spmem:s8] =	stream.linear.scatter [tilespmem:s20], [sflag:$0x2], $0x4000, $0x38;
	[tilespmem:$0x1D100] =	vst v63  }
0x27: {  	_ =	swait.ge [sflag:s21], $0x4000  }
0x28: {  	[sflag:s21] =	ssyncset.done $0x0  }
0x29: {  	[sflag:s21] =	ssyncadd.s32 $0xFFFFC000  }
0x2a: {  	[spmem:s9] =	stream.linear.scatter [tilespmem:s20], [sflag:$0x2], $0x4000, $0x38;
	[tilespmem:$0x1D100] =	vst v63  }
0x2b: {  	_ =	swait.ge [sflag:s21], $0x4000  }
0x2c: {  	[sflag:s21] =	ssyncset.done $0x0  }
0x2d: {  	[sflag:s21] =	ssyncadd.s32 $0xFFFFC000  }
0x2e: {  	[spmem:s10] =	stream.linear.scatter [tilespmem:s20], [sflag:$0x2], $0x4000, $0x38;
	[tilespmem:$0x1D100] =	vst v63  }
0x2f: {  	_ =	swait.ge [sflag:s21], $0x4000  }
0x30: {  	[sflag:s21] =	ssyncset.done $0x0  }
0x31: {  	[sflag:s21] =	ssyncadd.s32 $0xFFFFC000  }
0x32: {  	[spmem:s11] =	stream.linear.scatter [tilespmem:s20], [sflag:$0x2], $0x4000, $0x38;
	[tilespmem:$0x1D100] =	vst v63  }
0x33: {  	_ =	swait.ge [sflag:s21], $0x4000  }
0x34: {  	[sflag:s21] =	ssyncset.done $0x0  }
0x35: {  	[sflag:s21] =	ssyncadd.s32 $0xFFFFC000  }
0x36: {  	[spmem:s12] =	stream.linear.scatter [tilespmem:s20], [sflag:$0x2], $0x4000, $0x38;
	[tilespmem:$0x1D100] =	vst v63  }
0x37: {  	_ =	swait.ge [sflag:s21], $0x4000  }
0x38: {  	[sflag:s21] =	ssyncset.done $0x0  }
0x39: {  	[sflag:s21] =	ssyncadd.s32 $0xFFFFC000  }
0x3a: {  	s29 =	simm.s32 $0x0;
	s30 =	simm.s32 $0x0;
	[bflag:$0x0] =	sbarrier.arrive $0xFFFF  }
.LBB2_4:
0x3b: {  	s0 =	smul.u32 $0x50, s30;
	_ =	sdelay $0x1  }
0x3c: {  	s0 =	sadd.s32 s13, s0  }
0x3d: {  	s31 =	sshrl.u32 s0, $0x3  }
0x3e: {  	s3 =	sadd.s32 s5, s31  }
0x3f: {  	[tilespmem:s29], [sflag:$0x2] =	stream.linear.gather [hbm4b:s3+s29], $0x50, $0x38;
	[tilespmem:$0x1D100] =	vst v63  }
0x40: {  	_ =	swait.ge [sflag:s21], $0x50  }
0x41: {  	[sflag:s21] =	ssyncset.done $0x0  }
0x42: {  	s3 =	sadd.s32 s6, s31;
	[sflag:s21] =	ssyncadd.s32 $0xFFFFFFB0  }
0x43: {  	[tilespmem:s22], [sflag:$0x2] =	stream.linear.gather [hbm4b:s3+s29], $0x50, $0x38;
	[tilespmem:$0x1D100] =	vst v63  }
0x44: {  	_ =	swait.ge [sflag:s21], $0x50  }
0x45: {  	s0 =	sshll.u32 s0, $0x4;
	[sflag:s21] =	ssyncset.done $0x0  }
0x46: {  	s0 =	sadd.s32 s7, s0;
	[sflag:s21] =	ssyncadd.s32 $0xFFFFFFB0  }
0x47: {  	[tilespmem:s23], [sflag:$0x2] =	stream.linear.gather [hbm4b:s0+s29], $0x2800, $0x38;
	[tilespmem:$0x1D100] =	vst v63  }
0x48: {  	_ =	swait.ge [sflag:s21], $0x2800  }
0x49: {  	[sflag:s21] =	ssyncset.done $0x0  }
0x4a: {  	[sflag:s21] =	ssyncadd.s32 $0xFFFFD800  }
0x4b: {  	[tilespmem:s25], [sflag:$0x1] =	stream.indirect.gather [hbm4b:s1+s24], $0x80, s29, s24, $0xb8;
	[tilespmem:$0x1D100] =	vst v63  }
0x4c: {  	_ =	swait.ge [sflag:s26], $0x2800  }
0x4d: {  	[sflag:s26] =	ssyncset.done $0x0  }
0x4e: {  	s31 =	simm.s32 $0x0;
	[sflag:s26] =	ssyncadd.s32 $0xFFFFD800  }
0x4f: {  	v7 =	vld [tilespmem:s31+$0x100]  }
0x50: {  	v12 =	vld [tilespmem:s31+$0x110]  }
0x51: {  	v6 =	vld [tilespmem:s31+$0x120]  }
0x52: {  	v5 =	vld [tilespmem:s31+$0x130]  }
0x53: {  	v4 =	vld [tilespmem:s31+$0x140]  }
0x54: {  	v3 =	vld [tilespmem:s31+$0x150]  }
0x55: {  	v2 =	vld [tilespmem:s31+$0x160]  }
0x56: {  	v1 =	vld [tilespmem:s31+$0x170]  }
0x57: {  	v13 =	vld [tilespmem:s31+$0x2900]  }
0x58: {  	v14 =	vld [tilespmem:s31+$0x2910]  }
0x59: {  	v11 =	vld [tilespmem:s31+$0x2920]  }
0x5a: {  	v10 =	vld [tilespmem:s31+$0x2930]  }
0x5b: {  	v9 =	vld [tilespmem:s31+$0x2940]  }
0x5c: {  	v8 =	vld [tilespmem:s31+$0x2950];
	v13 =	vadd.f32 v7, v13  }
0x5d: {  	s0 =	simm.s32 $0x200;
	v12 =	vadd.f32 v12, v14;
	v7 =	vld [tilespmem:s31+$0x2960]  }
.LBB2_5:
0x5e: {  	s3 =	sshra.s32 s0, $0x2;
	p0 =	sne.s32 s0, $0x9E00;
	v13 =	vmax.f32 v13, $0.0e+00;
	v6 =	vadd.f32 v6, v11;
	v11 =	vld [tilespmem:s31+$0x2970]  }
0x5f: {  	v14 =	vld [tilespmem:s3+$0x100];
	[tilespmem:s31+$0x2900] =	vst v13;
	v12 =	vmax.f32 v12, $0.0e+00;
	v5 =	vadd.f32 v5, v10  }
0x60: {  	v15 =	vld [tilespmem:s3+$0x110];
	[tilespmem:s31+$0x2910] =	vst v12;
	v10 =	vmax.f32 v6, $0.0e+00;
	v4 =	vadd.f32 v4, v9  }
0x61: {  	v6 =	vld [tilespmem:s3+$0x120];
	[tilespmem:s31+$0x2920] =	vst v10;
	v9 =	vmax.f32 v5, $0.0e+00;
	v3 =	vadd.f32 v3, v8  }
0x62: {  	v5 =	vld [tilespmem:s3+$0x130];
	[tilespmem:s31+$0x2930] =	vst v9;
	v8 =	vmax.f32 v4, $0.0e+00;
	v2 =	vadd.f32 v2, v7  }
0x63: {  	v4 =	vld [tilespmem:s3+$0x140];
	[tilespmem:s31+$0x2940] =	vst v8;
	v7 =	vmax.f32 v3, $0.0e+00;
	v1 =	vadd.f32 v1, v11  }
0x64: {  	v3 =	vld [tilespmem:s3+$0x150];
	[tilespmem:s31+$0x2950] =	vst v7;
	v7 =	vmax.f32 v2, $0.0e+00  }
0x65: {  	v2 =	vld [tilespmem:s3+$0x160];
	[tilespmem:s31+$0x2960] =	vst v7;
	v7 =	vmax.f32 v1, $0.0e+00  }
0x66: {  	v1 =	vld [tilespmem:s3+$0x170];
	[tilespmem:s31+$0x2970] =	vst v7;
	s31 =	smov.u32 s3  }
0x67: {  	v7 =	vld [tilespmem:s31+$0x2900]  }
0x68: {  	v12 =	vld [tilespmem:s31+$0x2910]  }
.Ltmp1:
0x69: {  	v11 =	vld [tilespmem:s31+$0x2920];
	(pc) =	sbr.rel @p0 .LBB2_5-.Ltmp1, $4  }
0x6a: {  	v10 =	vld [tilespmem:s31+$0x2930]  }
0x6b: {  	v9 =	vld [tilespmem:s31+$0x2940]  }
0x6c: {  	v13 =	vadd.f32 v14, v7;
	v8 =	vld [tilespmem:s31+$0x2950]  }
0x6d: {  	s0 =	sadd.s32 $0x200, s0;
	v12 =	vadd.f32 v15, v12;
	v7 =	vld [tilespmem:s31+$0x2960]  }
0x6e: {  	v13 =	vmax.f32 v13, $0.0e+00;
	v6 =	vadd.f32 v6, v11;
	v63 =	vld [tilespmem:s31+$0x2970]  }
0x6f: {  	[tilespmem:s31+$0x2900] =	vst v13;
	v12 =	vmax.f32 v12, $0.0e+00;
	v5 =	vadd.f32 v5, v10  }
0x70: {  	[tilespmem:s31+$0x2910] =	vst v12;
	v6 =	vmax.f32 v6, $0.0e+00;
	v4 =	vadd.f32 v4, v9  }
0x71: {  	[tilespmem:s31+$0x2920] =	vst v6;
	v5 =	vmax.f32 v5, $0.0e+00;
	v3 =	vadd.f32 v3, v8  }
0x72: {  	[tilespmem:s31+$0x2930] =	vst v5;
	v4 =	vmax.f32 v4, $0.0e+00;
	v2 =	vadd.f32 v2, v7  }
0x73: {  	[tilespmem:s31+$0x2940] =	vst v4;
	v3 =	vmax.f32 v3, $0.0e+00;
	v1 =	vadd.f32 v1, v63  }
0x74: {  	s30 =	sadd.s32 $0x1, s30;
	[tilespmem:s31+$0x2950] =	vst v3;
	v2 =	vmax.f32 v2, $0.0e+00  }
0x75: {  	p0 =	sne.s32 s30, $0x4B;
	[tilespmem:s31+$0x2960] =	vst v2;
	v1 =	vmax.f32 v1, $0.0e+00  }
.Ltmp2:
0x76: {  	[tilespmem:s31+$0x2970] =	vst v1;
	(pc) =	sbr.rel @p0 .LBB2_4-.Ltmp2, $4  }
0x77: {  	[spmem:s2] =	stream.indirect.scatter.add.f32 [tilespmem:s25], [sflag:$0x2], $0x80, s22, s24, $0xb8;
	[tilespmem:$0x1D100] =	vst v63  }
0x78: {  	_ =	swait.ge [sflag:s21], $0x2800  }
0x79: {  	[sflag:s21] =	ssyncset.done $0x0  }
0x7a: {  	[sflag:s21] =	ssyncadd.s32 $0xFFFFD800  }
0x7b: {  	[bflag:$0x0] =	sbarrier.arrive $0xFFFF  }
0x7c: {  	[tilespmem:s20], [sflag:$0x2] =	stream.linear.gather [spmem:s8], $0x4000, $0x38;
	[tilespmem:$0x1D100] =	vst v63  }
0x7d: {  	_ =	swait.ge [sflag:s21], $0x4000  }
0x7e: {  	[sflag:s21] =	ssyncset.done $0x0  }
0x7f: {  	[sflag:s21] =	ssyncadd.s32 $0xFFFFC000  }
0x80: {  	[hbm4b:s14+s4] =	stream.linear.scatter [tilespmem:s20], [sflag:$0x2], $0x4000, $0x38;
	[tilespmem:$0x1D100] =	vst v63  }
0x81: {  	_ =	swait.ge [sflag:s21], $0x4000  }
0x82: {  	[sflag:s21] =	ssyncset.done $0x0  }
0x83: {  	[sflag:s21] =	ssyncadd.s32 $0xFFFFC000  }
0x84: {  	[tilespmem:s20], [sflag:$0x2] =	stream.linear.gather [spmem:s9], $0x4000, $0x38;
	[tilespmem:$0x1D100] =	vst v63  }
0x85: {  	_ =	swait.ge [sflag:s21], $0x4000  }
0x86: {  	[sflag:s21] =	ssyncset.done $0x0  }
0x87: {  	[sflag:s21] =	ssyncadd.s32 $0xFFFFC000  }
0x88: {  	[hbm4b:s15+s4] =	stream.linear.scatter [tilespmem:s20], [sflag:$0x2], $0x4000, $0x38;
	[tilespmem:$0x1D100] =	vst v63  }
0x89: {  	_ =	swait.ge [sflag:s21], $0x4000  }
0x8a: {  	[sflag:s21] =	ssyncset.done $0x0  }
0x8b: {  	[sflag:s21] =	ssyncadd.s32 $0xFFFFC000  }
0x8c: {  	[tilespmem:s20], [sflag:$0x2] =	stream.linear.gather [spmem:s10], $0x4000, $0x38;
	[tilespmem:$0x1D100] =	vst v63  }
0x8d: {  	_ =	swait.ge [sflag:s21], $0x4000  }
0x8e: {  	[sflag:s21] =	ssyncset.done $0x0  }
0x8f: {  	[sflag:s21] =	ssyncadd.s32 $0xFFFFC000  }
0x90: {  	[hbm4b:s16+s4] =	stream.linear.scatter [tilespmem:s20], [sflag:$0x2], $0x4000, $0x38;
	[tilespmem:$0x1D100] =	vst v63  }
0x91: {  	_ =	swait.ge [sflag:s21], $0x4000  }
0x92: {  	[sflag:s21] =	ssyncset.done $0x0  }
0x93: {  	[sflag:s21] =	ssyncadd.s32 $0xFFFFC000  }
0x94: {  	[tilespmem:s20], [sflag:$0x2] =	stream.linear.gather [spmem:s11], $0x4000, $0x38;
	[tilespmem:$0x1D100] =	vst v63  }
0x95: {  	_ =	swait.ge [sflag:s21], $0x4000  }
0x96: {  	[sflag:s21] =	ssyncset.done $0x0  }
0x97: {  	[sflag:s21] =	ssyncadd.s32 $0xFFFFC000  }
0x98: {  	[hbm4b:s17+s4] =	stream.linear.scatter [tilespmem:s20], [sflag:$0x2], $0x4000, $0x38;
	[tilespmem:$0x1D100] =	vst v63  }
0x99: {  	_ =	swait.ge [sflag:s21], $0x4000  }
0x9a: {  	[sflag:s21] =	ssyncset.done $0x0  }
0x9b: {  	[sflag:s21] =	ssyncadd.s32 $0xFFFFC000  }
0x9c: {  	[tilespmem:s20], [sflag:$0x2] =	stream.linear.gather [spmem:s12], $0x4000, $0x38;
	[tilespmem:$0x1D100] =	vst v63  }
0x9d: {  	s28 =	sadd.s32 $0x1, s28;
	_ =	swait.ge [sflag:s21], $0x4000  }
0x9e: {  	p0 =	sne.s32 s28, s19;
	[sflag:s21] =	ssyncset.done $0x0  }
.Ltmp3:
0x9f: {  	[sflag:s21] =	ssyncadd.s32 $0xFFFFC000;
	(pc) =	sbr.rel @p0 .LBB2_1-.Ltmp3, $4  }
0xa0: {  	[hbm4b:s18+s4] =	stream.linear.scatter [tilespmem:s20], [sflag:$0x2], $0x4000, $0x38;
	[tilespmem:$0x1D100] =	vst v63  }
0xa1: {  	_ =	swait.ge [sflag:s21], $0x4000  }
0xa2: {  	[sflag:s21] =	ssyncset.done $0x0  }
0xa3: {  	[sflag:s21] =	ssyncadd.s32 $0xFFFFC000  }
0xa4: {  	_ =	sfence.sel $0x180000  }
0xa5: {  	[bflag:$0x0] =	sbarrier.arrive $0xFFFF  }
0xa6: {  	_ =	strace $0x90000047  }
0xa7: {  	s0 =	stileid.u32;
	[bflag:$0x2] =	sbarrier.arrive $0xFFFF  }
0xa8: {  	p0 =	sne.s32 s0, $0x0;
	s0 =	rddreg [dreg:$0x3]  }
0xa9: {  	s0 =	sadd.s32 @!p0 $0x100000, s0  }
0xaa: {  	[sflag:s0] =	ssyncadd.tile.s32 @!p0 $0x1;
	_ =	shalt  }
.Lfunc_end2:
_tile_overlayer_lowered:
.L_overlay_start_2:
0xab: {  	(tag) =	ssettag $0x2  }
0xac: {  	s0 =	rddreg [dreg:$0x0];
	s2 =	stileid.u32  }
0xad: {  	s1 =	rddreg [dreg:$0x1];
	p0 =	sne.s32 s2, $0x0  }
0xae: {  	s3 =	rddreg [dreg:$0x2];
	[bflag:$0x3] =	sbarrier.arrive $0xFFFF;
	s2 =	simm.s32 @!p0 $0x1C02  }
0xaf: {  	[timem:s3], [sflag:s2] =	dma.local @!p0 [hbm:s0], s1  }
0xb0: {  	s0 =	simm.s32 @!p0 $0x2  }
0xb1: {  	_ =	swait.ge @!p0 [sflag:s0], s1  }
0xb2: {  	s1 =	ssub.s32 @!p0 $0x0, s1;
	[sflag:s0] =	ssyncset.done @!p0 $0x0  }
0xb3: {  	[sflag:s0] =	ssyncadd.s32 @!p0 s1  }
0xb4: {  	[bflag:$0x3] =	sbarrier.arrive $0xFFFF  }
0xb5: {  	_ =	shalt  }

// kernel: kernel.17.cloned.1.call-start
scs
__scs_entry_jumppad:
0x0: {  	(pc) =	sbr.rel $0x88, $3  }
0x1: {  	(tag) =	ssettag $0x0;
	lr =	simm.s32 $0x1  }
0x2: {  	[smem:$0x3F91] =	sst lr;
	_ =	strace $0xD0000000  }
0x3: {  	_ = 	snop  }
0x4: {  	_ = 	snop  }
0x5: {  	_ = 	snop  }
0x6: {  	_ = 	snop  }
0x7: {  	_ = 	snop  }
__scs_overlays_trampoline_lowered:
0x8: {  	[smem:$0x3FA0] =	sst s0  }
0x9: {  	[smem:$0x3FA1] =	sst s1  }
0xa: {  	[smem:$0x3FA2] =	sst s2  }
0xb: {  	[smem:$0x3FA3] =	sst s3  }
0xc: {  	[smem:$0x3FA4] =	sst s4  }
0xd: {  	[smem:$0x3FA5] =	sst s5  }
0xe: {  	[smem:$0x3FA6] =	sst s6  }
0xf: {  	[smem:$0x3FA7] =	sst s7  }
0x10: {  	[smem:$0x3FA8] =	sst s8  }
0x11: {  	[smem:$0x3FA9] =	sst s9;
	s0 =	simm.s32 @!p0 $0x0  }
0x12: {  	s1 =	sld [smem:$0x3F8F];
	s0 =	simm.s32 @p0 $0x1  }
0x13: {  	[smem:$0x3FAA] =	sst s0;
	s0 =	simm.s32 @!p1 $0x0  }
0x14: {  	s2 =	sld [smem:$0x3F8E];
	s0 =	simm.s32 @p1 $0x1  }
0x15: {  	[smem:$0x3FAB] =	sst s0;
	s0 =	simm.s32 @!p2 $0x0  }
0x16: {  	s3 =	sld [smem:$0x3FDB];
	s0 =	simm.s32 @p2 $0x1  }
0x17: {  	s4 =	simm.s32 $0x1BF5;
	[smem:$0x3FAD] =	sst s0  }
0x18: {  	s0 =	sld [smem:$0x3F90];
	_ =	swait.ge [sflag:s4], $0x0  }
0x19: {  	s7 =	sld [smem:$0x3F91]  }
0x1a: {  	s8 =	sadd.s32 $0xFFFFE003, lr  }
0x1b: {  	s9 =	sadd.s32 $0xFFFFFEF7, lr;
	s5 =	simm.s32 $0xFFFFFFFF;
	p2 =	slt.u32 s8, $0xFFFFF086  }
0x1c: {  	p1 =	slt.u32 s9, $0xF7A;
	s5 =	simm.s32 @!p2 $0x0  }
0x1d: {  	s5 =	simm.s32 @p1 $0x1;
	p0 =	seq.s32 s7, s2  }
0x1e: {  	s7 =	smul.u32 @!p0 $0xF7A, s2;
	p2 =	seq.s32 @!p0 s5, $0x0  }
0x1f: {  	s9 =	smul.u32 $0xF7A, s1;
	s8 =	simm.s32 @!p0 $0x1BF5;
	p2 =	por !p2, p0  }
0x20: {  	[sflag:s8] =	ssyncset.s32 @!p0 $0xFFFFF086;
	s6 =	sadd.s32 @!p0 s3, s7;
	s7 =	simm.s32 @!p0 $0x108  }
0x21: {  	s3 =	sadd.s32 s3, s9;
	s6 =	sadd.s32 @!p0 $0x88, s6;
	s7 =	simm.s32 @p2 $0x1082  }
0x22: {  	[simem:s7], [sflag:s8] =	dma.local @!p0 [hbm:s6], $0xF7A  }
0x23: {  	s9 =	sor.u32 $0xD0000000, s2;
	s6 =	simm.s32 $0x108;
	_ =	swait.ge @!p0 [sflag:s8], $0x0  }
0x24: {  	s3 =	sadd.s32 $0x88, s3;
	s6 =	simm.s32 @!p1 $0x1082;
	[sflag:s4] =	ssyncset.s32 $0xFFFFF086  }
0x25: {  	[simem:s6], [sflag:s4] =	dma.local [hbm:s3], $0xF7A  }
0x26: {  	[smem:$0x3F91] =	sst s1;
	(tag) =	ssettag s2;
	_ =	strace s9  }
0x27: {  	s1 =	sld [smem:$0x3FA1]  }
0x28: {  	s2 =	sld [smem:$0x3FA2]  }
0x29: {  	s4 =	sld [smem:$0x3FA4]  }
0x2a: {  	p0 =	seq.s32 s5, $0x0;
	s5 =	sld [smem:$0x3FA5]  }
0x2b: {  	s6 =	sld [smem:$0x3FA6]  }
0x2c: {  	s7 =	sld [smem:$0x3FA7]  }
0x2d: {  	s3 =	simm.s32 $0x108;
	s8 =	sld [smem:$0x3FA8]  }
0x2e: {  	s3 =	simm.s32 @!p0 $0x1082;
	s9 =	sld [smem:$0x3FA9]  }
0x2f: {  	lr =	sadd.s32 s0, s3;
	s0 =	sld [smem:$0x3FA0]  }
0x30: {  	s3 =	sld [smem:$0x3FA3]  }
0x31: {  	[smem:$0x3FAC] =	sst s10  }
0x32: {  	s10 =	sld [smem:$0x3FAA];
	_ =	sdelay $0x3  }
0x33: {  	p0 =	seq.s32 s10, $0x1;
	s10 =	sld [smem:$0x3FAC];
	_ =	sdelay $0x3  }
0x34: {  	[smem:$0x3FAC] =	sst s10  }
0x35: {  	s10 =	sld [smem:$0x3FAB];
	_ =	sdelay $0x3  }
0x36: {  	p1 =	seq.s32 s10, $0x1;
	s10 =	sld [smem:$0x3FAC];
	_ =	sdelay $0x3  }
0x37: {  	[smem:$0x3FAC] =	sst s10  }
0x38: {  	s10 =	sld [smem:$0x3FAD]  }
0x39: {  	_ = 	snop;
	(pc) =	sbr.ind lr, $3  }
0x3a: {  	_ = 	snop  }
0x3b: {  	_ = 	snop  }
0x3c: {  	p2 =	seq.s32 s10, $0x1;
	s10 =	sld [smem:$0x3FAC]  }
0x3d: {  	_ =	shalt  }
0x3e: {  	_ =	shalt  }
0x3f: {  	_ =	shalt  }
0x40: {  	_ =	shalt  }
0x41: {  	_ =	shalt  }
0x42: {  	_ =	shalt  }
0x43: {  	_ =	shalt  }
0x44: {  	_ =	shalt  }
0x45: {  	_ =	shalt  }
0x46: {  	_ =	shalt  }
0x47: {  	_ =	shalt  }
0x48: {  	_ =	shalt  }
0x49: {  	_ =	shalt  }
0x4a: {  	_ =	shalt  }
0x4b: {  	_ =	shalt  }
0x4c: {  	_ =	shalt  }
0x4d: {  	_ =	shalt  }
0x4e: {  	_ =	shalt  }
0x4f: {  	_ =	shalt  }
0x50: {  	_ =	shalt  }
0x51: {  	_ =	shalt  }
0x52: {  	_ =	shalt  }
0x53: {  	_ =	shalt  }
0x54: {  	_ =	shalt  }
0x55: {  	_ =	shalt  }
0x56: {  	_ =	shalt  }
0x57: {  	_ =	shalt  }
0x58: {  	_ =	shalt  }
0x59: {  	_ =	shalt  }
0x5a: {  	_ =	shalt  }
0x5b: {  	_ =	shalt  }
0x5c: {  	_ =	shalt  }
0x5d: {  	_ =	shalt  }
0x5e: {  	_ =	shalt  }
0x5f: {  	_ =	shalt  }
0x60: {  	_ =	shalt  }
0x61: {  	_ =	shalt  }
0x62: {  	_ =	shalt  }
0x63: {  	_ =	shalt  }
0x64: {  	_ =	shalt  }
0x65: {  	_ =	shalt  }
0x66: {  	_ =	shalt  }
0x67: {  	_ =	shalt  }
0x68: {  	_ =	shalt  }
0x69: {  	_ =	shalt  }
0x6a: {  	_ =	shalt  }
0x6b: {  	_ =	shalt  }
0x6c: {  	_ =	shalt  }
0x6d: {  	_ =	shalt  }
0x6e: {  	_ =	shalt  }
0x6f: {  	_ =	shalt  }
0x70: {  	_ =	shalt  }
0x71: {  	_ =	shalt  }
0x72: {  	_ =	shalt  }
0x73: {  	_ =	shalt  }
0x74: {  	_ =	shalt  }
0x75: {  	_ =	shalt  }
0x76: {  	_ =	shalt  }
0x77: {  	_ =	shalt  }
0x78: {  	_ =	shalt  }
0x79: {  	_ =	shalt  }
0x7a: {  	_ =	shalt  }
0x7b: {  	_ =	shalt  }
0x7c: {  	_ =	shalt  }
0x7d: {  	_ =	shalt  }
0x7e: {  	_ =	shalt  }
0x7f: {  	_ =	shalt  }
0x80: {  	_ =	shalt  }
0x81: {  	_ =	shalt  }
0x82: {  	_ =	shalt  }
0x83: {  	_ =	shalt  }
0x84: {  	_ =	shalt  }
0x85: {  	_ =	shalt  }
0x86: {  	_ =	shalt  }
0x87: {  	_ =	shalt  }
.Lfunc_end0:
.L_simem_size_0:
called_computation.2_lowered:
.L_overlay_start_0:
0x88: {  	s2 =	sld [smem:$0x3FD9]  }
0x89: {  	s3 =	sld [smem:$0x3FFE];
	_ =	sdelay $0x1  }
0x8a: {  	s1 =	srdreg.scid  }
0x8b: {  	s0 =	sand.u32 $0x1, s1  }
0x8c: {  	s17 =	sshll.u32 s0, $0xA;
	s2 =	sadd.s32 s3, s2  }
0x8d: {  	s2 =	sadd.s32 s2, s17  }
0x8e: {  	[smem:$0x3FB8] =	sst s2  }
0x8f: {  	_ = 	snop  }
0x90: {  	s18 =	sld [smem:$0x3FC9];
	(tm) =	ssettm $0x1  }
0x91: {  	s19 =	sld [smem:$0x3FFB];
	_ =	sdelay $0x3  }
0x92: {  	_ =	strace s19  }
0x93: {  	s2 =	sld [smem:$0x3FFC];
	_ =	sdelay $0x3  }
0x94: {  	_ =	strace s2  }
0x95: {  	s2 =	sld [smem:$0x3FFD];
	_ =	sdelay $0x3  }
0x96: {  	_ =	strace s2  }
0x97: {  	_ =	strace $0x8FFFFFFF  }
0x98: {  	s20 =	sld [smem:$0x3FDB];
	_ =	sdelay $0x1  }
0x99: {  	s4 =	simm.s32 $_scs_section_size  }
0x9a: {  	s5 =	simm.s32 $_size__tile_overlayer_lowered;
	s6 =	simm.s32 $_tile_overlayer_lowered  }
0x9b: {  	s7 =	simm.s32 $0x1BFF;
	s21 =	sshll.u32 s6, $0x1;
	s4 =	sadd.s32 s4, s20  }
0x9c: {  	s22 =	simm.s32 $0x0;
	s5 =	sshll.u32 s5, $0x1;
	s6 =	sadd.s32 s21, s4  }
0x9d: {  	[timem:s22], [sflag:s7] =	dma.local [hbm:s6], s5  }
0x9e: {  	_ =	swait.ge [sflag:s7], s5  }
0x9f: {  	s5 =	ssub.s32 $0x0, s5;
	[sflag:s7] =	ssyncset.done $0x0  }
0xa0: {  	[sflag:s7] =	ssyncadd.s32 s5;
	_ =	sdelay $0x1  }
0xa1: {  	s23 =	simm.s32 $0x1B8B  }
0xa2: {  	_ =	swait.ge [sflag:s23], $0x1  }
0xa3: {  	[sflag:s23] =	ssyncset.done $0x0  }
0xa4: {  	[sflag:s23] =	ssyncadd.s32 $0xFFFFFFFF  }
0xa5: {  	s5 =	sld [smem:$0x0]  }
0xa6: {  	s6 =	sand.u32 $0xFFFFFFFE, s1  }
0xa7: {  	p0 =	sne.s32 s1, s6  }
0xa8: {  	s6 =	sshll.u32 @p0 s6, $0xE  }
0xa9: {  	s6 =	sadd.s32 @p0 $0x11B8D, s6;
	s7 =	sshll.u32 @p0 s5, $0x11  }
0xaa: {  	s6 =	sor.u32 @p0 s7, s6  }
0xab: {  	[sflag:s6] =	ssyncadd.remote.s32 @p0 $0x1;
	_ =	sdelay $0x1  }
0xac: {  	s6 =	simm.s32 @p0 $0x1B8D  }
0xad: {  	_ =	swait.eq @p0 [sflag:s6], $0x1  }
0xae: {  	[sflag:s6] =	ssyncadd.s32 @p0 $0xFFFFFFFF  }
0xaf: {  	s7 =	sshll.u32 @!p0 s1, $0xE  }
0xb0: {  	s7 =	sor.u32 @!p0 $0x4000, s7;
	s6 =	simm.s32 @!p0 $0x1B8D  }
0xb1: {  	s5 =	sshll.u32 @!p0 s5, $0x11;
	s7 =	sadd.s32 @!p0 $0x11B8D, s7;
	_ =	swait.eq @!p0 [sflag:s6], $0x1  }
0xb2: {  	s5 =	sor.u32 @!p0 s5, s7;
	[sflag:s6] =	ssyncadd.s32 @!p0 $0xFFFFFFFF  }
0xb3: {  	s25 =	simm.s32 $0x1B8E;
	s24 =	sld [smem:$0x3FFE];
	[sflag:s5] =	ssyncadd.remote.s32 @!p0 $0x1  }
0xb4: {  	s26 =	simm.s32 $execute0_lowered;
	[smem:$0x3FD2] =	sst s25  }
0xb5: {  	s6 =	sshll.u32 s26, $0x1;
	_ =	strace $0x80000049;
	[dreg:$0x1] =	wrdreg $0xFFFFFFFF  }
0xb6: {  	s28 =	simm.s32 $_size_execute0_lowered;
	s4 =	sadd.s32 s4, s6;
	[dreg:$0x0] =	wrdreg $0x0  }
0xb7: {  	s6 =	sshll.u32 s28, $0x1;
	[dreg:$0x2] =	wrdreg s4  }
0xb8: {  	[dreg:$0x3] =	wrdreg s6  }
0xb9: {  	[dreg:$0x4] =	wrdreg $0xC0  }
0xba: {  	_ =	task [dreg:s22], $0x5FFFF  }
0xbb: {  	[dreg:$0x1] =	wrdreg $0xFFFFFFFF  }
0xbc: {  	[dreg:$0x0] =	wrdreg $0x60  }
0xbd: {  	[dreg:$0x2] =	wrdreg s24  }
0xbe: {  	[dreg:$0x3] =	wrdreg s18  }
0xbf: {  	[dreg:$0x4] =	wrdreg $0x91000  }
0xc0: {  	[dreg:$0x5] =	wrdreg $0xB  }
0xc1: {  	_ =	task.clear_ibuf [dreg:s22], $0x6FFFF;
	_ =	strace $0x90000049  }
0xc2: {  	s29 =	simm.s32 $0xB;
	_ =	strace $0x8000004B  }
0xc3: {  	_ =	swait.ge [sflag:s29], $0x1  }
0xc4: {  	[sflag:s29] =	ssyncadd.s32 $0xFFFFFFFF  }
0xc5: {  	_ =	strace $0x9000004B  }
0xc6: {  	_ =	sfence  }
0xc7: {  	s30 =	sld [smem:$0x0];
	_ =	sdelay $0x2  }
0xc8: {  	s31 =	sshll.u32 s1, $0xD;
	s1 =	sshrl.u32 s1, $0x2  }
0xc9: {  	s4 =	sand.u32 $0x4000, s31;
	s1 =	sadd.s32 s1, s30  }
0xca: {  	s0 =	sor.u32 s4, s0;
	s1 =	sshll.u32 s1, $0x11  }
0xcb: {  	s0 =	sor.u32 s1, s0  }
0xcc: {  	s0 =	sadd.s32 $0x8F2B, s0  }
0xcd: {  	[sflag:s0] =	ssyncadd.remote.s32 $0x1  }
0xce: {  	_ =	sfence.sel $0xFFFF  }
0xcf: {  	[dreg:$0x0] =	wrdreg $0xFFFFFFFF;
	(pc) =	sbr.abs _section_cstart, $3  }
0xd0: {  	[dreg:$0x1] =	wrdreg $0xFFFFFFFF  }
0xd1: {  	_ =	task.clear_ibuf [dreg:s22], $0x2FFFF;
	_ =	strace $0x9FFFFFFF  }
0xd2: {  	(tm) =	ssettm $0x7FFFFFFF  }
0xd3: {  	_ =	shalt  }
tec
execute0_lowered:
.L_overlay_start_1:
0x0: {  	(tag) =	ssettag $0x1  }
0x1: {  	s0 =	rddreg [dreg:$0x0]  }
0x2: {  	s1 =	rddreg [dreg:$0x1]  }
0x3: {  	s2 =	rddreg [dreg:$0x2];
	s4 =	simm.s32 $0x0;
	s6 =	srdreg.scid  }
0x4: {  	s3 =	stileid.u32;
	s22 =	simm.s32 $0x80;
	s23 =	simm.s32 $0x100  }
0x5: {  	s24 =	simm.s32 $0x50;
	s25 =	simm.s32 $0x2900;
	s26 =	simm.s32 $0x1  }
0x6: {  	s28 =	simm.s32 $0x0;
	[smem:$0x7FF] =	sst s4;
	s5 =	sadd.s32 $0x3BEA00, s0  }
0x7: {  	s13 =	sand.u32 $0x1, s6;
	s8 =	smul.u32 $0x50000, s3;
	s6 =	sadd.s32 $0x3B8C00, s0  }
0x8: {  	s14 =	smul.u32 $0x14000, s3;
	s7 =	sadd.s32 $0x9A6600, s0;
	s0 =	sadd.s32 $0x3800, s0  }
0x9: {  	s21 =	sshll.u32 s3, $0x1;
	_ =	strace $0x8000004A;
	s9 =	ssub.s32 $0x2, s13  }
0xa: {  	s20 =	smul.u32 $0x140000, s13;
	s13 =	sor.u32 s13, s21;
	s21 =	simm.s32 $0x2  }
0xb: {  	s10 =	sshrl.u32 s9, $0x1;
	s8 =	sshrl.u32 s8, $0x2;
	s15 =	sadd.s32 $0x4000, s14  }
0xc: {  	s16 =	sadd.s32 $0x8000, s14;
	s17 =	sadd.s32 $0xC000, s14;
	s18 =	sadd.s32 $0x10000, s14  }
0xd: {  	s13 =	smul.u32 $0x1770, s13;
	s19 =	ssub.s32 s9, s10;
	s8 =	sadd.s32 s8, s2  }
0xe: {  	s9 =	sadd.s32 s15, s2;
	s10 =	sadd.s32 s16, s2;
	s11 =	sadd.s32 s17, s2  }
0xf: {  	s12 =	sadd.s32 s18, s2;
	s14 =	sadd.s32 s14, s20;
	s15 =	sadd.s32 s20, s15  }
0x10: {  	s16 =	sadd.s32 s20, s16;
	s17 =	sadd.s32 s20, s17;
	s18 =	sadd.s32 s20, s18  }
0x11: {  	s20 =	simm.s32 $0x5100;
	s14 =	sshrl.u32 s14, $0x3;
	s15 =	sshrl.u32 s15, $0x3  }
0x12: {  	s16 =	sshrl.u32 s16, $0x3;
	s17 =	sshrl.u32 s17, $0x3;
	s18 =	sshrl.u32 s18, $0x3  }
0x13: {  	s19 =	smax.u32 s19, $0x1;
	s14 =	sadd.s32 s0, s14;
	s15 =	sadd.s32 s0, s15  }
0x14: {  	v0 =	vimm.f32 $0.0e+00;
	s16 =	sadd.s32 s0, s16;
	s17 =	sadd.s32 s0, s17;
	s18 =	sadd.s32 s0, s18  }
.LBB2_1:
0x15: {  	s0 =	simm.s32 $0x0;
	s29 =	simm.s32 $0x200  }
.LBB2_2:
0x16: {  	p0 =	sne.s32 s29, $0xFE00;
	[tilespmem:s0+$0x5170] =	vst v0  }
0x17: {  	[tilespmem:s0+$0x5100] =	vst v0  }
0x18: {  	[tilespmem:s0+$0x5110] =	vst v0  }
.Ltmp0:
0x19: {  	[tilespmem:s0+$0x5120] =	vst v0;
	(pc) =	sbr.rel @p0 .LBB2_2-.Ltmp0, $4  }
0x1a: {  	[tilespmem:s0+$0x5130] =	vst v0  }
0x1b: {  	[tilespmem:s0+$0x5140] =	vst v0  }
0x1c: {  	[tilespmem:s0+$0x5150] =	vst v0  }
0x1d: {  	[tilespmem:s0+$0x5160] =	vst v0;
	s0 =	sshra.s32 s29, $0x2;
	s29 =	sadd.s32 $0x200, s29  }
0x1e: {  	[tilespmem:s0+$0x5170] =	vst v0  }
0x1f: {  	[tilespmem:s0+$0x5100] =	vst v0  }
0x20: {  	[tilespmem:s0+$0x5110] =	vst v0  }
0x21: {  	[tilespmem:s0+$0x5120] =	vst v0  }
0x22: {  	[tilespmem:s0+$0x5130] =	vst v0  }
0x23: {  	[tilespmem:s0+$0x5140] =	vst v0  }
0x24: {  	[tilespmem:s0+$0x5150] =	vst v0  }
0x25: {  	[tilespmem:s0+$0x5160] =	vst v0  }
0x26: {  	[spmem:s8] =	stream.linear.scatter [tilespmem:s20], [sflag:$0x2], $0x4000, $0x38;
	[tilespmem:$0x1D100] =	vst v63  }
0x27: {  	_ =	swait.ge [sflag:s21], $0x4000  }
0x28: {  	[sflag:s21] =	ssyncset.done $0x0  }
0x29: {  	[sflag:s21] =	ssyncadd.s32 $0xFFFFC000  }
0x2a: {  	[spmem:s9] =	stream.linear.scatter [tilespmem:s20], [sflag:$0x2], $0x4000, $0x38;
	[tilespmem:$0x1D100] =	vst v63  }
0x2b: {  	_ =	swait.ge [sflag:s21], $0x4000  }
0x2c: {  	[sflag:s21] =	ssyncset.done $0x0  }
0x2d: {  	[sflag:s21] =	ssyncadd.s32 $0xFFFFC000  }
0x2e: {  	[spmem:s10] =	stream.linear.scatter [tilespmem:s20], [sflag:$0x2], $0x4000, $0x38;
	[tilespmem:$0x1D100] =	vst v63  }
0x2f: {  	_ =	swait.ge [sflag:s21], $0x4000  }
0x30: {  	[sflag:s21] =	ssyncset.done $0x0  }
0x31: {  	[sflag:s21] =	ssyncadd.s32 $0xFFFFC000  }
0x32: {  	[spmem:s11] =	stream.linear.scatter [tilespmem:s20], [sflag:$0x2], $0x4000, $0x38;
	[tilespmem:$0x1D100] =	vst v63  }
0x33: {  	_ =	swait.ge [sflag:s21], $0x4000  }
0x34: {  	[sflag:s21] =	ssyncset.done $0x0  }
0x35: {  	[sflag:s21] =	ssyncadd.s32 $0xFFFFC000  }
0x36: {  	[spmem:s12] =	stream.linear.scatter [tilespmem:s20], [sflag:$0x2], $0x4000, $0x38;
	[tilespmem:$0x1D100] =	vst v63  }
0x37: {  	_ =	swait.ge [sflag:s21], $0x4000  }
0x38: {  	[sflag:s21] =	ssyncset.done $0x0  }
0x39: {  	[sflag:s21] =	ssyncadd.s32 $0xFFFFC000  }
0x3a: {  	s29 =	simm.s32 $0x0;
	s30 =	simm.s32 $0x0;
	[bflag:$0x0] =	sbarrier.arrive $0xFFFF  }
.LBB2_4:
0x3b: {  	s0 =	smul.u32 $0x50, s30;
	_ =	sdelay $0x1  }
0x3c: {  	s0 =	sadd.s32 s13, s0  }
0x3d: {  	s31 =	sshrl.u32 s0, $0x3  }
0x3e: {  	s3 =	sadd.s32 s5, s31  }
0x3f: {  	[tilespmem:s29], [sflag:$0x2] =	stream.linear.gather [hbm4b:s3+s29], $0x50, $0x38;
	[tilespmem:$0x1D100] =	vst v63  }
0x40: {  	_ =	swait.ge [sflag:s21], $0x50  }
0x41: {  	[sflag:s21] =	ssyncset.done $0x0  }
0x42: {  	s3 =	sadd.s32 s6, s31;
	[sflag:s21] =	ssyncadd.s32 $0xFFFFFFB0  }
0x43: {  	[tilespmem:s22], [sflag:$0x2] =	stream.linear.gather [hbm4b:s3+s29], $0x50, $0x38;
	[tilespmem:$0x1D100] =	vst v63  }
0x44: {  	_ =	swait.ge [sflag:s21], $0x50  }
0x45: {  	s0 =	sshll.u32 s0, $0x4;
	[sflag:s21] =	ssyncset.done $0x0  }
0x46: {  	s0 =	sadd.s32 s7, s0;
	[sflag:s21] =	ssyncadd.s32 $0xFFFFFFB0  }
0x47: {  	[tilespmem:s23], [sflag:$0x2] =	stream.linear.gather [hbm4b:s0+s29], $0x2800, $0x38;
	[tilespmem:$0x1D100] =	vst v63  }
0x48: {  	_ =	swait.ge [sflag:s21], $0x2800  }
0x49: {  	[sflag:s21] =	ssyncset.done $0x0  }
0x4a: {  	[sflag:s21] =	ssyncadd.s32 $0xFFFFD800  }
0x4b: {  	[tilespmem:s25], [sflag:$0x1] =	stream.indirect.gather [hbm4b:s1+s24], $0x80, s29, s24, $0xb8;
	[tilespmem:$0x1D100] =	vst v63  }
0x4c: {  	_ =	swait.ge [sflag:s26], $0x2800  }
0x4d: {  	[sflag:s26] =	ssyncset.done $0x0  }
0x4e: {  	s31 =	simm.s32 $0x0;
	[sflag:s26] =	ssyncadd.s32 $0xFFFFD800  }
0x4f: {  	v7 =	vld [tilespmem:s31+$0x100]  }
0x50: {  	v12 =	vld [tilespmem:s31+$0x110]  }
0x51: {  	v6 =	vld [tilespmem:s31+$0x120]  }
0x52: {  	v5 =	vld [tilespmem:s31+$0x130]  }
0x53: {  	v4 =	vld [tilespmem:s31+$0x140]  }
0x54: {  	v3 =	vld [tilespmem:s31+$0x150]  }
0x55: {  	v2 =	vld [tilespmem:s31+$0x160]  }
0x56: {  	v1 =	vld [tilespmem:s31+$0x170]  }
0x57: {  	v13 =	vld [tilespmem:s31+$0x2900]  }
0x58: {  	v14 =	vld [tilespmem:s31+$0x2910]  }
0x59: {  	v11 =	vld [tilespmem:s31+$0x2920]  }
0x5a: {  	v10 =	vld [tilespmem:s31+$0x2930]  }
0x5b: {  	v9 =	vld [tilespmem:s31+$0x2940]  }
0x5c: {  	v8 =	vld [tilespmem:s31+$0x2950];
	v13 =	vadd.f32 v7, v13  }
0x5d: {  	s0 =	simm.s32 $0x200;
	v12 =	vadd.f32 v12, v14;
	v7 =	vld [tilespmem:s31+$0x2960]  }
.LBB2_5:
0x5e: {  	s3 =	sshra.s32 s0, $0x2;
	p0 =	sne.s32 s0, $0x9E00;
	v13 =	vmax.f32 v13, $0.0e+00;
	v6 =	vadd.f32 v6, v11;
	v11 =	vld [tilespmem:s31+$0x2970]  }
0x5f: {  	v14 =	vld [tilespmem:s3+$0x100];
	[tilespmem:s31+$0x2900] =	vst v13;
	v12 =	vmax.f32 v12, $0.0e+00;
	v5 =	vadd.f32 v5, v10  }
0x60: {  	v15 =	vld [tilespmem:s3+$0x110];
	[tilespmem:s31+$0x2910] =	vst v12;
	v10 =	vmax.f32 v6, $0.0e+00;
	v4 =	vadd.f32 v4, v9  }
0x61: {  	v6 =	vld [tilespmem:s3+$0x120];
	[tilespmem:s31+$0x2920] =	vst v10;
	v9 =	vmax.f32 v5, $0.0e+00;
	v3 =	vadd.f32 v3, v8  }
0x62: {  	v5 =	vld [tilespmem:s3+$0x130];
	[tilespmem:s31+$0x2930] =	vst v9;
	v8 =	vmax.f32 v4, $0.0e+00;
	v2 =	vadd.f32 v2, v7  }
0x63: {  	v4 =	vld [tilespmem:s3+$0x140];
	[tilespmem:s31+$0x2940] =	vst v8;
	v7 =	vmax.f32 v3, $0.0e+00;
	v1 =	vadd.f32 v1, v11  }
0x64: {  	v3 =	vld [tilespmem:s3+$0x150];
	[tilespmem:s31+$0x2950] =	vst v7;
	v7 =	vmax.f32 v2, $0.0e+00  }
0x65: {  	v2 =	vld [tilespmem:s3+$0x160];
	[tilespmem:s31+$0x2960] =	vst v7;
	v7 =	vmax.f32 v1, $0.0e+00  }
0x66: {  	v1 =	vld [tilespmem:s3+$0x170];
	[tilespmem:s31+$0x2970] =	vst v7;
	s31 =	smov.u32 s3  }
0x67: {  	v7 =	vld [tilespmem:s31+$0x2900]  }
0x68: {  	v12 =	vld [tilespmem:s31+$0x2910]  }
.Ltmp1:
0x69: {  	v11 =	vld [tilespmem:s31+$0x2920];
	(pc) =	sbr.rel @p0 .LBB2_5-.Ltmp1, $4  }
0x6a: {  	v10 =	vld [tilespmem:s31+$0x2930]  }
0x6b: {  	v9 =	vld [tilespmem:s31+$0x2940]  }
0x6c: {  	v13 =	vadd.f32 v14, v7;
	v8 =	vld [tilespmem:s31+$0x2950]  }
0x6d: {  	s0 =	sadd.s32 $0x200, s0;
	v12 =	vadd.f32 v15, v12;
	v7 =	vld [tilespmem:s31+$0x2960]  }
0x6e: {  	v13 =	vmax.f32 v13, $0.0e+00;
	v6 =	vadd.f32 v6, v11;
	v63 =	vld [tilespmem:s31+$0x2970]  }
0x6f: {  	[tilespmem:s31+$0x2900] =	vst v13;
	v12 =	vmax.f32 v12, $0.0e+00;
	v5 =	vadd.f32 v5, v10  }
0x70: {  	[tilespmem:s31+$0x2910] =	vst v12;
	v6 =	vmax.f32 v6, $0.0e+00;
	v4 =	vadd.f32 v4, v9  }
0x71: {  	[tilespmem:s31+$0x2920] =	vst v6;
	v5 =	vmax.f32 v5, $0.0e+00;
	v3 =	vadd.f32 v3, v8  }
0x72: {  	[tilespmem:s31+$0x2930] =	vst v5;
	v4 =	vmax.f32 v4, $0.0e+00;
	v2 =	vadd.f32 v2, v7  }
0x73: {  	[tilespmem:s31+$0x2940] =	vst v4;
	v3 =	vmax.f32 v3, $0.0e+00;
	v1 =	vadd.f32 v1, v63  }
0x74: {  	s30 =	sadd.s32 $0x1, s30;
	[tilespmem:s31+$0x2950] =	vst v3;
	v2 =	vmax.f32 v2, $0.0e+00  }
0x75: {  	p0 =	sne.s32 s30, $0x4B;
	[tilespmem:s31+$0x2960] =	vst v2;
	v1 =	vmax.f32 v1, $0.0e+00  }
.Ltmp2:
0x76: {  	[tilespmem:s31+$0x2970] =	vst v1;
	(pc) =	sbr.rel @p0 .LBB2_4-.Ltmp2, $4  }
0x77: {  	[spmem:s2] =	stream.indirect.scatter.add.f32 [tilespmem:s25], [sflag:$0x2], $0x80, s22, s24, $0xb8;
	[tilespmem:$0x1D100] =	vst v63  }
0x78: {  	_ =	swait.ge [sflag:s21], $0x2800  }
0x79: {  	[sflag:s21] =	ssyncset.done $0x0  }
0x7a: {  	[sflag:s21] =	ssyncadd.s32 $0xFFFFD800  }
0x7b: {  	[bflag:$0x0] =	sbarrier.arrive $0xFFFF  }
0x7c: {  	[tilespmem:s20], [sflag:$0x2] =	stream.linear.gather [spmem:s8], $0x4000, $0x38;
	[tilespmem:$0x1D100] =	vst v63  }
0x7d: {  	_ =	swait.ge [sflag:s21], $0x4000  }
0x7e: {  	[sflag:s21] =	ssyncset.done $0x0  }
0x7f: {  	[sflag:s21] =	ssyncadd.s32 $0xFFFFC000  }
0x80: {  	[hbm4b:s14+s4] =	stream.linear.scatter [tilespmem:s20], [sflag:$0x2], $0x4000, $0x38;
	[tilespmem:$0x1D100] =	vst v63  }
0x81: {  	_ =	swait.ge [sflag:s21], $0x4000  }
0x82: {  	[sflag:s21] =	ssyncset.done $0x0  }
0x83: {  	[sflag:s21] =	ssyncadd.s32 $0xFFFFC000  }
0x84: {  	[tilespmem:s20], [sflag:$0x2] =	stream.linear.gather [spmem:s9], $0x4000, $0x38;
	[tilespmem:$0x1D100] =	vst v63  }
0x85: {  	_ =	swait.ge [sflag:s21], $0x4000  }
0x86: {  	[sflag:s21] =	ssyncset.done $0x0  }
0x87: {  	[sflag:s21] =	ssyncadd.s32 $0xFFFFC000  }
0x88: {  	[hbm4b:s15+s4] =	stream.linear.scatter [tilespmem:s20], [sflag:$0x2], $0x4000, $0x38;
	[tilespmem:$0x1D100] =	vst v63  }
0x89: {  	_ =	swait.ge [sflag:s21], $0x4000  }
0x8a: {  	[sflag:s21] =	ssyncset.done $0x0  }
0x8b: {  	[sflag:s21] =	ssyncadd.s32 $0xFFFFC000  }
0x8c: {  	[tilespmem:s20], [sflag:$0x2] =	stream.linear.gather [spmem:s10], $0x4000, $0x38;
	[tilespmem:$0x1D100] =	vst v63  }
0x8d: {  	_ =	swait.ge [sflag:s21], $0x4000  }
0x8e: {  	[sflag:s21] =	ssyncset.done $0x0  }
0x8f: {  	[sflag:s21] =	ssyncadd.s32 $0xFFFFC000  }
0x90: {  	[hbm4b:s16+s4] =	stream.linear.scatter [tilespmem:s20], [sflag:$0x2], $0x4000, $0x38;
	[tilespmem:$0x1D100] =	vst v63  }
0x91: {  	_ =	swait.ge [sflag:s21], $0x4000  }
0x92: {  	[sflag:s21] =	ssyncset.done $0x0  }
0x93: {  	[sflag:s21] =	ssyncadd.s32 $0xFFFFC000  }
0x94: {  	[tilespmem:s20], [sflag:$0x2] =	stream.linear.gather [spmem:s11], $0x4000, $0x38;
	[tilespmem:$0x1D100] =	vst v63  }
0x95: {  	_ =	swait.ge [sflag:s21], $0x4000  }
0x96: {  	[sflag:s21] =	ssyncset.done $0x0  }
0x97: {  	[sflag:s21] =	ssyncadd.s32 $0xFFFFC000  }
0x98: {  	[hbm4b:s17+s4] =	stream.linear.scatter [tilespmem:s20], [sflag:$0x2], $0x4000, $0x38;
	[tilespmem:$0x1D100] =	vst v63  }
0x99: {  	_ =	swait.ge [sflag:s21], $0x4000  }
0x9a: {  	[sflag:s21] =	ssyncset.done $0x0  }
0x9b: {  	[sflag:s21] =	ssyncadd.s32 $0xFFFFC000  }
0x9c: {  	[tilespmem:s20], [sflag:$0x2] =	stream.linear.gather [spmem:s12], $0x4000, $0x38;
	[tilespmem:$0x1D100] =	vst v63  }
0x9d: {  	s28 =	sadd.s32 $0x1, s28;
	_ =	swait.ge [sflag:s21], $0x4000  }
0x9e: {  	p0 =	sne.s32 s28, s19;
	[sflag:s21] =	ssyncset.done $0x0  }
.Ltmp3:
0x9f: {  	[sflag:s21] =	ssyncadd.s32 $0xFFFFC000;
	(pc) =	sbr.rel @p0 .LBB2_1-.Ltmp3, $4  }
0xa0: {  	[hbm4b:s18+s4] =	stream.linear.scatter [tilespmem:s20], [sflag:$0x2], $0x4000, $0x38;
	[tilespmem:$0x1D100] =	vst v63  }
0xa1: {  	_ =	swait.ge [sflag:s21], $0x4000  }
0xa2: {  	[sflag:s21] =	ssyncset.done $0x0  }
0xa3: {  	[sflag:s21] =	ssyncadd.s32 $0xFFFFC000  }
0xa4: {  	_ =	sfence.sel $0x180000  }
0xa5: {  	[bflag:$0x0] =	sbarrier.arrive $0xFFFF  }
0xa6: {  	_ =	strace $0x9000004A  }
0xa7: {  	s0 =	stileid.u32;
	[bflag:$0x2] =	sbarrier.arrive $0xFFFF  }
0xa8: {  	p0 =	sne.s32 s0, $0x0;
	s0 =	rddreg [dreg:$0x3]  }
0xa9: {  	s0 =	sadd.s32 @!p0 $0x100000, s0  }
0xaa: {  	[sflag:s0] =	ssyncadd.tile.s32 @!p0 $0x1;
	_ =	shalt  }
.Lfunc_end2:
_tile_overlayer_lowered:
.L_overlay_start_2:
0xab: {  	(tag) =	ssettag $0x2  }
0xac: {  	s0 =	rddreg [dreg:$0x0];
	s2 =	stileid.u32  }
0xad: {  	s1 =	rddreg [dreg:$0x1];
	p0 =	sne.s32 s2, $0x0  }
0xae: {  	s3 =	rddreg [dreg:$0x2];
	[bflag:$0x3] =	sbarrier.arrive $0xFFFF;
	s2 =	simm.s32 @!p0 $0x1C02  }
0xaf: {  	[timem:s3], [sflag:s2] =	dma.local @!p0 [hbm:s0], s1  }
0xb0: {  	s0 =	simm.s32 @!p0 $0x2  }
0xb1: {  	_ =	swait.ge @!p0 [sflag:s0], s1  }
0xb2: {  	s1 =	ssub.s32 @!p0 $0x0, s1;
	[sflag:s0] =	ssyncset.done @!p0 $0x0  }
0xb3: {  	[sflag:s0] =	ssyncadd.s32 @!p0 s1  }
0xb4: {  	[bflag:$0x3] =	sbarrier.arrive $0xFFFF  }
0xb5: {  	_ =	shalt  }

// kernel: kernel.20.cloned.1.call-start
scs
__scs_entry_jumppad:
0x0: {  	(pc) =	sbr.rel $0x88, $3  }
0x1: {  	(tag) =	ssettag $0x0;
	lr =	simm.s32 $0x1  }
0x2: {  	[smem:$0x3F91] =	sst lr;
	_ =	strace $0xD0000000  }
0x3: {  	_ = 	snop  }
0x4: {  	_ = 	snop  }
0x5: {  	_ = 	snop  }
0x6: {  	_ = 	snop  }
0x7: {  	_ = 	snop  }
__scs_overlays_trampoline_lowered:
0x8: {  	[smem:$0x3FA0] =	sst s0  }
0x9: {  	[smem:$0x3FA1] =	sst s1  }
0xa: {  	[smem:$0x3FA2] =	sst s2  }
0xb: {  	[smem:$0x3FA3] =	sst s3  }
0xc: {  	[smem:$0x3FA4] =	sst s4  }
0xd: {  	[smem:$0x3FA5] =	sst s5  }
0xe: {  	[smem:$0x3FA6] =	sst s6  }
0xf: {  	[smem:$0x3FA7] =	sst s7  }
0x10: {  	[smem:$0x3FA8] =	sst s8  }
0x11: {  	[smem:$0x3FA9] =	sst s9;
	s0 =	simm.s32 @!p0 $0x0  }
0x12: {  	s1 =	sld [smem:$0x3F8F];
	s0 =	simm.s32 @p0 $0x1  }
0x13: {  	[smem:$0x3FAA] =	sst s0;
	s0 =	simm.s32 @!p1 $0x0  }
0x14: {  	s2 =	sld [smem:$0x3F8E];
	s0 =	simm.s32 @p1 $0x1  }
0x15: {  	[smem:$0x3FAB] =	sst s0;
	s0 =	simm.s32 @!p2 $0x0  }
0x16: {  	s3 =	sld [smem:$0x3FDB];
	s0 =	simm.s32 @p2 $0x1  }
0x17: {  	s4 =	simm.s32 $0x1BF5;
	[smem:$0x3FAD] =	sst s0  }
0x18: {  	s0 =	sld [smem:$0x3F90];
	_ =	swait.ge [sflag:s4], $0x0  }
0x19: {  	s7 =	sld [smem:$0x3F91]  }
0x1a: {  	s8 =	sadd.s32 $0xFFFFE003, lr  }
0x1b: {  	s9 =	sadd.s32 $0xFFFFFEF7, lr;
	s5 =	simm.s32 $0xFFFFFFFF;
	p2 =	slt.u32 s8, $0xFFFFF086  }
0x1c: {  	p1 =	slt.u32 s9, $0xF7A;
	s5 =	simm.s32 @!p2 $0x0  }
0x1d: {  	s5 =	simm.s32 @p1 $0x1;
	p0 =	seq.s32 s7, s2  }
0x1e: {  	s7 =	smul.u32 @!p0 $0xF7A, s2;
	p2 =	seq.s32 @!p0 s5, $0x0  }
0x1f: {  	s9 =	smul.u32 $0xF7A, s1;
	s8 =	simm.s32 @!p0 $0x1BF5;
	p2 =	por !p2, p0  }
0x20: {  	[sflag:s8] =	ssyncset.s32 @!p0 $0xFFFFF086;
	s6 =	sadd.s32 @!p0 s3, s7;
	s7 =	simm.s32 @!p0 $0x108  }
0x21: {  	s3 =	sadd.s32 s3, s9;
	s6 =	sadd.s32 @!p0 $0x88, s6;
	s7 =	simm.s32 @p2 $0x1082  }
0x22: {  	[simem:s7], [sflag:s8] =	dma.local @!p0 [hbm:s6], $0xF7A  }
0x23: {  	s9 =	sor.u32 $0xD0000000, s2;
	s6 =	simm.s32 $0x108;
	_ =	swait.ge @!p0 [sflag:s8], $0x0  }
0x24: {  	s3 =	sadd.s32 $0x88, s3;
	s6 =	simm.s32 @!p1 $0x1082;
	[sflag:s4] =	ssyncset.s32 $0xFFFFF086  }
0x25: {  	[simem:s6], [sflag:s4] =	dma.local [hbm:s3], $0xF7A  }
0x26: {  	[smem:$0x3F91] =	sst s1;
	(tag) =	ssettag s2;
	_ =	strace s9  }
0x27: {  	s1 =	sld [smem:$0x3FA1]  }
0x28: {  	s2 =	sld [smem:$0x3FA2]  }
0x29: {  	s4 =	sld [smem:$0x3FA4]  }
0x2a: {  	p0 =	seq.s32 s5, $0x0;
	s5 =	sld [smem:$0x3FA5]  }
0x2b: {  	s6 =	sld [smem:$0x3FA6]  }
0x2c: {  	s7 =	sld [smem:$0x3FA7]  }
0x2d: {  	s3 =	simm.s32 $0x108;
	s8 =	sld [smem:$0x3FA8]  }
0x2e: {  	s3 =	simm.s32 @!p0 $0x1082;
	s9 =	sld [smem:$0x3FA9]  }
0x2f: {  	lr =	sadd.s32 s0, s3;
	s0 =	sld [smem:$0x3FA0]  }
0x30: {  	s3 =	sld [smem:$0x3FA3]  }
0x31: {  	[smem:$0x3FAC] =	sst s10  }
0x32: {  	s10 =	sld [smem:$0x3FAA];
	_ =	sdelay $0x3  }
0x33: {  	p0 =	seq.s32 s10, $0x1;
	s10 =	sld [smem:$0x3FAC];
	_ =	sdelay $0x3  }
0x34: {  	[smem:$0x3FAC] =	sst s10  }
0x35: {  	s10 =	sld [smem:$0x3FAB];
	_ =	sdelay $0x3  }
0x36: {  	p1 =	seq.s32 s10, $0x1;
	s10 =	sld [smem:$0x3FAC];
	_ =	sdelay $0x3  }
0x37: {  	[smem:$0x3FAC] =	sst s10  }
0x38: {  	s10 =	sld [smem:$0x3FAD]  }
0x39: {  	_ = 	snop;
	(pc) =	sbr.ind lr, $3  }
0x3a: {  	_ = 	snop  }
0x3b: {  	_ = 	snop  }
0x3c: {  	p2 =	seq.s32 s10, $0x1;
	s10 =	sld [smem:$0x3FAC]  }
0x3d: {  	_ =	shalt  }
0x3e: {  	_ =	shalt  }
0x3f: {  	_ =	shalt  }
0x40: {  	_ =	shalt  }
0x41: {  	_ =	shalt  }
0x42: {  	_ =	shalt  }
0x43: {  	_ =	shalt  }
0x44: {  	_ =	shalt  }
0x45: {  	_ =	shalt  }
0x46: {  	_ =	shalt  }
0x47: {  	_ =	shalt  }
0x48: {  	_ =	shalt  }
0x49: {  	_ =	shalt  }
0x4a: {  	_ =	shalt  }
0x4b: {  	_ =	shalt  }
0x4c: {  	_ =	shalt  }
0x4d: {  	_ =	shalt  }
0x4e: {  	_ =	shalt  }
0x4f: {  	_ =	shalt  }
0x50: {  	_ =	shalt  }
0x51: {  	_ =	shalt  }
0x52: {  	_ =	shalt  }
0x53: {  	_ =	shalt  }
0x54: {  	_ =	shalt  }
0x55: {  	_ =	shalt  }
0x56: {  	_ =	shalt  }
0x57: {  	_ =	shalt  }
0x58: {  	_ =	shalt  }
0x59: {  	_ =	shalt  }
0x5a: {  	_ =	shalt  }
0x5b: {  	_ =	shalt  }
0x5c: {  	_ =	shalt  }
0x5d: {  	_ =	shalt  }
0x5e: {  	_ =	shalt  }
0x5f: {  	_ =	shalt  }
0x60: {  	_ =	shalt  }
0x61: {  	_ =	shalt  }
0x62: {  	_ =	shalt  }
0x63: {  	_ =	shalt  }
0x64: {  	_ =	shalt  }
0x65: {  	_ =	shalt  }
0x66: {  	_ =	shalt  }
0x67: {  	_ =	shalt  }
0x68: {  	_ =	shalt  }
0x69: {  	_ =	shalt  }
0x6a: {  	_ =	shalt  }
0x6b: {  	_ =	shalt  }
0x6c: {  	_ =	shalt  }
0x6d: {  	_ =	shalt  }
0x6e: {  	_ =	shalt  }
0x6f: {  	_ =	shalt  }
0x70: {  	_ =	shalt  }
0x71: {  	_ =	shalt  }
0x72: {  	_ =	shalt  }
0x73: {  	_ =	shalt  }
0x74: {  	_ =	shalt  }
0x75: {  	_ =	shalt  }
0x76: {  	_ =	shalt  }
0x77: {  	_ =	shalt  }
0x78: {  	_ =	shalt  }
0x79: {  	_ =	shalt  }
0x7a: {  	_ =	shalt  }
0x7b: {  	_ =	shalt  }
0x7c: {  	_ =	shalt  }
0x7d: {  	_ =	shalt  }
0x7e: {  	_ =	shalt  }
0x7f: {  	_ =	shalt  }
0x80: {  	_ =	shalt  }
0x81: {  	_ =	shalt  }
0x82: {  	_ =	shalt  }
0x83: {  	_ =	shalt  }
0x84: {  	_ =	shalt  }
0x85: {  	_ =	shalt  }
0x86: {  	_ =	shalt  }
0x87: {  	_ =	shalt  }
.Lfunc_end0:
.L_simem_size_0:
called_computation.3_lowered:
.L_overlay_start_0:
0x88: {  	s2 =	sld [smem:$0x3FD9]  }
0x89: {  	s3 =	sld [smem:$0x3FFE];
	_ =	sdelay $0x1  }
0x8a: {  	s1 =	srdreg.scid  }
0x8b: {  	s0 =	sand.u32 $0x1, s1  }
0x8c: {  	s17 =	sshll.u32 s0, $0xA;
	s2 =	sadd.s32 s3, s2  }
0x8d: {  	s2 =	sadd.s32 s2, s17  }
0x8e: {  	[smem:$0x3FB8] =	sst s2  }
0x8f: {  	_ = 	snop  }
0x90: {  	s18 =	sld [smem:$0x3FC9]  }
0x91: {  	s4 =	sld [smem:$0x3FD0];
	(tm) =	ssettm $0x1  }
0x92: {  	s19 =	sld [smem:$0x3FFB];
	_ =	sdelay $0x3  }
0x93: {  	_ =	strace s19  }
0x94: {  	s2 =	sld [smem:$0x3FFC];
	_ =	sdelay $0x3  }
0x95: {  	_ =	strace s2  }
0x96: {  	s2 =	sld [smem:$0x3FFD];
	_ =	sdelay $0x3  }
0x97: {  	_ =	strace s2  }
0x98: {  	_ =	strace $0x8FFFFFFF  }
0x99: {  	s20 =	sld [smem:$0x3FDB];
	_ =	sdelay $0x1  }
0x9a: {  	s5 =	simm.s32 $_scs_section_size  }
0x9b: {  	s6 =	simm.s32 $_size__tile_overlayer_lowered;
	s7 =	simm.s32 $_tile_overlayer_lowered  }
0x9c: {  	s8 =	simm.s32 $0x1BFF;
	s21 =	sshll.u32 s7, $0x1;
	s5 =	sadd.s32 s5, s20  }
0x9d: {  	s22 =	simm.s32 $0x0;
	s6 =	sshll.u32 s6, $0x1;
	s7 =	sadd.s32 s21, s5  }
0x9e: {  	[timem:s22], [sflag:s8] =	dma.local [hbm:s7], s6  }
0x9f: {  	_ =	swait.ge [sflag:s8], s6  }
0xa0: {  	s6 =	ssub.s32 $0x0, s6;
	[sflag:s8] =	ssyncset.done $0x0  }
0xa1: {  	[sflag:s8] =	ssyncadd.s32 s6;
	_ =	sdelay $0x1  }
0xa2: {  	s23 =	simm.s32 $0x1B8B  }
0xa3: {  	_ =	swait.ge [sflag:s23], $0x1  }
0xa4: {  	[sflag:s23] =	ssyncset.done $0x0  }
0xa5: {  	[sflag:s23] =	ssyncadd.s32 $0xFFFFFFFF  }
0xa6: {  	s6 =	sld [smem:$0x0]  }
0xa7: {  	s7 =	sand.u32 $0xFFFFFFFE, s1  }
0xa8: {  	p0 =	sne.s32 s1, s7  }
0xa9: {  	s7 =	sshll.u32 @p0 s7, $0xE  }
0xaa: {  	s7 =	sadd.s32 @p0 $0x11B8D, s7;
	s8 =	sshll.u32 @p0 s6, $0x11  }
0xab: {  	s7 =	sor.u32 @p0 s8, s7  }
0xac: {  	[sflag:s7] =	ssyncadd.remote.s32 @p0 $0x1;
	_ =	sdelay $0x1  }
0xad: {  	s7 =	simm.s32 @p0 $0x1B8D  }
0xae: {  	_ =	swait.eq @p0 [sflag:s7], $0x1  }
0xaf: {  	[sflag:s7] =	ssyncadd.s32 @p0 $0xFFFFFFFF  }
0xb0: {  	s8 =	sshll.u32 @!p0 s1, $0xE  }
0xb1: {  	s8 =	sor.u32 @!p0 $0x4000, s8;
	s7 =	simm.s32 @!p0 $0x1B8D  }
0xb2: {  	s6 =	sshll.u32 @!p0 s6, $0x11;
	s8 =	sadd.s32 @!p0 $0x11B8D, s8;
	_ =	swait.eq @!p0 [sflag:s7], $0x1  }
0xb3: {  	s6 =	sor.u32 @!p0 s6, s8;
	[sflag:s7] =	ssyncadd.s32 @!p0 $0xFFFFFFFF  }
0xb4: {  	s25 =	simm.s32 $0x1B8E;
	s24 =	sld [smem:$0x3FFE];
	[sflag:s6] =	ssyncadd.remote.s32 @!p0 $0x1  }
0xb5: {  	s26 =	simm.s32 $execute0_lowered;
	[smem:$0x3FD2] =	sst s25  }
0xb6: {  	s7 =	sshll.u32 s26, $0x1;
	_ =	strace $0x8000004C;
	[dreg:$0x1] =	wrdreg $0xFFFFFFFF  }
0xb7: {  	s28 =	simm.s32 $_size_execute0_lowered;
	s5 =	sadd.s32 s5, s7;
	[dreg:$0x0] =	wrdreg $0x0  }
0xb8: {  	s7 =	sshll.u32 s28, $0x1;
	[dreg:$0x2] =	wrdreg s5  }
0xb9: {  	[dreg:$0x3] =	wrdreg s7  }
0xba: {  	[dreg:$0x4] =	wrdreg $0xC0  }
0xbb: {  	_ =	task [dreg:s22], $0x5FFFF  }
0xbc: {  	[dreg:$0x1] =	wrdreg $0xFFFFFFFF  }
0xbd: {  	[dreg:$0x0] =	wrdreg $0x60  }
0xbe: {  	[dreg:$0x2] =	wrdreg s24  }
0xbf: {  	[dreg:$0x3] =	wrdreg s4  }
0xc0: {  	[dreg:$0x4] =	wrdreg s18  }
0xc1: {  	[dreg:$0x5] =	wrdreg $0x91000  }
0xc2: {  	[dreg:$0x6] =	wrdreg $0xC  }
0xc3: {  	_ =	task.clear_ibuf [dreg:s22], $0x7FFFF;
	_ =	strace $0x9000004C  }
0xc4: {  	s29 =	simm.s32 $0xC;
	_ =	strace $0x8000004E  }
0xc5: {  	_ =	swait.ge [sflag:s29], $0x1  }
0xc6: {  	[sflag:s29] =	ssyncadd.s32 $0xFFFFFFFF  }
0xc7: {  	_ =	strace $0x9000004E  }
0xc8: {  	_ =	sfence  }
0xc9: {  	s30 =	sld [smem:$0x0];
	_ =	sdelay $0x2  }
0xca: {  	s31 =	sshll.u32 s1, $0xD;
	s1 =	sshrl.u32 s1, $0x2  }
0xcb: {  	s4 =	sand.u32 $0x4000, s31;
	s1 =	sadd.s32 s1, s30  }
0xcc: {  	s0 =	sor.u32 s4, s0;
	s1 =	sshll.u32 s1, $0x11  }
0xcd: {  	s0 =	sor.u32 s1, s0  }
0xce: {  	s0 =	sadd.s32 $0x8F2B, s0  }
0xcf: {  	[sflag:s0] =	ssyncadd.remote.s32 $0x1  }
0xd0: {  	_ =	sfence.sel $0xFFFF  }
0xd1: {  	[dreg:$0x0] =	wrdreg $0xFFFFFFFF;
	(pc) =	sbr.abs _section_cstart, $3  }
0xd2: {  	[dreg:$0x1] =	wrdreg $0xFFFFFFFF  }
0xd3: {  	_ =	task.clear_ibuf [dreg:s22], $0x2FFFF;
	_ =	strace $0x9FFFFFFF  }
0xd4: {  	(tm) =	ssettm $0x7FFFFFFF  }
0xd5: {  	_ =	shalt  }
tec
execute0_lowered:
.L_overlay_start_1:
0x0: {  	(tag) =	ssettag $0x1  }
0x1: {  	s0 =	rddreg [dreg:$0x0]  }
0x2: {  	s1 =	rddreg [dreg:$0x1]  }
0x3: {  	s2 =	rddreg [dreg:$0x2]  }
0x4: {  	s3 =	rddreg [dreg:$0x3];
	s5 =	simm.s32 $0x0  }
0x5: {  	s6 =	srdreg.scid;
	s4 =	stileid.u32;
	s22 =	simm.s32 $0x80  }
0x6: {  	s23 =	simm.s32 $0x100;
	s24 =	simm.s32 $0x50;
	s25 =	simm.s32 $0x2900  }
0x7: {  	s26 =	simm.s32 $0x1;
	s28 =	simm.s32 $0x0;
	[smem:$0x7FF] =	sst s5  }
0x8: {  	s13 =	sand.u32 $0x1, s6;
	s8 =	smul.u32 $0x50000, s4;
	s6 =	sadd.s32 $0x3C4800, s0  }
0x9: {  	s14 =	smul.u32 $0x14000, s4;
	s7 =	sadd.s32 $0xC94600, s0;
	s0 =	sadd.s32 $0x53800, s0  }
0xa: {  	s21 =	sshll.u32 s4, $0x1;
	_ =	strace $0x8000004D;
	s9 =	ssub.s32 $0x2, s13  }
0xb: {  	s20 =	smul.u32 $0x140000, s13;
	s13 =	sor.u32 s13, s21;
	s21 =	simm.s32 $0x2  }
0xc: {  	s10 =	sshrl.u32 s9, $0x1;
	s8 =	sshrl.u32 s8, $0x2;
	s15 =	sadd.s32 $0x4000, s14  }
0xd: {  	s16 =	sadd.s32 $0x8000, s14;
	s17 =	sadd.s32 $0xC000, s14;
	s18 =	sadd.s32 $0x10000, s14  }
0xe: {  	s13 =	smul.u32 $0x1770, s13;
	s19 =	ssub.s32 s9, s10;
	s8 =	sadd.s32 s8, s3  }
0xf: {  	s9 =	sadd.s32 s15, s3;
	s10 =	sadd.s32 s16, s3;
	s11 =	sadd.s32 s17, s3  }
0x10: {  	s12 =	sadd.s32 s18, s3;
	s14 =	sadd.s32 s14, s20;
	s15 =	sadd.s32 s20, s15  }
0x11: {  	s16 =	sadd.s32 s20, s16;
	s17 =	sadd.s32 s20, s17;
	s18 =	sadd.s32 s20, s18  }
0x12: {  	s20 =	simm.s32 $0x5100;
	s14 =	sshrl.u32 s14, $0x3;
	s15 =	sshrl.u32 s15, $0x3  }
0x13: {  	s16 =	sshrl.u32 s16, $0x3;
	s17 =	sshrl.u32 s17, $0x3;
	s18 =	sshrl.u32 s18, $0x3  }
0x14: {  	s19 =	smax.u32 s19, $0x1;
	s14 =	sadd.s32 s0, s14;
	s15 =	sadd.s32 s0, s15  }
0x15: {  	v0 =	vimm.f32 $0.0e+00;
	s16 =	sadd.s32 s0, s16;
	s17 =	sadd.s32 s0, s17;
	s18 =	sadd.s32 s0, s18  }
.LBB2_1:
0x16: {  	s0 =	simm.s32 $0x0;
	s29 =	simm.s32 $0x200  }
.LBB2_2:
0x17: {  	p0 =	sne.s32 s29, $0xFE00;
	[tilespmem:s0+$0x5170] =	vst v0  }
0x18: {  	[tilespmem:s0+$0x5100] =	vst v0  }
0x19: {  	[tilespmem:s0+$0x5110] =	vst v0  }
.Ltmp0:
0x1a: {  	[tilespmem:s0+$0x5120] =	vst v0;
	(pc) =	sbr.rel @p0 .LBB2_2-.Ltmp0, $4  }
0x1b: {  	[tilespmem:s0+$0x5130] =	vst v0  }
0x1c: {  	[tilespmem:s0+$0x5140] =	vst v0  }
0x1d: {  	[tilespmem:s0+$0x5150] =	vst v0  }
0x1e: {  	[tilespmem:s0+$0x5160] =	vst v0;
	s0 =	sshra.s32 s29, $0x2;
	s29 =	sadd.s32 $0x200, s29  }
0x1f: {  	[tilespmem:s0+$0x5170] =	vst v0  }
0x20: {  	[tilespmem:s0+$0x5100] =	vst v0  }
0x21: {  	[tilespmem:s0+$0x5110] =	vst v0  }
0x22: {  	[tilespmem:s0+$0x5120] =	vst v0  }
0x23: {  	[tilespmem:s0+$0x5130] =	vst v0  }
0x24: {  	[tilespmem:s0+$0x5140] =	vst v0  }
0x25: {  	[tilespmem:s0+$0x5150] =	vst v0  }
0x26: {  	[tilespmem:s0+$0x5160] =	vst v0  }
0x27: {  	[spmem:s8] =	stream.linear.scatter [tilespmem:s20], [sflag:$0x2], $0x4000, $0x38;
	[tilespmem:$0x1D100] =	vst v63  }
0x28: {  	_ =	swait.ge [sflag:s21], $0x4000  }
0x29: {  	[sflag:s21] =	ssyncset.done $0x0  }
0x2a: {  	[sflag:s21] =	ssyncadd.s32 $0xFFFFC000  }
0x2b: {  	[spmem:s9] =	stream.linear.scatter [tilespmem:s20], [sflag:$0x2], $0x4000, $0x38;
	[tilespmem:$0x1D100] =	vst v63  }
0x2c: {  	_ =	swait.ge [sflag:s21], $0x4000  }
0x2d: {  	[sflag:s21] =	ssyncset.done $0x0  }
0x2e: {  	[sflag:s21] =	ssyncadd.s32 $0xFFFFC000  }
0x2f: {  	[spmem:s10] =	stream.linear.scatter [tilespmem:s20], [sflag:$0x2], $0x4000, $0x38;
	[tilespmem:$0x1D100] =	vst v63  }
0x30: {  	_ =	swait.ge [sflag:s21], $0x4000  }
0x31: {  	[sflag:s21] =	ssyncset.done $0x0  }
0x32: {  	[sflag:s21] =	ssyncadd.s32 $0xFFFFC000  }
0x33: {  	[spmem:s11] =	stream.linear.scatter [tilespmem:s20], [sflag:$0x2], $0x4000, $0x38;
	[tilespmem:$0x1D100] =	vst v63  }
0x34: {  	_ =	swait.ge [sflag:s21], $0x4000  }
0x35: {  	[sflag:s21] =	ssyncset.done $0x0  }
0x36: {  	[sflag:s21] =	ssyncadd.s32 $0xFFFFC000  }
0x37: {  	[spmem:s12] =	stream.linear.scatter [tilespmem:s20], [sflag:$0x2], $0x4000, $0x38;
	[tilespmem:$0x1D100] =	vst v63  }
0x38: {  	_ =	swait.ge [sflag:s21], $0x4000  }
0x39: {  	[sflag:s21] =	ssyncset.done $0x0  }
0x3a: {  	[sflag:s21] =	ssyncadd.s32 $0xFFFFC000  }
0x3b: {  	s29 =	simm.s32 $0x0;
	s30 =	simm.s32 $0x0;
	[bflag:$0x0] =	sbarrier.arrive $0xFFFF  }
.LBB2_4:
0x3c: {  	s0 =	smul.u32 $0x50, s30;
	_ =	sdelay $0x1  }
0x3d: {  	s0 =	sadd.s32 s13, s0  }
0x3e: {  	s31 =	sshrl.u32 s0, $0x3  }
0x3f: {  	s4 =	sadd.s32 s6, s31  }
0x40: {  	[tilespmem:s29], [sflag:$0x2] =	stream.linear.gather [hbm4b:s4+s29], $0x50, $0x38;
	[tilespmem:$0x1D100] =	vst v63  }
0x41: {  	_ =	swait.ge [sflag:s21], $0x50  }
0x42: {  	[sflag:s21] =	ssyncset.done $0x0  }
0x43: {  	s4 =	sadd.s32 s1, s31;
	[sflag:s21] =	ssyncadd.s32 $0xFFFFFFB0  }
0x44: {  	[tilespmem:s22], [sflag:$0x2] =	stream.linear.gather [hbm4b:s4+s29], $0x50, $0x38;
	[tilespmem:$0x1D100] =	vst v63  }
0x45: {  	_ =	swait.ge [sflag:s21], $0x50  }
0x46: {  	s0 =	sshll.u32 s0, $0x4;
	[sflag:s21] =	ssyncset.done $0x0  }
0x47: {  	s0 =	sadd.s32 s7, s0;
	[sflag:s21] =	ssyncadd.s32 $0xFFFFFFB0  }
0x48: {  	[tilespmem:s23], [sflag:$0x2] =	stream.linear.gather [hbm4b:s0+s29], $0x2800, $0x38;
	[tilespmem:$0x1D100] =	vst v63  }
0x49: {  	_ =	swait.ge [sflag:s21], $0x2800  }
0x4a: {  	[sflag:s21] =	ssyncset.done $0x0  }
0x4b: {  	[sflag:s21] =	ssyncadd.s32 $0xFFFFD800  }
0x4c: {  	[tilespmem:s25], [sflag:$0x1] =	stream.indirect.gather [hbm4b:s2+s24], $0x80, s29, s24, $0xb8;
	[tilespmem:$0x1D100] =	vst v63  }
0x4d: {  	_ =	swait.ge [sflag:s26], $0x2800  }
0x4e: {  	[sflag:s26] =	ssyncset.done $0x0  }
0x4f: {  	s31 =	simm.s32 $0x0;
	[sflag:s26] =	ssyncadd.s32 $0xFFFFD800  }
0x50: {  	v7 =	vld [tilespmem:s31+$0x100]  }
0x51: {  	v12 =	vld [tilespmem:s31+$0x110]  }
0x52: {  	v6 =	vld [tilespmem:s31+$0x120]  }
0x53: {  	v5 =	vld [tilespmem:s31+$0x130]  }
0x54: {  	v4 =	vld [tilespmem:s31+$0x140]  }
0x55: {  	v3 =	vld [tilespmem:s31+$0x150]  }
0x56: {  	v2 =	vld [tilespmem:s31+$0x160]  }
0x57: {  	v1 =	vld [tilespmem:s31+$0x170]  }
0x58: {  	v13 =	vld [tilespmem:s31+$0x2900]  }
0x59: {  	v14 =	vld [tilespmem:s31+$0x2910]  }
0x5a: {  	v11 =	vld [tilespmem:s31+$0x2920]  }
0x5b: {  	v10 =	vld [tilespmem:s31+$0x2930]  }
0x5c: {  	v9 =	vld [tilespmem:s31+$0x2940]  }
0x5d: {  	v8 =	vld [tilespmem:s31+$0x2950];
	v13 =	vadd.f32 v7, v13  }
0x5e: {  	s0 =	simm.s32 $0x200;
	v12 =	vadd.f32 v12, v14;
	v7 =	vld [tilespmem:s31+$0x2960]  }
.LBB2_5:
0x5f: {  	s4 =	sshra.s32 s0, $0x2;
	p0 =	sne.s32 s0, $0x9E00;
	v13 =	vmax.f32 v13, $0.0e+00;
	v6 =	vadd.f32 v6, v11;
	v11 =	vld [tilespmem:s31+$0x2970]  }
0x60: {  	v14 =	vld [tilespmem:s4+$0x100];
	[tilespmem:s31+$0x2900] =	vst v13;
	v12 =	vmax.f32 v12, $0.0e+00;
	v5 =	vadd.f32 v5, v10  }
0x61: {  	v15 =	vld [tilespmem:s4+$0x110];
	[tilespmem:s31+$0x2910] =	vst v12;
	v10 =	vmax.f32 v6, $0.0e+00;
	v4 =	vadd.f32 v4, v9  }
0x62: {  	v6 =	vld [tilespmem:s4+$0x120];
	[tilespmem:s31+$0x2920] =	vst v10;
	v9 =	vmax.f32 v5, $0.0e+00;
	v3 =	vadd.f32 v3, v8  }
0x63: {  	v5 =	vld [tilespmem:s4+$0x130];
	[tilespmem:s31+$0x2930] =	vst v9;
	v8 =	vmax.f32 v4, $0.0e+00;
	v2 =	vadd.f32 v2, v7  }
0x64: {  	v4 =	vld [tilespmem:s4+$0x140];
	[tilespmem:s31+$0x2940] =	vst v8;
	v7 =	vmax.f32 v3, $0.0e+00;
	v1 =	vadd.f32 v1, v11  }
0x65: {  	v3 =	vld [tilespmem:s4+$0x150];
	[tilespmem:s31+$0x2950] =	vst v7;
	v7 =	vmax.f32 v2, $0.0e+00  }
0x66: {  	v2 =	vld [tilespmem:s4+$0x160];
	[tilespmem:s31+$0x2960] =	vst v7;
	v7 =	vmax.f32 v1, $0.0e+00  }
0x67: {  	v1 =	vld [tilespmem:s4+$0x170];
	[tilespmem:s31+$0x2970] =	vst v7;
	s31 =	smov.u32 s4  }
0x68: {  	v7 =	vld [tilespmem:s31+$0x2900]  }
0x69: {  	v12 =	vld [tilespmem:s31+$0x2910]  }
.Ltmp1:
0x6a: {  	v11 =	vld [tilespmem:s31+$0x2920];
	(pc) =	sbr.rel @p0 .LBB2_5-.Ltmp1, $4  }
0x6b: {  	v10 =	vld [tilespmem:s31+$0x2930]  }
0x6c: {  	v9 =	vld [tilespmem:s31+$0x2940]  }
0x6d: {  	v13 =	vadd.f32 v14, v7;
	v8 =	vld [tilespmem:s31+$0x2950]  }
0x6e: {  	s0 =	sadd.s32 $0x200, s0;
	v12 =	vadd.f32 v15, v12;
	v7 =	vld [tilespmem:s31+$0x2960]  }
0x6f: {  	v13 =	vmax.f32 v13, $0.0e+00;
	v6 =	vadd.f32 v6, v11;
	v63 =	vld [tilespmem:s31+$0x2970]  }
0x70: {  	[tilespmem:s31+$0x2900] =	vst v13;
	v12 =	vmax.f32 v12, $0.0e+00;
	v5 =	vadd.f32 v5, v10  }
0x71: {  	[tilespmem:s31+$0x2910] =	vst v12;
	v6 =	vmax.f32 v6, $0.0e+00;
	v4 =	vadd.f32 v4, v9  }
0x72: {  	[tilespmem:s31+$0x2920] =	vst v6;
	v5 =	vmax.f32 v5, $0.0e+00;
	v3 =	vadd.f32 v3, v8  }
0x73: {  	[tilespmem:s31+$0x2930] =	vst v5;
	v4 =	vmax.f32 v4, $0.0e+00;
	v2 =	vadd.f32 v2, v7  }
0x74: {  	[tilespmem:s31+$0x2940] =	vst v4;
	v3 =	vmax.f32 v3, $0.0e+00;
	v1 =	vadd.f32 v1, v63  }
0x75: {  	s30 =	sadd.s32 $0x1, s30;
	[tilespmem:s31+$0x2950] =	vst v3;
	v2 =	vmax.f32 v2, $0.0e+00  }
0x76: {  	p0 =	sne.s32 s30, $0x4B;
	[tilespmem:s31+$0x2960] =	vst v2;
	v1 =	vmax.f32 v1, $0.0e+00  }
.Ltmp2:
0x77: {  	[tilespmem:s31+$0x2970] =	vst v1;
	(pc) =	sbr.rel @p0 .LBB2_4-.Ltmp2, $4  }
0x78: {  	[spmem:s3] =	stream.indirect.scatter.add.f32 [tilespmem:s25], [sflag:$0x2], $0x80, s22, s24, $0xb8;
	[tilespmem:$0x1D100] =	vst v63  }
0x79: {  	_ =	swait.ge [sflag:s21], $0x2800  }
0x7a: {  	[sflag:s21] =	ssyncset.done $0x0  }
0x7b: {  	[sflag:s21] =	ssyncadd.s32 $0xFFFFD800  }
0x7c: {  	[bflag:$0x0] =	sbarrier.arrive $0xFFFF  }
0x7d: {  	[tilespmem:s20], [sflag:$0x2] =	stream.linear.gather [spmem:s8], $0x4000, $0x38;
	[tilespmem:$0x1D100] =	vst v63  }
0x7e: {  	_ =	swait.ge [sflag:s21], $0x4000  }
0x7f: {  	[sflag:s21] =	ssyncset.done $0x0  }
0x80: {  	[sflag:s21] =	ssyncadd.s32 $0xFFFFC000  }
0x81: {  	[hbm4b:s14+s5] =	stream.linear.scatter [tilespmem:s20], [sflag:$0x2], $0x4000, $0x38;
	[tilespmem:$0x1D100] =	vst v63  }
0x82: {  	_ =	swait.ge [sflag:s21], $0x4000  }
0x83: {  	[sflag:s21] =	ssyncset.done $0x0  }
0x84: {  	[sflag:s21] =	ssyncadd.s32 $0xFFFFC000  }
0x85: {  	[tilespmem:s20], [sflag:$0x2] =	stream.linear.gather [spmem:s9], $0x4000, $0x38;
	[tilespmem:$0x1D100] =	vst v63  }
0x86: {  	_ =	swait.ge [sflag:s21], $0x4000  }
0x87: {  	[sflag:s21] =	ssyncset.done $0x0  }
0x88: {  	[sflag:s21] =	ssyncadd.s32 $0xFFFFC000  }
0x89: {  	[hbm4b:s15+s5] =	stream.linear.scatter [tilespmem:s20], [sflag:$0x2], $0x4000, $0x38;
	[tilespmem:$0x1D100] =	vst v63  }
0x8a: {  	_ =	swait.ge [sflag:s21], $0x4000  }
0x8b: {  	[sflag:s21] =	ssyncset.done $0x0  }
0x8c: {  	[sflag:s21] =	ssyncadd.s32 $0xFFFFC000  }
0x8d: {  	[tilespmem:s20], [sflag:$0x2] =	stream.linear.gather [spmem:s10], $0x4000, $0x38;
	[tilespmem:$0x1D100] =	vst v63  }
0x8e: {  	_ =	swait.ge [sflag:s21], $0x4000  }
0x8f: {  	[sflag:s21] =	ssyncset.done $0x0  }
0x90: {  	[sflag:s21] =	ssyncadd.s32 $0xFFFFC000  }
0x91: {  	[hbm4b:s16+s5] =	stream.linear.scatter [tilespmem:s20], [sflag:$0x2], $0x4000, $0x38;
	[tilespmem:$0x1D100] =	vst v63  }
0x92: {  	_ =	swait.ge [sflag:s21], $0x4000  }
0x93: {  	[sflag:s21] =	ssyncset.done $0x0  }
0x94: {  	[sflag:s21] =	ssyncadd.s32 $0xFFFFC000  }
0x95: {  	[tilespmem:s20], [sflag:$0x2] =	stream.linear.gather [spmem:s11], $0x4000, $0x38;
	[tilespmem:$0x1D100] =	vst v63  }
0x96: {  	_ =	swait.ge [sflag:s21], $0x4000  }
0x97: {  	[sflag:s21] =	ssyncset.done $0x0  }
0x98: {  	[sflag:s21] =	ssyncadd.s32 $0xFFFFC000  }
0x99: {  	[hbm4b:s17+s5] =	stream.linear.scatter [tilespmem:s20], [sflag:$0x2], $0x4000, $0x38;
	[tilespmem:$0x1D100] =	vst v63  }
0x9a: {  	_ =	swait.ge [sflag:s21], $0x4000  }
0x9b: {  	[sflag:s21] =	ssyncset.done $0x0  }
0x9c: {  	[sflag:s21] =	ssyncadd.s32 $0xFFFFC000  }
0x9d: {  	[tilespmem:s20], [sflag:$0x2] =	stream.linear.gather [spmem:s12], $0x4000, $0x38;
	[tilespmem:$0x1D100] =	vst v63  }
0x9e: {  	s28 =	sadd.s32 $0x1, s28;
	_ =	swait.ge [sflag:s21], $0x4000  }
0x9f: {  	p0 =	sne.s32 s28, s19;
	[sflag:s21] =	ssyncset.done $0x0  }
.Ltmp3:
0xa0: {  	[sflag:s21] =	ssyncadd.s32 $0xFFFFC000;
	(pc) =	sbr.rel @p0 .LBB2_1-.Ltmp3, $4  }
0xa1: {  	[hbm4b:s18+s5] =	stream.linear.scatter [tilespmem:s20], [sflag:$0x2], $0x4000, $0x38;
	[tilespmem:$0x1D100] =	vst v63  }
0xa2: {  	_ =	swait.ge [sflag:s21], $0x4000  }
0xa3: {  	[sflag:s21] =	ssyncset.done $0x0  }
0xa4: {  	[sflag:s21] =	ssyncadd.s32 $0xFFFFC000  }
0xa5: {  	_ =	sfence.sel $0x180000  }
0xa6: {  	[bflag:$0x0] =	sbarrier.arrive $0xFFFF  }
0xa7: {  	_ =	strace $0x9000004D  }
0xa8: {  	s0 =	stileid.u32;
	[bflag:$0x2] =	sbarrier.arrive $0xFFFF  }
0xa9: {  	p0 =	sne.s32 s0, $0x0;
	s0 =	rddreg [dreg:$0x4]  }
0xaa: {  	s0 =	sadd.s32 @!p0 $0x100000, s0  }
0xab: {  	[sflag:s0] =	ssyncadd.tile.s32 @!p0 $0x1;
	_ =	shalt  }
.Lfunc_end2:
_tile_overlayer_lowered:
.L_overlay_start_2:
0xac: {  	(tag) =	ssettag $0x2  }
0xad: {  	s0 =	rddreg [dreg:$0x0];
	s2 =	stileid.u32  }
0xae: {  	s1 =	rddreg [dreg:$0x1];
	p0 =	sne.s32 s2, $0x0  }
0xaf: {  	s3 =	rddreg [dreg:$0x2];
	[bflag:$0x3] =	sbarrier.arrive $0xFFFF;
	s2 =	simm.s32 @!p0 $0x1C02  }
0xb0: {  	[timem:s3], [sflag:s2] =	dma.local @!p0 [hbm:s0], s1  }
0xb1: {  	s0 =	simm.s32 @!p0 $0x2  }
0xb2: {  	_ =	swait.ge @!p0 [sflag:s0], s1  }
0xb3: {  	s1 =	ssub.s32 @!p0 $0x0, s1;
	[sflag:s0] =	ssyncset.done @!p0 $0x0  }
0xb4: {  	[sflag:s0] =	ssyncadd.s32 @!p0 s1  }
0xb5: {  	[bflag:$0x3] =	sbarrier.arrive $0xFFFF  }
0xb6: {  	_ =	shalt  }

</sc_bundles>
